<compile_context>
chip_gen: v7x
topology: tpu7x:2x2x1
jax: 0.10.2.dev20260603
libtpu: 0.0.44.dev20260713+nightly
codegen_flags: <defaults>
</compile_context>

<pallas_src>
import jax
import jax.numpy as jnp
from jax import lax
from jax.experimental import pallas as pl
from jax.experimental.pallas import tpu as pltpu
from jax.experimental.pallas import tpu_sc as plsc

N = 10000
E = 320000
F = 128
DE = 16
H = 64
G = 128

NCORES = 2
NSUB = 16
FH = F // 2
ECT = E // NSUB
CH = 80
IB = 2000
IBC = IB // CH
NBI = ECT // IB
RPT = 624
NREM = N - NSUB * RPT

BN = 400
NBLK = N // BN
BE = 2000
EBLK = E // BE


def _lrelu(v):
    return jnp.where(v >= 0, v, 0.01 * v)


def _edgefeat_body(ea_ref, w_ref, b_ref, c_ref):
    c_ref[...] = jnp.dot(ea_ref[...], w_ref[...],
                         preferred_element_type=jnp.float32) + b_ref[...]


def _edge_features(edge_attr, w_e, b_e):
    return pl.pallas_call(
        _edgefeat_body,
        grid=(EBLK, NCORES),
        in_specs=[
            pl.BlockSpec((BE, DE), lambda i, g: (i, 0)),
            pl.BlockSpec((DE, F), lambda i, g: (0, g)),
            pl.BlockSpec((1, F), lambda i, g: (0, g)),
        ],
        out_specs=pl.BlockSpec((BE, F), lambda i, g: (g * EBLK + i, 0)),
        out_shape=jax.ShapeDtypeStruct((NCORES * E, F), jnp.float32),
    )(edge_attr, w_e, b_e)


def _proj1_body(x_ref, wpd_ref, wps_ref, pd_ref, ps_ref):
    h = x_ref[...]
    pd_ref[...] = jnp.dot(h, wpd_ref[...], preferred_element_type=jnp.float32)
    ps_ref[...] = jnp.dot(h, wps_ref[...], preferred_element_type=jnp.float32)


def _proj1(x, wpd, wps):
    return pl.pallas_call(
        _proj1_body,
        grid=(NBLK, NCORES),
        in_specs=[
            pl.BlockSpec((BN, F), lambda i, g: (i, 0)),
            pl.BlockSpec((F, F), lambda i, g: (0, g)),
            pl.BlockSpec((F, F), lambda i, g: (0, g)),
        ],
        out_specs=[
            pl.BlockSpec((BN, F), lambda i, g: (g * NBLK + i, 0)),
            pl.BlockSpec((BN, F), lambda i, g: (g * NBLK + i, 0)),
        ],
        out_shape=[
            jax.ShapeDtypeStruct((NCORES * N, F), jnp.float32),
            jax.ShapeDtypeStruct((NCORES * N, F), jnp.float32),
        ],
    )(x, wpd, wps)


def _proj2_body(x_ref, p0_ref, p1_ref, wpd_ref, wps_ref, h_ref, pd_ref, ps_ref):
    h = x_ref[...] + jnp.concatenate([p0_ref[..., :FH], p1_ref[..., :FH]],
                                     axis=1)
    h_ref[...] = h
    pd_ref[...] = jnp.dot(h, wpd_ref[...], preferred_element_type=jnp.float32)
    ps_ref[...] = jnp.dot(h, wps_ref[...], preferred_element_type=jnp.float32)


def _proj2(x, partials, wpd, wps):
    return pl.pallas_call(
        _proj2_body,
        grid=(NBLK, NCORES),
        in_specs=[
            pl.BlockSpec((BN, F), lambda i, g: (i, 0)),
            pl.BlockSpec((BN, F), lambda i, g: (i, 0)),
            pl.BlockSpec((BN, F), lambda i, g: (i + NBLK, 0)),
            pl.BlockSpec((F, F), lambda i, g: (0, g)),
            pl.BlockSpec((F, F), lambda i, g: (0, g)),
        ],
        out_specs=[
            pl.BlockSpec((BN, F), lambda i, g: (i, 0)),
            pl.BlockSpec((BN, F), lambda i, g: (g * NBLK + i, 0)),
            pl.BlockSpec((BN, F), lambda i, g: (g * NBLK + i, 0)),
        ],
        out_shape=[
            jax.ShapeDtypeStruct((N, F), jnp.float32),
            jax.ShapeDtypeStruct((NCORES * N, F), jnp.float32),
            jax.ShapeDtypeStruct((NCORES * N, F), jnp.float32),
        ],
    )(x, partials, partials, wpd, wps)


_L2E = 1.4426950408889634
_MAGIC = 12582912.0


def _exp2_16(y):
    t = y + _MAGIC
    f = y - (t - _MAGIC)
    kbits = lax.bitcast_convert_type(t, jnp.int32) - 0x4B3FFF81
    scale = lax.bitcast_convert_type(kbits << 23, jnp.float32)
    p = 0.99992448 + f * (0.69312103 + f * (0.24264008 + f * 0.055922036))
    return scale * p


def _rcp16(b):
    r = lax.bitcast_convert_type(0x7EF311C3 - lax.bitcast_convert_type(b, jnp.int32),
                                 jnp.float32)
    r = r * (2.0 - b * r)
    r = r * (2.0 - b * r)
    return r


def _log1p16(w):
    return 9.9750326e-06 + w * (0.99923548 + w * (-0.49023072 + w * (0.28527268
        + w * (-0.13158183 + w * 0.030449005))))


def _gated_msg16(uf, us):
    yf = jnp.maximum(jnp.minimum(uf * -_L2E, 126.0), -126.0)
    ef = _exp2_16(yf)
    g = _rcp16(1.0 + ef)
    ys = jnp.maximum(jnp.abs(us) * -_L2E, -126.0)
    w = _exp2_16(ys)
    sp = jnp.maximum(us, 0.0) + _log1p16(w)
    return g * sp


def _sc_edge_body(pd_hbm, ps_hbm, c_hbm, dstg_hbm, srcg_hbm, dstr_hbm,
                  zeros_hbm, out_hbm,
                  dstr_v, dstg_v, srcg_v, dstc_v, pd_v, ps_v, c_v, msg_v,
                  acc_sh, sem):
    cid = lax.axis_index("c")
    sid = lax.axis_index("s")
    noff = cid * N
    ebase = sid * ECT
    goff = cid * E + ebase
    rbase = sid * RPT
    xbase = NSUB * RPT + sid * 8

    pltpu.sync_copy(zeros_hbm.at[pl.ds(rbase, RPT)],
                    acc_sh.at[pl.ds(rbase, RPT)])

    @pl.when(sid < NREM // 8)
    def _():
        pltpu.sync_copy(zeros_hbm.at[pl.ds(xbase, 8)],
                        acc_sh.at[pl.ds(xbase, 8)])

    def zm(e, cc):
        for jj in range(FH // 16, F // 16):
            msg_v[e, pl.ds(16 * jj, 16)] = jnp.zeros((16,), jnp.float32)
        return cc

    lax.fori_loop(0, CH, zm, 0)
    plsc.subcore_barrier()

    def block(b, carry):
        off = ebase + b * IB
        go = goff + b * IB
        pltpu.sync_copy(dstr_hbm.at[pl.ds(off, IB)], dstr_v)
        pltpu.sync_copy(dstg_hbm.at[pl.ds(go, IB)], dstg_v)
        pltpu.sync_copy(srcg_hbm.at[pl.ds(go, IB)], srcg_v)

        def chunk(j, cc):
            d1 = pltpu.async_copy(pd_hbm.at[dstg_v.at[pl.ds(j * CH, CH)]],
                                  pd_v, sem)
            d2 = pltpu.async_copy(ps_hbm.at[srcg_v.at[pl.ds(j * CH, CH)]],
                                  ps_v, sem)
            d3 = pltpu.async_copy(c_hbm.at[pl.ds(go + j * CH, CH)], c_v, sem)
            for q in range(CH // 16):
                dstc_v[pl.ds(q * 16, 16)] = dstr_v[pl.ds(j * CH + q * 16, 16)]
            d1.wait()
            d2.wait()
            d3.wait()

            @plsc.parallel_loop(0, CH, 1, unroll=8)
            def edge(e):
                for jj in range(FH // 16):
                    lo = 16 * jj
                    uf = pd_v[e, pl.ds(lo, 16)] + ps_v[e, pl.ds(lo, 16)] \
                        + c_v[e, pl.ds(lo, 16)]
                    us = pd_v[e, pl.ds(FH + lo, 16)] \
                        + ps_v[e, pl.ds(FH + lo, 16)] \
                        + c_v[e, pl.ds(FH + lo, 16)]
                    msg_v[e, pl.ds(lo, 16)] = _gated_msg16(uf, us)

            pltpu.sync_copy(msg_v, acc_sh.at[dstc_v], add=True)
            return cc

        lax.fori_loop(0, IBC, chunk, 0)
        return carry

    lax.fori_loop(0, NBI, block, 0)
    plsc.subcore_barrier()
    pltpu.sync_copy(acc_sh.at[pl.ds(rbase, RPT)],
                    out_hbm.at[pl.ds(noff + rbase, RPT)])

    @pl.when(sid < NREM // 8)
    def _():
        pltpu.sync_copy(acc_sh.at[pl.ds(xbase, 8)],
                        out_hbm.at[pl.ds(noff + xbase, 8)])


_sc_edge = pl.kernel(
    _sc_edge_body,
    out_type=jax.ShapeDtypeStruct((NCORES * N, F), jnp.float32),
    mesh=plsc.VectorSubcoreMesh(core_axis_name="c", subcore_axis_name="s"),
    scratch_types=(
        [pltpu.VMEM((IB,), jnp.int32)] * 3
        + [pltpu.VMEM((CH,), jnp.int32)]
        + [pltpu.VMEM((CH, F), jnp.float32)] * 4
        + [
            pltpu.VMEM_SHARED((N, F), jnp.float32),
            pltpu.SemaphoreType.DMA,
        ]
    ),
)


def _tail_body(h1_ref, p0_ref, p1_ref, batch_ref, w1_ref, b1_ref, w2_ref,
               b2_ref, wout_ref, bout_ref, out_ref, gacc):
    i = pl.program_id(0)

    @pl.when(i == 0)
    def _():
        gacc[...] = jnp.zeros_like(gacc)

    h2 = h1_ref[...] + jnp.concatenate([p0_ref[..., :FH], p1_ref[..., :FH]],
                                       axis=1)
    a = _lrelu(h2)
    t = jnp.dot(a, w1_ref[...], preferred_element_type=jnp.float32)
    t = _lrelu(t + b1_ref[...])
    gid = batch_ref[0, 0, :]
    cols = lax.broadcasted_iota(jnp.int32, (BN, G), 1)
    oh = (gid[:, None] == cols).astype(jnp.float32)
    gacc[...] += lax.dot_general(oh, t, (((0,), (0,)), ((), ())),
                                 preferred_element_type=jnp.float32)

    @pl.when(i == NBLK - 1)
    def _():
        g = gacc[...]
        z = jnp.dot(g, w2_ref[...], preferred_element_type=jnp.float32)
        z = _lrelu(z + b2_ref[...])
        o = jnp.sum(z * wout_ref[...], axis=1, keepdims=True) + bout_ref[...]
        out_ref[...] = jnp.maximum(o, 0.0)


def _tail(h1, partials, batch3d, w1, b1, w2, b2, wout_row, bout11):
    return pl.pallas_call(
        _tail_body,
        grid=(NBLK,),
        in_specs=[
            pl.BlockSpec((BN, F), lambda i: (i, 0)),
            pl.BlockSpec((BN, F), lambda i: (i, 0)),
            pl.BlockSpec((BN, F), lambda i: (i + NBLK, 0)),
            pl.BlockSpec((1, 1, BN), lambda i: (i, 0, 0)),
            pl.BlockSpec((F, H), lambda i: (0, 0)),
            pl.BlockSpec((1, H), lambda i: (0, 0)),
            pl.BlockSpec((H, H), lambda i: (0, 0)),
            pl.BlockSpec((1, H), lambda i: (0, 0)),
            pl.BlockSpec((1, H), lambda i: (0, 0)),
            pl.BlockSpec((1, 1), lambda i: (0, 0)),
        ],
        out_specs=pl.BlockSpec((G, 1), lambda i: (0, 0)),
        out_shape=jax.ShapeDtypeStruct((G, 1), jnp.float32),
        scratch_shapes=[pltpu.VMEM((G, H), jnp.float32)],
    )(h1, partials, partials, batch3d, w1, b1, w2, b2, wout_row, bout11)


def kernel(x, edge_attr, Wf1, bf1, Ws1, bs1, Wf2, bf2, Ws2, bs2,
           W1, b1, W2, b2, Wout, bout, edge_index, batch):
    f32 = jnp.float32
    src = edge_index[0].astype(jnp.int32)
    dst = edge_index[1].astype(jnp.int32)

    def corecat(wf, ws):
        return jnp.concatenate([wf[:, :FH], ws[:, :FH], wf[:, FH:], ws[:, FH:]], 1)

    wpd1 = corecat(Wf1[:F], Ws1[:F])
    wps1 = corecat(Wf1[F:2 * F], Ws1[F:2 * F])
    wpd2 = corecat(Wf2[:F], Ws2[:F])
    wps2 = corecat(Wf2[F:2 * F], Ws2[F:2 * F])
    w_e1 = corecat(Wf1[2 * F:], Ws1[2 * F:])
    w_e2 = corecat(Wf2[2 * F:], Ws2[2 * F:])
    b_e1 = corecat(bf1.reshape(1, F), bs1.reshape(1, F))
    b_e2 = corecat(bf2.reshape(1, F), bs2.reshape(1, F))

    c1 = _edge_features(edge_attr.astype(f32), w_e1, b_e1)
    zeros_n = jnp.zeros((N, F), f32)
    dstg_all = jnp.concatenate([dst, dst + N])
    srcg_all = jnp.concatenate([src, src + N])

    pd1, ps1 = _proj1(x.astype(f32), wpd1, wps1)
    part1 = _sc_edge(pd1, ps1, c1, dstg_all, srcg_all, dst, zeros_n)

    c2 = _edge_features(edge_attr.astype(f32), w_e2, b_e2)
    h1, pd2, ps2 = _proj2(x.astype(f32), part1, wpd2, wps2)
    part2 = _sc_edge(pd2, ps2, c2, dstg_all, srcg_all, dst, zeros_n)

    batch3d = batch.astype(jnp.int32).reshape(NBLK, 1, BN)
    return _tail(h1, part2, batch3d, W1, b1.reshape(1, H), W2,
                 b2.reshape(1, H), Wout.reshape(1, H), bout.reshape(1, 1))

# --- scband reference (transcript-rebuilt; emitter-appended) ---
"""Pipeline reference for scband-polyhedron-model-57097295233375 (READ-ONLY COPY).

The authoritative reference and input builder live on the scoring server;
editing this copy changes nothing except your own understanding.
"""

import jax, jax.numpy as jnp
import numpy as np

N = 10000
E = 320000
F = 128
DE = 16
H = 64
G = 128


def setup_inputs(seed: int = 0) -> dict:
    key = jax.random.key(seed)
    ks = jax.random.split(key, 16)
    x = jax.random.normal(ks[0], (N, F), dtype=jnp.float32)
    edge_index = jax.random.randint(ks[1], (2, E), 0, N)
    edge_attr = jax.random.normal(ks[2], (E, DE), dtype=jnp.float32)
    batch = jnp.sort(jax.random.randint(ks[3], (N,), 0, G))
    Zin = 2 * F + DE

    def lin(k, i, o):
        return jax.random.normal(k, (i, o), dtype=jnp.float32) * 0.02

    Wf1 = lin(ks[4], Zin, F); bf1 = jnp.zeros((F,), jnp.float32)
    Ws1 = lin(ks[5], Zin, F); bs1 = jnp.zeros((F,), jnp.float32)
    Wf2 = lin(ks[6], Zin, F); bf2 = jnp.zeros((F,), jnp.float32)
    Ws2 = lin(ks[7], Zin, F); bs2 = jnp.zeros((F,), jnp.float32)
    W1 = lin(ks[8], F, H); b1 = jnp.zeros((H,), jnp.float32)
    W2 = lin(ks[9], H, H); b2 = jnp.zeros((H,), jnp.float32)
    Wout = lin(ks[10], H, 1); bout = jnp.zeros((1,), jnp.float32)
    return {
        "x": x, "edge_attr": edge_attr,
        "Wf1": Wf1, "bf1": bf1, "Ws1": Ws1, "bs1": bs1,
        "Wf2": Wf2, "bf2": bf2, "Ws2": Ws2, "bs2": bs2,
        "W1": W1, "b1": b1, "W2": W2, "b2": b2,
        "Wout": Wout, "bout": bout,
        "edge_index": edge_index, "batch": batch,
    }


def reference(x, edge_attr, Wf1, bf1, Ws1, bs1, Wf2, bf2, Ws2, bs2,
              W1, b1, W2, b2, Wout, bout, edge_index, batch):
    src = edge_index[0]
    dst = edge_index[1]

    def cg(h, Wf, bf, Ws, bs):
        # CGConv: x_i' = x_i + sum_j sigmoid(z W_f + b_f) * softplus(z W_s + b_s)
        # z = [x_i (target), x_j (source), edge_attr]
        z = jnp.concatenate([h[dst], h[src], edge_attr], axis=1)
        msg = jax.nn.sigmoid(z @ Wf + bf) * jax.nn.softplus(z @ Ws + bs)
        return h + jax.ops.segment_sum(msg, dst, num_segments=h.shape[0])

    h = cg(x, Wf1, bf1, Ws1, bs1)
    h = cg(h, Wf2, bf2, Ws2, bs2)
    h = jax.nn.leaky_relu(h, 0.01)
    h = h @ W1 + b1
    h = jax.nn.leaky_relu(h, 0.01)
    g = jax.ops.segment_sum(h, batch, num_segments=G)  # global_add_pool
    g = g @ W2 + b2
    g = jax.nn.leaky_relu(g, 0.01)
    out = g @ Wout + bout
    out = jax.nn.relu(out)
    return out

if __name__ == "__main__":
    import jax
    _d = setup_inputs()
    print(jax.jit(kernel)(*tuple(_d.values())))

</pallas_src>

<mosaic_0001>
#map = affine_map<(d0, d1) -> (0, 0)>
#map1 = affine_map<(d0, d1) -> (0)>
module attributes {stable_mosaic.version = 14 : i64} {
  func.func @_sc_edge_body(%arg0: i32, %arg1: i32, %arg2: memref<20000x128xf32, #tpu.memory_space<hbm>>, %arg3: memref<20000x128xf32, #tpu.memory_space<hbm>>, %arg4: memref<640000x128xf32, #tpu.memory_space<hbm>>, %arg5: memref<640000xi32, #tpu.memory_space<hbm>>, %arg6: memref<640000xi32, #tpu.memory_space<hbm>>, %arg7: memref<320000xi32, #tpu.memory_space<hbm>>, %arg8: memref<10000x128xf32, #tpu.memory_space<hbm>>, %arg9: memref<20000x128xf32, #tpu.memory_space<hbm>>, %arg10: memref<2000xi32, #tpu.memory_space<vmem>>, %arg11: memref<2000xi32, #tpu.memory_space<vmem>>, %arg12: memref<2000xi32, #tpu.memory_space<vmem>>, %arg13: memref<80xi32, #tpu.memory_space<vmem>>, %arg14: memref<80x128xf32, #tpu.memory_space<vmem>>, %arg15: memref<80x128xf32, #tpu.memory_space<vmem>>, %arg16: memref<80x128xf32, #tpu.memory_space<vmem>>, %arg17: memref<80x128xf32, #tpu.memory_space<vmem>>, %arg18: memref<10000x128xf32, #tpu.memory_space<vmem_shared>>, %arg19: memref<!tpu.dma_semaphore, #tpu.memory_space<semaphore_mem>>) attributes {dimension_semantics = [#tpu.dimension_semantics<core_parallel>, #tpu.dimension_semantics<subcore_parallel>], iteration_bounds = array<i64: 2, 16>, scalar_prefetch = 0 : i64, scratch_operands = 10 : i64, tpu.core_type = #tpu.core_type<sc_vector_subcore>, window_params = [{transform_indices = #map}, {transform_indices = #map}, {transform_indices = #map}, {transform_indices = #map1}, {transform_indices = #map1}, {transform_indices = #map1}, {transform_indices = #map}, {transform_indices = #map}]} {
    %mul3A = arith.constant 10000 : i32
    %mul3A_0 = arith.muli %arg0, %mul3A : i32
    %mul3A_1 = arith.constant 20000 : i32
    %mul3A_2 = arith.muli %arg1, %mul3A_1 : i32
    %mul3A_3 = arith.constant 320000 : i32
    %mul3A_4 = arith.muli %arg0, %mul3A_3 : i32
    %add3A = arith.addi %mul3A_4, %mul3A_2 : i32
    %mul3A_5 = arith.constant 624 : i32
    %mul3A_6 = arith.muli %arg1, %mul3A_5 : i32
    %mul3A_7 = arith.constant 8 : i32
    %mul3A_8 = arith.muli %arg1, %mul3A_7 : i32
    %add3A_9 = arith.constant 9984 : i32
    %add3A_10 = arith.addi %add3A_9, %mul3A_8 : i32
    "tpu.region"() ({
      %run_scoped3A = tpu.sem_alloc : memref<!tpu.dma_semaphore, #tpu.memory_space<semaphore_mem>>
      %dma_start3A = arith.constant 0 : i32
      %dma_start3A_31 = tpu.memref_slice %arg18[%mul3A_6, %dma_start3A] : memref<10000x128xf32, #tpu.memory_space<vmem_shared>> -> memref<624x128xf32, #tpu.memory_space<vmem_shared>>
      %dma_start3A_32 = arith.constant 0 : i32
      %dma_start3A_33 = tpu.memref_slice %arg8[%mul3A_6, %dma_start3A_32] : memref<10000x128xf32, #tpu.memory_space<hbm>> -> memref<624x128xf32, #tpu.memory_space<hbm>>
      tpu.enqueue_dma source(%dma_start3A_33 : memref<624x128xf32, #tpu.memory_space<hbm>>) target(%dma_start3A_31 : memref<624x128xf32, #tpu.memory_space<vmem_shared>>) target_semaphore(%run_scoped3A : memref<!tpu.dma_semaphore, #tpu.memory_space<semaphore_mem>>)
      %dma_wait3A = arith.constant 0 : i32
      %dma_wait3A_34 = tpu.memref_slice %arg18[%mul3A_6, %dma_wait3A] : memref<10000x128xf32, #tpu.memory_space<vmem_shared>> -> memref<624x128xf32, #tpu.memory_space<vmem_shared>>
      %dma_wait3A_35 = arith.constant 0 : i32
      %dma_wait3A_36 = tpu.memref_slice %arg8[%mul3A_6, %dma_wait3A_35] : memref<10000x128xf32, #tpu.memory_space<hbm>> -> memref<624x128xf32, #tpu.memory_space<hbm>>
      tpu.wait_dma2 semaphore(%run_scoped3A : memref<!tpu.dma_semaphore, #tpu.memory_space<semaphore_mem>>) src(%dma_wait3A_36 : memref<624x128xf32, #tpu.memory_space<hbm>>) dst(%dma_wait3A_34 : memref<624x128xf32, #tpu.memory_space<vmem_shared>>)
      tpu.yield
    }) : () -> ()
    %lt3A = arith.constant 2 : i32
    %lt3A_11 = arith.cmpi slt, %arg1, %lt3A : i32
    %convert_element_type3A = arith.extui %lt3A_11 : i1 to i32
    %cond3A = arith.constant 0 : i32
    %cond3A_12 = arith.cmpi ne, %convert_element_type3A, %cond3A : i32
    scf.if %cond3A_12 {
      "tpu.region"() ({
        %run_scoped3A = tpu.sem_alloc : memref<!tpu.dma_semaphore, #tpu.memory_space<semaphore_mem>>
        %dma_start3A = arith.constant 0 : i32
        %dma_start3A_31 = tpu.memref_slice %arg18[%add3A_10, %dma_start3A] : memref<10000x128xf32, #tpu.memory_space<vmem_shared>> -> memref<8x128xf32, #tpu.memory_space<vmem_shared>>
        %dma_start3A_32 = arith.constant 0 : i32
        %dma_start3A_33 = tpu.memref_slice %arg8[%add3A_10, %dma_start3A_32] : memref<10000x128xf32, #tpu.memory_space<hbm>> -> memref<8x128xf32, #tpu.memory_space<hbm>>
        tpu.enqueue_dma source(%dma_start3A_33 : memref<8x128xf32, #tpu.memory_space<hbm>>) target(%dma_start3A_31 : memref<8x128xf32, #tpu.memory_space<vmem_shared>>) target_semaphore(%run_scoped3A : memref<!tpu.dma_semaphore, #tpu.memory_space<semaphore_mem>>)
        %dma_wait3A = arith.constant 0 : i32
        %dma_wait3A_34 = tpu.memref_slice %arg18[%add3A_10, %dma_wait3A] : memref<10000x128xf32, #tpu.memory_space<vmem_shared>> -> memref<8x128xf32, #tpu.memory_space<vmem_shared>>
        %dma_wait3A_35 = arith.constant 0 : i32
        %dma_wait3A_36 = tpu.memref_slice %arg8[%add3A_10, %dma_wait3A_35] : memref<10000x128xf32, #tpu.memory_space<hbm>> -> memref<8x128xf32, #tpu.memory_space<hbm>>
        tpu.wait_dma2 semaphore(%run_scoped3A : memref<!tpu.dma_semaphore, #tpu.memory_space<semaphore_mem>>) src(%dma_wait3A_36 : memref<8x128xf32, #tpu.memory_space<hbm>>) dst(%dma_wait3A_34 : memref<8x128xf32, #tpu.memory_space<vmem_shared>>)
        tpu.yield
      }) : () -> ()
    } else {
    }
    %scan3A = arith.constant 0 : i32
    %scan3A_13 = arith.constant 0 : i32
    %scan3A_14 = arith.constant 80 : i32
    %scan3A_15 = arith.addi %scan3A_13, %scan3A_14 : i32
    %scan3A_16 = arith.constant 1 : i32
    scf.for %scan3A_31 = %scan3A_13 to %scan3A_15 step %scan3A_16  : i32 {
      %broadcast_in_dim3A = arith.constant 0.000000e+00 : f32
      %broadcast_in_dim3A_32 = vector.broadcast %broadcast_in_dim3A : f32 to vector<16xf32>
      %swap3A = arith.index_cast %scan3A_31 : i32 to index
      %swap3A_33 = arith.constant 64 : index
      %swap3A_34 = tpu.vector_load %arg17[%swap3A, %swap3A_33] {strides = array<i32>} : memref<80x128xf32, #tpu.memory_space<vmem>>, vector<1x16xf32>,
      %swap3A_35 = vector.shape_cast %swap3A_34 : vector<1x16xf32> to vector<16xf32>
      %swap3A_36 = vector.shape_cast %broadcast_in_dim3A_32 : vector<16xf32> to vector<1x16xf32>
      tpu.vector_store %arg17[%swap3A, %swap3A_33], %swap3A_36 {strides = array<i32>} : memref<80x128xf32, #tpu.memory_space<vmem>>, vector<1x16xf32>,
      %broadcast_in_dim3A_37 = arith.constant 0.000000e+00 : f32
      %broadcast_in_dim3A_38 = vector.broadcast %broadcast_in_dim3A_37 : f32 to vector<16xf32>
      %swap3A_39 = arith.index_cast %scan3A_31 : i32 to index
      %swap3A_40 = arith.constant 80 : index
      %swap3A_41 = tpu.vector_load %arg17[%swap3A_39, %swap3A_40] {strides = array<i32>} : memref<80x128xf32, #tpu.memory_space<vmem>>, vector<1x16xf32>,
      %swap3A_42 = vector.shape_cast %swap3A_41 : vector<1x16xf32> to vector<16xf32>
      %swap3A_43 = vector.shape_cast %broadcast_in_dim3A_38 : vector<16xf32> to vector<1x16xf32>
      tpu.vector_store %arg17[%swap3A_39, %swap3A_40], %swap3A_43 {strides = array<i32>} : memref<80x128xf32, #tpu.memory_space<vmem>>, vector<1x16xf32>,
      %broadcast_in_dim3A_44 = arith.constant 0.000000e+00 : f32
      %broadcast_in_dim3A_45 = vector.broadcast %broadcast_in_dim3A_44 : f32 to vector<16xf32>
      %swap3A_46 = arith.index_cast %scan3A_31 : i32 to index
      %swap3A_47 = arith.constant 96 : index
      %swap3A_48 = tpu.vector_load %arg17[%swap3A_46, %swap3A_47] {strides = array<i32>} : memref<80x128xf32, #tpu.memory_space<vmem>>, vector<1x16xf32>,
      %swap3A_49 = vector.shape_cast %swap3A_48 : vector<1x16xf32> to vector<16xf32>
      %swap3A_50 = vector.shape_cast %broadcast_in_dim3A_45 : vector<16xf32> to vector<1x16xf32>
      tpu.vector_store %arg17[%swap3A_46, %swap3A_47], %swap3A_50 {strides = array<i32>} : memref<80x128xf32, #tpu.memory_space<vmem>>, vector<1x16xf32>,
      %broadcast_in_dim3A_51 = arith.constant 0.000000e+00 : f32
      %broadcast_in_dim3A_52 = vector.broadcast %broadcast_in_dim3A_51 : f32 to vector<16xf32>
      %swap3A_53 = arith.index_cast %scan3A_31 : i32 to index
      %swap3A_54 = arith.constant 112 : index
      %swap3A_55 = tpu.vector_load %arg17[%swap3A_53, %swap3A_54] {strides = array<i32>} : memref<80x128xf32, #tpu.memory_space<vmem>>, vector<1x16xf32>,
      %swap3A_56 = vector.shape_cast %swap3A_55 : vector<1x16xf32> to vector<16xf32>
      %swap3A_57 = vector.shape_cast %broadcast_in_dim3A_52 : vector<16xf32> to vector<1x16xf32>
      tpu.vector_store %arg17[%swap3A_53, %swap3A_54], %swap3A_57 {strides = array<i32>} : memref<80x128xf32, #tpu.memory_space<vmem>>, vector<1x16xf32>,
    }
    %scan3A_17 = arith.constant 80 : i32
    %barrier3A = arith.constant 0 : index
    tpu.barrier barrier_id(%barrier3A)
    %scan3A_18 = arith.constant 0 : i32
    %scan3A_19 = arith.constant 0 : i32
    %scan3A_20 = arith.constant 10 : i32
    %scan3A_21 = arith.addi %scan3A_19, %scan3A_20 : i32
    %scan3A_22 = arith.constant 1 : i32
    scf.for %scan3A_31 = %scan3A_19 to %scan3A_21 step %scan3A_22  : i32 {
      %mul3A_32 = arith.constant 2000 : i32
      %mul3A_33 = arith.muli %scan3A_31, %mul3A_32 : i32
      %add3A_34 = arith.addi %mul3A_2, %mul3A_33 : i32
      %mul3A_35 = arith.constant 2000 : i32
      %mul3A_36 = arith.muli %scan3A_31, %mul3A_35 : i32
      %add3A_37 = arith.addi %add3A, %mul3A_36 : i32
      "tpu.region"() ({
        %run_scoped3A = tpu.sem_alloc : memref<!tpu.dma_semaphore, #tpu.memory_space<semaphore_mem>>
        %dma_start3A = tpu.memref_slice %arg7[%add3A_34] : memref<320000xi32, #tpu.memory_space<hbm>> -> memref<2000xi32, #tpu.memory_space<hbm>>
        %dma_start3A_44 = tpu.memref_slice %arg7[%add3A_34] : memref<320000xi32, #tpu.memory_space<hbm>> -> memref<2000xi32, #tpu.memory_space<hbm>>
        tpu.enqueue_dma source(%dma_start3A_44 : memref<2000xi32, #tpu.memory_space<hbm>>) target(%arg10 : memref<2000xi32, #tpu.memory_space<vmem>>) target_semaphore(%run_scoped3A : memref<!tpu.dma_semaphore, #tpu.memory_space<semaphore_mem>>)
        %dma_wait3A = tpu.memref_slice %arg7[%add3A_34] : memref<320000xi32, #tpu.memory_space<hbm>> -> memref<2000xi32, #tpu.memory_space<hbm>>
        %dma_wait3A_45 = tpu.memref_slice %arg7[%add3A_34] : memref<320000xi32, #tpu.memory_space<hbm>> -> memref<2000xi32, #tpu.memory_space<hbm>>
        tpu.wait_dma2 semaphore(%run_scoped3A : memref<!tpu.dma_semaphore, #tpu.memory_space<semaphore_mem>>) src(%dma_wait3A_45 : memref<2000xi32, #tpu.memory_space<hbm>>) dst(%arg10 : memref<2000xi32, #tpu.memory_space<vmem>>)
        tpu.yield
      }) : () -> ()
      "tpu.region"() ({
        %run_scoped3A = tpu.sem_alloc : memref<!tpu.dma_semaphore, #tpu.memory_space<semaphore_mem>>
        %dma_start3A = tpu.memref_slice %arg5[%add3A_37] : memref<640000xi32, #tpu.memory_space<hbm>> -> memref<2000xi32, #tpu.memory_space<hbm>>
        %dma_start3A_44 = tpu.memref_slice %arg5[%add3A_37] : memref<640000xi32, #tpu.memory_space<hbm>> -> memref<2000xi32, #tpu.memory_space<hbm>>
        tpu.enqueue_dma source(%dma_start3A_44 : memref<2000xi32, #tpu.memory_space<hbm>>) target(%arg11 : memref<2000xi32, #tpu.memory_space<vmem>>) target_semaphore(%run_scoped3A : memref<!tpu.dma_semaphore, #tpu.memory_space<semaphore_mem>>)
        %dma_wait3A = tpu.memref_slice %arg5[%add3A_37] : memref<640000xi32, #tpu.memory_space<hbm>> -> memref<2000xi32, #tpu.memory_space<hbm>>
        %dma_wait3A_45 = tpu.memref_slice %arg5[%add3A_37] : memref<640000xi32, #tpu.memory_space<hbm>> -> memref<2000xi32, #tpu.memory_space<hbm>>
        tpu.wait_dma2 semaphore(%run_scoped3A : memref<!tpu.dma_semaphore, #tpu.memory_space<semaphore_mem>>) src(%dma_wait3A_45 : memref<2000xi32, #tpu.memory_space<hbm>>) dst(%arg11 : memref<2000xi32, #tpu.memory_space<vmem>>)
        tpu.yield
      }) : () -> ()
      "tpu.region"() ({
        %run_scoped3A = tpu.sem_alloc : memref<!tpu.dma_semaphore, #tpu.memory_space<semaphore_mem>>
        %dma_start3A = tpu.memref_slice %arg6[%add3A_37] : memref<640000xi32, #tpu.memory_space<hbm>> -> memref<2000xi32, #tpu.memory_space<hbm>>
        %dma_start3A_44 = tpu.memref_slice %arg6[%add3A_37] : memref<640000xi32, #tpu.memory_space<hbm>> -> memref<2000xi32, #tpu.memory_space<hbm>>
        tpu.enqueue_dma source(%dma_start3A_44 : memref<2000xi32, #tpu.memory_space<hbm>>) target(%arg12 : memref<2000xi32, #tpu.memory_space<vmem>>) target_semaphore(%run_scoped3A : memref<!tpu.dma_semaphore, #tpu.memory_space<semaphore_mem>>)
        %dma_wait3A = tpu.memref_slice %arg6[%add3A_37] : memref<640000xi32, #tpu.memory_space<hbm>> -> memref<2000xi32, #tpu.memory_space<hbm>>
        %dma_wait3A_45 = tpu.memref_slice %arg6[%add3A_37] : memref<640000xi32, #tpu.memory_space<hbm>> -> memref<2000xi32, #tpu.memory_space<hbm>>
        tpu.wait_dma2 semaphore(%run_scoped3A : memref<!tpu.dma_semaphore, #tpu.memory_space<semaphore_mem>>) src(%dma_wait3A_45 : memref<2000xi32, #tpu.memory_space<hbm>>) dst(%arg12 : memref<2000xi32, #tpu.memory_space<vmem>>)
        tpu.yield
      }) : () -> ()
      %scan3A_38 = arith.constant 0 : i32
      %scan3A_39 = arith.constant 0 : i32
      %scan3A_40 = arith.constant 25 : i32
      %scan3A_41 = arith.addi %scan3A_39, %scan3A_40 : i32
      %scan3A_42 = arith.constant 1 : i32
      scf.for %scan3A_44 = %scan3A_39 to %scan3A_41 step %scan3A_42  : i32 {
        %mul3A_45 = arith.constant 80 : i32
        %mul3A_46 = arith.muli %scan3A_44, %mul3A_45 : i32
        %dma_start3A = tpu.memref_slice %arg11[%mul3A_46] : memref<2000xi32, #tpu.memory_space<vmem>> -> memref<80xi32, #tpu.memory_space<vmem>>
        %dma_start3A_47 = arith.constant 0 : i32
        %dma_start3A_48 = arith.constant 0 : i32
        %dma_start3A_49 = tpu.memref_slice %arg2[%dma_start3A_47, %dma_start3A_48] : memref<20000x128xf32, #tpu.memory_space<hbm>> -> memref<20000x128xf32, #tpu.memory_space<hbm>>
        tpu.enqueue_indirect_dma source(%dma_start3A_49 : memref<20000x128xf32, #tpu.memory_space<hbm>>) target(%arg14 : memref<80x128xf32, #tpu.memory_space<vmem>>) offsets(%dma_start3A : memref<80xi32, #tpu.memory_space<vmem>>) semaphore(%arg19 : memref<!tpu.dma_semaphore, #tpu.memory_space<semaphore_mem>>)
        %mul3A_50 = arith.constant 80 : i32
        %mul3A_51 = arith.muli %scan3A_44, %mul3A_50 : i32
        %dma_start3A_52 = tpu.memref_slice %arg12[%mul3A_51] : memref<2000xi32, #tpu.memory_space<vmem>> -> memref<80xi32, #tpu.memory_space<vmem>>
        %dma_start3A_53 = arith.constant 0 : i32
        %dma_start3A_54 = arith.constant 0 : i32
        %dma_start3A_55 = tpu.memref_slice %arg3[%dma_start3A_53, %dma_start3A_54] : memref<20000x128xf32, #tpu.memory_space<hbm>> -> memref<20000x128xf32, #tpu.memory_space<hbm>>
        tpu.enqueue_indirect_dma source(%dma_start3A_55 : memref<20000x128xf32, #tpu.memory_space<hbm>>) target(%arg15 : memref<80x128xf32, #tpu.memory_space<vmem>>) offsets(%dma_start3A_52 : memref<80xi32, #tpu.memory_space<vmem>>) semaphore(%arg19 : memref<!tpu.dma_semaphore, #tpu.memory_space<semaphore_mem>>)
        %mul3A_56 = arith.constant 80 : i32
        %mul3A_57 = arith.muli %scan3A_44, %mul3A_56 : i32
        %add3A_58 = arith.addi %add3A_37, %mul3A_57 : i32
        %dma_start3A_59 = arith.constant 0 : i32
        %dma_start3A_60 = tpu.memref_slice %arg4[%add3A_58, %dma_start3A_59] : memref<640000x128xf32, #tpu.memory_space<hbm>> -> memref<80x128xf32, #tpu.memory_space<hbm>>
        %dma_start3A_61 = arith.constant 0 : i32
        %dma_start3A_62 = tpu.memref_slice %arg4[%add3A_58, %dma_start3A_61] : memref<640000x128xf32, #tpu.memory_space<hbm>> -> memref<80x128xf32, #tpu.memory_space<hbm>>
        tpu.enqueue_dma source(%dma_start3A_62 : memref<80x128xf32, #tpu.memory_space<hbm>>) target(%arg16 : memref<80x128xf32, #tpu.memory_space<vmem>>) target_semaphore(%arg19 : memref<!tpu.dma_semaphore, #tpu.memory_space<semaphore_mem>>)
        %mul3A_63 = arith.constant 80 : i32
        %mul3A_64 = arith.muli %scan3A_44, %mul3A_63 : i32
        %add3A_65 = arith.constant 0 : i32
        %add3A_66 = arith.addi %mul3A_64, %add3A_65 : i32
        %get3A = arith.index_cast %add3A_66 : i32 to index
        %get3A_67 = tpu.vector_load %arg10[%get3A] {strides = array<i32>} : memref<2000xi32, #tpu.memory_space<vmem>>, vector<16xi32>,
        %get3A_68 = vector.shape_cast %get3A_67 : vector<16xi32> to vector<16xi32>
        %swap3A = arith.constant 0 : index
        %swap3A_69 = tpu.vector_load %arg13[%swap3A] {strides = array<i32>} : memref<80xi32, #tpu.memory_space<vmem>>, vector<16xi32>,
        %swap3A_70 = vector.shape_cast %swap3A_69 : vector<16xi32> to vector<16xi32>
        %swap3A_71 = vector.shape_cast %get3A_68 : vector<16xi32> to vector<16xi32>
        tpu.vector_store %arg13[%swap3A], %swap3A_71 {strides = array<i32>} : memref<80xi32, #tpu.memory_space<vmem>>, vector<16xi32>,
        %mul3A_72 = arith.constant 80 : i32
        %mul3A_73 = arith.muli %scan3A_44, %mul3A_72 : i32
        %add3A_74 = arith.constant 16 : i32
        %add3A_75 = arith.addi %mul3A_73, %add3A_74 : i32
        %get3A_76 = arith.index_cast %add3A_75 : i32 to index
        %get3A_77 = tpu.vector_load %arg10[%get3A_76] {strides = array<i32>} : memref<2000xi32, #tpu.memory_space<vmem>>, vector<16xi32>,
        %get3A_78 = vector.shape_cast %get3A_77 : vector<16xi32> to vector<16xi32>
        %swap3A_79 = arith.constant 16 : index
        %swap3A_80 = tpu.vector_load %arg13[%swap3A_79] {strides = array<i32>} : memref<80xi32, #tpu.memory_space<vmem>>, vector<16xi32>,
        %swap3A_81 = vector.shape_cast %swap3A_80 : vector<16xi32> to vector<16xi32>
        %swap3A_82 = vector.shape_cast %get3A_78 : vector<16xi32> to vector<16xi32>
        tpu.vector_store %arg13[%swap3A_79], %swap3A_82 {strides = array<i32>} : memref<80xi32, #tpu.memory_space<vmem>>, vector<16xi32>,
        %mul3A_83 = arith.constant 80 : i32
        %mul3A_84 = arith.muli %scan3A_44, %mul3A_83 : i32
        %add3A_85 = arith.constant 32 : i32
        %add3A_86 = arith.addi %mul3A_84, %add3A_85 : i32
        %get3A_87 = arith.index_cast %add3A_86 : i32 to index
        %get3A_88 = tpu.vector_load %arg10[%get3A_87] {strides = array<i32>} : memref<2000xi32, #tpu.memory_space<vmem>>, vector<16xi32>,
        %get3A_89 = vector.shape_cast %get3A_88 : vector<16xi32> to vector<16xi32>
        %swap3A_90 = arith.constant 32 : index
        %swap3A_91 = tpu.vector_load %arg13[%swap3A_90] {strides = array<i32>} : memref<80xi32, #tpu.memory_space<vmem>>, vector<16xi32>,
        %swap3A_92 = vector.shape_cast %swap3A_91 : vector<16xi32> to vector<16xi32>
        %swap3A_93 = vector.shape_cast %get3A_89 : vector<16xi32> to vector<16xi32>
        tpu.vector_store %arg13[%swap3A_90], %swap3A_93 {strides = array<i32>} : memref<80xi32, #tpu.memory_space<vmem>>, vector<16xi32>,
        %mul3A_94 = arith.constant 80 : i32
        %mul3A_95 = arith.muli %scan3A_44, %mul3A_94 : i32
        %add3A_96 = arith.constant 48 : i32
        %add3A_97 = arith.addi %mul3A_95, %add3A_96 : i32
        %get3A_98 = arith.index_cast %add3A_97 : i32 to index
        %get3A_99 = tpu.vector_load %arg10[%get3A_98] {strides = array<i32>} : memref<2000xi32, #tpu.memory_space<vmem>>, vector<16xi32>,
        %get3A_100 = vector.shape_cast %get3A_99 : vector<16xi32> to vector<16xi32>
        %swap3A_101 = arith.constant 48 : index
        %swap3A_102 = tpu.vector_load %arg13[%swap3A_101] {strides = array<i32>} : memref<80xi32, #tpu.memory_space<vmem>>, vector<16xi32>,
        %swap3A_103 = vector.shape_cast %swap3A_102 : vector<16xi32> to vector<16xi32>
        %swap3A_104 = vector.shape_cast %get3A_100 : vector<16xi32> to vector<16xi32>
        tpu.vector_store %arg13[%swap3A_101], %swap3A_104 {strides = array<i32>} : memref<80xi32, #tpu.memory_space<vmem>>, vector<16xi32>,
        %mul3A_105 = arith.constant 80 : i32
        %mul3A_106 = arith.muli %scan3A_44, %mul3A_105 : i32
        %add3A_107 = arith.constant 64 : i32
        %add3A_108 = arith.addi %mul3A_106, %add3A_107 : i32
        %get3A_109 = arith.index_cast %add3A_108 : i32 to index
        %get3A_110 = tpu.vector_load %arg10[%get3A_109] {strides = array<i32>} : memref<2000xi32, #tpu.memory_space<vmem>>, vector<16xi32>,
        %get3A_111 = vector.shape_cast %get3A_110 : vector<16xi32> to vector<16xi32>
        %swap3A_112 = arith.constant 64 : index
        %swap3A_113 = tpu.vector_load %arg13[%swap3A_112] {strides = array<i32>} : memref<80xi32, #tpu.memory_space<vmem>>, vector<16xi32>,
        %swap3A_114 = vector.shape_cast %swap3A_113 : vector<16xi32> to vector<16xi32>
        %swap3A_115 = vector.shape_cast %get3A_111 : vector<16xi32> to vector<16xi32>
        tpu.vector_store %arg13[%swap3A_112], %swap3A_115 {strides = array<i32>} : memref<80xi32, #tpu.memory_space<vmem>>, vector<16xi32>,
        %dma_wait3A = tpu.memref_slice %arg11[%mul3A_46] : memref<2000xi32, #tpu.memory_space<vmem>> -> memref<80xi32, #tpu.memory_space<vmem>>
        %dma_wait3A_116 = arith.constant 0 : i32
        %dma_wait3A_117 = arith.constant 0 : i32
        %dma_wait3A_118 = tpu.memref_slice %arg2[%dma_wait3A_116, %dma_wait3A_117] : memref<20000x128xf32, #tpu.memory_space<hbm>> -> memref<20000x128xf32, #tpu.memory_space<hbm>>
        tpu.wait_indirect_dma semaphore(%arg19 : memref<!tpu.dma_semaphore, #tpu.memory_space<semaphore_mem>>) src(%dma_wait3A_118 : memref<20000x128xf32, #tpu.memory_space<hbm>>) dst(%arg14 : memref<80x128xf32, #tpu.memory_space<vmem>>)
        %dma_wait3A_119 = tpu.memref_slice %arg12[%mul3A_51] : memref<2000xi32, #tpu.memory_space<vmem>> -> memref<80xi32, #tpu.memory_space<vmem>>
        %dma_wait3A_120 = arith.constant 0 : i32
        %dma_wait3A_121 = arith.constant 0 : i32
        %dma_wait3A_122 = tpu.memref_slice %arg3[%dma_wait3A_120, %dma_wait3A_121] : memref<20000x128xf32, #tpu.memory_space<hbm>> -> memref<20000x128xf32, #tpu.memory_space<hbm>>
        tpu.wait_indirect_dma semaphore(%arg19 : memref<!tpu.dma_semaphore, #tpu.memory_space<semaphore_mem>>) src(%dma_wait3A_122 : memref<20000x128xf32, #tpu.memory_space<hbm>>) dst(%arg15 : memref<80x128xf32, #tpu.memory_space<vmem>>)
        %dma_wait3A_123 = arith.constant 0 : i32
        %dma_wait3A_124 = tpu.memref_slice %arg4[%add3A_58, %dma_wait3A_123] : memref<640000x128xf32, #tpu.memory_space<hbm>> -> memref<80x128xf32, #tpu.memory_space<hbm>>
        %dma_wait3A_125 = arith.constant 0 : i32
        %dma_wait3A_126 = tpu.memref_slice %arg4[%add3A_58, %dma_wait3A_125] : memref<640000x128xf32, #tpu.memory_space<hbm>> -> memref<80x128xf32, #tpu.memory_space<hbm>>
        tpu.wait_dma2 semaphore(%arg19 : memref<!tpu.dma_semaphore, #tpu.memory_space<semaphore_mem>>) src(%dma_wait3A_126 : memref<80x128xf32, #tpu.memory_space<hbm>>) dst(%arg16 : memref<80x128xf32, #tpu.memory_space<vmem>>)
        %parallel_loop3A = arith.constant 0 : i32
        %parallel_loop3A_127 = arith.constant 80 : i32
        %parallel_loop3A_128 = arith.constant 1 : i32
        scf.for %parallel_loop3A_129 = %parallel_loop3A to %parallel_loop3A_127 step %parallel_loop3A_128  : i32 {
          %parallel_loop3A_130 = arith.index_cast %parallel_loop3A_129 : i32 to index
          %parallel_loop3A_131 = arith.constant 0 : index
          %parallel_loop3A_132 = tpu.vector_load %arg14[%parallel_loop3A_130, %parallel_loop3A_131] {strides = array<i32>} : memref<80x128xf32, #tpu.memory_space<vmem>>, vector<1x16xf32>,
          %parallel_loop3A_133 = vector.shape_cast %parallel_loop3A_132 : vector<1x16xf32> to vector<16xf32>
          %parallel_loop3A_134 = arith.index_cast %parallel_loop3A_129 : i32 to index
          %parallel_loop3A_135 = arith.constant 0 : index
          %parallel_loop3A_136 = tpu.vector_load %arg15[%parallel_loop3A_134, %parallel_loop3A_135] {strides = array<i32>} : memref<80x128xf32, #tpu.memory_space<vmem>>, vector<1x16xf32>,
          %parallel_loop3A_137 = vector.shape_cast %parallel_loop3A_136 : vector<1x16xf32> to vector<16xf32>
          %parallel_loop3A_138 = arith.addf %parallel_loop3A_133, %parallel_loop3A_137 : vector<16xf32>
          %parallel_loop3A_139 = arith.index_cast %parallel_loop3A_129 : i32 to index
          %parallel_loop3A_140 = arith.constant 0 : index
          %parallel_loop3A_141 = tpu.vector_load %arg16[%parallel_loop3A_139, %parallel_loop3A_140] {strides = array<i32>} : memref<80x128xf32, #tpu.memory_space<vmem>>, vector<1x16xf32>,
          %parallel_loop3A_142 = vector.shape_cast %parallel_loop3A_141 : vector<1x16xf32> to vector<16xf32>
          %parallel_loop3A_143 = arith.addf %parallel_loop3A_138, %parallel_loop3A_142 : vector<16xf32>
          %parallel_loop3A_144 = arith.index_cast %parallel_loop3A_129 : i32 to index
          %parallel_loop3A_145 = arith.constant 64 : index
          %parallel_loop3A_146 = tpu.vector_load %arg14[%parallel_loop3A_144, %parallel_loop3A_145] {strides = array<i32>} : memref<80x128xf32, #tpu.memory_space<vmem>>, vector<1x16xf32>,
          %parallel_loop3A_147 = vector.shape_cast %parallel_loop3A_146 : vector<1x16xf32> to vector<16xf32>
          %parallel_loop3A_148 = arith.index_cast %parallel_loop3A_129 : i32 to index
          %parallel_loop3A_149 = arith.constant 64 : index
          %parallel_loop3A_150 = tpu.vector_load %arg15[%parallel_loop3A_148, %parallel_loop3A_149] {strides = array<i32>} : memref<80x128xf32, #tpu.memory_space<vmem>>, vector<1x16xf32>,
          %parallel_loop3A_151 = vector.shape_cast %parallel_loop3A_150 : vector<1x16xf32> to vector<16xf32>
          %parallel_loop3A_152 = arith.addf %parallel_loop3A_147, %parallel_loop3A_151 : vector<16xf32>
          %parallel_loop3A_153 = arith.index_cast %parallel_loop3A_129 : i32 to index
          %parallel_loop3A_154 = arith.constant 64 : index
          %parallel_loop3A_155 = tpu.vector_load %arg16[%parallel_loop3A_153, %parallel_loop3A_154] {strides = array<i32>} : memref<80x128xf32, #tpu.memory_space<vmem>>, vector<1x16xf32>,
          %parallel_loop3A_156 = vector.shape_cast %parallel_loop3A_155 : vector<1x16xf32> to vector<16xf32>
          %parallel_loop3A_157 = arith.addf %parallel_loop3A_152, %parallel_loop3A_156 : vector<16xf32>
          %parallel_loop3A_158 = arith.constant -1.44269502 : f32
          %parallel_loop3A_159 = vector.broadcast %parallel_loop3A_158 : f32 to vector<16xf32>
          %parallel_loop3A_160 = arith.mulf %parallel_loop3A_143, %parallel_loop3A_159 : vector<16xf32>
          %parallel_loop3A_161 = arith.constant 1.260000e+02 : f32
          %parallel_loop3A_162 = vector.broadcast %parallel_loop3A_161 : f32 to vector<16xf32>
          %parallel_loop3A_163 = arith.minimumf %parallel_loop3A_160, %parallel_loop3A_162 : vector<16xf32>
          %parallel_loop3A_164 = arith.constant -1.260000e+02 : f32
          %parallel_loop3A_165 = vector.broadcast %parallel_loop3A_164 : f32 to vector<16xf32>
          %parallel_loop3A_166 = arith.maximumf %parallel_loop3A_163, %parallel_loop3A_165 : vector<16xf32>
          %parallel_loop3A_167 = arith.constant 0x4B400000 : f32
          %parallel_loop3A_168 = vector.broadcast %parallel_loop3A_167 : f32 to vector<16xf32>
          %parallel_loop3A_169 = arith.addf %parallel_loop3A_166, %parallel_loop3A_168 : vector<16xf32>
          %parallel_loop3A_170 = arith.constant 0x4B400000 : f32
          %parallel_loop3A_171 = vector.broadcast %parallel_loop3A_170 : f32 to vector<16xf32>
          %parallel_loop3A_172 = arith.subf %parallel_loop3A_169, %parallel_loop3A_171 : vector<16xf32>
          %parallel_loop3A_173 = arith.subf %parallel_loop3A_166, %parallel_loop3A_172 : vector<16xf32>
          %parallel_loop3A_174 = tpu.bitcast %parallel_loop3A_169 : vector<16xf32> -> vector<16xi32>
          %parallel_loop3A_175 = arith.constant 1262485377 : i32
          %parallel_loop3A_176 = vector.broadcast %parallel_loop3A_175 : i32 to vector<16xi32>
          %parallel_loop3A_177 = arith.subi %parallel_loop3A_174, %parallel_loop3A_176 : vector<16xi32>
          %parallel_loop3A_178 = arith.constant 23 : i32
          %parallel_loop3A_179 = vector.broadcast %parallel_loop3A_178 : i32 to vector<16xi32>
          %parallel_loop3A_180 = arith.shli %parallel_loop3A_177, %parallel_loop3A_179 : vector<16xi32>
          %parallel_loop3A_181 = tpu.bitcast %parallel_loop3A_180 : vector<16xi32> -> vector<16xf32>
          %parallel_loop3A_182 = arith.constant 0.0559220351 : f32
          %parallel_loop3A_183 = vector.broadcast %parallel_loop3A_182 : f32 to vector<16xf32>
          %parallel_loop3A_184 = arith.mulf %parallel_loop3A_173, %parallel_loop3A_183 : vector<16xf32>
          %parallel_loop3A_185 = arith.constant 0.242640078 : f32
          %parallel_loop3A_186 = vector.broadcast %parallel_loop3A_185 : f32 to vector<16xf32>
          %parallel_loop3A_187 = arith.addf %parallel_loop3A_186, %parallel_loop3A_184 : vector<16xf32>
          %parallel_loop3A_188 = arith.mulf %parallel_loop3A_173, %parallel_loop3A_187 : vector<16xf32>
          %parallel_loop3A_189 = arith.constant 6.931210e-01 : f32
          %parallel_loop3A_190 = vector.broadcast %parallel_loop3A_189 : f32 to vector<16xf32>
          %parallel_loop3A_191 = arith.addf %parallel_loop3A_190, %parallel_loop3A_188 : vector<16xf32>
          %parallel_loop3A_192 = arith.mulf %parallel_loop3A_173, %parallel_loop3A_191 : vector<16xf32>
          %parallel_loop3A_193 = arith.constant 0.99992448 : f32
          %parallel_loop3A_194 = vector.broadcast %parallel_loop3A_193 : f32 to vector<16xf32>
          %parallel_loop3A_195 = arith.addf %parallel_loop3A_194, %parallel_loop3A_192 : vector<16xf32>
          %parallel_loop3A_196 = arith.mulf %parallel_loop3A_181, %parallel_loop3A_195 : vector<16xf32>
          %parallel_loop3A_197 = arith.constant 1.000000e+00 : f32
          %parallel_loop3A_198 = vector.broadcast %parallel_loop3A_197 : f32 to vector<16xf32>
          %parallel_loop3A_199 = arith.addf %parallel_loop3A_198, %parallel_loop3A_196 : vector<16xf32>
          %parallel_loop3A_200 = tpu.bitcast %parallel_loop3A_199 : vector<16xf32> -> vector<16xi32>
          %parallel_loop3A_201 = arith.constant 2129859011 : i32
          %parallel_loop3A_202 = vector.broadcast %parallel_loop3A_201 : i32 to vector<16xi32>
          %parallel_loop3A_203 = arith.subi %parallel_loop3A_202, %parallel_loop3A_200 : vector<16xi32>
          %parallel_loop3A_204 = tpu.bitcast %parallel_loop3A_203 : vector<16xi32> -> vector<16xf32>
          %parallel_loop3A_205 = arith.mulf %parallel_loop3A_199, %parallel_loop3A_204 : vector<16xf32>
          %parallel_loop3A_206 = arith.constant 2.000000e+00 : f32
          %parallel_loop3A_207 = vector.broadcast %parallel_loop3A_206 : f32 to vector<16xf32>
          %parallel_loop3A_208 = arith.subf %parallel_loop3A_207, %parallel_loop3A_205 : vector<16xf32>
          %parallel_loop3A_209 = arith.mulf %parallel_loop3A_204, %parallel_loop3A_208 : vector<16xf32>
          %parallel_loop3A_210 = arith.mulf %parallel_loop3A_199, %parallel_loop3A_209 : vector<16xf32>
          %parallel_loop3A_211 = arith.constant 2.000000e+00 : f32
          %parallel_loop3A_212 = vector.broadcast %parallel_loop3A_211 : f32 to vector<16xf32>
          %parallel_loop3A_213 = arith.subf %parallel_loop3A_212, %parallel_loop3A_210 : vector<16xf32>
          %parallel_loop3A_214 = arith.mulf %parallel_loop3A_209, %parallel_loop3A_213 : vector<16xf32>
          %parallel_loop3A_215 = math.absf %parallel_loop3A_157 : vector<16xf32>
          %parallel_loop3A_216 = arith.constant -1.44269502 : f32
          %parallel_loop3A_217 = vector.broadcast %parallel_loop3A_216 : f32 to vector<16xf32>
          %parallel_loop3A_218 = arith.mulf %parallel_loop3A_215, %parallel_loop3A_217 : vector<16xf32>
          %parallel_loop3A_219 = arith.constant -1.260000e+02 : f32
          %parallel_loop3A_220 = vector.broadcast %parallel_loop3A_219 : f32 to vector<16xf32>
          %parallel_loop3A_221 = arith.maximumf %parallel_loop3A_218, %parallel_loop3A_220 : vector<16xf32>
          %parallel_loop3A_222 = arith.constant 0x4B400000 : f32
          %parallel_loop3A_223 = vector.broadcast %parallel_loop3A_222 : f32 to vector<16xf32>
          %parallel_loop3A_224 = arith.addf %parallel_loop3A_221, %parallel_loop3A_223 : vector<16xf32>
          %parallel_loop3A_225 = arith.constant 0x4B400000 : f32
          %parallel_loop3A_226 = vector.broadcast %parallel_loop3A_225 : f32 to vector<16xf32>
          %parallel_loop3A_227 = arith.subf %parallel_loop3A_224, %parallel_loop3A_226 : vector<16xf32>
          %parallel_loop3A_228 = arith.subf %parallel_loop3A_221, %parallel_loop3A_227 : vector<16xf32>
          %parallel_loop3A_229 = tpu.bitcast %parallel_loop3A_224 : vector<16xf32> -> vector<16xi32>
          %parallel_loop3A_230 = arith.constant 1262485377 : i32
          %parallel_loop3A_231 = vector.broadcast %parallel_loop3A_230 : i32 to vector<16xi32>
          %parallel_loop3A_232 = arith.subi %parallel_loop3A_229, %parallel_loop3A_231 : vector<16xi32>
          %parallel_loop3A_233 = arith.constant 23 : i32
          %parallel_loop3A_234 = vector.broadcast %parallel_loop3A_233 : i32 to vector<16xi32>
          %parallel_loop3A_235 = arith.shli %parallel_loop3A_232, %parallel_loop3A_234 : vector<16xi32>
          %parallel_loop3A_236 = tpu.bitcast %parallel_loop3A_235 : vector<16xi32> -> vector<16xf32>
          %parallel_loop3A_237 = arith.constant 0.0559220351 : f32
          %parallel_loop3A_238 = vector.broadcast %parallel_loop3A_237 : f32 to vector<16xf32>
          %parallel_loop3A_239 = arith.mulf %parallel_loop3A_228, %parallel_loop3A_238 : vector<16xf32>
          %parallel_loop3A_240 = arith.constant 0.242640078 : f32
          %parallel_loop3A_241 = vector.broadcast %parallel_loop3A_240 : f32 to vector<16xf32>
          %parallel_loop3A_242 = arith.addf %parallel_loop3A_241, %parallel_loop3A_239 : vector<16xf32>
          %parallel_loop3A_243 = arith.mulf %parallel_loop3A_228, %parallel_loop3A_242 : vector<16xf32>
          %parallel_loop3A_244 = arith.constant 6.931210e-01 : f32
          %parallel_loop3A_245 = vector.broadcast %parallel_loop3A_244 : f32 to vector<16xf32>
          %parallel_loop3A_246 = arith.addf %parallel_loop3A_245, %parallel_loop3A_243 : vector<16xf32>
          %parallel_loop3A_247 = arith.mulf %parallel_loop3A_228, %parallel_loop3A_246 : vector<16xf32>
          %parallel_loop3A_248 = arith.constant 0.99992448 : f32
          %parallel_loop3A_249 = vector.broadcast %parallel_loop3A_248 : f32 to vector<16xf32>
          %parallel_loop3A_250 = arith.addf %parallel_loop3A_249, %parallel_loop3A_247 : vector<16xf32>
          %parallel_loop3A_251 = arith.mulf %parallel_loop3A_236, %parallel_loop3A_250 : vector<16xf32>
          %parallel_loop3A_252 = arith.constant 0.000000e+00 : f32
          %parallel_loop3A_253 = vector.broadcast %parallel_loop3A_252 : f32 to vector<16xf32>
          %parallel_loop3A_254 = arith.maximumf %parallel_loop3A_157, %parallel_loop3A_253 : vector<16xf32>
          %parallel_loop3A_255 = arith.constant 0.0304490048 : f32
          %parallel_loop3A_256 = vector.broadcast %parallel_loop3A_255 : f32 to vector<16xf32>
          %parallel_loop3A_257 = arith.mulf %parallel_loop3A_251, %parallel_loop3A_256 : vector<16xf32>
          %parallel_loop3A_258 = arith.constant -0.131581828 : f32
          %parallel_loop3A_259 = vector.broadcast %parallel_loop3A_258 : f32 to vector<16xf32>
          %parallel_loop3A_260 = arith.addf %parallel_loop3A_259, %parallel_loop3A_257 : vector<16xf32>
          %parallel_loop3A_261 = arith.mulf %parallel_loop3A_251, %parallel_loop3A_260 : vector<16xf32>
          %parallel_loop3A_262 = arith.constant 0.285272688 : f32
          %parallel_loop3A_263 = vector.broadcast %parallel_loop3A_262 : f32 to vector<16xf32>
          %parallel_loop3A_264 = arith.addf %parallel_loop3A_263, %parallel_loop3A_261 : vector<16xf32>
          %parallel_loop3A_265 = arith.mulf %parallel_loop3A_251, %parallel_loop3A_264 : vector<16xf32>
          %parallel_loop3A_266 = arith.constant -0.490230709 : f32
          %parallel_loop3A_267 = vector.broadcast %parallel_loop3A_266 : f32 to vector<16xf32>
          %parallel_loop3A_268 = arith.addf %parallel_loop3A_267, %parallel_loop3A_265 : vector<16xf32>
          %parallel_loop3A_269 = arith.mulf %parallel_loop3A_251, %parallel_loop3A_268 : vector<16xf32>
          %parallel_loop3A_270 = arith.constant 0.999235451 : f32
          %parallel_loop3A_271 = vector.broadcast %parallel_loop3A_270 : f32 to vector<16xf32>
          %parallel_loop3A_272 = arith.addf %parallel_loop3A_271, %parallel_loop3A_269 : vector<16xf32>
          %parallel_loop3A_273 = arith.mulf %parallel_loop3A_251, %parallel_loop3A_272 : vector<16xf32>
          %parallel_loop3A_274 = arith.constant 9.9750323E-6 : f32
          %parallel_loop3A_275 = vector.broadcast %parallel_loop3A_274 : f32 to vector<16xf32>
          %parallel_loop3A_276 = arith.addf %parallel_loop3A_275, %parallel_loop3A_273 : vector<16xf32>
          %parallel_loop3A_277 = arith.addf %parallel_loop3A_254, %parallel_loop3A_276 : vector<16xf32>
          %parallel_loop3A_278 = arith.mulf %parallel_loop3A_214, %parallel_loop3A_277 : vector<16xf32>
          %parallel_loop3A_279 = arith.index_cast %parallel_loop3A_129 : i32 to index
          %parallel_loop3A_280 = arith.constant 0 : index
          %parallel_loop3A_281 = tpu.vector_load %arg17[%parallel_loop3A_279, %parallel_loop3A_280] {strides = array<i32>} : memref<80x128xf32, #tpu.memory_space<vmem>>, vector<1x16xf32>,
          %parallel_loop3A_282 = vector.shape_cast %parallel_loop3A_281 : vector<1x16xf32> to vector<16xf32>
          %parallel_loop3A_283 = vector.shape_cast %parallel_loop3A_278 : vector<16xf32> to vector<1x16xf32>
          tpu.vector_store %arg17[%parallel_loop3A_279, %parallel_loop3A_280], %parallel_loop3A_283 {strides = array<i32>} : memref<80x128xf32, #tpu.memory_space<vmem>>, vector<1x16xf32>,
          %parallel_loop3A_284 = arith.index_cast %parallel_loop3A_129 : i32 to index
          %parallel_loop3A_285 = arith.constant 16 : index
          %parallel_loop3A_286 = tpu.vector_load %arg14[%parallel_loop3A_284, %parallel_loop3A_285] {strides = array<i32>} : memref<80x128xf32, #tpu.memory_space<vmem>>, vector<1x16xf32>,
          %parallel_loop3A_287 = vector.shape_cast %parallel_loop3A_286 : vector<1x16xf32> to vector<16xf32>
          %parallel_loop3A_288 = arith.index_cast %parallel_loop3A_129 : i32 to index
          %parallel_loop3A_289 = arith.constant 16 : index
          %parallel_loop3A_290 = tpu.vector_load %arg15[%parallel_loop3A_288, %parallel_loop3A_289] {strides = array<i32>} : memref<80x128xf32, #tpu.memory_space<vmem>>, vector<1x16xf32>,
          %parallel_loop3A_291 = vector.shape_cast %parallel_loop3A_290 : vector<1x16xf32> to vector<16xf32>
          %parallel_loop3A_292 = arith.addf %parallel_loop3A_287, %parallel_loop3A_291 : vector<16xf32>
          %parallel_loop3A_293 = arith.index_cast %parallel_loop3A_129 : i32 to index
          %parallel_loop3A_294 = arith.constant 16 : index
          %parallel_loop3A_295 = tpu.vector_load %arg16[%parallel_loop3A_293, %parallel_loop3A_294] {strides = array<i32>} : memref<80x128xf32, #tpu.memory_space<vmem>>, vector<1x16xf32>,
          %parallel_loop3A_296 = vector.shape_cast %parallel_loop3A_295 : vector<1x16xf32> to vector<16xf32>
          %parallel_loop3A_297 = arith.addf %parallel_loop3A_292, %parallel_loop3A_296 : vector<16xf32>
          %parallel_loop3A_298 = arith.index_cast %parallel_loop3A_129 : i32 to index
          %parallel_loop3A_299 = arith.constant 80 : index
          %parallel_loop3A_300 = tpu.vector_load %arg14[%parallel_loop3A_298, %parallel_loop3A_299] {strides = array<i32>} : memref<80x128xf32, #tpu.memory_space<vmem>>, vector<1x16xf32>,
          %parallel_loop3A_301 = vector.shape_cast %parallel_loop3A_300 : vector<1x16xf32> to vector<16xf32>
          %parallel_loop3A_302 = arith.index_cast %parallel_loop3A_129 : i32 to index
          %parallel_loop3A_303 = arith.constant 80 : index
          %parallel_loop3A_304 = tpu.vector_load %arg15[%parallel_loop3A_302, %parallel_loop3A_303] {strides = array<i32>} : memref<80x128xf32, #tpu.memory_space<vmem>>, vector<1x16xf32>,
          %parallel_loop3A_305 = vector.shape_cast %parallel_loop3A_304 : vector<1x16xf32> to vector<16xf32>
          %parallel_loop3A_306 = arith.addf %parallel_loop3A_301, %parallel_loop3A_305 : vector<16xf32>
          %parallel_loop3A_307 = arith.index_cast %parallel_loop3A_129 : i32 to index
          %parallel_loop3A_308 = arith.constant 80 : index
          %parallel_loop3A_309 = tpu.vector_load %arg16[%parallel_loop3A_307, %parallel_loop3A_308] {strides = array<i32>} : memref<80x128xf32, #tpu.memory_space<vmem>>, vector<1x16xf32>,
          %parallel_loop3A_310 = vector.shape_cast %parallel_loop3A_309 : vector<1x16xf32> to vector<16xf32>
          %parallel_loop3A_311 = arith.addf %parallel_loop3A_306, %parallel_loop3A_310 : vector<16xf32>
          %parallel_loop3A_312 = arith.constant -1.44269502 : f32
          %parallel_loop3A_313 = vector.broadcast %parallel_loop3A_312 : f32 to vector<16xf32>
          %parallel_loop3A_314 = arith.mulf %parallel_loop3A_297, %parallel_loop3A_313 : vector<16xf32>
          %parallel_loop3A_315 = arith.constant 1.260000e+02 : f32
          %parallel_loop3A_316 = vector.broadcast %parallel_loop3A_315 : f32 to vector<16xf32>
          %parallel_loop3A_317 = arith.minimumf %parallel_loop3A_314, %parallel_loop3A_316 : vector<16xf32>
          %parallel_loop3A_318 = arith.constant -1.260000e+02 : f32
          %parallel_loop3A_319 = vector.broadcast %parallel_loop3A_318 : f32 to vector<16xf32>
          %parallel_loop3A_320 = arith.maximumf %parallel_loop3A_317, %parallel_loop3A_319 : vector<16xf32>
          %parallel_loop3A_321 = arith.constant 0x4B400000 : f32
          %parallel_loop3A_322 = vector.broadcast %parallel_loop3A_321 : f32 to vector<16xf32>
          %parallel_loop3A_323 = arith.addf %parallel_loop3A_320, %parallel_loop3A_322 : vector<16xf32>
          %parallel_loop3A_324 = arith.constant 0x4B400000 : f32
          %parallel_loop3A_325 = vector.broadcast %parallel_loop3A_324 : f32 to vector<16xf32>
          %parallel_loop3A_326 = arith.subf %parallel_loop3A_323, %parallel_loop3A_325 : vector<16xf32>
          %parallel_loop3A_327 = arith.subf %parallel_loop3A_320, %parallel_loop3A_326 : vector<16xf32>
          %parallel_loop3A_328 = tpu.bitcast %parallel_loop3A_323 : vector<16xf32> -> vector<16xi32>
          %parallel_loop3A_329 = arith.constant 1262485377 : i32
          %parallel_loop3A_330 = vector.broadcast %parallel_loop3A_329 : i32 to vector<16xi32>
          %parallel_loop3A_331 = arith.subi %parallel_loop3A_328, %parallel_loop3A_330 : vector<16xi32>
          %parallel_loop3A_332 = arith.constant 23 : i32
          %parallel_loop3A_333 = vector.broadcast %parallel_loop3A_332 : i32 to vector<16xi32>
          %parallel_loop3A_334 = arith.shli %parallel_loop3A_331, %parallel_loop3A_333 : vector<16xi32>
          %parallel_loop3A_335 = tpu.bitcast %parallel_loop3A_334 : vector<16xi32> -> vector<16xf32>
          %parallel_loop3A_336 = arith.constant 0.0559220351 : f32
          %parallel_loop3A_337 = vector.broadcast %parallel_loop3A_336 : f32 to vector<16xf32>
          %parallel_loop3A_338 = arith.mulf %parallel_loop3A_327, %parallel_loop3A_337 : vector<16xf32>
          %parallel_loop3A_339 = arith.constant 0.242640078 : f32
          %parallel_loop3A_340 = vector.broadcast %parallel_loop3A_339 : f32 to vector<16xf32>
          %parallel_loop3A_341 = arith.addf %parallel_loop3A_340, %parallel_loop3A_338 : vector<16xf32>
          %parallel_loop3A_342 = arith.mulf %parallel_loop3A_327, %parallel_loop3A_341 : vector<16xf32>
          %parallel_loop3A_343 = arith.constant 6.931210e-01 : f32
          %parallel_loop3A_344 = vector.broadcast %parallel_loop3A_343 : f32 to vector<16xf32>
          %parallel_loop3A_345 = arith.addf %parallel_loop3A_344, %parallel_loop3A_342 : vector<16xf32>
          %parallel_loop3A_346 = arith.mulf %parallel_loop3A_327, %parallel_loop3A_345 : vector<16xf32>
          %parallel_loop3A_347 = arith.constant 0.99992448 : f32
          %parallel_loop3A_348 = vector.broadcast %parallel_loop3A_347 : f32 to vector<16xf32>
          %parallel_loop3A_349 = arith.addf %parallel_loop3A_348, %parallel_loop3A_346 : vector<16xf32>
          %parallel_loop3A_350 = arith.mulf %parallel_loop3A_335, %parallel_loop3A_349 : vector<16xf32>
          %parallel_loop3A_351 = arith.constant 1.000000e+00 : f32
          %parallel_loop3A_352 = vector.broadcast %parallel_loop3A_351 : f32 to vector<16xf32>
          %parallel_loop3A_353 = arith.addf %parallel_loop3A_352, %parallel_loop3A_350 : vector<16xf32>
          %parallel_loop3A_354 = tpu.bitcast %parallel_loop3A_353 : vector<16xf32> -> vector<16xi32>
          %parallel_loop3A_355 = arith.constant 2129859011 : i32
          %parallel_loop3A_356 = vector.broadcast %parallel_loop3A_355 : i32 to vector<16xi32>
          %parallel_loop3A_357 = arith.subi %parallel_loop3A_356, %parallel_loop3A_354 : vector<16xi32>
          %parallel_loop3A_358 = tpu.bitcast %parallel_loop3A_357 : vector<16xi32> -> vector<16xf32>
          %parallel_loop3A_359 = arith.mulf %parallel_loop3A_353, %parallel_loop3A_358 : vector<16xf32>
          %parallel_loop3A_360 = arith.constant 2.000000e+00 : f32
          %parallel_loop3A_361 = vector.broadcast %parallel_loop3A_360 : f32 to vector<16xf32>
          %parallel_loop3A_362 = arith.subf %parallel_loop3A_361, %parallel_loop3A_359 : vector<16xf32>
          %parallel_loop3A_363 = arith.mulf %parallel_loop3A_358, %parallel_loop3A_362 : vector<16xf32>
          %parallel_loop3A_364 = arith.mulf %parallel_loop3A_353, %parallel_loop3A_363 : vector<16xf32>
          %parallel_loop3A_365 = arith.constant 2.000000e+00 : f32
          %parallel_loop3A_366 = vector.broadcast %parallel_loop3A_365 : f32 to vector<16xf32>
          %parallel_loop3A_367 = arith.subf %parallel_loop3A_366, %parallel_loop3A_364 : vector<16xf32>
          %parallel_loop3A_368 = arith.mulf %parallel_loop3A_363, %parallel_loop3A_367 : vector<16xf32>
          %parallel_loop3A_369 = math.absf %parallel_loop3A_311 : vector<16xf32>
          %parallel_loop3A_370 = arith.constant -1.44269502 : f32
          %parallel_loop3A_371 = vector.broadcast %parallel_loop3A_370 : f32 to vector<16xf32>
          %parallel_loop3A_372 = arith.mulf %parallel_loop3A_369, %parallel_loop3A_371 : vector<16xf32>
          %parallel_loop3A_373 = arith.constant -1.260000e+02 : f32
          %parallel_loop3A_374 = vector.broadcast %parallel_loop3A_373 : f32 to vector<16xf32>
          %parallel_loop3A_375 = arith.maximumf %parallel_loop3A_372, %parallel_loop3A_374 : vector<16xf32>
          %parallel_loop3A_376 = arith.constant 0x4B400000 : f32
          %parallel_loop3A_377 = vector.broadcast %parallel_loop3A_376 : f32 to vector<16xf32>
          %parallel_loop3A_378 = arith.addf %parallel_loop3A_375, %parallel_loop3A_377 : vector<16xf32>
          %parallel_loop3A_379 = arith.constant 0x4B400000 : f32
          %parallel_loop3A_380 = vector.broadcast %parallel_loop3A_379 : f32 to vector<16xf32>
          %parallel_loop3A_381 = arith.subf %parallel_loop3A_378, %parallel_loop3A_380 : vector<16xf32>
          %parallel_loop3A_382 = arith.subf %parallel_loop3A_375, %parallel_loop3A_381 : vector<16xf32>
          %parallel_loop3A_383 = tpu.bitcast %parallel_loop3A_378 : vector<16xf32> -> vector<16xi32>
          %parallel_loop3A_384 = arith.constant 1262485377 : i32
          %parallel_loop3A_385 = vector.broadcast %parallel_loop3A_384 : i32 to vector<16xi32>
          %parallel_loop3A_386 = arith.subi %parallel_loop3A_383, %parallel_loop3A_385 : vector<16xi32>
          %parallel_loop3A_387 = arith.constant 23 : i32
          %parallel_loop3A_388 = vector.broadcast %parallel_loop3A_387 : i32 to vector<16xi32>
          %parallel_loop3A_389 = arith.shli %parallel_loop3A_386, %parallel_loop3A_388 : vector<16xi32>
          %parallel_loop3A_390 = tpu.bitcast %parallel_loop3A_389 : vector<16xi32> -> vector<16xf32>
          %parallel_loop3A_391 = arith.constant 0.0559220351 : f32
          %parallel_loop3A_392 = vector.broadcast %parallel_loop3A_391 : f32 to vector<16xf32>
          %parallel_loop3A_393 = arith.mulf %parallel_loop3A_382, %parallel_loop3A_392 : vector<16xf32>
          %parallel_loop3A_394 = arith.constant 0.242640078 : f32
          %parallel_loop3A_395 = vector.broadcast %parallel_loop3A_394 : f32 to vector<16xf32>
          %parallel_loop3A_396 = arith.addf %parallel_loop3A_395, %parallel_loop3A_393 : vector<16xf32>
          %parallel_loop3A_397 = arith.mulf %parallel_loop3A_382, %parallel_loop3A_396 : vector<16xf32>
          %parallel_loop3A_398 = arith.constant 6.931210e-01 : f32
          %parallel_loop3A_399 = vector.broadcast %parallel_loop3A_398 : f32 to vector<16xf32>
          %parallel_loop3A_400 = arith.addf %parallel_loop3A_399, %parallel_loop3A_397 : vector<16xf32>
          %parallel_loop3A_401 = arith.mulf %parallel_loop3A_382, %parallel_loop3A_400 : vector<16xf32>
          %parallel_loop3A_402 = arith.constant 0.99992448 : f32
          %parallel_loop3A_403 = vector.broadcast %parallel_loop3A_402 : f32 to vector<16xf32>
          %parallel_loop3A_404 = arith.addf %parallel_loop3A_403, %parallel_loop3A_401 : vector<16xf32>
          %parallel_loop3A_405 = arith.mulf %parallel_loop3A_390, %parallel_loop3A_404 : vector<16xf32>
          %parallel_loop3A_406 = arith.constant 0.000000e+00 : f32
          %parallel_loop3A_407 = vector.broadcast %parallel_loop3A_406 : f32 to vector<16xf32>
          %parallel_loop3A_408 = arith.maximumf %parallel_loop3A_311, %parallel_loop3A_407 : vector<16xf32>
          %parallel_loop3A_409 = arith.constant 0.0304490048 : f32
          %parallel_loop3A_410 = vector.broadcast %parallel_loop3A_409 : f32 to vector<16xf32>
          %parallel_loop3A_411 = arith.mulf %parallel_loop3A_405, %parallel_loop3A_410 : vector<16xf32>
          %parallel_loop3A_412 = arith.constant -0.131581828 : f32
          %parallel_loop3A_413 = vector.broadcast %parallel_loop3A_412 : f32 to vector<16xf32>
          %parallel_loop3A_414 = arith.addf %parallel_loop3A_413, %parallel_loop3A_411 : vector<16xf32>
          %parallel_loop3A_415 = arith.mulf %parallel_loop3A_405, %parallel_loop3A_414 : vector<16xf32>
          %parallel_loop3A_416 = arith.constant 0.285272688 : f32
          %parallel_loop3A_417 = vector.broadcast %parallel_loop3A_416 : f32 to vector<16xf32>
          %parallel_loop3A_418 = arith.addf %parallel_loop3A_417, %parallel_loop3A_415 : vector<16xf32>
          %parallel_loop3A_419 = arith.mulf %parallel_loop3A_405, %parallel_loop3A_418 : vector<16xf32>
          %parallel_loop3A_420 = arith.constant -0.490230709 : f32
          %parallel_loop3A_421 = vector.broadcast %parallel_loop3A_420 : f32 to vector<16xf32>
          %parallel_loop3A_422 = arith.addf %parallel_loop3A_421, %parallel_loop3A_419 : vector<16xf32>
          %parallel_loop3A_423 = arith.mulf %parallel_loop3A_405, %parallel_loop3A_422 : vector<16xf32>
          %parallel_loop3A_424 = arith.constant 0.999235451 : f32
          %parallel_loop3A_425 = vector.broadcast %parallel_loop3A_424 : f32 to vector<16xf32>
          %parallel_loop3A_426 = arith.addf %parallel_loop3A_425, %parallel_loop3A_423 : vector<16xf32>
          %parallel_loop3A_427 = arith.mulf %parallel_loop3A_405, %parallel_loop3A_426 : vector<16xf32>
          %parallel_loop3A_428 = arith.constant 9.9750323E-6 : f32
          %parallel_loop3A_429 = vector.broadcast %parallel_loop3A_428 : f32 to vector<16xf32>
          %parallel_loop3A_430 = arith.addf %parallel_loop3A_429, %parallel_loop3A_427 : vector<16xf32>
          %parallel_loop3A_431 = arith.addf %parallel_loop3A_408, %parallel_loop3A_430 : vector<16xf32>
          %parallel_loop3A_432 = arith.mulf %parallel_loop3A_368, %parallel_loop3A_431 : vector<16xf32>
          %parallel_loop3A_433 = arith.index_cast %parallel_loop3A_129 : i32 to index
          %parallel_loop3A_434 = arith.constant 16 : index
          %parallel_loop3A_435 = tpu.vector_load %arg17[%parallel_loop3A_433, %parallel_loop3A_434] {strides = array<i32>} : memref<80x128xf32, #tpu.memory_space<vmem>>, vector<1x16xf32>,
          %parallel_loop3A_436 = vector.shape_cast %parallel_loop3A_435 : vector<1x16xf32> to vector<16xf32>
          %parallel_loop3A_437 = vector.shape_cast %parallel_loop3A_432 : vector<16xf32> to vector<1x16xf32>
          tpu.vector_store %arg17[%parallel_loop3A_433, %parallel_loop3A_434], %parallel_loop3A_437 {strides = array<i32>} : memref<80x128xf32, #tpu.memory_space<vmem>>, vector<1x16xf32>,
          %parallel_loop3A_438 = arith.index_cast %parallel_loop3A_129 : i32 to index
          %parallel_loop3A_439 = arith.constant 32 : index
          %parallel_loop3A_440 = tpu.vector_load %arg14[%parallel_loop3A_438, %parallel_loop3A_439] {strides = array<i32>} : memref<80x128xf32, #tpu.memory_space<vmem>>, vector<1x16xf32>,
          %parallel_loop3A_441 = vector.shape_cast %parallel_loop3A_440 : vector<1x16xf32> to vector<16xf32>
          %parallel_loop3A_442 = arith.index_cast %parallel_loop3A_129 : i32 to index
          %parallel_loop3A_443 = arith.constant 32 : index
          %parallel_loop3A_444 = tpu.vector_load %arg15[%parallel_loop3A_442, %parallel_loop3A_443] {strides = array<i32>} : memref<80x128xf32, #tpu.memory_space<vmem>>, vector<1x16xf32>,
          %parallel_loop3A_445 = vector.shape_cast %parallel_loop3A_444 : vector<1x16xf32> to vector<16xf32>
          %parallel_loop3A_446 = arith.addf %parallel_loop3A_441, %parallel_loop3A_445 : vector<16xf32>
          %parallel_loop3A_447 = arith.index_cast %parallel_loop3A_129 : i32 to index
          %parallel_loop3A_448 = arith.constant 32 : index
          %parallel_loop3A_449 = tpu.vector_load %arg16[%parallel_loop3A_447, %parallel_loop3A_448] {strides = array<i32>} : memref<80x128xf32, #tpu.memory_space<vmem>>, vector<1x16xf32>,
          %parallel_loop3A_450 = vector.shape_cast %parallel_loop3A_449 : vector<1x16xf32> to vector<16xf32>
          %parallel_loop3A_451 = arith.addf %parallel_loop3A_446, %parallel_loop3A_450 : vector<16xf32>
          %parallel_loop3A_452 = arith.index_cast %parallel_loop3A_129 : i32 to index
          %parallel_loop3A_453 = arith.constant 96 : index
          %parallel_loop3A_454 = tpu.vector_load %arg14[%parallel_loop3A_452, %parallel_loop3A_453] {strides = array<i32>} : memref<80x128xf32, #tpu.memory_space<vmem>>, vector<1x16xf32>,
          %parallel_loop3A_455 = vector.shape_cast %parallel_loop3A_454 : vector<1x16xf32> to vector<16xf32>
          %parallel_loop3A_456 = arith.index_cast %parallel_loop3A_129 : i32 to index
          %parallel_loop3A_457 = arith.constant 96 : index
          %parallel_loop3A_458 = tpu.vector_load %arg15[%parallel_loop3A_456, %parallel_loop3A_457] {strides = array<i32>} : memref<80x128xf32, #tpu.memory_space<vmem>>, vector<1x16xf32>,
          %parallel_loop3A_459 = vector.shape_cast %parallel_loop3A_458 : vector<1x16xf32> to vector<16xf32>
          %parallel_loop3A_460 = arith.addf %parallel_loop3A_455, %parallel_loop3A_459 : vector<16xf32>
          %parallel_loop3A_461 = arith.index_cast %parallel_loop3A_129 : i32 to index
          %parallel_loop3A_462 = arith.constant 96 : index
          %parallel_loop3A_463 = tpu.vector_load %arg16[%parallel_loop3A_461, %parallel_loop3A_462] {strides = array<i32>} : memref<80x128xf32, #tpu.memory_space<vmem>>, vector<1x16xf32>,
          %parallel_loop3A_464 = vector.shape_cast %parallel_loop3A_463 : vector<1x16xf32> to vector<16xf32>
          %parallel_loop3A_465 = arith.addf %parallel_loop3A_460, %parallel_loop3A_464 : vector<16xf32>
          %parallel_loop3A_466 = arith.constant -1.44269502 : f32
          %parallel_loop3A_467 = vector.broadcast %parallel_loop3A_466 : f32 to vector<16xf32>
          %parallel_loop3A_468 = arith.mulf %parallel_loop3A_451, %parallel_loop3A_467 : vector<16xf32>
          %parallel_loop3A_469 = arith.constant 1.260000e+02 : f32
          %parallel_loop3A_470 = vector.broadcast %parallel_loop3A_469 : f32 to vector<16xf32>
          %parallel_loop3A_471 = arith.minimumf %parallel_loop3A_468, %parallel_loop3A_470 : vector<16xf32>
          %parallel_loop3A_472 = arith.constant -1.260000e+02 : f32
          %parallel_loop3A_473 = vector.broadcast %parallel_loop3A_472 : f32 to vector<16xf32>
          %parallel_loop3A_474 = arith.maximumf %parallel_loop3A_471, %parallel_loop3A_473 : vector<16xf32>
          %parallel_loop3A_475 = arith.constant 0x4B400000 : f32
          %parallel_loop3A_476 = vector.broadcast %parallel_loop3A_475 : f32 to vector<16xf32>
          %parallel_loop3A_477 = arith.addf %parallel_loop3A_474, %parallel_loop3A_476 : vector<16xf32>
          %parallel_loop3A_478 = arith.constant 0x4B400000 : f32
          %parallel_loop3A_479 = vector.broadcast %parallel_loop3A_478 : f32 to vector<16xf32>
          %parallel_loop3A_480 = arith.subf %parallel_loop3A_477, %parallel_loop3A_479 : vector<16xf32>
          %parallel_loop3A_481 = arith.subf %parallel_loop3A_474, %parallel_loop3A_480 : vector<16xf32>
          %parallel_loop3A_482 = tpu.bitcast %parallel_loop3A_477 : vector<16xf32> -> vector<16xi32>
          %parallel_loop3A_483 = arith.constant 1262485377 : i32
          %parallel_loop3A_484 = vector.broadcast %parallel_loop3A_483 : i32 to vector<16xi32>
          %parallel_loop3A_485 = arith.subi %parallel_loop3A_482, %parallel_loop3A_484 : vector<16xi32>
          %parallel_loop3A_486 = arith.constant 23 : i32
          %parallel_loop3A_487 = vector.broadcast %parallel_loop3A_486 : i32 to vector<16xi32>
          %parallel_loop3A_488 = arith.shli %parallel_loop3A_485, %parallel_loop3A_487 : vector<16xi32>
          %parallel_loop3A_489 = tpu.bitcast %parallel_loop3A_488 : vector<16xi32> -> vector<16xf32>
          %parallel_loop3A_490 = arith.constant 0.0559220351 : f32
          %parallel_loop3A_491 = vector.broadcast %parallel_loop3A_490 : f32 to vector<16xf32>
          %parallel_loop3A_492 = arith.mulf %parallel_loop3A_481, %parallel_loop3A_491 : vector<16xf32>
          %parallel_loop3A_493 = arith.constant 0.242640078 : f32
          %parallel_loop3A_494 = vector.broadcast %parallel_loop3A_493 : f32 to vector<16xf32>
          %parallel_loop3A_495 = arith.addf %parallel_loop3A_494, %parallel_loop3A_492 : vector<16xf32>
          %parallel_loop3A_496 = arith.mulf %parallel_loop3A_481, %parallel_loop3A_495 : vector<16xf32>
          %parallel_loop3A_497 = arith.constant 6.931210e-01 : f32
          %parallel_loop3A_498 = vector.broadcast %parallel_loop3A_497 : f32 to vector<16xf32>
          %parallel_loop3A_499 = arith.addf %parallel_loop3A_498, %parallel_loop3A_496 : vector<16xf32>
          %parallel_loop3A_500 = arith.mulf %parallel_loop3A_481, %parallel_loop3A_499 : vector<16xf32>
          %parallel_loop3A_501 = arith.constant 0.99992448 : f32
          %parallel_loop3A_502 = vector.broadcast %parallel_loop3A_501 : f32 to vector<16xf32>
          %parallel_loop3A_503 = arith.addf %parallel_loop3A_502, %parallel_loop3A_500 : vector<16xf32>
          %parallel_loop3A_504 = arith.mulf %parallel_loop3A_489, %parallel_loop3A_503 : vector<16xf32>
          %parallel_loop3A_505 = arith.constant 1.000000e+00 : f32
          %parallel_loop3A_506 = vector.broadcast %parallel_loop3A_505 : f32 to vector<16xf32>
          %parallel_loop3A_507 = arith.addf %parallel_loop3A_506, %parallel_loop3A_504 : vector<16xf32>
          %parallel_loop3A_508 = tpu.bitcast %parallel_loop3A_507 : vector<16xf32> -> vector<16xi32>
          %parallel_loop3A_509 = arith.constant 2129859011 : i32
          %parallel_loop3A_510 = vector.broadcast %parallel_loop3A_509 : i32 to vector<16xi32>
          %parallel_loop3A_511 = arith.subi %parallel_loop3A_510, %parallel_loop3A_508 : vector<16xi32>
          %parallel_loop3A_512 = tpu.bitcast %parallel_loop3A_511 : vector<16xi32> -> vector<16xf32>
          %parallel_loop3A_513 = arith.mulf %parallel_loop3A_507, %parallel_loop3A_512 : vector<16xf32>
          %parallel_loop3A_514 = arith.constant 2.000000e+00 : f32
          %parallel_loop3A_515 = vector.broadcast %parallel_loop3A_514 : f32 to vector<16xf32>
          %parallel_loop3A_516 = arith.subf %parallel_loop3A_515, %parallel_loop3A_513 : vector<16xf32>
          %parallel_loop3A_517 = arith.mulf %parallel_loop3A_512, %parallel_loop3A_516 : vector<16xf32>
          %parallel_loop3A_518 = arith.mulf %parallel_loop3A_507, %parallel_loop3A_517 : vector<16xf32>
          %parallel_loop3A_519 = arith.constant 2.000000e+00 : f32
          %parallel_loop3A_520 = vector.broadcast %parallel_loop3A_519 : f32 to vector<16xf32>
          %parallel_loop3A_521 = arith.subf %parallel_loop3A_520, %parallel_loop3A_518 : vector<16xf32>
          %parallel_loop3A_522 = arith.mulf %parallel_loop3A_517, %parallel_loop3A_521 : vector<16xf32>
          %parallel_loop3A_523 = math.absf %parallel_loop3A_465 : vector<16xf32>
          %parallel_loop3A_524 = arith.constant -1.44269502 : f32
          %parallel_loop3A_525 = vector.broadcast %parallel_loop3A_524 : f32 to vector<16xf32>
          %parallel_loop3A_526 = arith.mulf %parallel_loop3A_523, %parallel_loop3A_525 : vector<16xf32>
          %parallel_loop3A_527 = arith.constant -1.260000e+02 : f32
          %parallel_loop3A_528 = vector.broadcast %parallel_loop3A_527 : f32 to vector<16xf32>
          %parallel_loop3A_529 = arith.maximumf %parallel_loop3A_526, %parallel_loop3A_528 : vector<16xf32>
          %parallel_loop3A_530 = arith.constant 0x4B400000 : f32
          %parallel_loop3A_531 = vector.broadcast %parallel_loop3A_530 : f32 to vector<16xf32>
          %parallel_loop3A_532 = arith.addf %parallel_loop3A_529, %parallel_loop3A_531 : vector<16xf32>
          %parallel_loop3A_533 = arith.constant 0x4B400000 : f32
          %parallel_loop3A_534 = vector.broadcast %parallel_loop3A_533 : f32 to vector<16xf32>
          %parallel_loop3A_535 = arith.subf %parallel_loop3A_532, %parallel_loop3A_534 : vector<16xf32>
          %parallel_loop3A_536 = arith.subf %parallel_loop3A_529, %parallel_loop3A_535 : vector<16xf32>
          %parallel_loop3A_537 = tpu.bitcast %parallel_loop3A_532 : vector<16xf32> -> vector<16xi32>
          %parallel_loop3A_538 = arith.constant 1262485377 : i32
          %parallel_loop3A_539 = vector.broadcast %parallel_loop3A_538 : i32 to vector<16xi32>
          %parallel_loop3A_540 = arith.subi %parallel_loop3A_537, %parallel_loop3A_539 : vector<16xi32>
          %parallel_loop3A_541 = arith.constant 23 : i32
          %parallel_loop3A_542 = vector.broadcast %parallel_loop3A_541 : i32 to vector<16xi32>
          %parallel_loop3A_543 = arith.shli %parallel_loop3A_540, %parallel_loop3A_542 : vector<16xi32>
          %parallel_loop3A_544 = tpu.bitcast %parallel_loop3A_543 : vector<16xi32> -> vector<16xf32>
          %parallel_loop3A_545 = arith.constant 0.0559220351 : f32
          %parallel_loop3A_546 = vector.broadcast %parallel_loop3A_545 : f32 to vector<16xf32>
          %parallel_loop3A_547 = arith.mulf %parallel_loop3A_536, %parallel_loop3A_546 : vector<16xf32>
          %parallel_loop3A_548 = arith.constant 0.242640078 : f32
          %parallel_loop3A_549 = vector.broadcast %parallel_loop3A_548 : f32 to vector<16xf32>
          %parallel_loop3A_550 = arith.addf %parallel_loop3A_549, %parallel_loop3A_547 : vector<16xf32>
          %parallel_loop3A_551 = arith.mulf %parallel_loop3A_536, %parallel_loop3A_550 : vector<16xf32>
          %parallel_loop3A_552 = arith.constant 6.931210e-01 : f32
          %parallel_loop3A_553 = vector.broadcast %parallel_loop3A_552 : f32 to vector<16xf32>
          %parallel_loop3A_554 = arith.addf %parallel_loop3A_553, %parallel_loop3A_551 : vector<16xf32>
          %parallel_loop3A_555 = arith.mulf %parallel_loop3A_536, %parallel_loop3A_554 : vector<16xf32>
          %parallel_loop3A_556 = arith.constant 0.99992448 : f32
          %parallel_loop3A_557 = vector.broadcast %parallel_loop3A_556 : f32 to vector<16xf32>
          %parallel_loop3A_558 = arith.addf %parallel_loop3A_557, %parallel_loop3A_555 : vector<16xf32>
          %parallel_loop3A_559 = arith.mulf %parallel_loop3A_544, %parallel_loop3A_558 : vector<16xf32>
          %parallel_loop3A_560 = arith.constant 0.000000e+00 : f32
          %parallel_loop3A_561 = vector.broadcast %parallel_loop3A_560 : f32 to vector<16xf32>
          %parallel_loop3A_562 = arith.maximumf %parallel_loop3A_465, %parallel_loop3A_561 : vector<16xf32>
          %parallel_loop3A_563 = arith.constant 0.0304490048 : f32
          %parallel_loop3A_564 = vector.broadcast %parallel_loop3A_563 : f32 to vector<16xf32>
          %parallel_loop3A_565 = arith.mulf %parallel_loop3A_559, %parallel_loop3A_564 : vector<16xf32>
          %parallel_loop3A_566 = arith.constant -0.131581828 : f32
          %parallel_loop3A_567 = vector.broadcast %parallel_loop3A_566 : f32 to vector<16xf32>
          %parallel_loop3A_568 = arith.addf %parallel_loop3A_567, %parallel_loop3A_565 : vector<16xf32>
          %parallel_loop3A_569 = arith.mulf %parallel_loop3A_559, %parallel_loop3A_568 : vector<16xf32>
          %parallel_loop3A_570 = arith.constant 0.285272688 : f32
          %parallel_loop3A_571 = vector.broadcast %parallel_loop3A_570 : f32 to vector<16xf32>
          %parallel_loop3A_572 = arith.addf %parallel_loop3A_571, %parallel_loop3A_569 : vector<16xf32>
          %parallel_loop3A_573 = arith.mulf %parallel_loop3A_559, %parallel_loop3A_572 : vector<16xf32>
          %parallel_loop3A_574 = arith.constant -0.490230709 : f32
          %parallel_loop3A_575 = vector.broadcast %parallel_loop3A_574 : f32 to vector<16xf32>
          %parallel_loop3A_576 = arith.addf %parallel_loop3A_575, %parallel_loop3A_573 : vector<16xf32>
          %parallel_loop3A_577 = arith.mulf %parallel_loop3A_559, %parallel_loop3A_576 : vector<16xf32>
          %parallel_loop3A_578 = arith.constant 0.999235451 : f32
          %parallel_loop3A_579 = vector.broadcast %parallel_loop3A_578 : f32 to vector<16xf32>
          %parallel_loop3A_580 = arith.addf %parallel_loop3A_579, %parallel_loop3A_577 : vector<16xf32>
          %parallel_loop3A_581 = arith.mulf %parallel_loop3A_559, %parallel_loop3A_580 : vector<16xf32>
          %parallel_loop3A_582 = arith.constant 9.9750323E-6 : f32
          %parallel_loop3A_583 = vector.broadcast %parallel_loop3A_582 : f32 to vector<16xf32>
          %parallel_loop3A_584 = arith.addf %parallel_loop3A_583, %parallel_loop3A_581 : vector<16xf32>
          %parallel_loop3A_585 = arith.addf %parallel_loop3A_562, %parallel_loop3A_584 : vector<16xf32>
          %parallel_loop3A_586 = arith.mulf %parallel_loop3A_522, %parallel_loop3A_585 : vector<16xf32>
          %parallel_loop3A_587 = arith.index_cast %parallel_loop3A_129 : i32 to index
          %parallel_loop3A_588 = arith.constant 32 : index
          %parallel_loop3A_589 = tpu.vector_load %arg17[%parallel_loop3A_587, %parallel_loop3A_588] {strides = array<i32>} : memref<80x128xf32, #tpu.memory_space<vmem>>, vector<1x16xf32>,
          %parallel_loop3A_590 = vector.shape_cast %parallel_loop3A_589 : vector<1x16xf32> to vector<16xf32>
          %parallel_loop3A_591 = vector.shape_cast %parallel_loop3A_586 : vector<16xf32> to vector<1x16xf32>
          tpu.vector_store %arg17[%parallel_loop3A_587, %parallel_loop3A_588], %parallel_loop3A_591 {strides = array<i32>} : memref<80x128xf32, #tpu.memory_space<vmem>>, vector<1x16xf32>,
          %parallel_loop3A_592 = arith.index_cast %parallel_loop3A_129 : i32 to index
          %parallel_loop3A_593 = arith.constant 48 : index
          %parallel_loop3A_594 = tpu.vector_load %arg14[%parallel_loop3A_592, %parallel_loop3A_593] {strides = array<i32>} : memref<80x128xf32, #tpu.memory_space<vmem>>, vector<1x16xf32>,
          %parallel_loop3A_595 = vector.shape_cast %parallel_loop3A_594 : vector<1x16xf32> to vector<16xf32>
          %parallel_loop3A_596 = arith.index_cast %parallel_loop3A_129 : i32 to index
          %parallel_loop3A_597 = arith.constant 48 : index
          %parallel_loop3A_598 = tpu.vector_load %arg15[%parallel_loop3A_596, %parallel_loop3A_597] {strides = array<i32>} : memref<80x128xf32, #tpu.memory_space<vmem>>, vector<1x16xf32>,
          %parallel_loop3A_599 = vector.shape_cast %parallel_loop3A_598 : vector<1x16xf32> to vector<16xf32>
          %parallel_loop3A_600 = arith.addf %parallel_loop3A_595, %parallel_loop3A_599 : vector<16xf32>
          %parallel_loop3A_601 = arith.index_cast %parallel_loop3A_129 : i32 to index
          %parallel_loop3A_602 = arith.constant 48 : index
          %parallel_loop3A_603 = tpu.vector_load %arg16[%parallel_loop3A_601, %parallel_loop3A_602] {strides = array<i32>} : memref<80x128xf32, #tpu.memory_space<vmem>>, vector<1x16xf32>,
          %parallel_loop3A_604 = vector.shape_cast %parallel_loop3A_603 : vector<1x16xf32> to vector<16xf32>
          %parallel_loop3A_605 = arith.addf %parallel_loop3A_600, %parallel_loop3A_604 : vector<16xf32>
          %parallel_loop3A_606 = arith.index_cast %parallel_loop3A_129 : i32 to index
          %parallel_loop3A_607 = arith.constant 112 : index
          %parallel_loop3A_608 = tpu.vector_load %arg14[%parallel_loop3A_606, %parallel_loop3A_607] {strides = array<i32>} : memref<80x128xf32, #tpu.memory_space<vmem>>, vector<1x16xf32>,
          %parallel_loop3A_609 = vector.shape_cast %parallel_loop3A_608 : vector<1x16xf32> to vector<16xf32>
          %parallel_loop3A_610 = arith.index_cast %parallel_loop3A_129 : i32 to index
          %parallel_loop3A_611 = arith.constant 112 : index
          %parallel_loop3A_612 = tpu.vector_load %arg15[%parallel_loop3A_610, %parallel_loop3A_611] {strides = array<i32>} : memref<80x128xf32, #tpu.memory_space<vmem>>, vector<1x16xf32>,
          %parallel_loop3A_613 = vector.shape_cast %parallel_loop3A_612 : vector<1x16xf32> to vector<16xf32>
          %parallel_loop3A_614 = arith.addf %parallel_loop3A_609, %parallel_loop3A_613 : vector<16xf32>
          %parallel_loop3A_615 = arith.index_cast %parallel_loop3A_129 : i32 to index
          %parallel_loop3A_616 = arith.constant 112 : index
          %parallel_loop3A_617 = tpu.vector_load %arg16[%parallel_loop3A_615, %parallel_loop3A_616] {strides = array<i32>} : memref<80x128xf32, #tpu.memory_space<vmem>>, vector<1x16xf32>,
          %parallel_loop3A_618 = vector.shape_cast %parallel_loop3A_617 : vector<1x16xf32> to vector<16xf32>
          %parallel_loop3A_619 = arith.addf %parallel_loop3A_614, %parallel_loop3A_618 : vector<16xf32>
          %parallel_loop3A_620 = arith.constant -1.44269502 : f32
          %parallel_loop3A_621 = vector.broadcast %parallel_loop3A_620 : f32 to vector<16xf32>
          %parallel_loop3A_622 = arith.mulf %parallel_loop3A_605, %parallel_loop3A_621 : vector<16xf32>
          %parallel_loop3A_623 = arith.constant 1.260000e+02 : f32
          %parallel_loop3A_624 = vector.broadcast %parallel_loop3A_623 : f32 to vector<16xf32>
          %parallel_loop3A_625 = arith.minimumf %parallel_loop3A_622, %parallel_loop3A_624 : vector<16xf32>
          %parallel_loop3A_626 = arith.constant -1.260000e+02 : f32
          %parallel_loop3A_627 = vector.broadcast %parallel_loop3A_626 : f32 to vector<16xf32>
          %parallel_loop3A_628 = arith.maximumf %parallel_loop3A_625, %parallel_loop3A_627 : vector<16xf32>
          %parallel_loop3A_629 = arith.constant 0x4B400000 : f32
          %parallel_loop3A_630 = vector.broadcast %parallel_loop3A_629 : f32 to vector<16xf32>
          %parallel_loop3A_631 = arith.addf %parallel_loop3A_628, %parallel_loop3A_630 : vector<16xf32>
          %parallel_loop3A_632 = arith.constant 0x4B400000 : f32
          %parallel_loop3A_633 = vector.broadcast %parallel_loop3A_632 : f32 to vector<16xf32>
          %parallel_loop3A_634 = arith.subf %parallel_loop3A_631, %parallel_loop3A_633 : vector<16xf32>
          %parallel_loop3A_635 = arith.subf %parallel_loop3A_628, %parallel_loop3A_634 : vector<16xf32>
          %parallel_loop3A_636 = tpu.bitcast %parallel_loop3A_631 : vector<16xf32> -> vector<16xi32>
          %parallel_loop3A_637 = arith.constant 1262485377 : i32
          %parallel_loop3A_638 = vector.broadcast %parallel_loop3A_637 : i32 to vector<16xi32>
          %parallel_loop3A_639 = arith.subi %parallel_loop3A_636, %parallel_loop3A_638 : vector<16xi32>
          %parallel_loop3A_640 = arith.constant 23 : i32
          %parallel_loop3A_641 = vector.broadcast %parallel_loop3A_640 : i32 to vector<16xi32>
          %parallel_loop3A_642 = arith.shli %parallel_loop3A_639, %parallel_loop3A_641 : vector<16xi32>
          %parallel_loop3A_643 = tpu.bitcast %parallel_loop3A_642 : vector<16xi32> -> vector<16xf32>
          %parallel_loop3A_644 = arith.constant 0.0559220351 : f32
          %parallel_loop3A_645 = vector.broadcast %parallel_loop3A_644 : f32 to vector<16xf32>
          %parallel_loop3A_646 = arith.mulf %parallel_loop3A_635, %parallel_loop3A_645 : vector<16xf32>
          %parallel_loop3A_647 = arith.constant 0.242640078 : f32
          %parallel_loop3A_648 = vector.broadcast %parallel_loop3A_647 : f32 to vector<16xf32>
          %parallel_loop3A_649 = arith.addf %parallel_loop3A_648, %parallel_loop3A_646 : vector<16xf32>
          %parallel_loop3A_650 = arith.mulf %parallel_loop3A_635, %parallel_loop3A_649 : vector<16xf32>
          %parallel_loop3A_651 = arith.constant 6.931210e-01 : f32
          %parallel_loop3A_652 = vector.broadcast %parallel_loop3A_651 : f32 to vector<16xf32>
          %parallel_loop3A_653 = arith.addf %parallel_loop3A_652, %parallel_loop3A_650 : vector<16xf32>
          %parallel_loop3A_654 = arith.mulf %parallel_loop3A_635, %parallel_loop3A_653 : vector<16xf32>
          %parallel_loop3A_655 = arith.constant 0.99992448 : f32
          %parallel_loop3A_656 = vector.broadcast %parallel_loop3A_655 : f32 to vector<16xf32>
          %parallel_loop3A_657 = arith.addf %parallel_loop3A_656, %parallel_loop3A_654 : vector<16xf32>
          %parallel_loop3A_658 = arith.mulf %parallel_loop3A_643, %parallel_loop3A_657 : vector<16xf32>
          %parallel_loop3A_659 = arith.constant 1.000000e+00 : f32
          %parallel_loop3A_660 = vector.broadcast %parallel_loop3A_659 : f32 to vector<16xf32>
          %parallel_loop3A_661 = arith.addf %parallel_loop3A_660, %parallel_loop3A_658 : vector<16xf32>
          %parallel_loop3A_662 = tpu.bitcast %parallel_loop3A_661 : vector<16xf32> -> vector<16xi32>
          %parallel_loop3A_663 = arith.constant 2129859011 : i32
          %parallel_loop3A_664 = vector.broadcast %parallel_loop3A_663 : i32 to vector<16xi32>
          %parallel_loop3A_665 = arith.subi %parallel_loop3A_664, %parallel_loop3A_662 : vector<16xi32>
          %parallel_loop3A_666 = tpu.bitcast %parallel_loop3A_665 : vector<16xi32> -> vector<16xf32>
          %parallel_loop3A_667 = arith.mulf %parallel_loop3A_661, %parallel_loop3A_666 : vector<16xf32>
          %parallel_loop3A_668 = arith.constant 2.000000e+00 : f32
          %parallel_loop3A_669 = vector.broadcast %parallel_loop3A_668 : f32 to vector<16xf32>
          %parallel_loop3A_670 = arith.subf %parallel_loop3A_669, %parallel_loop3A_667 : vector<16xf32>
          %parallel_loop3A_671 = arith.mulf %parallel_loop3A_666, %parallel_loop3A_670 : vector<16xf32>
          %parallel_loop3A_672 = arith.mulf %parallel_loop3A_661, %parallel_loop3A_671 : vector<16xf32>
          %parallel_loop3A_673 = arith.constant 2.000000e+00 : f32
          %parallel_loop3A_674 = vector.broadcast %parallel_loop3A_673 : f32 to vector<16xf32>
          %parallel_loop3A_675 = arith.subf %parallel_loop3A_674, %parallel_loop3A_672 : vector<16xf32>
          %parallel_loop3A_676 = arith.mulf %parallel_loop3A_671, %parallel_loop3A_675 : vector<16xf32>
          %parallel_loop3A_677 = math.absf %parallel_loop3A_619 : vector<16xf32>
          %parallel_loop3A_678 = arith.constant -1.44269502 : f32
          %parallel_loop3A_679 = vector.broadcast %parallel_loop3A_678 : f32 to vector<16xf32>
          %parallel_loop3A_680 = arith.mulf %parallel_loop3A_677, %parallel_loop3A_679 : vector<16xf32>
          %parallel_loop3A_681 = arith.constant -1.260000e+02 : f32
          %parallel_loop3A_682 = vector.broadcast %parallel_loop3A_681 : f32 to vector<16xf32>
          %parallel_loop3A_683 = arith.maximumf %parallel_loop3A_680, %parallel_loop3A_682 : vector<16xf32>
          %parallel_loop3A_684 = arith.constant 0x4B400000 : f32
          %parallel_loop3A_685 = vector.broadcast %parallel_loop3A_684 : f32 to vector<16xf32>
          %parallel_loop3A_686 = arith.addf %parallel_loop3A_683, %parallel_loop3A_685 : vector<16xf32>
          %parallel_loop3A_687 = arith.constant 0x4B400000 : f32
          %parallel_loop3A_688 = vector.broadcast %parallel_loop3A_687 : f32 to vector<16xf32>
          %parallel_loop3A_689 = arith.subf %parallel_loop3A_686, %parallel_loop3A_688 : vector<16xf32>
          %parallel_loop3A_690 = arith.subf %parallel_loop3A_683, %parallel_loop3A_689 : vector<16xf32>
          %parallel_loop3A_691 = tpu.bitcast %parallel_loop3A_686 : vector<16xf32> -> vector<16xi32>
          %parallel_loop3A_692 = arith.constant 1262485377 : i32
          %parallel_loop3A_693 = vector.broadcast %parallel_loop3A_692 : i32 to vector<16xi32>
          %parallel_loop3A_694 = arith.subi %parallel_loop3A_691, %parallel_loop3A_693 : vector<16xi32>
          %parallel_loop3A_695 = arith.constant 23 : i32
          %parallel_loop3A_696 = vector.broadcast %parallel_loop3A_695 : i32 to vector<16xi32>
          %parallel_loop3A_697 = arith.shli %parallel_loop3A_694, %parallel_loop3A_696 : vector<16xi32>
          %parallel_loop3A_698 = tpu.bitcast %parallel_loop3A_697 : vector<16xi32> -> vector<16xf32>
          %parallel_loop3A_699 = arith.constant 0.0559220351 : f32
          %parallel_loop3A_700 = vector.broadcast %parallel_loop3A_699 : f32 to vector<16xf32>
          %parallel_loop3A_701 = arith.mulf %parallel_loop3A_690, %parallel_loop3A_700 : vector<16xf32>
          %parallel_loop3A_702 = arith.constant 0.242640078 : f32
          %parallel_loop3A_703 = vector.broadcast %parallel_loop3A_702 : f32 to vector<16xf32>
          %parallel_loop3A_704 = arith.addf %parallel_loop3A_703, %parallel_loop3A_701 : vector<16xf32>
          %parallel_loop3A_705 = arith.mulf %parallel_loop3A_690, %parallel_loop3A_704 : vector<16xf32>
          %parallel_loop3A_706 = arith.constant 6.931210e-01 : f32
          %parallel_loop3A_707 = vector.broadcast %parallel_loop3A_706 : f32 to vector<16xf32>
          %parallel_loop3A_708 = arith.addf %parallel_loop3A_707, %parallel_loop3A_705 : vector<16xf32>
          %parallel_loop3A_709 = arith.mulf %parallel_loop3A_690, %parallel_loop3A_708 : vector<16xf32>
          %parallel_loop3A_710 = arith.constant 0.99992448 : f32
          %parallel_loop3A_711 = vector.broadcast %parallel_loop3A_710 : f32 to vector<16xf32>
          %parallel_loop3A_712 = arith.addf %parallel_loop3A_711, %parallel_loop3A_709 : vector<16xf32>
          %parallel_loop3A_713 = arith.mulf %parallel_loop3A_698, %parallel_loop3A_712 : vector<16xf32>
          %parallel_loop3A_714 = arith.constant 0.000000e+00 : f32
          %parallel_loop3A_715 = vector.broadcast %parallel_loop3A_714 : f32 to vector<16xf32>
          %parallel_loop3A_716 = arith.maximumf %parallel_loop3A_619, %parallel_loop3A_715 : vector<16xf32>
          %parallel_loop3A_717 = arith.constant 0.0304490048 : f32
          %parallel_loop3A_718 = vector.broadcast %parallel_loop3A_717 : f32 to vector<16xf32>
          %parallel_loop3A_719 = arith.mulf %parallel_loop3A_713, %parallel_loop3A_718 : vector<16xf32>
          %parallel_loop3A_720 = arith.constant -0.131581828 : f32
          %parallel_loop3A_721 = vector.broadcast %parallel_loop3A_720 : f32 to vector<16xf32>
          %parallel_loop3A_722 = arith.addf %parallel_loop3A_721, %parallel_loop3A_719 : vector<16xf32>
          %parallel_loop3A_723 = arith.mulf %parallel_loop3A_713, %parallel_loop3A_722 : vector<16xf32>
          %parallel_loop3A_724 = arith.constant 0.285272688 : f32
          %parallel_loop3A_725 = vector.broadcast %parallel_loop3A_724 : f32 to vector<16xf32>
          %parallel_loop3A_726 = arith.addf %parallel_loop3A_725, %parallel_loop3A_723 : vector<16xf32>
          %parallel_loop3A_727 = arith.mulf %parallel_loop3A_713, %parallel_loop3A_726 : vector<16xf32>
          %parallel_loop3A_728 = arith.constant -0.490230709 : f32
          %parallel_loop3A_729 = vector.broadcast %parallel_loop3A_728 : f32 to vector<16xf32>
          %parallel_loop3A_730 = arith.addf %parallel_loop3A_729, %parallel_loop3A_727 : vector<16xf32>
          %parallel_loop3A_731 = arith.mulf %parallel_loop3A_713, %parallel_loop3A_730 : vector<16xf32>
          %parallel_loop3A_732 = arith.constant 0.999235451 : f32
          %parallel_loop3A_733 = vector.broadcast %parallel_loop3A_732 : f32 to vector<16xf32>
          %parallel_loop3A_734 = arith.addf %parallel_loop3A_733, %parallel_loop3A_731 : vector<16xf32>
          %parallel_loop3A_735 = arith.mulf %parallel_loop3A_713, %parallel_loop3A_734 : vector<16xf32>
          %parallel_loop3A_736 = arith.constant 9.9750323E-6 : f32
          %parallel_loop3A_737 = vector.broadcast %parallel_loop3A_736 : f32 to vector<16xf32>
          %parallel_loop3A_738 = arith.addf %parallel_loop3A_737, %parallel_loop3A_735 : vector<16xf32>
          %parallel_loop3A_739 = arith.addf %parallel_loop3A_716, %parallel_loop3A_738 : vector<16xf32>
          %parallel_loop3A_740 = arith.mulf %parallel_loop3A_676, %parallel_loop3A_739 : vector<16xf32>
          %parallel_loop3A_741 = arith.index_cast %parallel_loop3A_129 : i32 to index
          %parallel_loop3A_742 = arith.constant 48 : index
          %parallel_loop3A_743 = tpu.vector_load %arg17[%parallel_loop3A_741, %parallel_loop3A_742] {strides = array<i32>} : memref<80x128xf32, #tpu.memory_space<vmem>>, vector<1x16xf32>,
          %parallel_loop3A_744 = vector.shape_cast %parallel_loop3A_743 : vector<1x16xf32> to vector<16xf32>
          %parallel_loop3A_745 = vector.shape_cast %parallel_loop3A_740 : vector<16xf32> to vector<1x16xf32>
          tpu.vector_store %arg17[%parallel_loop3A_741, %parallel_loop3A_742], %parallel_loop3A_745 {strides = array<i32>} : memref<80x128xf32, #tpu.memory_space<vmem>>, vector<1x16xf32>,
        } {sc.loop_unroll_factor = 8 : i64, sc.parallel_access}
        "tpu.region"() ({
          %run_scoped3A = tpu.sem_alloc : memref<!tpu.dma_semaphore, #tpu.memory_space<semaphore_mem>>
          %dma_start3A_129 = arith.constant 0 : i32
          %dma_start3A_130 = arith.constant 0 : i32
          %dma_start3A_131 = tpu.memref_slice %arg18[%dma_start3A_129, %dma_start3A_130] : memref<10000x128xf32, #tpu.memory_space<vmem_shared>> -> memref<10000x128xf32, #tpu.memory_space<vmem_shared>>
          tpu.enqueue_indirect_dma source(%arg17 : memref<80x128xf32, #tpu.memory_space<vmem>>) target(%dma_start3A_131 : memref<10000x128xf32, #tpu.memory_space<vmem_shared>>) offsets(%arg13 : memref<80xi32, #tpu.memory_space<vmem>>) semaphore(%run_scoped3A : memref<!tpu.dma_semaphore, #tpu.memory_space<semaphore_mem>>) {add = true}
          %dma_wait3A_132 = arith.constant 0 : i32
          %dma_wait3A_133 = arith.constant 0 : i32
          %dma_wait3A_134 = tpu.memref_slice %arg18[%dma_wait3A_132, %dma_wait3A_133] : memref<10000x128xf32, #tpu.memory_space<vmem_shared>> -> memref<10000x128xf32, #tpu.memory_space<vmem_shared>>
          tpu.wait_indirect_dma semaphore(%run_scoped3A : memref<!tpu.dma_semaphore, #tpu.memory_space<semaphore_mem>>) src(%arg17 : memref<80x128xf32, #tpu.memory_space<vmem>>) dst(%dma_wait3A_134 : memref<10000x128xf32, #tpu.memory_space<vmem_shared>>)
          tpu.yield
        }) : () -> ()
      }
      %scan3A_43 = arith.constant 25 : i32
    }
    %scan3A_23 = arith.constant 10 : i32
    %barrier3A_24 = arith.constant 0 : index
    tpu.barrier barrier_id(%barrier3A_24)
    %add3A_25 = arith.addi %mul3A_0, %mul3A_6 : i32
    "tpu.region"() ({
      %run_scoped3A = tpu.sem_alloc : memref<!tpu.dma_semaphore, #tpu.memory_space<semaphore_mem>>
      %dma_start3A = arith.constant 0 : i32
      %dma_start3A_31 = tpu.memref_slice %arg9[%add3A_25, %dma_start3A] : memref<20000x128xf32, #tpu.memory_space<hbm>> -> memref<624x128xf32, #tpu.memory_space<hbm>>
      %dma_start3A_32 = arith.constant 0 : i32
      %dma_start3A_33 = tpu.memref_slice %arg18[%mul3A_6, %dma_start3A_32] : memref<10000x128xf32, #tpu.memory_space<vmem_shared>> -> memref<624x128xf32, #tpu.memory_space<vmem_shared>>
      tpu.enqueue_dma source(%dma_start3A_33 : memref<624x128xf32, #tpu.memory_space<vmem_shared>>) target(%dma_start3A_31 : memref<624x128xf32, #tpu.memory_space<hbm>>) target_semaphore(%run_scoped3A : memref<!tpu.dma_semaphore, #tpu.memory_space<semaphore_mem>>)
      %dma_wait3A = arith.constant 0 : i32
      %dma_wait3A_34 = tpu.memref_slice %arg9[%add3A_25, %dma_wait3A] : memref<20000x128xf32, #tpu.memory_space<hbm>> -> memref<624x128xf32, #tpu.memory_space<hbm>>
      %dma_wait3A_35 = arith.constant 0 : i32
      %dma_wait3A_36 = tpu.memref_slice %arg18[%mul3A_6, %dma_wait3A_35] : memref<10000x128xf32, #tpu.memory_space<vmem_shared>> -> memref<624x128xf32, #tpu.memory_space<vmem_shared>>
      tpu.wait_dma2 semaphore(%run_scoped3A : memref<!tpu.dma_semaphore, #tpu.memory_space<semaphore_mem>>) src(%dma_wait3A_36 : memref<624x128xf32, #tpu.memory_space<vmem_shared>>) dst(%dma_wait3A_34 : memref<624x128xf32, #tpu.memory_space<hbm>>)
      tpu.yield
    }) : () -> ()
    %lt3A_26 = arith.constant 2 : i32
    %lt3A_27 = arith.cmpi slt, %arg1, %lt3A_26 : i32
    %convert_element_type3A_28 = arith.extui %lt3A_27 : i1 to i32
    %cond3A_29 = arith.constant 0 : i32
    %cond3A_30 = arith.cmpi ne, %convert_element_type3A_28, %cond3A_29 : i32
    scf.if %cond3A_30 {
      %add3A_31 = arith.addi %mul3A_0, %add3A_10 : i32
      "tpu.region"() ({
        %run_scoped3A = tpu.sem_alloc : memref<!tpu.dma_semaphore, #tpu.memory_space<semaphore_mem>>
        %dma_start3A = arith.constant 0 : i32
        %dma_start3A_32 = tpu.memref_slice %arg9[%add3A_31, %dma_start3A] : memref<20000x128xf32, #tpu.memory_space<hbm>> -> memref<8x128xf32, #tpu.memory_space<hbm>>
        %dma_start3A_33 = arith.constant 0 : i32
        %dma_start3A_34 = tpu.memref_slice %arg18[%add3A_10, %dma_start3A_33] : memref<10000x128xf32, #tpu.memory_space<vmem_shared>> -> memref<8x128xf32, #tpu.memory_space<vmem_shared>>
        tpu.enqueue_dma source(%dma_start3A_34 : memref<8x128xf32, #tpu.memory_space<vmem_shared>>) target(%dma_start3A_32 : memref<8x128xf32, #tpu.memory_space<hbm>>) target_semaphore(%run_scoped3A : memref<!tpu.dma_semaphore, #tpu.memory_space<semaphore_mem>>)
        %dma_wait3A = arith.constant 0 : i32
        %dma_wait3A_35 = tpu.memref_slice %arg9[%add3A_31, %dma_wait3A] : memref<20000x128xf32, #tpu.memory_space<hbm>> -> memref<8x128xf32, #tpu.memory_space<hbm>>
        %dma_wait3A_36 = arith.constant 0 : i32
        %dma_wait3A_37 = tpu.memref_slice %arg18[%add3A_10, %dma_wait3A_36] : memref<10000x128xf32, #tpu.memory_space<vmem_shared>> -> memref<8x128xf32, #tpu.memory_space<vmem_shared>>
        tpu.wait_dma2 semaphore(%run_scoped3A : memref<!tpu.dma_semaphore, #tpu.memory_space<semaphore_mem>>) src(%dma_wait3A_37 : memref<8x128xf32, #tpu.memory_space<vmem_shared>>) dst(%dma_wait3A_35 : memref<8x128xf32, #tpu.memory_space<hbm>>)
        tpu.yield
      }) : () -> ()
    } else {
    }
    return
  }
}

#map = affine_map<(d0, d1) -> (0, 0)>
#map1 = affine_map<(d0, d1) -> (0)>
module attributes {stable_mosaic.version = 14 : i64} {
  func.func @_sc_edge_body(%arg0: i32, %arg1: i32, %arg2: memref<20000x128xf32, #tpu.memory_space<hbm>>, %arg3: memref<20000x128xf32, #tpu.memory_space<hbm>>, %arg4: memref<640000x128xf32, #tpu.memory_space<hbm>>, %arg5: memref<640000xi32, #tpu.memory_space<hbm>>, %arg6: memref<640000xi32, #tpu.memory_space<hbm>>, %arg7: memref<320000xi32, #tpu.memory_space<hbm>>, %arg8: memref<10000x128xf32, #tpu.memory_space<hbm>>, %arg9: memref<20000x128xf32, #tpu.memory_space<hbm>>, %arg10: memref<2000xi32, #tpu.memory_space<vmem>>, %arg11: memref<2000xi32, #tpu.memory_space<vmem>>, %arg12: memref<2000xi32, #tpu.memory_space<vmem>>, %arg13: memref<80xi32, #tpu.memory_space<vmem>>, %arg14: memref<80x128xf32, #tpu.memory_space<vmem>>, %arg15: memref<80x128xf32, #tpu.memory_space<vmem>>, %arg16: memref<80x128xf32, #tpu.memory_space<vmem>>, %arg17: memref<80x128xf32, #tpu.memory_space<vmem>>, %arg18: memref<10000x128xf32, #tpu.memory_space<vmem_shared>>, %arg19: memref<!tpu.dma_semaphore, #tpu.memory_space<semaphore_mem>>) attributes {dimension_semantics = [#tpu.dimension_semantics<core_parallel>, #tpu.dimension_semantics<subcore_parallel>], iteration_bounds = array<i64: 2, 16>, scalar_prefetch = 0 : i64, scratch_operands = 10 : i64, tpu.core_type = #tpu.core_type<sc_vector_subcore>, window_params = [{transform_indices = #map}, {transform_indices = #map}, {transform_indices = #map}, {transform_indices = #map1}, {transform_indices = #map1}, {transform_indices = #map1}, {transform_indices = #map}, {transform_indices = #map}]} {
    %mul3A = arith.constant 10000 : i32
    %mul3A_0 = arith.muli %arg0, %mul3A : i32
    %mul3A_1 = arith.constant 20000 : i32
    %mul3A_2 = arith.muli %arg1, %mul3A_1 : i32
    %mul3A_3 = arith.constant 320000 : i32
    %mul3A_4 = arith.muli %arg0, %mul3A_3 : i32
    %add3A = arith.addi %mul3A_4, %mul3A_2 : i32
    %mul3A_5 = arith.constant 624 : i32
    %mul3A_6 = arith.muli %arg1, %mul3A_5 : i32
    %mul3A_7 = arith.constant 8 : i32
    %mul3A_8 = arith.muli %arg1, %mul3A_7 : i32
    %add3A_9 = arith.constant 9984 : i32
    %add3A_10 = arith.addi %add3A_9, %mul3A_8 : i32
    "tpu.region"() ({
      %run_scoped3A = tpu.sem_alloc : memref<!tpu.dma_semaphore, #tpu.memory_space<semaphore_mem>>
      %dma_start3A = arith.constant 0 : i32
      %dma_start3A_31 = tpu.memref_slice %arg18[%mul3A_6, %dma_start3A] : memref<10000x128xf32, #tpu.memory_space<vmem_shared>> -> memref<624x128xf32, #tpu.memory_space<vmem_shared>>
      %dma_start3A_32 = arith.constant 0 : i32
      %dma_start3A_33 = tpu.memref_slice %arg8[%mul3A_6, %dma_start3A_32] : memref<10000x128xf32, #tpu.memory_space<hbm>> -> memref<624x128xf32, #tpu.memory_space<hbm>>
      tpu.enqueue_dma source(%dma_start3A_33 : memref<624x128xf32, #tpu.memory_space<hbm>>) target(%dma_start3A_31 : memref<624x128xf32, #tpu.memory_space<vmem_shared>>) target_semaphore(%run_scoped3A : memref<!tpu.dma_semaphore, #tpu.memory_space<semaphore_mem>>)
      %dma_wait3A = arith.constant 0 : i32
      %dma_wait3A_34 = tpu.memref_slice %arg18[%mul3A_6, %dma_wait3A] : memref<10000x128xf32, #tpu.memory_space<vmem_shared>> -> memref<624x128xf32, #tpu.memory_space<vmem_shared>>
      %dma_wait3A_35 = arith.constant 0 : i32
      %dma_wait3A_36 = tpu.memref_slice %arg8[%mul3A_6, %dma_wait3A_35] : memref<10000x128xf32, #tpu.memory_space<hbm>> -> memref<624x128xf32, #tpu.memory_space<hbm>>
      tpu.wait_dma2 semaphore(%run_scoped3A : memref<!tpu.dma_semaphore, #tpu.memory_space<semaphore_mem>>) src(%dma_wait3A_36 : memref<624x128xf32, #tpu.memory_space<hbm>>) dst(%dma_wait3A_34 : memref<624x128xf32, #tpu.memory_space<vmem_shared>>)
      tpu.yield
    }) : () -> ()
    %lt3A = arith.constant 2 : i32
    %lt3A_11 = arith.cmpi slt, %arg1, %lt3A : i32
    %convert_element_type3A = arith.extui %lt3A_11 : i1 to i32
    %cond3A = arith.constant 0 : i32
    %cond3A_12 = arith.cmpi ne, %convert_element_type3A, %cond3A : i32
    scf.if %cond3A_12 {
      "tpu.region"() ({
        %run_scoped3A = tpu.sem_alloc : memref<!tpu.dma_semaphore, #tpu.memory_space<semaphore_mem>>
        %dma_start3A = arith.constant 0 : i32
        %dma_start3A_31 = tpu.memref_slice %arg18[%add3A_10, %dma_start3A] : memref<10000x128xf32, #tpu.memory_space<vmem_shared>> -> memref<8x128xf32, #tpu.memory_space<vmem_shared>>
        %dma_start3A_32 = arith.constant 0 : i32
        %dma_start3A_33 = tpu.memref_slice %arg8[%add3A_10, %dma_start3A_32] : memref<10000x128xf32, #tpu.memory_space<hbm>> -> memref<8x128xf32, #tpu.memory_space<hbm>>
        tpu.enqueue_dma source(%dma_start3A_33 : memref<8x128xf32, #tpu.memory_space<hbm>>) target(%dma_start3A_31 : memref<8x128xf32, #tpu.memory_space<vmem_shared>>) target_semaphore(%run_scoped3A : memref<!tpu.dma_semaphore, #tpu.memory_space<semaphore_mem>>)
        %dma_wait3A = arith.constant 0 : i32
        %dma_wait3A_34 = tpu.memref_slice %arg18[%add3A_10, %dma_wait3A] : memref<10000x128xf32, #tpu.memory_space<vmem_shared>> -> memref<8x128xf32, #tpu.memory_space<vmem_shared>>
        %dma_wait3A_35 = arith.constant 0 : i32
        %dma_wait3A_36 = tpu.memref_slice %arg8[%add3A_10, %dma_wait3A_35] : memref<10000x128xf32, #tpu.memory_space<hbm>> -> memref<8x128xf32, #tpu.memory_space<hbm>>
        tpu.wait_dma2 semaphore(%run_scoped3A : memref<!tpu.dma_semaphore, #tpu.memory_space<semaphore_mem>>) src(%dma_wait3A_36 : memref<8x128xf32, #tpu.memory_space<hbm>>) dst(%dma_wait3A_34 : memref<8x128xf32, #tpu.memory_space<vmem_shared>>)
        tpu.yield
      }) : () -> ()
    } else {
    }
    %scan3A = arith.constant 0 : i32
    %scan3A_13 = arith.constant 0 : i32
    %scan3A_14 = arith.constant 80 : i32
    %scan3A_15 = arith.addi %scan3A_13, %scan3A_14 : i32
    %scan3A_16 = arith.constant 1 : i32
    scf.for %scan3A_31 = %scan3A_13 to %scan3A_15 step %scan3A_16  : i32 {
      %broadcast_in_dim3A = arith.constant 0.000000e+00 : f32
      %broadcast_in_dim3A_32 = vector.broadcast %broadcast_in_dim3A : f32 to vector<16xf32>
      %swap3A = arith.index_cast %scan3A_31 : i32 to index
      %swap3A_33 = arith.constant 64 : index
      %swap3A_34 = tpu.vector_load %arg17[%swap3A, %swap3A_33] {strides = array<i32>} : memref<80x128xf32, #tpu.memory_space<vmem>>, vector<1x16xf32>,
      %swap3A_35 = vector.shape_cast %swap3A_34 : vector<1x16xf32> to vector<16xf32>
      %swap3A_36 = vector.shape_cast %broadcast_in_dim3A_32 : vector<16xf32> to vector<1x16xf32>
      tpu.vector_store %arg17[%swap3A, %swap3A_33], %swap3A_36 {strides = array<i32>} : memref<80x128xf32, #tpu.memory_space<vmem>>, vector<1x16xf32>,
      %broadcast_in_dim3A_37 = arith.constant 0.000000e+00 : f32
      %broadcast_in_dim3A_38 = vector.broadcast %broadcast_in_dim3A_37 : f32 to vector<16xf32>
      %swap3A_39 = arith.index_cast %scan3A_31 : i32 to index
      %swap3A_40 = arith.constant 80 : index
      %swap3A_41 = tpu.vector_load %arg17[%swap3A_39, %swap3A_40] {strides = array<i32>} : memref<80x128xf32, #tpu.memory_space<vmem>>, vector<1x16xf32>,
      %swap3A_42 = vector.shape_cast %swap3A_41 : vector<1x16xf32> to vector<16xf32>
      %swap3A_43 = vector.shape_cast %broadcast_in_dim3A_38 : vector<16xf32> to vector<1x16xf32>
      tpu.vector_store %arg17[%swap3A_39, %swap3A_40], %swap3A_43 {strides = array<i32>} : memref<80x128xf32, #tpu.memory_space<vmem>>, vector<1x16xf32>,
      %broadcast_in_dim3A_44 = arith.constant 0.000000e+00 : f32
      %broadcast_in_dim3A_45 = vector.broadcast %broadcast_in_dim3A_44 : f32 to vector<16xf32>
      %swap3A_46 = arith.index_cast %scan3A_31 : i32 to index
      %swap3A_47 = arith.constant 96 : index
      %swap3A_48 = tpu.vector_load %arg17[%swap3A_46, %swap3A_47] {strides = array<i32>} : memref<80x128xf32, #tpu.memory_space<vmem>>, vector<1x16xf32>,
      %swap3A_49 = vector.shape_cast %swap3A_48 : vector<1x16xf32> to vector<16xf32>
      %swap3A_50 = vector.shape_cast %broadcast_in_dim3A_45 : vector<16xf32> to vector<1x16xf32>
      tpu.vector_store %arg17[%swap3A_46, %swap3A_47], %swap3A_50 {strides = array<i32>} : memref<80x128xf32, #tpu.memory_space<vmem>>, vector<1x16xf32>,
      %broadcast_in_dim3A_51 = arith.constant 0.000000e+00 : f32
      %broadcast_in_dim3A_52 = vector.broadcast %broadcast_in_dim3A_51 : f32 to vector<16xf32>
      %swap3A_53 = arith.index_cast %scan3A_31 : i32 to index
      %swap3A_54 = arith.constant 112 : index
      %swap3A_55 = tpu.vector_load %arg17[%swap3A_53, %swap3A_54] {strides = array<i32>} : memref<80x128xf32, #tpu.memory_space<vmem>>, vector<1x16xf32>,
      %swap3A_56 = vector.shape_cast %swap3A_55 : vector<1x16xf32> to vector<16xf32>
      %swap3A_57 = vector.shape_cast %broadcast_in_dim3A_52 : vector<16xf32> to vector<1x16xf32>
      tpu.vector_store %arg17[%swap3A_53, %swap3A_54], %swap3A_57 {strides = array<i32>} : memref<80x128xf32, #tpu.memory_space<vmem>>, vector<1x16xf32>,
    }
    %scan3A_17 = arith.constant 80 : i32
    %barrier3A = arith.constant 0 : index
    tpu.barrier barrier_id(%barrier3A)
    %scan3A_18 = arith.constant 0 : i32
    %scan3A_19 = arith.constant 0 : i32
    %scan3A_20 = arith.constant 10 : i32
    %scan3A_21 = arith.addi %scan3A_19, %scan3A_20 : i32
    %scan3A_22 = arith.constant 1 : i32
    scf.for %scan3A_31 = %scan3A_19 to %scan3A_21 step %scan3A_22  : i32 {
      %mul3A_32 = arith.constant 2000 : i32
      %mul3A_33 = arith.muli %scan3A_31, %mul3A_32 : i32
      %add3A_34 = arith.addi %mul3A_2, %mul3A_33 : i32
      %mul3A_35 = arith.constant 2000 : i32
      %mul3A_36 = arith.muli %scan3A_31, %mul3A_35 : i32
      %add3A_37 = arith.addi %add3A, %mul3A_36 : i32
      "tpu.region"() ({
        %run_scoped3A = tpu.sem_alloc : memref<!tpu.dma_semaphore, #tpu.memory_space<semaphore_mem>>
        %dma_start3A = tpu.memref_slice %arg7[%add3A_34] : memref<320000xi32, #tpu.memory_space<hbm>> -> memref<2000xi32, #tpu.memory_space<hbm>>
        %dma_start3A_44 = tpu.memref_slice %arg7[%add3A_34] : memref<320000xi32, #tpu.memory_space<hbm>> -> memref<2000xi32, #tpu.memory_space<hbm>>
        tpu.enqueue_dma source(%dma_start3A_44 : memref<2000xi32, #tpu.memory_space<hbm>>) target(%arg10 : memref<2000xi32, #tpu.memory_space<vmem>>) target_semaphore(%run_scoped3A : memref<!tpu.dma_semaphore, #tpu.memory_space<semaphore_mem>>)
        %dma_wait3A = tpu.memref_slice %arg7[%add3A_34] : memref<320000xi32, #tpu.memory_space<hbm>> -> memref<2000xi32, #tpu.memory_space<hbm>>
        %dma_wait3A_45 = tpu.memref_slice %arg7[%add3A_34] : memref<320000xi32, #tpu.memory_space<hbm>> -> memref<2000xi32, #tpu.memory_space<hbm>>
        tpu.wait_dma2 semaphore(%run_scoped3A : memref<!tpu.dma_semaphore, #tpu.memory_space<semaphore_mem>>) src(%dma_wait3A_45 : memref<2000xi32, #tpu.memory_space<hbm>>) dst(%arg10 : memref<2000xi32, #tpu.memory_space<vmem>>)
        tpu.yield
      }) : () -> ()
      "tpu.region"() ({
        %run_scoped3A = tpu.sem_alloc : memref<!tpu.dma_semaphore, #tpu.memory_space<semaphore_mem>>
        %dma_start3A = tpu.memref_slice %arg5[%add3A_37] : memref<640000xi32, #tpu.memory_space<hbm>> -> memref<2000xi32, #tpu.memory_space<hbm>>
        %dma_start3A_44 = tpu.memref_slice %arg5[%add3A_37] : memref<640000xi32, #tpu.memory_space<hbm>> -> memref<2000xi32, #tpu.memory_space<hbm>>
        tpu.enqueue_dma source(%dma_start3A_44 : memref<2000xi32, #tpu.memory_space<hbm>>) target(%arg11 : memref<2000xi32, #tpu.memory_space<vmem>>) target_semaphore(%run_scoped3A : memref<!tpu.dma_semaphore, #tpu.memory_space<semaphore_mem>>)
        %dma_wait3A = tpu.memref_slice %arg5[%add3A_37] : memref<640000xi32, #tpu.memory_space<hbm>> -> memref<2000xi32, #tpu.memory_space<hbm>>
        %dma_wait3A_45 = tpu.memref_slice %arg5[%add3A_37] : memref<640000xi32, #tpu.memory_space<hbm>> -> memref<2000xi32, #tpu.memory_space<hbm>>
        tpu.wait_dma2 semaphore(%run_scoped3A : memref<!tpu.dma_semaphore, #tpu.memory_space<semaphore_mem>>) src(%dma_wait3A_45 : memref<2000xi32, #tpu.memory_space<hbm>>) dst(%arg11 : memref<2000xi32, #tpu.memory_space<vmem>>)
        tpu.yield
      }) : () -> ()
      "tpu.region"() ({
        %run_scoped3A = tpu.sem_alloc : memref<!tpu.dma_semaphore, #tpu.memory_space<semaphore_mem>>
        %dma_start3A = tpu.memref_slice %arg6[%add3A_37] : memref<640000xi32, #tpu.memory_space<hbm>> -> memref<2000xi32, #tpu.memory_space<hbm>>
        %dma_start3A_44 = tpu.memref_slice %arg6[%add3A_37] : memref<640000xi32, #tpu.memory_space<hbm>> -> memref<2000xi32, #tpu.memory_space<hbm>>
        tpu.enqueue_dma source(%dma_start3A_44 : memref<2000xi32, #tpu.memory_space<hbm>>) target(%arg12 : memref<2000xi32, #tpu.memory_space<vmem>>) target_semaphore(%run_scoped3A : memref<!tpu.dma_semaphore, #tpu.memory_space<semaphore_mem>>)
        %dma_wait3A = tpu.memref_slice %arg6[%add3A_37] : memref<640000xi32, #tpu.memory_space<hbm>> -> memref<2000xi32, #tpu.memory_space<hbm>>
        %dma_wait3A_45 = tpu.memref_slice %arg6[%add3A_37] : memref<640000xi32, #tpu.memory_space<hbm>> -> memref<2000xi32, #tpu.memory_space<hbm>>
        tpu.wait_dma2 semaphore(%run_scoped3A : memref<!tpu.dma_semaphore, #tpu.memory_space<semaphore_mem>>) src(%dma_wait3A_45 : memref<2000xi32, #tpu.memory_space<hbm>>) dst(%arg12 : memref<2000xi32, #tpu.memory_space<vmem>>)
        tpu.yield
      }) : () -> ()
      %scan3A_38 = arith.constant 0 : i32
      %scan3A_39 = arith.constant 0 : i32
      %scan3A_40 = arith.constant 25 : i32
      %scan3A_41 = arith.addi %scan3A_39, %scan3A_40 : i32
      %scan3A_42 = arith.constant 1 : i32
      scf.for %scan3A_44 = %scan3A_39 to %scan3A_41 step %scan3A_42  : i32 {
        %mul3A_45 = arith.constant 80 : i32
        %mul3A_46 = arith.muli %scan3A_44, %mul3A_45 : i32
        %dma_start3A = tpu.memref_slice %arg11[%mul3A_46] : memref<2000xi32, #tpu.memory_space<vmem>> -> memref<80xi32, #tpu.memory_space<vmem>>
        %dma_start3A_47 = arith.constant 0 : i32
        %dma_start3A_48 = arith.constant 0 : i32
        %dma_start3A_49 = tpu.memref_slice %arg2[%dma_start3A_47, %dma_start3A_48] : memref<20000x128xf32, #tpu.memory_space<hbm>> -> memref<20000x128xf32, #tpu.memory_space<hbm>>
        tpu.enqueue_indirect_dma source(%dma_start3A_49 : memref<20000x128xf32, #tpu.memory_space<hbm>>) target(%arg14 : memref<80x128xf32, #tpu.memory_space<vmem>>) offsets(%dma_start3A : memref<80xi32, #tpu.memory_space<vmem>>) semaphore(%arg19 : memref<!tpu.dma_semaphore, #tpu.memory_space<semaphore_mem>>)
        %mul3A_50 = arith.constant 80 : i32
        %mul3A_51 = arith.muli %scan3A_44, %mul3A_50 : i32
        %dma_start3A_52 = tpu.memref_slice %arg12[%mul3A_51] : memref<2000xi32, #tpu.memory_space<vmem>> -> memref<80xi32, #tpu.memory_space<vmem>>
        %dma_start3A_53 = arith.constant 0 : i32
        %dma_start3A_54 = arith.constant 0 : i32
        %dma_start3A_55 = tpu.memref_slice %arg3[%dma_start3A_53, %dma_start3A_54] : memref<20000x128xf32, #tpu.memory_space<hbm>> -> memref<20000x128xf32, #tpu.memory_space<hbm>>
        tpu.enqueue_indirect_dma source(%dma_start3A_55 : memref<20000x128xf32, #tpu.memory_space<hbm>>) target(%arg15 : memref<80x128xf32, #tpu.memory_space<vmem>>) offsets(%dma_start3A_52 : memref<80xi32, #tpu.memory_space<vmem>>) semaphore(%arg19 : memref<!tpu.dma_semaphore, #tpu.memory_space<semaphore_mem>>)
        %mul3A_56 = arith.constant 80 : i32
        %mul3A_57 = arith.muli %scan3A_44, %mul3A_56 : i32
        %add3A_58 = arith.addi %add3A_37, %mul3A_57 : i32
        %dma_start3A_59 = arith.constant 0 : i32
        %dma_start3A_60 = tpu.memref_slice %arg4[%add3A_58, %dma_start3A_59] : memref<640000x128xf32, #tpu.memory_space<hbm>> -> memref<80x128xf32, #tpu.memory_space<hbm>>
        %dma_start3A_61 = arith.constant 0 : i32
        %dma_start3A_62 = tpu.memref_slice %arg4[%add3A_58, %dma_start3A_61] : memref<640000x128xf32, #tpu.memory_space<hbm>> -> memref<80x128xf32, #tpu.memory_space<hbm>>
        tpu.enqueue_dma source(%dma_start3A_62 : memref<80x128xf32, #tpu.memory_space<hbm>>) target(%arg16 : memref<80x128xf32, #tpu.memory_space<vmem>>) target_semaphore(%arg19 : memref<!tpu.dma_semaphore, #tpu.memory_space<semaphore_mem>>)
        %mul3A_63 = arith.constant 80 : i32
        %mul3A_64 = arith.muli %scan3A_44, %mul3A_63 : i32
        %add3A_65 = arith.constant 0 : i32
        %add3A_66 = arith.addi %mul3A_64, %add3A_65 : i32
        %get3A = arith.index_cast %add3A_66 : i32 to index
        %get3A_67 = tpu.vector_load %arg10[%get3A] {strides = array<i32>} : memref<2000xi32, #tpu.memory_space<vmem>>, vector<16xi32>,
        %get3A_68 = vector.shape_cast %get3A_67 : vector<16xi32> to vector<16xi32>
        %swap3A = arith.constant 0 : index
        %swap3A_69 = tpu.vector_load %arg13[%swap3A] {strides = array<i32>} : memref<80xi32, #tpu.memory_space<vmem>>, vector<16xi32>,
        %swap3A_70 = vector.shape_cast %swap3A_69 : vector<16xi32> to vector<16xi32>
        %swap3A_71 = vector.shape_cast %get3A_68 : vector<16xi32> to vector<16xi32>
        tpu.vector_store %arg13[%swap3A], %swap3A_71 {strides = array<i32>} : memref<80xi32, #tpu.memory_space<vmem>>, vector<16xi32>,
        %mul3A_72 = arith.constant 80 : i32
        %mul3A_73 = arith.muli %scan3A_44, %mul3A_72 : i32
        %add3A_74 = arith.constant 16 : i32
        %add3A_75 = arith.addi %mul3A_73, %add3A_74 : i32
        %get3A_76 = arith.index_cast %add3A_75 : i32 to index
        %get3A_77 = tpu.vector_load %arg10[%get3A_76] {strides = array<i32>} : memref<2000xi32, #tpu.memory_space<vmem>>, vector<16xi32>,
        %get3A_78 = vector.shape_cast %get3A_77 : vector<16xi32> to vector<16xi32>
        %swap3A_79 = arith.constant 16 : index
        %swap3A_80 = tpu.vector_load %arg13[%swap3A_79] {strides = array<i32>} : memref<80xi32, #tpu.memory_space<vmem>>, vector<16xi32>,
        %swap3A_81 = vector.shape_cast %swap3A_80 : vector<16xi32> to vector<16xi32>
        %swap3A_82 = vector.shape_cast %get3A_78 : vector<16xi32> to vector<16xi32>
        tpu.vector_store %arg13[%swap3A_79], %swap3A_82 {strides = array<i32>} : memref<80xi32, #tpu.memory_space<vmem>>, vector<16xi32>,
        %mul3A_83 = arith.constant 80 : i32
        %mul3A_84 = arith.muli %scan3A_44, %mul3A_83 : i32
        %add3A_85 = arith.constant 32 : i32
        %add3A_86 = arith.addi %mul3A_84, %add3A_85 : i32
        %get3A_87 = arith.index_cast %add3A_86 : i32 to index
        %get3A_88 = tpu.vector_load %arg10[%get3A_87] {strides = array<i32>} : memref<2000xi32, #tpu.memory_space<vmem>>, vector<16xi32>,
        %get3A_89 = vector.shape_cast %get3A_88 : vector<16xi32> to vector<16xi32>
        %swap3A_90 = arith.constant 32 : index
        %swap3A_91 = tpu.vector_load %arg13[%swap3A_90] {strides = array<i32>} : memref<80xi32, #tpu.memory_space<vmem>>, vector<16xi32>,
        %swap3A_92 = vector.shape_cast %swap3A_91 : vector<16xi32> to vector<16xi32>
        %swap3A_93 = vector.shape_cast %get3A_89 : vector<16xi32> to vector<16xi32>
        tpu.vector_store %arg13[%swap3A_90], %swap3A_93 {strides = array<i32>} : memref<80xi32, #tpu.memory_space<vmem>>, vector<16xi32>,
        %mul3A_94 = arith.constant 80 : i32
        %mul3A_95 = arith.muli %scan3A_44, %mul3A_94 : i32
        %add3A_96 = arith.constant 48 : i32
        %add3A_97 = arith.addi %mul3A_95, %add3A_96 : i32
        %get3A_98 = arith.index_cast %add3A_97 : i32 to index
        %get3A_99 = tpu.vector_load %arg10[%get3A_98] {strides = array<i32>} : memref<2000xi32, #tpu.memory_space<vmem>>, vector<16xi32>,
        %get3A_100 = vector.shape_cast %get3A_99 : vector<16xi32> to vector<16xi32>
        %swap3A_101 = arith.constant 48 : index
        %swap3A_102 = tpu.vector_load %arg13[%swap3A_101] {strides = array<i32>} : memref<80xi32, #tpu.memory_space<vmem>>, vector<16xi32>,
        %swap3A_103 = vector.shape_cast %swap3A_102 : vector<16xi32> to vector<16xi32>
        %swap3A_104 = vector.shape_cast %get3A_100 : vector<16xi32> to vector<16xi32>
        tpu.vector_store %arg13[%swap3A_101], %swap3A_104 {strides = array<i32>} : memref<80xi32, #tpu.memory_space<vmem>>, vector<16xi32>,
        %mul3A_105 = arith.constant 80 : i32
        %mul3A_106 = arith.muli %scan3A_44, %mul3A_105 : i32
        %add3A_107 = arith.constant 64 : i32
        %add3A_108 = arith.addi %mul3A_106, %add3A_107 : i32
        %get3A_109 = arith.index_cast %add3A_108 : i32 to index
        %get3A_110 = tpu.vector_load %arg10[%get3A_109] {strides = array<i32>} : memref<2000xi32, #tpu.memory_space<vmem>>, vector<16xi32>,
        %get3A_111 = vector.shape_cast %get3A_110 : vector<16xi32> to vector<16xi32>
        %swap3A_112 = arith.constant 64 : index
        %swap3A_113 = tpu.vector_load %arg13[%swap3A_112] {strides = array<i32>} : memref<80xi32, #tpu.memory_space<vmem>>, vector<16xi32>,
        %swap3A_114 = vector.shape_cast %swap3A_113 : vector<16xi32> to vector<16xi32>
        %swap3A_115 = vector.shape_cast %get3A_111 : vector<16xi32> to vector<16xi32>
        tpu.vector_store %arg13[%swap3A_112], %swap3A_115 {strides = array<i32>} : memref<80xi32, #tpu.memory_space<vmem>>, vector<16xi32>,
        %dma_wait3A = tpu.memref_slice %arg11[%mul3A_46] : memref<2000xi32, #tpu.memory_space<vmem>> -> memref<80xi32, #tpu.memory_space<vmem>>
        %dma_wait3A_116 = arith.constant 0 : i32
        %dma_wait3A_117 = arith.constant 0 : i32
        %dma_wait3A_118 = tpu.memref_slice %arg2[%dma_wait3A_116, %dma_wait3A_117] : memref<20000x128xf32, #tpu.memory_space<hbm>> -> memref<20000x128xf32, #tpu.memory_space<hbm>>
        tpu.wait_indirect_dma semaphore(%arg19 : memref<!tpu.dma_semaphore, #tpu.memory_space<semaphore_mem>>) src(%dma_wait3A_118 : memref<20000x128xf32, #tpu.memory_space<hbm>>) dst(%arg14 : memref<80x128xf32, #tpu.memory_space<vmem>>)
        %dma_wait3A_119 = tpu.memref_slice %arg12[%mul3A_51] : memref<2000xi32, #tpu.memory_space<vmem>> -> memref<80xi32, #tpu.memory_space<vmem>>
        %dma_wait3A_120 = arith.constant 0 : i32
        %dma_wait3A_121 = arith.constant 0 : i32
        %dma_wait3A_122 = tpu.memref_slice %arg3[%dma_wait3A_120, %dma_wait3A_121] : memref<20000x128xf32, #tpu.memory_space<hbm>> -> memref<20000x128xf32, #tpu.memory_space<hbm>>
        tpu.wait_indirect_dma semaphore(%arg19 : memref<!tpu.dma_semaphore, #tpu.memory_space<semaphore_mem>>) src(%dma_wait3A_122 : memref<20000x128xf32, #tpu.memory_space<hbm>>) dst(%arg15 : memref<80x128xf32, #tpu.memory_space<vmem>>)
        %dma_wait3A_123 = arith.constant 0 : i32
        %dma_wait3A_124 = tpu.memref_slice %arg4[%add3A_58, %dma_wait3A_123] : memref<640000x128xf32, #tpu.memory_space<hbm>> -> memref<80x128xf32, #tpu.memory_space<hbm>>
        %dma_wait3A_125 = arith.constant 0 : i32
        %dma_wait3A_126 = tpu.memref_slice %arg4[%add3A_58, %dma_wait3A_125] : memref<640000x128xf32, #tpu.memory_space<hbm>> -> memref<80x128xf32, #tpu.memory_space<hbm>>
        tpu.wait_dma2 semaphore(%arg19 : memref<!tpu.dma_semaphore, #tpu.memory_space<semaphore_mem>>) src(%dma_wait3A_126 : memref<80x128xf32, #tpu.memory_space<hbm>>) dst(%arg16 : memref<80x128xf32, #tpu.memory_space<vmem>>)
        %parallel_loop3A = arith.constant 0 : i32
        %parallel_loop3A_127 = arith.constant 80 : i32
        %parallel_loop3A_128 = arith.constant 1 : i32
        scf.for %parallel_loop3A_129 = %parallel_loop3A to %parallel_loop3A_127 step %parallel_loop3A_128  : i32 {
          %parallel_loop3A_130 = arith.index_cast %parallel_loop3A_129 : i32 to index
          %parallel_loop3A_131 = arith.constant 0 : index
          %parallel_loop3A_132 = tpu.vector_load %arg14[%parallel_loop3A_130, %parallel_loop3A_131] {strides = array<i32>} : memref<80x128xf32, #tpu.memory_space<vmem>>, vector<1x16xf32>,
          %parallel_loop3A_133 = vector.shape_cast %parallel_loop3A_132 : vector<1x16xf32> to vector<16xf32>
          %parallel_loop3A_134 = arith.index_cast %parallel_loop3A_129 : i32 to index
          %parallel_loop3A_135 = arith.constant 0 : index
          %parallel_loop3A_136 = tpu.vector_load %arg15[%parallel_loop3A_134, %parallel_loop3A_135] {strides = array<i32>} : memref<80x128xf32, #tpu.memory_space<vmem>>, vector<1x16xf32>,
          %parallel_loop3A_137 = vector.shape_cast %parallel_loop3A_136 : vector<1x16xf32> to vector<16xf32>
          %parallel_loop3A_138 = arith.addf %parallel_loop3A_133, %parallel_loop3A_137 : vector<16xf32>
          %parallel_loop3A_139 = arith.index_cast %parallel_loop3A_129 : i32 to index
          %parallel_loop3A_140 = arith.constant 0 : index
          %parallel_loop3A_141 = tpu.vector_load %arg16[%parallel_loop3A_139, %parallel_loop3A_140] {strides = array<i32>} : memref<80x128xf32, #tpu.memory_space<vmem>>, vector<1x16xf32>,
          %parallel_loop3A_142 = vector.shape_cast %parallel_loop3A_141 : vector<1x16xf32> to vector<16xf32>
          %parallel_loop3A_143 = arith.addf %parallel_loop3A_138, %parallel_loop3A_142 : vector<16xf32>
          %parallel_loop3A_144 = arith.index_cast %parallel_loop3A_129 : i32 to index
          %parallel_loop3A_145 = arith.constant 64 : index
          %parallel_loop3A_146 = tpu.vector_load %arg14[%parallel_loop3A_144, %parallel_loop3A_145] {strides = array<i32>} : memref<80x128xf32, #tpu.memory_space<vmem>>, vector<1x16xf32>,
          %parallel_loop3A_147 = vector.shape_cast %parallel_loop3A_146 : vector<1x16xf32> to vector<16xf32>
          %parallel_loop3A_148 = arith.index_cast %parallel_loop3A_129 : i32 to index
          %parallel_loop3A_149 = arith.constant 64 : index
          %parallel_loop3A_150 = tpu.vector_load %arg15[%parallel_loop3A_148, %parallel_loop3A_149] {strides = array<i32>} : memref<80x128xf32, #tpu.memory_space<vmem>>, vector<1x16xf32>,
          %parallel_loop3A_151 = vector.shape_cast %parallel_loop3A_150 : vector<1x16xf32> to vector<16xf32>
          %parallel_loop3A_152 = arith.addf %parallel_loop3A_147, %parallel_loop3A_151 : vector<16xf32>
          %parallel_loop3A_153 = arith.index_cast %parallel_loop3A_129 : i32 to index
          %parallel_loop3A_154 = arith.constant 64 : index
          %parallel_loop3A_155 = tpu.vector_load %arg16[%parallel_loop3A_153, %parallel_loop3A_154] {strides = array<i32>} : memref<80x128xf32, #tpu.memory_space<vmem>>, vector<1x16xf32>,
          %parallel_loop3A_156 = vector.shape_cast %parallel_loop3A_155 : vector<1x16xf32> to vector<16xf32>
          %parallel_loop3A_157 = arith.addf %parallel_loop3A_152, %parallel_loop3A_156 : vector<16xf32>
          %parallel_loop3A_158 = arith.constant -1.44269502 : f32
          %parallel_loop3A_159 = vector.broadcast %parallel_loop3A_158 : f32 to vector<16xf32>
          %parallel_loop3A_160 = arith.mulf %parallel_loop3A_143, %parallel_loop3A_159 : vector<16xf32>
          %parallel_loop3A_161 = arith.constant 1.260000e+02 : f32
          %parallel_loop3A_162 = vector.broadcast %parallel_loop3A_161 : f32 to vector<16xf32>
          %parallel_loop3A_163 = arith.minimumf %parallel_loop3A_160, %parallel_loop3A_162 : vector<16xf32>
          %parallel_loop3A_164 = arith.constant -1.260000e+02 : f32
          %parallel_loop3A_165 = vector.broadcast %parallel_loop3A_164 : f32 to vector<16xf32>
          %parallel_loop3A_166 = arith.maximumf %parallel_loop3A_163, %parallel_loop3A_165 : vector<16xf32>
          %parallel_loop3A_167 = arith.constant 0x4B400000 : f32
          %parallel_loop3A_168 = vector.broadcast %parallel_loop3A_167 : f32 to vector<16xf32>
          %parallel_loop3A_169 = arith.addf %parallel_loop3A_166, %parallel_loop3A_168 : vector<16xf32>
          %parallel_loop3A_170 = arith.constant 0x4B400000 : f32
          %parallel_loop3A_171 = vector.broadcast %parallel_loop3A_170 : f32 to vector<16xf32>
          %parallel_loop3A_172 = arith.subf %parallel_loop3A_169, %parallel_loop3A_171 : vector<16xf32>
          %parallel_loop3A_173 = arith.subf %parallel_loop3A_166, %parallel_loop3A_172 : vector<16xf32>
          %parallel_loop3A_174 = tpu.bitcast %parallel_loop3A_169 : vector<16xf32> -> vector<16xi32>
          %parallel_loop3A_175 = arith.constant 1262485377 : i32
          %parallel_loop3A_176 = vector.broadcast %parallel_loop3A_175 : i32 to vector<16xi32>
          %parallel_loop3A_177 = arith.subi %parallel_loop3A_174, %parallel_loop3A_176 : vector<16xi32>
          %parallel_loop3A_178 = arith.constant 23 : i32
          %parallel_loop3A_179 = vector.broadcast %parallel_loop3A_178 : i32 to vector<16xi32>
          %parallel_loop3A_180 = arith.shli %parallel_loop3A_177, %parallel_loop3A_179 : vector<16xi32>
          %parallel_loop3A_181 = tpu.bitcast %parallel_loop3A_180 : vector<16xi32> -> vector<16xf32>
          %parallel_loop3A_182 = arith.constant 0.0559220351 : f32
          %parallel_loop3A_183 = vector.broadcast %parallel_loop3A_182 : f32 to vector<16xf32>
          %parallel_loop3A_184 = arith.mulf %parallel_loop3A_173, %parallel_loop3A_183 : vector<16xf32>
          %parallel_loop3A_185 = arith.constant 0.242640078 : f32
          %parallel_loop3A_186 = vector.broadcast %parallel_loop3A_185 : f32 to vector<16xf32>
          %parallel_loop3A_187 = arith.addf %parallel_loop3A_186, %parallel_loop3A_184 : vector<16xf32>
          %parallel_loop3A_188 = arith.mulf %parallel_loop3A_173, %parallel_loop3A_187 : vector<16xf32>
          %parallel_loop3A_189 = arith.constant 6.931210e-01 : f32
          %parallel_loop3A_190 = vector.broadcast %parallel_loop3A_189 : f32 to vector<16xf32>
          %parallel_loop3A_191 = arith.addf %parallel_loop3A_190, %parallel_loop3A_188 : vector<16xf32>
          %parallel_loop3A_192 = arith.mulf %parallel_loop3A_173, %parallel_loop3A_191 : vector<16xf32>
          %parallel_loop3A_193 = arith.constant 0.99992448 : f32
          %parallel_loop3A_194 = vector.broadcast %parallel_loop3A_193 : f32 to vector<16xf32>
          %parallel_loop3A_195 = arith.addf %parallel_loop3A_194, %parallel_loop3A_192 : vector<16xf32>
          %parallel_loop3A_196 = arith.mulf %parallel_loop3A_181, %parallel_loop3A_195 : vector<16xf32>
          %parallel_loop3A_197 = arith.constant 1.000000e+00 : f32
          %parallel_loop3A_198 = vector.broadcast %parallel_loop3A_197 : f32 to vector<16xf32>
          %parallel_loop3A_199 = arith.addf %parallel_loop3A_198, %parallel_loop3A_196 : vector<16xf32>
          %parallel_loop3A_200 = tpu.bitcast %parallel_loop3A_199 : vector<16xf32> -> vector<16xi32>
          %parallel_loop3A_201 = arith.constant 2129859011 : i32
          %parallel_loop3A_202 = vector.broadcast %parallel_loop3A_201 : i32 to vector<16xi32>
          %parallel_loop3A_203 = arith.subi %parallel_loop3A_202, %parallel_loop3A_200 : vector<16xi32>
          %parallel_loop3A_204 = tpu.bitcast %parallel_loop3A_203 : vector<16xi32> -> vector<16xf32>
          %parallel_loop3A_205 = arith.mulf %parallel_loop3A_199, %parallel_loop3A_204 : vector<16xf32>
          %parallel_loop3A_206 = arith.constant 2.000000e+00 : f32
          %parallel_loop3A_207 = vector.broadcast %parallel_loop3A_206 : f32 to vector<16xf32>
          %parallel_loop3A_208 = arith.subf %parallel_loop3A_207, %parallel_loop3A_205 : vector<16xf32>
          %parallel_loop3A_209 = arith.mulf %parallel_loop3A_204, %parallel_loop3A_208 : vector<16xf32>
          %parallel_loop3A_210 = arith.mulf %parallel_loop3A_199, %parallel_loop3A_209 : vector<16xf32>
          %parallel_loop3A_211 = arith.constant 2.000000e+00 : f32
          %parallel_loop3A_212 = vector.broadcast %parallel_loop3A_211 : f32 to vector<16xf32>
          %parallel_loop3A_213 = arith.subf %parallel_loop3A_212, %parallel_loop3A_210 : vector<16xf32>
          %parallel_loop3A_214 = arith.mulf %parallel_loop3A_209, %parallel_loop3A_213 : vector<16xf32>
          %parallel_loop3A_215 = math.absf %parallel_loop3A_157 : vector<16xf32>
          %parallel_loop3A_216 = arith.constant -1.44269502 : f32
          %parallel_loop3A_217 = vector.broadcast %parallel_loop3A_216 : f32 to vector<16xf32>
          %parallel_loop3A_218 = arith.mulf %parallel_loop3A_215, %parallel_loop3A_217 : vector<16xf32>
          %parallel_loop3A_219 = arith.constant -1.260000e+02 : f32
          %parallel_loop3A_220 = vector.broadcast %parallel_loop3A_219 : f32 to vector<16xf32>
          %parallel_loop3A_221 = arith.maximumf %parallel_loop3A_218, %parallel_loop3A_220 : vector<16xf32>
          %parallel_loop3A_222 = arith.constant 0x4B400000 : f32
          %parallel_loop3A_223 = vector.broadcast %parallel_loop3A_222 : f32 to vector<16xf32>
          %parallel_loop3A_224 = arith.addf %parallel_loop3A_221, %parallel_loop3A_223 : vector<16xf32>
          %parallel_loop3A_225 = arith.constant 0x4B400000 : f32
          %parallel_loop3A_226 = vector.broadcast %parallel_loop3A_225 : f32 to vector<16xf32>
          %parallel_loop3A_227 = arith.subf %parallel_loop3A_224, %parallel_loop3A_226 : vector<16xf32>
          %parallel_loop3A_228 = arith.subf %parallel_loop3A_221, %parallel_loop3A_227 : vector<16xf32>
          %parallel_loop3A_229 = tpu.bitcast %parallel_loop3A_224 : vector<16xf32> -> vector<16xi32>
          %parallel_loop3A_230 = arith.constant 1262485377 : i32
          %parallel_loop3A_231 = vector.broadcast %parallel_loop3A_230 : i32 to vector<16xi32>
          %parallel_loop3A_232 = arith.subi %parallel_loop3A_229, %parallel_loop3A_231 : vector<16xi32>
          %parallel_loop3A_233 = arith.constant 23 : i32
          %parallel_loop3A_234 = vector.broadcast %parallel_loop3A_233 : i32 to vector<16xi32>
          %parallel_loop3A_235 = arith.shli %parallel_loop3A_232, %parallel_loop3A_234 : vector<16xi32>
          %parallel_loop3A_236 = tpu.bitcast %parallel_loop3A_235 : vector<16xi32> -> vector<16xf32>
          %parallel_loop3A_237 = arith.constant 0.0559220351 : f32
          %parallel_loop3A_238 = vector.broadcast %parallel_loop3A_237 : f32 to vector<16xf32>
          %parallel_loop3A_239 = arith.mulf %parallel_loop3A_228, %parallel_loop3A_238 : vector<16xf32>
          %parallel_loop3A_240 = arith.constant 0.242640078 : f32
          %parallel_loop3A_241 = vector.broadcast %parallel_loop3A_240 : f32 to vector<16xf32>
          %parallel_loop3A_242 = arith.addf %parallel_loop3A_241, %parallel_loop3A_239 : vector<16xf32>
          %parallel_loop3A_243 = arith.mulf %parallel_loop3A_228, %parallel_loop3A_242 : vector<16xf32>
          %parallel_loop3A_244 = arith.constant 6.931210e-01 : f32
          %parallel_loop3A_245 = vector.broadcast %parallel_loop3A_244 : f32 to vector<16xf32>
          %parallel_loop3A_246 = arith.addf %parallel_loop3A_245, %parallel_loop3A_243 : vector<16xf32>
          %parallel_loop3A_247 = arith.mulf %parallel_loop3A_228, %parallel_loop3A_246 : vector<16xf32>
          %parallel_loop3A_248 = arith.constant 0.99992448 : f32
          %parallel_loop3A_249 = vector.broadcast %parallel_loop3A_248 : f32 to vector<16xf32>
          %parallel_loop3A_250 = arith.addf %parallel_loop3A_249, %parallel_loop3A_247 : vector<16xf32>
          %parallel_loop3A_251 = arith.mulf %parallel_loop3A_236, %parallel_loop3A_250 : vector<16xf32>
          %parallel_loop3A_252 = arith.constant 0.000000e+00 : f32
          %parallel_loop3A_253 = vector.broadcast %parallel_loop3A_252 : f32 to vector<16xf32>
          %parallel_loop3A_254 = arith.maximumf %parallel_loop3A_157, %parallel_loop3A_253 : vector<16xf32>
          %parallel_loop3A_255 = arith.constant 0.0304490048 : f32
          %parallel_loop3A_256 = vector.broadcast %parallel_loop3A_255 : f32 to vector<16xf32>
          %parallel_loop3A_257 = arith.mulf %parallel_loop3A_251, %parallel_loop3A_256 : vector<16xf32>
          %parallel_loop3A_258 = arith.constant -0.131581828 : f32
          %parallel_loop3A_259 = vector.broadcast %parallel_loop3A_258 : f32 to vector<16xf32>
          %parallel_loop3A_260 = arith.addf %parallel_loop3A_259, %parallel_loop3A_257 : vector<16xf32>
          %parallel_loop3A_261 = arith.mulf %parallel_loop3A_251, %parallel_loop3A_260 : vector<16xf32>
          %parallel_loop3A_262 = arith.constant 0.285272688 : f32
          %parallel_loop3A_263 = vector.broadcast %parallel_loop3A_262 : f32 to vector<16xf32>
          %parallel_loop3A_264 = arith.addf %parallel_loop3A_263, %parallel_loop3A_261 : vector<16xf32>
          %parallel_loop3A_265 = arith.mulf %parallel_loop3A_251, %parallel_loop3A_264 : vector<16xf32>
          %parallel_loop3A_266 = arith.constant -0.490230709 : f32
          %parallel_loop3A_267 = vector.broadcast %parallel_loop3A_266 : f32 to vector<16xf32>
          %parallel_loop3A_268 = arith.addf %parallel_loop3A_267, %parallel_loop3A_265 : vector<16xf32>
          %parallel_loop3A_269 = arith.mulf %parallel_loop3A_251, %parallel_loop3A_268 : vector<16xf32>
          %parallel_loop3A_270 = arith.constant 0.999235451 : f32
          %parallel_loop3A_271 = vector.broadcast %parallel_loop3A_270 : f32 to vector<16xf32>
          %parallel_loop3A_272 = arith.addf %parallel_loop3A_271, %parallel_loop3A_269 : vector<16xf32>
          %parallel_loop3A_273 = arith.mulf %parallel_loop3A_251, %parallel_loop3A_272 : vector<16xf32>
          %parallel_loop3A_274 = arith.constant 9.9750323E-6 : f32
          %parallel_loop3A_275 = vector.broadcast %parallel_loop3A_274 : f32 to vector<16xf32>
          %parallel_loop3A_276 = arith.addf %parallel_loop3A_275, %parallel_loop3A_273 : vector<16xf32>
          %parallel_loop3A_277 = arith.addf %parallel_loop3A_254, %parallel_loop3A_276 : vector<16xf32>
          %parallel_loop3A_278 = arith.mulf %parallel_loop3A_214, %parallel_loop3A_277 : vector<16xf32>
          %parallel_loop3A_279 = arith.index_cast %parallel_loop3A_129 : i32 to index
          %parallel_loop3A_280 = arith.constant 0 : index
          %parallel_loop3A_281 = tpu.vector_load %arg17[%parallel_loop3A_279, %parallel_loop3A_280] {strides = array<i32>} : memref<80x128xf32, #tpu.memory_space<vmem>>, vector<1x16xf32>,
          %parallel_loop3A_282 = vector.shape_cast %parallel_loop3A_281 : vector<1x16xf32> to vector<16xf32>
          %parallel_loop3A_283 = vector.shape_cast %parallel_loop3A_278 : vector<16xf32> to vector<1x16xf32>
          tpu.vector_store %arg17[%parallel_loop3A_279, %parallel_loop3A_280], %parallel_loop3A_283 {strides = array<i32>} : memref<80x128xf32, #tpu.memory_space<vmem>>, vector<1x16xf32>,
          %parallel_loop3A_284 = arith.index_cast %parallel_loop3A_129 : i32 to index
          %parallel_loop3A_285 = arith.constant 16 : index
          %parallel_loop3A_286 = tpu.vector_load %arg14[%parallel_loop3A_284, %parallel_loop3A_285] {strides = array<i32>} : memref<80x128xf32, #tpu.memory_space<vmem>>, vector<1x16xf32>,
          %parallel_loop3A_287 = vector.shape_cast %parallel_loop3A_286 : vector<1x16xf32> to vector<16xf32>
          %parallel_loop3A_288 = arith.index_cast %parallel_loop3A_129 : i32 to index
          %parallel_loop3A_289 = arith.constant 16 : index
          %parallel_loop3A_290 = tpu.vector_load %arg15[%parallel_loop3A_288, %parallel_loop3A_289] {strides = array<i32>} : memref<80x128xf32, #tpu.memory_space<vmem>>, vector<1x16xf32>,
          %parallel_loop3A_291 = vector.shape_cast %parallel_loop3A_290 : vector<1x16xf32> to vector<16xf32>
          %parallel_loop3A_292 = arith.addf %parallel_loop3A_287, %parallel_loop3A_291 : vector<16xf32>
          %parallel_loop3A_293 = arith.index_cast %parallel_loop3A_129 : i32 to index
          %parallel_loop3A_294 = arith.constant 16 : index
          %parallel_loop3A_295 = tpu.vector_load %arg16[%parallel_loop3A_293, %parallel_loop3A_294] {strides = array<i32>} : memref<80x128xf32, #tpu.memory_space<vmem>>, vector<1x16xf32>,
          %parallel_loop3A_296 = vector.shape_cast %parallel_loop3A_295 : vector<1x16xf32> to vector<16xf32>
          %parallel_loop3A_297 = arith.addf %parallel_loop3A_292, %parallel_loop3A_296 : vector<16xf32>
          %parallel_loop3A_298 = arith.index_cast %parallel_loop3A_129 : i32 to index
          %parallel_loop3A_299 = arith.constant 80 : index
          %parallel_loop3A_300 = tpu.vector_load %arg14[%parallel_loop3A_298, %parallel_loop3A_299] {strides = array<i32>} : memref<80x128xf32, #tpu.memory_space<vmem>>, vector<1x16xf32>,
          %parallel_loop3A_301 = vector.shape_cast %parallel_loop3A_300 : vector<1x16xf32> to vector<16xf32>
          %parallel_loop3A_302 = arith.index_cast %parallel_loop3A_129 : i32 to index
          %parallel_loop3A_303 = arith.constant 80 : index
          %parallel_loop3A_304 = tpu.vector_load %arg15[%parallel_loop3A_302, %parallel_loop3A_303] {strides = array<i32>} : memref<80x128xf32, #tpu.memory_space<vmem>>, vector<1x16xf32>,
          %parallel_loop3A_305 = vector.shape_cast %parallel_loop3A_304 : vector<1x16xf32> to vector<16xf32>
          %parallel_loop3A_306 = arith.addf %parallel_loop3A_301, %parallel_loop3A_305 : vector<16xf32>
          %parallel_loop3A_307 = arith.index_cast %parallel_loop3A_129 : i32 to index
          %parallel_loop3A_308 = arith.constant 80 : index
          %parallel_loop3A_309 = tpu.vector_load %arg16[%parallel_loop3A_307, %parallel_loop3A_308] {strides = array<i32>} : memref<80x128xf32, #tpu.memory_space<vmem>>, vector<1x16xf32>,
          %parallel_loop3A_310 = vector.shape_cast %parallel_loop3A_309 : vector<1x16xf32> to vector<16xf32>
          %parallel_loop3A_311 = arith.addf %parallel_loop3A_306, %parallel_loop3A_310 : vector<16xf32>
          %parallel_loop3A_312 = arith.constant -1.44269502 : f32
          %parallel_loop3A_313 = vector.broadcast %parallel_loop3A_312 : f32 to vector<16xf32>
          %parallel_loop3A_314 = arith.mulf %parallel_loop3A_297, %parallel_loop3A_313 : vector<16xf32>
          %parallel_loop3A_315 = arith.constant 1.260000e+02 : f32
          %parallel_loop3A_316 = vector.broadcast %parallel_loop3A_315 : f32 to vector<16xf32>
          %parallel_loop3A_317 = arith.minimumf %parallel_loop3A_314, %parallel_loop3A_316 : vector<16xf32>
          %parallel_loop3A_318 = arith.constant -1.260000e+02 : f32
          %parallel_loop3A_319 = vector.broadcast %parallel_loop3A_318 : f32 to vector<16xf32>
          %parallel_loop3A_320 = arith.maximumf %parallel_loop3A_317, %parallel_loop3A_319 : vector<16xf32>
          %parallel_loop3A_321 = arith.constant 0x4B400000 : f32
          %parallel_loop3A_322 = vector.broadcast %parallel_loop3A_321 : f32 to vector<16xf32>
          %parallel_loop3A_323 = arith.addf %parallel_loop3A_320, %parallel_loop3A_322 : vector<16xf32>
          %parallel_loop3A_324 = arith.constant 0x4B400000 : f32
          %parallel_loop3A_325 = vector.broadcast %parallel_loop3A_324 : f32 to vector<16xf32>
          %parallel_loop3A_326 = arith.subf %parallel_loop3A_323, %parallel_loop3A_325 : vector<16xf32>
          %parallel_loop3A_327 = arith.subf %parallel_loop3A_320, %parallel_loop3A_326 : vector<16xf32>
          %parallel_loop3A_328 = tpu.bitcast %parallel_loop3A_323 : vector<16xf32> -> vector<16xi32>
          %parallel_loop3A_329 = arith.constant 1262485377 : i32
          %parallel_loop3A_330 = vector.broadcast %parallel_loop3A_329 : i32 to vector<16xi32>
          %parallel_loop3A_331 = arith.subi %parallel_loop3A_328, %parallel_loop3A_330 : vector<16xi32>
          %parallel_loop3A_332 = arith.constant 23 : i32
          %parallel_loop3A_333 = vector.broadcast %parallel_loop3A_332 : i32 to vector<16xi32>
          %parallel_loop3A_334 = arith.shli %parallel_loop3A_331, %parallel_loop3A_333 : vector<16xi32>
          %parallel_loop3A_335 = tpu.bitcast %parallel_loop3A_334 : vector<16xi32> -> vector<16xf32>
          %parallel_loop3A_336 = arith.constant 0.0559220351 : f32
          %parallel_loop3A_337 = vector.broadcast %parallel_loop3A_336 : f32 to vector<16xf32>
          %parallel_loop3A_338 = arith.mulf %parallel_loop3A_327, %parallel_loop3A_337 : vector<16xf32>
          %parallel_loop3A_339 = arith.constant 0.242640078 : f32
          %parallel_loop3A_340 = vector.broadcast %parallel_loop3A_339 : f32 to vector<16xf32>
          %parallel_loop3A_341 = arith.addf %parallel_loop3A_340, %parallel_loop3A_338 : vector<16xf32>
          %parallel_loop3A_342 = arith.mulf %parallel_loop3A_327, %parallel_loop3A_341 : vector<16xf32>
          %parallel_loop3A_343 = arith.constant 6.931210e-01 : f32
          %parallel_loop3A_344 = vector.broadcast %parallel_loop3A_343 : f32 to vector<16xf32>
          %parallel_loop3A_345 = arith.addf %parallel_loop3A_344, %parallel_loop3A_342 : vector<16xf32>
          %parallel_loop3A_346 = arith.mulf %parallel_loop3A_327, %parallel_loop3A_345 : vector<16xf32>
          %parallel_loop3A_347 = arith.constant 0.99992448 : f32
          %parallel_loop3A_348 = vector.broadcast %parallel_loop3A_347 : f32 to vector<16xf32>
          %parallel_loop3A_349 = arith.addf %parallel_loop3A_348, %parallel_loop3A_346 : vector<16xf32>
          %parallel_loop3A_350 = arith.mulf %parallel_loop3A_335, %parallel_loop3A_349 : vector<16xf32>
          %parallel_loop3A_351 = arith.constant 1.000000e+00 : f32
          %parallel_loop3A_352 = vector.broadcast %parallel_loop3A_351 : f32 to vector<16xf32>
          %parallel_loop3A_353 = arith.addf %parallel_loop3A_352, %parallel_loop3A_350 : vector<16xf32>
          %parallel_loop3A_354 = tpu.bitcast %parallel_loop3A_353 : vector<16xf32> -> vector<16xi32>
          %parallel_loop3A_355 = arith.constant 2129859011 : i32
          %parallel_loop3A_356 = vector.broadcast %parallel_loop3A_355 : i32 to vector<16xi32>
          %parallel_loop3A_357 = arith.subi %parallel_loop3A_356, %parallel_loop3A_354 : vector<16xi32>
          %parallel_loop3A_358 = tpu.bitcast %parallel_loop3A_357 : vector<16xi32> -> vector<16xf32>
          %parallel_loop3A_359 = arith.mulf %parallel_loop3A_353, %parallel_loop3A_358 : vector<16xf32>
          %parallel_loop3A_360 = arith.constant 2.000000e+00 : f32
          %parallel_loop3A_361 = vector.broadcast %parallel_loop3A_360 : f32 to vector<16xf32>
          %parallel_loop3A_362 = arith.subf %parallel_loop3A_361, %parallel_loop3A_359 : vector<16xf32>
          %parallel_loop3A_363 = arith.mulf %parallel_loop3A_358, %parallel_loop3A_362 : vector<16xf32>
          %parallel_loop3A_364 = arith.mulf %parallel_loop3A_353, %parallel_loop3A_363 : vector<16xf32>
          %parallel_loop3A_365 = arith.constant 2.000000e+00 : f32
          %parallel_loop3A_366 = vector.broadcast %parallel_loop3A_365 : f32 to vector<16xf32>
          %parallel_loop3A_367 = arith.subf %parallel_loop3A_366, %parallel_loop3A_364 : vector<16xf32>
          %parallel_loop3A_368 = arith.mulf %parallel_loop3A_363, %parallel_loop3A_367 : vector<16xf32>
          %parallel_loop3A_369 = math.absf %parallel_loop3A_311 : vector<16xf32>
          %parallel_loop3A_370 = arith.constant -1.44269502 : f32
          %parallel_loop3A_371 = vector.broadcast %parallel_loop3A_370 : f32 to vector<16xf32>
          %parallel_loop3A_372 = arith.mulf %parallel_loop3A_369, %parallel_loop3A_371 : vector<16xf32>
          %parallel_loop3A_373 = arith.constant -1.260000e+02 : f32
          %parallel_loop3A_374 = vector.broadcast %parallel_loop3A_373 : f32 to vector<16xf32>
          %parallel_loop3A_375 = arith.maximumf %parallel_loop3A_372, %parallel_loop3A_374 : vector<16xf32>
          %parallel_loop3A_376 = arith.constant 0x4B400000 : f32
          %parallel_loop3A_377 = vector.broadcast %parallel_loop3A_376 : f32 to vector<16xf32>
          %parallel_loop3A_378 = arith.addf %parallel_loop3A_375, %parallel_loop3A_377 : vector<16xf32>
          %parallel_loop3A_379 = arith.constant 0x4B400000 : f32
          %parallel_loop3A_380 = vector.broadcast %parallel_loop3A_379 : f32 to vector<16xf32>
          %parallel_loop3A_381 = arith.subf %parallel_loop3A_378, %parallel_loop3A_380 : vector<16xf32>
          %parallel_loop3A_382 = arith.subf %parallel_loop3A_375, %parallel_loop3A_381 : vector<16xf32>
          %parallel_loop3A_383 = tpu.bitcast %parallel_loop3A_378 : vector<16xf32> -> vector<16xi32>
          %parallel_loop3A_384 = arith.constant 1262485377 : i32
          %parallel_loop3A_385 = vector.broadcast %parallel_loop3A_384 : i32 to vector<16xi32>
          %parallel_loop3A_386 = arith.subi %parallel_loop3A_383, %parallel_loop3A_385 : vector<16xi32>
          %parallel_loop3A_387 = arith.constant 23 : i32
          %parallel_loop3A_388 = vector.broadcast %parallel_loop3A_387 : i32 to vector<16xi32>
          %parallel_loop3A_389 = arith.shli %parallel_loop3A_386, %parallel_loop3A_388 : vector<16xi32>
          %parallel_loop3A_390 = tpu.bitcast %parallel_loop3A_389 : vector<16xi32> -> vector<16xf32>
          %parallel_loop3A_391 = arith.constant 0.0559220351 : f32
          %parallel_loop3A_392 = vector.broadcast %parallel_loop3A_391 : f32 to vector<16xf32>
          %parallel_loop3A_393 = arith.mulf %parallel_loop3A_382, %parallel_loop3A_392 : vector<16xf32>
          %parallel_loop3A_394 = arith.constant 0.242640078 : f32
          %parallel_loop3A_395 = vector.broadcast %parallel_loop3A_394 : f32 to vector<16xf32>
          %parallel_loop3A_396 = arith.addf %parallel_loop3A_395, %parallel_loop3A_393 : vector<16xf32>
          %parallel_loop3A_397 = arith.mulf %parallel_loop3A_382, %parallel_loop3A_396 : vector<16xf32>
          %parallel_loop3A_398 = arith.constant 6.931210e-01 : f32
          %parallel_loop3A_399 = vector.broadcast %parallel_loop3A_398 : f32 to vector<16xf32>
          %parallel_loop3A_400 = arith.addf %parallel_loop3A_399, %parallel_loop3A_397 : vector<16xf32>
          %parallel_loop3A_401 = arith.mulf %parallel_loop3A_382, %parallel_loop3A_400 : vector<16xf32>
          %parallel_loop3A_402 = arith.constant 0.99992448 : f32
          %parallel_loop3A_403 = vector.broadcast %parallel_loop3A_402 : f32 to vector<16xf32>
          %parallel_loop3A_404 = arith.addf %parallel_loop3A_403, %parallel_loop3A_401 : vector<16xf32>
          %parallel_loop3A_405 = arith.mulf %parallel_loop3A_390, %parallel_loop3A_404 : vector<16xf32>
          %parallel_loop3A_406 = arith.constant 0.000000e+00 : f32
          %parallel_loop3A_407 = vector.broadcast %parallel_loop3A_406 : f32 to vector<16xf32>
          %parallel_loop3A_408 = arith.maximumf %parallel_loop3A_311, %parallel_loop3A_407 : vector<16xf32>
          %parallel_loop3A_409 = arith.constant 0.0304490048 : f32
          %parallel_loop3A_410 = vector.broadcast %parallel_loop3A_409 : f32 to vector<16xf32>
          %parallel_loop3A_411 = arith.mulf %parallel_loop3A_405, %parallel_loop3A_410 : vector<16xf32>
          %parallel_loop3A_412 = arith.constant -0.131581828 : f32
          %parallel_loop3A_413 = vector.broadcast %parallel_loop3A_412 : f32 to vector<16xf32>
          %parallel_loop3A_414 = arith.addf %parallel_loop3A_413, %parallel_loop3A_411 : vector<16xf32>
          %parallel_loop3A_415 = arith.mulf %parallel_loop3A_405, %parallel_loop3A_414 : vector<16xf32>
          %parallel_loop3A_416 = arith.constant 0.285272688 : f32
          %parallel_loop3A_417 = vector.broadcast %parallel_loop3A_416 : f32 to vector<16xf32>
          %parallel_loop3A_418 = arith.addf %parallel_loop3A_417, %parallel_loop3A_415 : vector<16xf32>
          %parallel_loop3A_419 = arith.mulf %parallel_loop3A_405, %parallel_loop3A_418 : vector<16xf32>
          %parallel_loop3A_420 = arith.constant -0.490230709 : f32
          %parallel_loop3A_421 = vector.broadcast %parallel_loop3A_420 : f32 to vector<16xf32>
          %parallel_loop3A_422 = arith.addf %parallel_loop3A_421, %parallel_loop3A_419 : vector<16xf32>
          %parallel_loop3A_423 = arith.mulf %parallel_loop3A_405, %parallel_loop3A_422 : vector<16xf32>
          %parallel_loop3A_424 = arith.constant 0.999235451 : f32
          %parallel_loop3A_425 = vector.broadcast %parallel_loop3A_424 : f32 to vector<16xf32>
          %parallel_loop3A_426 = arith.addf %parallel_loop3A_425, %parallel_loop3A_423 : vector<16xf32>
          %parallel_loop3A_427 = arith.mulf %parallel_loop3A_405, %parallel_loop3A_426 : vector<16xf32>
          %parallel_loop3A_428 = arith.constant 9.9750323E-6 : f32
          %parallel_loop3A_429 = vector.broadcast %parallel_loop3A_428 : f32 to vector<16xf32>
          %parallel_loop3A_430 = arith.addf %parallel_loop3A_429, %parallel_loop3A_427 : vector<16xf32>
          %parallel_loop3A_431 = arith.addf %parallel_loop3A_408, %parallel_loop3A_430 : vector<16xf32>
          %parallel_loop3A_432 = arith.mulf %parallel_loop3A_368, %parallel_loop3A_431 : vector<16xf32>
          %parallel_loop3A_433 = arith.index_cast %parallel_loop3A_129 : i32 to index
          %parallel_loop3A_434 = arith.constant 16 : index
          %parallel_loop3A_435 = tpu.vector_load %arg17[%parallel_loop3A_433, %parallel_loop3A_434] {strides = array<i32>} : memref<80x128xf32, #tpu.memory_space<vmem>>, vector<1x16xf32>,
          %parallel_loop3A_436 = vector.shape_cast %parallel_loop3A_435 : vector<1x16xf32> to vector<16xf32>
          %parallel_loop3A_437 = vector.shape_cast %parallel_loop3A_432 : vector<16xf32> to vector<1x16xf32>
          tpu.vector_store %arg17[%parallel_loop3A_433, %parallel_loop3A_434], %parallel_loop3A_437 {strides = array<i32>} : memref<80x128xf32, #tpu.memory_space<vmem>>, vector<1x16xf32>,
          %parallel_loop3A_438 = arith.index_cast %parallel_loop3A_129 : i32 to index
          %parallel_loop3A_439 = arith.constant 32 : index
          %parallel_loop3A_440 = tpu.vector_load %arg14[%parallel_loop3A_438, %parallel_loop3A_439] {strides = array<i32>} : memref<80x128xf32, #tpu.memory_space<vmem>>, vector<1x16xf32>,
          %parallel_loop3A_441 = vector.shape_cast %parallel_loop3A_440 : vector<1x16xf32> to vector<16xf32>
          %parallel_loop3A_442 = arith.index_cast %parallel_loop3A_129 : i32 to index
          %parallel_loop3A_443 = arith.constant 32 : index
          %parallel_loop3A_444 = tpu.vector_load %arg15[%parallel_loop3A_442, %parallel_loop3A_443] {strides = array<i32>} : memref<80x128xf32, #tpu.memory_space<vmem>>, vector<1x16xf32>,
          %parallel_loop3A_445 = vector.shape_cast %parallel_loop3A_444 : vector<1x16xf32> to vector<16xf32>
          %parallel_loop3A_446 = arith.addf %parallel_loop3A_441, %parallel_loop3A_445 : vector<16xf32>
          %parallel_loop3A_447 = arith.index_cast %parallel_loop3A_129 : i32 to index
          %parallel_loop3A_448 = arith.constant 32 : index
          %parallel_loop3A_449 = tpu.vector_load %arg16[%parallel_loop3A_447, %parallel_loop3A_448] {strides = array<i32>} : memref<80x128xf32, #tpu.memory_space<vmem>>, vector<1x16xf32>,
          %parallel_loop3A_450 = vector.shape_cast %parallel_loop3A_449 : vector<1x16xf32> to vector<16xf32>
          %parallel_loop3A_451 = arith.addf %parallel_loop3A_446, %parallel_loop3A_450 : vector<16xf32>
          %parallel_loop3A_452 = arith.index_cast %parallel_loop3A_129 : i32 to index
          %parallel_loop3A_453 = arith.constant 96 : index
          %parallel_loop3A_454 = tpu.vector_load %arg14[%parallel_loop3A_452, %parallel_loop3A_453] {strides = array<i32>} : memref<80x128xf32, #tpu.memory_space<vmem>>, vector<1x16xf32>,
          %parallel_loop3A_455 = vector.shape_cast %parallel_loop3A_454 : vector<1x16xf32> to vector<16xf32>
          %parallel_loop3A_456 = arith.index_cast %parallel_loop3A_129 : i32 to index
          %parallel_loop3A_457 = arith.constant 96 : index
          %parallel_loop3A_458 = tpu.vector_load %arg15[%parallel_loop3A_456, %parallel_loop3A_457] {strides = array<i32>} : memref<80x128xf32, #tpu.memory_space<vmem>>, vector<1x16xf32>,
          %parallel_loop3A_459 = vector.shape_cast %parallel_loop3A_458 : vector<1x16xf32> to vector<16xf32>
          %parallel_loop3A_460 = arith.addf %parallel_loop3A_455, %parallel_loop3A_459 : vector<16xf32>
          %parallel_loop3A_461 = arith.index_cast %parallel_loop3A_129 : i32 to index
          %parallel_loop3A_462 = arith.constant 96 : index
          %parallel_loop3A_463 = tpu.vector_load %arg16[%parallel_loop3A_461, %parallel_loop3A_462] {strides = array<i32>} : memref<80x128xf32, #tpu.memory_space<vmem>>, vector<1x16xf32>,
          %parallel_loop3A_464 = vector.shape_cast %parallel_loop3A_463 : vector<1x16xf32> to vector<16xf32>
          %parallel_loop3A_465 = arith.addf %parallel_loop3A_460, %parallel_loop3A_464 : vector<16xf32>
          %parallel_loop3A_466 = arith.constant -1.44269502 : f32
          %parallel_loop3A_467 = vector.broadcast %parallel_loop3A_466 : f32 to vector<16xf32>
          %parallel_loop3A_468 = arith.mulf %parallel_loop3A_451, %parallel_loop3A_467 : vector<16xf32>
          %parallel_loop3A_469 = arith.constant 1.260000e+02 : f32
          %parallel_loop3A_470 = vector.broadcast %parallel_loop3A_469 : f32 to vector<16xf32>
          %parallel_loop3A_471 = arith.minimumf %parallel_loop3A_468, %parallel_loop3A_470 : vector<16xf32>
          %parallel_loop3A_472 = arith.constant -1.260000e+02 : f32
          %parallel_loop3A_473 = vector.broadcast %parallel_loop3A_472 : f32 to vector<16xf32>
          %parallel_loop3A_474 = arith.maximumf %parallel_loop3A_471, %parallel_loop3A_473 : vector<16xf32>
          %parallel_loop3A_475 = arith.constant 0x4B400000 : f32
          %parallel_loop3A_476 = vector.broadcast %parallel_loop3A_475 : f32 to vector<16xf32>
          %parallel_loop3A_477 = arith.addf %parallel_loop3A_474, %parallel_loop3A_476 : vector<16xf32>
          %parallel_loop3A_478 = arith.constant 0x4B400000 : f32
          %parallel_loop3A_479 = vector.broadcast %parallel_loop3A_478 : f32 to vector<16xf32>
          %parallel_loop3A_480 = arith.subf %parallel_loop3A_477, %parallel_loop3A_479 : vector<16xf32>
          %parallel_loop3A_481 = arith.subf %parallel_loop3A_474, %parallel_loop3A_480 : vector<16xf32>
          %parallel_loop3A_482 = tpu.bitcast %parallel_loop3A_477 : vector<16xf32> -> vector<16xi32>
          %parallel_loop3A_483 = arith.constant 1262485377 : i32
          %parallel_loop3A_484 = vector.broadcast %parallel_loop3A_483 : i32 to vector<16xi32>
          %parallel_loop3A_485 = arith.subi %parallel_loop3A_482, %parallel_loop3A_484 : vector<16xi32>
          %parallel_loop3A_486 = arith.constant 23 : i32
          %parallel_loop3A_487 = vector.broadcast %parallel_loop3A_486 : i32 to vector<16xi32>
          %parallel_loop3A_488 = arith.shli %parallel_loop3A_485, %parallel_loop3A_487 : vector<16xi32>
          %parallel_loop3A_489 = tpu.bitcast %parallel_loop3A_488 : vector<16xi32> -> vector<16xf32>
          %parallel_loop3A_490 = arith.constant 0.0559220351 : f32
          %parallel_loop3A_491 = vector.broadcast %parallel_loop3A_490 : f32 to vector<16xf32>
          %parallel_loop3A_492 = arith.mulf %parallel_loop3A_481, %parallel_loop3A_491 : vector<16xf32>
          %parallel_loop3A_493 = arith.constant 0.242640078 : f32
          %parallel_loop3A_494 = vector.broadcast %parallel_loop3A_493 : f32 to vector<16xf32>
          %parallel_loop3A_495 = arith.addf %parallel_loop3A_494, %parallel_loop3A_492 : vector<16xf32>
          %parallel_loop3A_496 = arith.mulf %parallel_loop3A_481, %parallel_loop3A_495 : vector<16xf32>
          %parallel_loop3A_497 = arith.constant 6.931210e-01 : f32
          %parallel_loop3A_498 = vector.broadcast %parallel_loop3A_497 : f32 to vector<16xf32>
          %parallel_loop3A_499 = arith.addf %parallel_loop3A_498, %parallel_loop3A_496 : vector<16xf32>
          %parallel_loop3A_500 = arith.mulf %parallel_loop3A_481, %parallel_loop3A_499 : vector<16xf32>
          %parallel_loop3A_501 = arith.constant 0.99992448 : f32
          %parallel_loop3A_502 = vector.broadcast %parallel_loop3A_501 : f32 to vector<16xf32>
          %parallel_loop3A_503 = arith.addf %parallel_loop3A_502, %parallel_loop3A_500 : vector<16xf32>
          %parallel_loop3A_504 = arith.mulf %parallel_loop3A_489, %parallel_loop3A_503 : vector<16xf32>
          %parallel_loop3A_505 = arith.constant 1.000000e+00 : f32
          %parallel_loop3A_506 = vector.broadcast %parallel_loop3A_505 : f32 to vector<16xf32>
          %parallel_loop3A_507 = arith.addf %parallel_loop3A_506, %parallel_loop3A_504 : vector<16xf32>
          %parallel_loop3A_508 = tpu.bitcast %parallel_loop3A_507 : vector<16xf32> -> vector<16xi32>
          %parallel_loop3A_509 = arith.constant 2129859011 : i32
          %parallel_loop3A_510 = vector.broadcast %parallel_loop3A_509 : i32 to vector<16xi32>
          %parallel_loop3A_511 = arith.subi %parallel_loop3A_510, %parallel_loop3A_508 : vector<16xi32>
          %parallel_loop3A_512 = tpu.bitcast %parallel_loop3A_511 : vector<16xi32> -> vector<16xf32>
          %parallel_loop3A_513 = arith.mulf %parallel_loop3A_507, %parallel_loop3A_512 : vector<16xf32>
          %parallel_loop3A_514 = arith.constant 2.000000e+00 : f32
          %parallel_loop3A_515 = vector.broadcast %parallel_loop3A_514 : f32 to vector<16xf32>
          %parallel_loop3A_516 = arith.subf %parallel_loop3A_515, %parallel_loop3A_513 : vector<16xf32>
          %parallel_loop3A_517 = arith.mulf %parallel_loop3A_512, %parallel_loop3A_516 : vector<16xf32>
          %parallel_loop3A_518 = arith.mulf %parallel_loop3A_507, %parallel_loop3A_517 : vector<16xf32>
          %parallel_loop3A_519 = arith.constant 2.000000e+00 : f32
          %parallel_loop3A_520 = vector.broadcast %parallel_loop3A_519 : f32 to vector<16xf32>
          %parallel_loop3A_521 = arith.subf %parallel_loop3A_520, %parallel_loop3A_518 : vector<16xf32>
          %parallel_loop3A_522 = arith.mulf %parallel_loop3A_517, %parallel_loop3A_521 : vector<16xf32>
          %parallel_loop3A_523 = math.absf %parallel_loop3A_465 : vector<16xf32>
          %parallel_loop3A_524 = arith.constant -1.44269502 : f32
          %parallel_loop3A_525 = vector.broadcast %parallel_loop3A_524 : f32 to vector<16xf32>
          %parallel_loop3A_526 = arith.mulf %parallel_loop3A_523, %parallel_loop3A_525 : vector<16xf32>
          %parallel_loop3A_527 = arith.constant -1.260000e+02 : f32
          %parallel_loop3A_528 = vector.broadcast %parallel_loop3A_527 : f32 to vector<16xf32>
          %parallel_loop3A_529 = arith.maximumf %parallel_loop3A_526, %parallel_loop3A_528 : vector<16xf32>
          %parallel_loop3A_530 = arith.constant 0x4B400000 : f32
          %parallel_loop3A_531 = vector.broadcast %parallel_loop3A_530 : f32 to vector<16xf32>
          %parallel_loop3A_532 = arith.addf %parallel_loop3A_529, %parallel_loop3A_531 : vector<16xf32>
          %parallel_loop3A_533 = arith.constant 0x4B400000 : f32
          %parallel_loop3A_534 = vector.broadcast %parallel_loop3A_533 : f32 to vector<16xf32>
          %parallel_loop3A_535 = arith.subf %parallel_loop3A_532, %parallel_loop3A_534 : vector<16xf32>
          %parallel_loop3A_536 = arith.subf %parallel_loop3A_529, %parallel_loop3A_535 : vector<16xf32>
          %parallel_loop3A_537 = tpu.bitcast %parallel_loop3A_532 : vector<16xf32> -> vector<16xi32>
          %parallel_loop3A_538 = arith.constant 1262485377 : i32
          %parallel_loop3A_539 = vector.broadcast %parallel_loop3A_538 : i32 to vector<16xi32>
          %parallel_loop3A_540 = arith.subi %parallel_loop3A_537, %parallel_loop3A_539 : vector<16xi32>
          %parallel_loop3A_541 = arith.constant 23 : i32
          %parallel_loop3A_542 = vector.broadcast %parallel_loop3A_541 : i32 to vector<16xi32>
          %parallel_loop3A_543 = arith.shli %parallel_loop3A_540, %parallel_loop3A_542 : vector<16xi32>
          %parallel_loop3A_544 = tpu.bitcast %parallel_loop3A_543 : vector<16xi32> -> vector<16xf32>
          %parallel_loop3A_545 = arith.constant 0.0559220351 : f32
          %parallel_loop3A_546 = vector.broadcast %parallel_loop3A_545 : f32 to vector<16xf32>
          %parallel_loop3A_547 = arith.mulf %parallel_loop3A_536, %parallel_loop3A_546 : vector<16xf32>
          %parallel_loop3A_548 = arith.constant 0.242640078 : f32
          %parallel_loop3A_549 = vector.broadcast %parallel_loop3A_548 : f32 to vector<16xf32>
          %parallel_loop3A_550 = arith.addf %parallel_loop3A_549, %parallel_loop3A_547 : vector<16xf32>
          %parallel_loop3A_551 = arith.mulf %parallel_loop3A_536, %parallel_loop3A_550 : vector<16xf32>
          %parallel_loop3A_552 = arith.constant 6.931210e-01 : f32
          %parallel_loop3A_553 = vector.broadcast %parallel_loop3A_552 : f32 to vector<16xf32>
          %parallel_loop3A_554 = arith.addf %parallel_loop3A_553, %parallel_loop3A_551 : vector<16xf32>
          %parallel_loop3A_555 = arith.mulf %parallel_loop3A_536, %parallel_loop3A_554 : vector<16xf32>
          %parallel_loop3A_556 = arith.constant 0.99992448 : f32
          %parallel_loop3A_557 = vector.broadcast %parallel_loop3A_556 : f32 to vector<16xf32>
          %parallel_loop3A_558 = arith.addf %parallel_loop3A_557, %parallel_loop3A_555 : vector<16xf32>
          %parallel_loop3A_559 = arith.mulf %parallel_loop3A_544, %parallel_loop3A_558 : vector<16xf32>
          %parallel_loop3A_560 = arith.constant 0.000000e+00 : f32
          %parallel_loop3A_561 = vector.broadcast %parallel_loop3A_560 : f32 to vector<16xf32>
          %parallel_loop3A_562 = arith.maximumf %parallel_loop3A_465, %parallel_loop3A_561 : vector<16xf32>
          %parallel_loop3A_563 = arith.constant 0.0304490048 : f32
          %parallel_loop3A_564 = vector.broadcast %parallel_loop3A_563 : f32 to vector<16xf32>
          %parallel_loop3A_565 = arith.mulf %parallel_loop3A_559, %parallel_loop3A_564 : vector<16xf32>
          %parallel_loop3A_566 = arith.constant -0.131581828 : f32
          %parallel_loop3A_567 = vector.broadcast %parallel_loop3A_566 : f32 to vector<16xf32>
          %parallel_loop3A_568 = arith.addf %parallel_loop3A_567, %parallel_loop3A_565 : vector<16xf32>
          %parallel_loop3A_569 = arith.mulf %parallel_loop3A_559, %parallel_loop3A_568 : vector<16xf32>
          %parallel_loop3A_570 = arith.constant 0.285272688 : f32
          %parallel_loop3A_571 = vector.broadcast %parallel_loop3A_570 : f32 to vector<16xf32>
          %parallel_loop3A_572 = arith.addf %parallel_loop3A_571, %parallel_loop3A_569 : vector<16xf32>
          %parallel_loop3A_573 = arith.mulf %parallel_loop3A_559, %parallel_loop3A_572 : vector<16xf32>
          %parallel_loop3A_574 = arith.constant -0.490230709 : f32
          %parallel_loop3A_575 = vector.broadcast %parallel_loop3A_574 : f32 to vector<16xf32>
          %parallel_loop3A_576 = arith.addf %parallel_loop3A_575, %parallel_loop3A_573 : vector<16xf32>
          %parallel_loop3A_577 = arith.mulf %parallel_loop3A_559, %parallel_loop3A_576 : vector<16xf32>
          %parallel_loop3A_578 = arith.constant 0.999235451 : f32
          %parallel_loop3A_579 = vector.broadcast %parallel_loop3A_578 : f32 to vector<16xf32>
          %parallel_loop3A_580 = arith.addf %parallel_loop3A_579, %parallel_loop3A_577 : vector<16xf32>
          %parallel_loop3A_581 = arith.mulf %parallel_loop3A_559, %parallel_loop3A_580 : vector<16xf32>
          %parallel_loop3A_582 = arith.constant 9.9750323E-6 : f32
          %parallel_loop3A_583 = vector.broadcast %parallel_loop3A_582 : f32 to vector<16xf32>
          %parallel_loop3A_584 = arith.addf %parallel_loop3A_583, %parallel_loop3A_581 : vector<16xf32>
          %parallel_loop3A_585 = arith.addf %parallel_loop3A_562, %parallel_loop3A_584 : vector<16xf32>
          %parallel_loop3A_586 = arith.mulf %parallel_loop3A_522, %parallel_loop3A_585 : vector<16xf32>
          %parallel_loop3A_587 = arith.index_cast %parallel_loop3A_129 : i32 to index
          %parallel_loop3A_588 = arith.constant 32 : index
          %parallel_loop3A_589 = tpu.vector_load %arg17[%parallel_loop3A_587, %parallel_loop3A_588] {strides = array<i32>} : memref<80x128xf32, #tpu.memory_space<vmem>>, vector<1x16xf32>,
          %parallel_loop3A_590 = vector.shape_cast %parallel_loop3A_589 : vector<1x16xf32> to vector<16xf32>
          %parallel_loop3A_591 = vector.shape_cast %parallel_loop3A_586 : vector<16xf32> to vector<1x16xf32>
          tpu.vector_store %arg17[%parallel_loop3A_587, %parallel_loop3A_588], %parallel_loop3A_591 {strides = array<i32>} : memref<80x128xf32, #tpu.memory_space<vmem>>, vector<1x16xf32>,
          %parallel_loop3A_592 = arith.index_cast %parallel_loop3A_129 : i32 to index
          %parallel_loop3A_593 = arith.constant 48 : index
          %parallel_loop3A_594 = tpu.vector_load %arg14[%parallel_loop3A_592, %parallel_loop3A_593] {strides = array<i32>} : memref<80x128xf32, #tpu.memory_space<vmem>>, vector<1x16xf32>,
          %parallel_loop3A_595 = vector.shape_cast %parallel_loop3A_594 : vector<1x16xf32> to vector<16xf32>
          %parallel_loop3A_596 = arith.index_cast %parallel_loop3A_129 : i32 to index
          %parallel_loop3A_597 = arith.constant 48 : index
          %parallel_loop3A_598 = tpu.vector_load %arg15[%parallel_loop3A_596, %parallel_loop3A_597] {strides = array<i32>} : memref<80x128xf32, #tpu.memory_space<vmem>>, vector<1x16xf32>,
          %parallel_loop3A_599 = vector.shape_cast %parallel_loop3A_598 : vector<1x16xf32> to vector<16xf32>
          %parallel_loop3A_600 = arith.addf %parallel_loop3A_595, %parallel_loop3A_599 : vector<16xf32>
          %parallel_loop3A_601 = arith.index_cast %parallel_loop3A_129 : i32 to index
          %parallel_loop3A_602 = arith.constant 48 : index
          %parallel_loop3A_603 = tpu.vector_load %arg16[%parallel_loop3A_601, %parallel_loop3A_602] {strides = array<i32>} : memref<80x128xf32, #tpu.memory_space<vmem>>, vector<1x16xf32>,
          %parallel_loop3A_604 = vector.shape_cast %parallel_loop3A_603 : vector<1x16xf32> to vector<16xf32>
          %parallel_loop3A_605 = arith.addf %parallel_loop3A_600, %parallel_loop3A_604 : vector<16xf32>
          %parallel_loop3A_606 = arith.index_cast %parallel_loop3A_129 : i32 to index
          %parallel_loop3A_607 = arith.constant 112 : index
          %parallel_loop3A_608 = tpu.vector_load %arg14[%parallel_loop3A_606, %parallel_loop3A_607] {strides = array<i32>} : memref<80x128xf32, #tpu.memory_space<vmem>>, vector<1x16xf32>,
          %parallel_loop3A_609 = vector.shape_cast %parallel_loop3A_608 : vector<1x16xf32> to vector<16xf32>
          %parallel_loop3A_610 = arith.index_cast %parallel_loop3A_129 : i32 to index
          %parallel_loop3A_611 = arith.constant 112 : index
          %parallel_loop3A_612 = tpu.vector_load %arg15[%parallel_loop3A_610, %parallel_loop3A_611] {strides = array<i32>} : memref<80x128xf32, #tpu.memory_space<vmem>>, vector<1x16xf32>,
          %parallel_loop3A_613 = vector.shape_cast %parallel_loop3A_612 : vector<1x16xf32> to vector<16xf32>
          %parallel_loop3A_614 = arith.addf %parallel_loop3A_609, %parallel_loop3A_613 : vector<16xf32>
          %parallel_loop3A_615 = arith.index_cast %parallel_loop3A_129 : i32 to index
          %parallel_loop3A_616 = arith.constant 112 : index
          %parallel_loop3A_617 = tpu.vector_load %arg16[%parallel_loop3A_615, %parallel_loop3A_616] {strides = array<i32>} : memref<80x128xf32, #tpu.memory_space<vmem>>, vector<1x16xf32>,
          %parallel_loop3A_618 = vector.shape_cast %parallel_loop3A_617 : vector<1x16xf32> to vector<16xf32>
          %parallel_loop3A_619 = arith.addf %parallel_loop3A_614, %parallel_loop3A_618 : vector<16xf32>
          %parallel_loop3A_620 = arith.constant -1.44269502 : f32
          %parallel_loop3A_621 = vector.broadcast %parallel_loop3A_620 : f32 to vector<16xf32>
          %parallel_loop3A_622 = arith.mulf %parallel_loop3A_605, %parallel_loop3A_621 : vector<16xf32>
          %parallel_loop3A_623 = arith.constant 1.260000e+02 : f32
          %parallel_loop3A_624 = vector.broadcast %parallel_loop3A_623 : f32 to vector<16xf32>
          %parallel_loop3A_625 = arith.minimumf %parallel_loop3A_622, %parallel_loop3A_624 : vector<16xf32>
          %parallel_loop3A_626 = arith.constant -1.260000e+02 : f32
          %parallel_loop3A_627 = vector.broadcast %parallel_loop3A_626 : f32 to vector<16xf32>
          %parallel_loop3A_628 = arith.maximumf %parallel_loop3A_625, %parallel_loop3A_627 : vector<16xf32>
          %parallel_loop3A_629 = arith.constant 0x4B400000 : f32
          %parallel_loop3A_630 = vector.broadcast %parallel_loop3A_629 : f32 to vector<16xf32>
          %parallel_loop3A_631 = arith.addf %parallel_loop3A_628, %parallel_loop3A_630 : vector<16xf32>
          %parallel_loop3A_632 = arith.constant 0x4B400000 : f32
          %parallel_loop3A_633 = vector.broadcast %parallel_loop3A_632 : f32 to vector<16xf32>
          %parallel_loop3A_634 = arith.subf %parallel_loop3A_631, %parallel_loop3A_633 : vector<16xf32>
          %parallel_loop3A_635 = arith.subf %parallel_loop3A_628, %parallel_loop3A_634 : vector<16xf32>
          %parallel_loop3A_636 = tpu.bitcast %parallel_loop3A_631 : vector<16xf32> -> vector<16xi32>
          %parallel_loop3A_637 = arith.constant 1262485377 : i32
          %parallel_loop3A_638 = vector.broadcast %parallel_loop3A_637 : i32 to vector<16xi32>
          %parallel_loop3A_639 = arith.subi %parallel_loop3A_636, %parallel_loop3A_638 : vector<16xi32>
          %parallel_loop3A_640 = arith.constant 23 : i32
          %parallel_loop3A_641 = vector.broadcast %parallel_loop3A_640 : i32 to vector<16xi32>
          %parallel_loop3A_642 = arith.shli %parallel_loop3A_639, %parallel_loop3A_641 : vector<16xi32>
          %parallel_loop3A_643 = tpu.bitcast %parallel_loop3A_642 : vector<16xi32> -> vector<16xf32>
          %parallel_loop3A_644 = arith.constant 0.0559220351 : f32
          %parallel_loop3A_645 = vector.broadcast %parallel_loop3A_644 : f32 to vector<16xf32>
          %parallel_loop3A_646 = arith.mulf %parallel_loop3A_635, %parallel_loop3A_645 : vector<16xf32>
          %parallel_loop3A_647 = arith.constant 0.242640078 : f32
          %parallel_loop3A_648 = vector.broadcast %parallel_loop3A_647 : f32 to vector<16xf32>
          %parallel_loop3A_649 = arith.addf %parallel_loop3A_648, %parallel_loop3A_646 : vector<16xf32>
          %parallel_loop3A_650 = arith.mulf %parallel_loop3A_635, %parallel_loop3A_649 : vector<16xf32>
          %parallel_loop3A_651 = arith.constant 6.931210e-01 : f32
          %parallel_loop3A_652 = vector.broadcast %parallel_loop3A_651 : f32 to vector<16xf32>
          %parallel_loop3A_653 = arith.addf %parallel_loop3A_652, %parallel_loop3A_650 : vector<16xf32>
          %parallel_loop3A_654 = arith.mulf %parallel_loop3A_635, %parallel_loop3A_653 : vector<16xf32>
          %parallel_loop3A_655 = arith.constant 0.99992448 : f32
          %parallel_loop3A_656 = vector.broadcast %parallel_loop3A_655 : f32 to vector<16xf32>
          %parallel_loop3A_657 = arith.addf %parallel_loop3A_656, %parallel_loop3A_654 : vector<16xf32>
          %parallel_loop3A_658 = arith.mulf %parallel_loop3A_643, %parallel_loop3A_657 : vector<16xf32>
          %parallel_loop3A_659 = arith.constant 1.000000e+00 : f32
          %parallel_loop3A_660 = vector.broadcast %parallel_loop3A_659 : f32 to vector<16xf32>
          %parallel_loop3A_661 = arith.addf %parallel_loop3A_660, %parallel_loop3A_658 : vector<16xf32>
          %parallel_loop3A_662 = tpu.bitcast %parallel_loop3A_661 : vector<16xf32> -> vector<16xi32>
          %parallel_loop3A_663 = arith.constant 2129859011 : i32
          %parallel_loop3A_664 = vector.broadcast %parallel_loop3A_663 : i32 to vector<16xi32>
          %parallel_loop3A_665 = arith.subi %parallel_loop3A_664, %parallel_loop3A_662 : vector<16xi32>
          %parallel_loop3A_666 = tpu.bitcast %parallel_loop3A_665 : vector<16xi32> -> vector<16xf32>
          %parallel_loop3A_667 = arith.mulf %parallel_loop3A_661, %parallel_loop3A_666 : vector<16xf32>
          %parallel_loop3A_668 = arith.constant 2.000000e+00 : f32
          %parallel_loop3A_669 = vector.broadcast %parallel_loop3A_668 : f32 to vector<16xf32>
          %parallel_loop3A_670 = arith.subf %parallel_loop3A_669, %parallel_loop3A_667 : vector<16xf32>
          %parallel_loop3A_671 = arith.mulf %parallel_loop3A_666, %parallel_loop3A_670 : vector<16xf32>
          %parallel_loop3A_672 = arith.mulf %parallel_loop3A_661, %parallel_loop3A_671 : vector<16xf32>
          %parallel_loop3A_673 = arith.constant 2.000000e+00 : f32
          %parallel_loop3A_674 = vector.broadcast %parallel_loop3A_673 : f32 to vector<16xf32>
          %parallel_loop3A_675 = arith.subf %parallel_loop3A_674, %parallel_loop3A_672 : vector<16xf32>
          %parallel_loop3A_676 = arith.mulf %parallel_loop3A_671, %parallel_loop3A_675 : vector<16xf32>
          %parallel_loop3A_677 = math.absf %parallel_loop3A_619 : vector<16xf32>
          %parallel_loop3A_678 = arith.constant -1.44269502 : f32
          %parallel_loop3A_679 = vector.broadcast %parallel_loop3A_678 : f32 to vector<16xf32>
          %parallel_loop3A_680 = arith.mulf %parallel_loop3A_677, %parallel_loop3A_679 : vector<16xf32>
          %parallel_loop3A_681 = arith.constant -1.260000e+02 : f32
          %parallel_loop3A_682 = vector.broadcast %parallel_loop3A_681 : f32 to vector<16xf32>
          %parallel_loop3A_683 = arith.maximumf %parallel_loop3A_680, %parallel_loop3A_682 : vector<16xf32>
          %parallel_loop3A_684 = arith.constant 0x4B400000 : f32
          %parallel_loop3A_685 = vector.broadcast %parallel_loop3A_684 : f32 to vector<16xf32>
          %parallel_loop3A_686 = arith.addf %parallel_loop3A_683, %parallel_loop3A_685 : vector<16xf32>
          %parallel_loop3A_687 = arith.constant 0x4B400000 : f32
          %parallel_loop3A_688 = vector.broadcast %parallel_loop3A_687 : f32 to vector<16xf32>
          %parallel_loop3A_689 = arith.subf %parallel_loop3A_686, %parallel_loop3A_688 : vector<16xf32>
          %parallel_loop3A_690 = arith.subf %parallel_loop3A_683, %parallel_loop3A_689 : vector<16xf32>
          %parallel_loop3A_691 = tpu.bitcast %parallel_loop3A_686 : vector<16xf32> -> vector<16xi32>
          %parallel_loop3A_692 = arith.constant 1262485377 : i32
          %parallel_loop3A_693 = vector.broadcast %parallel_loop3A_692 : i32 to vector<16xi32>
          %parallel_loop3A_694 = arith.subi %parallel_loop3A_691, %parallel_loop3A_693 : vector<16xi32>
          %parallel_loop3A_695 = arith.constant 23 : i32
          %parallel_loop3A_696 = vector.broadcast %parallel_loop3A_695 : i32 to vector<16xi32>
          %parallel_loop3A_697 = arith.shli %parallel_loop3A_694, %parallel_loop3A_696 : vector<16xi32>
          %parallel_loop3A_698 = tpu.bitcast %parallel_loop3A_697 : vector<16xi32> -> vector<16xf32>
          %parallel_loop3A_699 = arith.constant 0.0559220351 : f32
          %parallel_loop3A_700 = vector.broadcast %parallel_loop3A_699 : f32 to vector<16xf32>
          %parallel_loop3A_701 = arith.mulf %parallel_loop3A_690, %parallel_loop3A_700 : vector<16xf32>
          %parallel_loop3A_702 = arith.constant 0.242640078 : f32
          %parallel_loop3A_703 = vector.broadcast %parallel_loop3A_702 : f32 to vector<16xf32>
          %parallel_loop3A_704 = arith.addf %parallel_loop3A_703, %parallel_loop3A_701 : vector<16xf32>
          %parallel_loop3A_705 = arith.mulf %parallel_loop3A_690, %parallel_loop3A_704 : vector<16xf32>
          %parallel_loop3A_706 = arith.constant 6.931210e-01 : f32
          %parallel_loop3A_707 = vector.broadcast %parallel_loop3A_706 : f32 to vector<16xf32>
          %parallel_loop3A_708 = arith.addf %parallel_loop3A_707, %parallel_loop3A_705 : vector<16xf32>
          %parallel_loop3A_709 = arith.mulf %parallel_loop3A_690, %parallel_loop3A_708 : vector<16xf32>
          %parallel_loop3A_710 = arith.constant 0.99992448 : f32
          %parallel_loop3A_711 = vector.broadcast %parallel_loop3A_710 : f32 to vector<16xf32>
          %parallel_loop3A_712 = arith.addf %parallel_loop3A_711, %parallel_loop3A_709 : vector<16xf32>
          %parallel_loop3A_713 = arith.mulf %parallel_loop3A_698, %parallel_loop3A_712 : vector<16xf32>
          %parallel_loop3A_714 = arith.constant 0.000000e+00 : f32
          %parallel_loop3A_715 = vector.broadcast %parallel_loop3A_714 : f32 to vector<16xf32>
          %parallel_loop3A_716 = arith.maximumf %parallel_loop3A_619, %parallel_loop3A_715 : vector<16xf32>
          %parallel_loop3A_717 = arith.constant 0.0304490048 : f32
          %parallel_loop3A_718 = vector.broadcast %parallel_loop3A_717 : f32 to vector<16xf32>
          %parallel_loop3A_719 = arith.mulf %parallel_loop3A_713, %parallel_loop3A_718 : vector<16xf32>
          %parallel_loop3A_720 = arith.constant -0.131581828 : f32
          %parallel_loop3A_721 = vector.broadcast %parallel_loop3A_720 : f32 to vector<16xf32>
          %parallel_loop3A_722 = arith.addf %parallel_loop3A_721, %parallel_loop3A_719 : vector<16xf32>
          %parallel_loop3A_723 = arith.mulf %parallel_loop3A_713, %parallel_loop3A_722 : vector<16xf32>
          %parallel_loop3A_724 = arith.constant 0.285272688 : f32
          %parallel_loop3A_725 = vector.broadcast %parallel_loop3A_724 : f32 to vector<16xf32>
          %parallel_loop3A_726 = arith.addf %parallel_loop3A_725, %parallel_loop3A_723 : vector<16xf32>
          %parallel_loop3A_727 = arith.mulf %parallel_loop3A_713, %parallel_loop3A_726 : vector<16xf32>
          %parallel_loop3A_728 = arith.constant -0.490230709 : f32
          %parallel_loop3A_729 = vector.broadcast %parallel_loop3A_728 : f32 to vector<16xf32>
          %parallel_loop3A_730 = arith.addf %parallel_loop3A_729, %parallel_loop3A_727 : vector<16xf32>
          %parallel_loop3A_731 = arith.mulf %parallel_loop3A_713, %parallel_loop3A_730 : vector<16xf32>
          %parallel_loop3A_732 = arith.constant 0.999235451 : f32
          %parallel_loop3A_733 = vector.broadcast %parallel_loop3A_732 : f32 to vector<16xf32>
          %parallel_loop3A_734 = arith.addf %parallel_loop3A_733, %parallel_loop3A_731 : vector<16xf32>
          %parallel_loop3A_735 = arith.mulf %parallel_loop3A_713, %parallel_loop3A_734 : vector<16xf32>
          %parallel_loop3A_736 = arith.constant 9.9750323E-6 : f32
          %parallel_loop3A_737 = vector.broadcast %parallel_loop3A_736 : f32 to vector<16xf32>
          %parallel_loop3A_738 = arith.addf %parallel_loop3A_737, %parallel_loop3A_735 : vector<16xf32>
          %parallel_loop3A_739 = arith.addf %parallel_loop3A_716, %parallel_loop3A_738 : vector<16xf32>
          %parallel_loop3A_740 = arith.mulf %parallel_loop3A_676, %parallel_loop3A_739 : vector<16xf32>
          %parallel_loop3A_741 = arith.index_cast %parallel_loop3A_129 : i32 to index
          %parallel_loop3A_742 = arith.constant 48 : index
          %parallel_loop3A_743 = tpu.vector_load %arg17[%parallel_loop3A_741, %parallel_loop3A_742] {strides = array<i32>} : memref<80x128xf32, #tpu.memory_space<vmem>>, vector<1x16xf32>,
          %parallel_loop3A_744 = vector.shape_cast %parallel_loop3A_743 : vector<1x16xf32> to vector<16xf32>
          %parallel_loop3A_745 = vector.shape_cast %parallel_loop3A_740 : vector<16xf32> to vector<1x16xf32>
          tpu.vector_store %arg17[%parallel_loop3A_741, %parallel_loop3A_742], %parallel_loop3A_745 {strides = array<i32>} : memref<80x128xf32, #tpu.memory_space<vmem>>, vector<1x16xf32>,
        } {sc.loop_unroll_factor = 8 : i64, sc.parallel_access}
        "tpu.region"() ({
          %run_scoped3A = tpu.sem_alloc : memref<!tpu.dma_semaphore, #tpu.memory_space<semaphore_mem>>
          %dma_start3A_129 = arith.constant 0 : i32
          %dma_start3A_130 = arith.constant 0 : i32
          %dma_start3A_131 = tpu.memref_slice %arg18[%dma_start3A_129, %dma_start3A_130] : memref<10000x128xf32, #tpu.memory_space<vmem_shared>> -> memref<10000x128xf32, #tpu.memory_space<vmem_shared>>
          tpu.enqueue_indirect_dma source(%arg17 : memref<80x128xf32, #tpu.memory_space<vmem>>) target(%dma_start3A_131 : memref<10000x128xf32, #tpu.memory_space<vmem_shared>>) offsets(%arg13 : memref<80xi32, #tpu.memory_space<vmem>>) semaphore(%run_scoped3A : memref<!tpu.dma_semaphore, #tpu.memory_space<semaphore_mem>>) {add = true}
          %dma_wait3A_132 = arith.constant 0 : i32
          %dma_wait3A_133 = arith.constant 0 : i32
          %dma_wait3A_134 = tpu.memref_slice %arg18[%dma_wait3A_132, %dma_wait3A_133] : memref<10000x128xf32, #tpu.memory_space<vmem_shared>> -> memref<10000x128xf32, #tpu.memory_space<vmem_shared>>
          tpu.wait_indirect_dma semaphore(%run_scoped3A : memref<!tpu.dma_semaphore, #tpu.memory_space<semaphore_mem>>) src(%arg17 : memref<80x128xf32, #tpu.memory_space<vmem>>) dst(%dma_wait3A_134 : memref<10000x128xf32, #tpu.memory_space<vmem_shared>>)
          tpu.yield
        }) : () -> ()
      }
      %scan3A_43 = arith.constant 25 : i32
    }
    %scan3A_23 = arith.constant 10 : i32
    %barrier3A_24 = arith.constant 0 : index
    tpu.barrier barrier_id(%barrier3A_24)
    %add3A_25 = arith.addi %mul3A_0, %mul3A_6 : i32
    "tpu.region"() ({
      %run_scoped3A = tpu.sem_alloc : memref<!tpu.dma_semaphore, #tpu.memory_space<semaphore_mem>>
      %dma_start3A = arith.constant 0 : i32
      %dma_start3A_31 = tpu.memref_slice %arg9[%add3A_25, %dma_start3A] : memref<20000x128xf32, #tpu.memory_space<hbm>> -> memref<624x128xf32, #tpu.memory_space<hbm>>
      %dma_start3A_32 = arith.constant 0 : i32
      %dma_start3A_33 = tpu.memref_slice %arg18[%mul3A_6, %dma_start3A_32] : memref<10000x128xf32, #tpu.memory_space<vmem_shared>> -> memref<624x128xf32, #tpu.memory_space<vmem_shared>>
      tpu.enqueue_dma source(%dma_start3A_33 : memref<624x128xf32, #tpu.memory_space<vmem_shared>>) target(%dma_start3A_31 : memref<624x128xf32, #tpu.memory_space<hbm>>) target_semaphore(%run_scoped3A : memref<!tpu.dma_semaphore, #tpu.memory_space<semaphore_mem>>)
      %dma_wait3A = arith.constant 0 : i32
      %dma_wait3A_34 = tpu.memref_slice %arg9[%add3A_25, %dma_wait3A] : memref<20000x128xf32, #tpu.memory_space<hbm>> -> memref<624x128xf32, #tpu.memory_space<hbm>>
      %dma_wait3A_35 = arith.constant 0 : i32
      %dma_wait3A_36 = tpu.memref_slice %arg18[%mul3A_6, %dma_wait3A_35] : memref<10000x128xf32, #tpu.memory_space<vmem_shared>> -> memref<624x128xf32, #tpu.memory_space<vmem_shared>>
      tpu.wait_dma2 semaphore(%run_scoped3A : memref<!tpu.dma_semaphore, #tpu.memory_space<semaphore_mem>>) src(%dma_wait3A_36 : memref<624x128xf32, #tpu.memory_space<vmem_shared>>) dst(%dma_wait3A_34 : memref<624x128xf32, #tpu.memory_space<hbm>>)
      tpu.yield
    }) : () -> ()
    %lt3A_26 = arith.constant 2 : i32
    %lt3A_27 = arith.cmpi slt, %arg1, %lt3A_26 : i32
    %convert_element_type3A_28 = arith.extui %lt3A_27 : i1 to i32
    %cond3A_29 = arith.constant 0 : i32
    %cond3A_30 = arith.cmpi ne, %convert_element_type3A_28, %cond3A_29 : i32
    scf.if %cond3A_30 {
      %add3A_31 = arith.addi %mul3A_0, %add3A_10 : i32
      "tpu.region"() ({
        %run_scoped3A = tpu.sem_alloc : memref<!tpu.dma_semaphore, #tpu.memory_space<semaphore_mem>>
        %dma_start3A = arith.constant 0 : i32
        %dma_start3A_32 = tpu.memref_slice %arg9[%add3A_31, %dma_start3A] : memref<20000x128xf32, #tpu.memory_space<hbm>> -> memref<8x128xf32, #tpu.memory_space<hbm>>
        %dma_start3A_33 = arith.constant 0 : i32
        %dma_start3A_34 = tpu.memref_slice %arg18[%add3A_10, %dma_start3A_33] : memref<10000x128xf32, #tpu.memory_space<vmem_shared>> -> memref<8x128xf32, #tpu.memory_space<vmem_shared>>
        tpu.enqueue_dma source(%dma_start3A_34 : memref<8x128xf32, #tpu.memory_space<vmem_shared>>) target(%dma_start3A_32 : memref<8x128xf32, #tpu.memory_space<hbm>>) target_semaphore(%run_scoped3A : memref<!tpu.dma_semaphore, #tpu.memory_space<semaphore_mem>>)
        %dma_wait3A = arith.constant 0 : i32
        %dma_wait3A_35 = tpu.memref_slice %arg9[%add3A_31, %dma_wait3A] : memref<20000x128xf32, #tpu.memory_space<hbm>> -> memref<8x128xf32, #tpu.memory_space<hbm>>
        %dma_wait3A_36 = arith.constant 0 : i32
        %dma_wait3A_37 = tpu.memref_slice %arg18[%add3A_10, %dma_wait3A_36] : memref<10000x128xf32, #tpu.memory_space<vmem_shared>> -> memref<8x128xf32, #tpu.memory_space<vmem_shared>>
        tpu.wait_dma2 semaphore(%run_scoped3A : memref<!tpu.dma_semaphore, #tpu.memory_space<semaphore_mem>>) src(%dma_wait3A_37 : memref<8x128xf32, #tpu.memory_space<vmem_shared>>) dst(%dma_wait3A_35 : memref<8x128xf32, #tpu.memory_space<hbm>>)
        tpu.yield
      }) : () -> ()
    } else {
    }
    return
  }
}

module attributes {stable_mosaic.version = 14 : i64} {
  func.func @_proj1_body(%arg0: i32, %arg1: i32, %arg2: memref<400x128xf32, #tpu.memory_space<vmem>>, %arg3: memref<128x128xf32, #tpu.memory_space<vmem>>, %arg4: memref<128x128xf32, #tpu.memory_space<vmem>>, %arg5: memref<400x128xf32, #tpu.memory_space<vmem>>, %arg6: memref<400x128xf32, #tpu.memory_space<vmem>>) attributes {dimension_semantics = [#tpu.dimension_semantics<arbitrary>, #tpu.dimension_semantics<arbitrary>], iteration_bounds = array<i64: 25, 2>, scalar_prefetch = 0 : i64, scratch_operands = 0 : i64, tpu.core_type = #tpu.core_type<tc>, window_params = [{transform_indices = @transform_0, window_bounds = array<i64: 400, 128>}, {transform_indices = @transform_1, window_bounds = array<i64: 128, 128>}, {transform_indices = @transform_2, window_bounds = array<i64: 128, 128>}, {transform_indices = @transform_3, window_bounds = array<i64: 400, 128>}, {transform_indices = @transform_4, window_bounds = array<i64: 400, 128>}]} {
    %get3A = arith.constant 0 : index
    %get3A_0 = arith.constant 0 : index
    %get3A_1 = vector.load %arg2[%get3A, %get3A_0] : memref<400x128xf32, #tpu.memory_space<vmem>>, vector<400x128xf32>
    %get3A_2 = arith.constant 0 : index
    %get3A_3 = arith.constant 0 : index
    %get3A_4 = vector.load %arg3[%get3A_2, %get3A_3] : memref<128x128xf32, #tpu.memory_space<vmem>>, vector<128x128xf32>
    %dot_general3A = arith.constant dense<0.000000e+00> : vector<400x128xf32>
    %dot_general3A_5 = tpu.matmul %get3A_1, %get3A_4, %dot_general3A {dimension_numbers = #tpu.dot_dimension_numbers<[1], [0], [0], [1], [0, 0, 1, 1], [], []>, transpose_lhs_hint = false} : vector<400x128xf32>, vector<128x128xf32>, vector<400x128xf32> -> vector<400x128xf32>
    %swap3A = arith.constant 0 : index
    %swap3A_6 = arith.constant 0 : index
    %swap3A_7 = vector.load %arg5[%swap3A, %swap3A_6] : memref<400x128xf32, #tpu.memory_space<vmem>>, vector<400x128xf32>
    tpu.vector_store %arg5[%swap3A, %swap3A_6], %dot_general3A_5 {strides = array<i32>} : memref<400x128xf32, #tpu.memory_space<vmem>>, vector<400x128xf32>,
    %get3A_8 = arith.constant 0 : index
    %get3A_9 = arith.constant 0 : index
    %get3A_10 = vector.load %arg4[%get3A_8, %get3A_9] : memref<128x128xf32, #tpu.memory_space<vmem>>, vector<128x128xf32>
    %dot_general3A_11 = arith.constant dense<0.000000e+00> : vector<400x128xf32>
    %dot_general3A_12 = tpu.matmul %get3A_1, %get3A_10, %dot_general3A_11 {dimension_numbers = #tpu.dot_dimension_numbers<[1], [0], [0], [1], [0, 0, 1, 1], [], []>, transpose_lhs_hint = false} : vector<400x128xf32>, vector<128x128xf32>, vector<400x128xf32> -> vector<400x128xf32>
    %swap3A_13 = arith.constant 0 : index
    %swap3A_14 = arith.constant 0 : index
    %swap3A_15 = vector.load %arg6[%swap3A_13, %swap3A_14] : memref<400x128xf32, #tpu.memory_space<vmem>>, vector<400x128xf32>
    tpu.vector_store %arg6[%swap3A_13, %swap3A_14], %dot_general3A_12 {strides = array<i32>} : memref<400x128xf32, #tpu.memory_space<vmem>>, vector<400x128xf32>,
    return
  }
  func.func @transform_0(%arg0: i32, %arg1: i32) -> (i32, i32) {
    %c0_i32 = arith.constant 0 : i32
    %c0_i32_0 = arith.constant 0 : i32
    return %arg0, %c0_i32 : i32, i32
  }
  func.func @transform_1(%arg0: i32, %arg1: i32) -> (i32, i32) {
    %c0_i32 = arith.constant 0 : i32
    %c0_i32_0 = arith.constant 0 : i32
    return %c0_i32, %arg1 : i32, i32
  }
  func.func @transform_2(%arg0: i32, %arg1: i32) -> (i32, i32) {
    %c0_i32 = arith.constant 0 : i32
    %c0_i32_0 = arith.constant 0 : i32
    return %c0_i32, %arg1 : i32, i32
  }
  func.func @transform_3(%arg0: i32, %arg1: i32) -> (i32, i32) {
    %mul3A = arith.constant 25 : i32
    %mul3A_0 = arith.muli %arg1, %mul3A : i32
    %add3A = arith.addi %mul3A_0, %arg0 : i32
    %c0_i32 = arith.constant 0 : i32
    %c0_i32_1 = arith.constant 0 : i32
    return %add3A, %c0_i32 : i32, i32
  }
  func.func @transform_4(%arg0: i32, %arg1: i32) -> (i32, i32) {
    %mul3A = arith.constant 25 : i32
    %mul3A_0 = arith.muli %arg1, %mul3A : i32
    %add3A = arith.addi %mul3A_0, %arg0 : i32
    %c0_i32 = arith.constant 0 : i32
    %c0_i32_1 = arith.constant 0 : i32
    return %add3A, %c0_i32 : i32, i32
  }
}

module attributes {stable_mosaic.version = 14 : i64} {
  func.func @_edgefeat_body(%arg0: i32, %arg1: i32, %arg2: memref<2000x16xf32, #tpu.memory_space<vmem>>, %arg3: memref<16x128xf32, #tpu.memory_space<vmem>>, %arg4: memref<1x128xf32, #tpu.memory_space<vmem>>, %arg5: memref<2000x128xf32, #tpu.memory_space<vmem>>) attributes {dimension_semantics = [#tpu.dimension_semantics<arbitrary>, #tpu.dimension_semantics<arbitrary>], iteration_bounds = array<i64: 160, 2>, scalar_prefetch = 0 : i64, scratch_operands = 0 : i64, tpu.core_type = #tpu.core_type<tc>, window_params = [{transform_indices = @transform_0, window_bounds = array<i64: 2000, 16>}, {transform_indices = @transform_1, window_bounds = array<i64: 16, 128>}, {transform_indices = @transform_2, window_bounds = array<i64: 1, 128>}, {transform_indices = @transform_3, window_bounds = array<i64: 2000, 128>}]} {
    %get3A = arith.constant 0 : index
    %get3A_0 = arith.constant 0 : index
    %get3A_1 = vector.load %arg2[%get3A, %get3A_0] : memref<2000x16xf32, #tpu.memory_space<vmem>>, vector<2000x16xf32>
    %get3A_2 = arith.constant 0 : index
    %get3A_3 = arith.constant 0 : index
    %get3A_4 = vector.load %arg3[%get3A_2, %get3A_3] : memref<16x128xf32, #tpu.memory_space<vmem>>, vector<16x128xf32>
    %dot_general3A = arith.constant dense<0.000000e+00> : vector<2000x128xf32>
    %dot_general3A_5 = tpu.matmul %get3A_1, %get3A_4, %dot_general3A {dimension_numbers = #tpu.dot_dimension_numbers<[1], [0], [0], [1], [0, 0, 1, 1], [], []>, transpose_lhs_hint = false} : vector<2000x16xf32>, vector<16x128xf32>, vector<2000x128xf32> -> vector<2000x128xf32>
    %get3A_6 = arith.constant 0 : index
    %get3A_7 = arith.constant 0 : index
    %get3A_8 = vector.load %arg4[%get3A_6, %get3A_7] : memref<1x128xf32, #tpu.memory_space<vmem>>, vector<1x128xf32>
    %add3A = vector.broadcast %get3A_8 : vector<1x128xf32> to vector<2000x128xf32>
    %add3A_9 = arith.addf %dot_general3A_5, %add3A : vector<2000x128xf32>
    %swap3A = arith.constant 0 : index
    %swap3A_10 = arith.constant 0 : index
    %swap3A_11 = vector.load %arg5[%swap3A, %swap3A_10] : memref<2000x128xf32, #tpu.memory_space<vmem>>, vector<2000x128xf32>
    tpu.vector_store %arg5[%swap3A, %swap3A_10], %add3A_9 {strides = array<i32>} : memref<2000x128xf32, #tpu.memory_space<vmem>>, vector<2000x128xf32>,
    return
  }
  func.func @transform_0(%arg0: i32, %arg1: i32) -> (i32, i32) {
    %c0_i32 = arith.constant 0 : i32
    %c0_i32_0 = arith.constant 0 : i32
    return %arg0, %c0_i32 : i32, i32
  }
  func.func @transform_1(%arg0: i32, %arg1: i32) -> (i32, i32) {
    %c0_i32 = arith.constant 0 : i32
    %c0_i32_0 = arith.constant 0 : i32
    return %c0_i32, %arg1 : i32, i32
  }
  func.func @transform_2(%arg0: i32, %arg1: i32) -> (i32, i32) {
    %c0_i32 = arith.constant 0 : i32
    %c0_i32_0 = arith.constant 0 : i32
    return %c0_i32, %arg1 : i32, i32
  }
  func.func @transform_3(%arg0: i32, %arg1: i32) -> (i32, i32) {
    %mul3A = arith.constant 160 : i32
    %mul3A_0 = arith.muli %arg1, %mul3A : i32
    %add3A = arith.addi %mul3A_0, %arg0 : i32
    %c0_i32 = arith.constant 0 : i32
    %c0_i32_1 = arith.constant 0 : i32
    return %add3A, %c0_i32 : i32, i32
  }
}

module attributes {stable_mosaic.version = 14 : i64} {
  func.func @_proj2_body(%arg0: i32, %arg1: i32, %arg2: memref<400x128xf32, #tpu.memory_space<vmem>>, %arg3: memref<400x128xf32, #tpu.memory_space<vmem>>, %arg4: memref<400x128xf32, #tpu.memory_space<vmem>>, %arg5: memref<128x128xf32, #tpu.memory_space<vmem>>, %arg6: memref<128x128xf32, #tpu.memory_space<vmem>>, %arg7: memref<400x128xf32, #tpu.memory_space<vmem>>, %arg8: memref<400x128xf32, #tpu.memory_space<vmem>>, %arg9: memref<400x128xf32, #tpu.memory_space<vmem>>) attributes {dimension_semantics = [#tpu.dimension_semantics<arbitrary>, #tpu.dimension_semantics<arbitrary>], iteration_bounds = array<i64: 25, 2>, scalar_prefetch = 0 : i64, scratch_operands = 0 : i64, tpu.core_type = #tpu.core_type<tc>, window_params = [{transform_indices = @transform_0, window_bounds = array<i64: 400, 128>}, {transform_indices = @transform_1, window_bounds = array<i64: 400, 128>}, {transform_indices = @transform_2, window_bounds = array<i64: 400, 128>}, {transform_indices = @transform_3, window_bounds = array<i64: 128, 128>}, {transform_indices = @transform_4, window_bounds = array<i64: 128, 128>}, {transform_indices = @transform_5, window_bounds = array<i64: 400, 128>}, {transform_indices = @transform_6, window_bounds = array<i64: 400, 128>}, {transform_indices = @transform_7, window_bounds = array<i64: 400, 128>}]} {
    %get3A = arith.constant 0 : index
    %get3A_0 = arith.constant 0 : index
    %get3A_1 = vector.load %arg2[%get3A, %get3A_0] : memref<400x128xf32, #tpu.memory_space<vmem>>, vector<400x128xf32>
    %get3A_2 = arith.constant 0 : index
    %get3A_3 = arith.constant 0 : index
    %get3A_4 = vector.load %arg3[%get3A_2, %get3A_3] : memref<400x128xf32, #tpu.memory_space<vmem>>, vector<400x64xf32>
    %get3A_5 = arith.constant 0 : index
    %get3A_6 = arith.constant 0 : index
    %get3A_7 = vector.load %arg4[%get3A_5, %get3A_6] : memref<400x128xf32, #tpu.memory_space<vmem>>, vector<400x64xf32>
    %concatenate3A = tpu.concatenate %get3A_4, %get3A_7 in 1 : vector<400x64xf32>, vector<400x64xf32> -> vector<400x128xf32>
    %add3A = arith.addf %get3A_1, %concatenate3A : vector<400x128xf32>
    %swap3A = arith.constant 0 : index
    %swap3A_8 = arith.constant 0 : index
    %swap3A_9 = vector.load %arg7[%swap3A, %swap3A_8] : memref<400x128xf32, #tpu.memory_space<vmem>>, vector<400x128xf32>
    tpu.vector_store %arg7[%swap3A, %swap3A_8], %add3A {strides = array<i32>} : memref<400x128xf32, #tpu.memory_space<vmem>>, vector<400x128xf32>,
    %get3A_10 = arith.constant 0 : index
    %get3A_11 = arith.constant 0 : index
    %get3A_12 = vector.load %arg5[%get3A_10, %get3A_11] : memref<128x128xf32, #tpu.memory_space<vmem>>, vector<128x128xf32>
    %dot_general3A = arith.constant dense<0.000000e+00> : vector<400x128xf32>
    %dot_general3A_13 = tpu.matmul %add3A, %get3A_12, %dot_general3A {dimension_numbers = #tpu.dot_dimension_numbers<[1], [0], [0], [1], [0, 0, 1, 1], [], []>, transpose_lhs_hint = false} : vector<400x128xf32>, vector<128x128xf32>, vector<400x128xf32> -> vector<400x128xf32>
    %swap3A_14 = arith.constant 0 : index
    %swap3A_15 = arith.constant 0 : index
    %swap3A_16 = vector.load %arg8[%swap3A_14, %swap3A_15] : memref<400x128xf32, #tpu.memory_space<vmem>>, vector<400x128xf32>
    tpu.vector_store %arg8[%swap3A_14, %swap3A_15], %dot_general3A_13 {strides = array<i32>} : memref<400x128xf32, #tpu.memory_space<vmem>>, vector<400x128xf32>,
    %get3A_17 = arith.constant 0 : index
    %get3A_18 = arith.constant 0 : index
    %get3A_19 = vector.load %arg6[%get3A_17, %get3A_18] : memref<128x128xf32, #tpu.memory_space<vmem>>, vector<128x128xf32>
    %dot_general3A_20 = arith.constant dense<0.000000e+00> : vector<400x128xf32>
    %dot_general3A_21 = tpu.matmul %add3A, %get3A_19, %dot_general3A_20 {dimension_numbers = #tpu.dot_dimension_numbers<[1], [0], [0], [1], [0, 0, 1, 1], [], []>, transpose_lhs_hint = false} : vector<400x128xf32>, vector<128x128xf32>, vector<400x128xf32> -> vector<400x128xf32>
    %swap3A_22 = arith.constant 0 : index
    %swap3A_23 = arith.constant 0 : index
    %swap3A_24 = vector.load %arg9[%swap3A_22, %swap3A_23] : memref<400x128xf32, #tpu.memory_space<vmem>>, vector<400x128xf32>
    tpu.vector_store %arg9[%swap3A_22, %swap3A_23], %dot_general3A_21 {strides = array<i32>} : memref<400x128xf32, #tpu.memory_space<vmem>>, vector<400x128xf32>,
    return
  }
  func.func @transform_0(%arg0: i32, %arg1: i32) -> (i32, i32) {
    %c0_i32 = arith.constant 0 : i32
    %c0_i32_0 = arith.constant 0 : i32
    return %arg0, %c0_i32 : i32, i32
  }
  func.func @transform_1(%arg0: i32, %arg1: i32) -> (i32, i32) {
    %c0_i32 = arith.constant 0 : i32
    %c0_i32_0 = arith.constant 0 : i32
    return %arg0, %c0_i32 : i32, i32
  }
  func.func @transform_2(%arg0: i32, %arg1: i32) -> (i32, i32) {
    %add3A = arith.constant 25 : i32
    %add3A_0 = arith.addi %arg0, %add3A : i32
    %c0_i32 = arith.constant 0 : i32
    %c0_i32_1 = arith.constant 0 : i32
    return %add3A_0, %c0_i32 : i32, i32
  }
  func.func @transform_3(%arg0: i32, %arg1: i32) -> (i32, i32) {
    %c0_i32 = arith.constant 0 : i32
    %c0_i32_0 = arith.constant 0 : i32
    return %c0_i32, %arg1 : i32, i32
  }
  func.func @transform_4(%arg0: i32, %arg1: i32) -> (i32, i32) {
    %c0_i32 = arith.constant 0 : i32
    %c0_i32_0 = arith.constant 0 : i32
    return %c0_i32, %arg1 : i32, i32
  }
  func.func @transform_5(%arg0: i32, %arg1: i32) -> (i32, i32) {
    %c0_i32 = arith.constant 0 : i32
    %c0_i32_0 = arith.constant 0 : i32
    return %arg0, %c0_i32 : i32, i32
  }
  func.func @transform_6(%arg0: i32, %arg1: i32) -> (i32, i32) {
    %mul3A = arith.constant 25 : i32
    %mul3A_0 = arith.muli %arg1, %mul3A : i32
    %add3A = arith.addi %mul3A_0, %arg0 : i32
    %c0_i32 = arith.constant 0 : i32
    %c0_i32_1 = arith.constant 0 : i32
    return %add3A, %c0_i32 : i32, i32
  }
  func.func @transform_7(%arg0: i32, %arg1: i32) -> (i32, i32) {
    %mul3A = arith.constant 25 : i32
    %mul3A_0 = arith.muli %arg1, %mul3A : i32
    %add3A = arith.addi %mul3A_0, %arg0 : i32
    %c0_i32 = arith.constant 0 : i32
    %c0_i32_1 = arith.constant 0 : i32
    return %add3A, %c0_i32 : i32, i32
  }
}

module attributes {stable_mosaic.version = 14 : i64} {
  func.func @_tail_body(%arg0: i32, %arg1: memref<400x128xf32, #tpu.memory_space<vmem>>, %arg2: memref<400x128xf32, #tpu.memory_space<vmem>>, %arg3: memref<400x128xf32, #tpu.memory_space<vmem>>, %arg4: memref<1x1x400xi32, #tpu.memory_space<vmem>>, %arg5: memref<128x64xf32, #tpu.memory_space<vmem>>, %arg6: memref<1x64xf32, #tpu.memory_space<vmem>>, %arg7: memref<64x64xf32, #tpu.memory_space<vmem>>, %arg8: memref<1x64xf32, #tpu.memory_space<vmem>>, %arg9: memref<1x64xf32, #tpu.memory_space<vmem>>, %arg10: memref<1x1xf32, #tpu.memory_space<vmem>>, %arg11: memref<128x1xf32, #tpu.memory_space<vmem>>, %arg12: memref<128x64xf32, #tpu.memory_space<vmem>>) attributes {dimension_semantics = [#tpu.dimension_semantics<arbitrary>], iteration_bounds = array<i64: 25>, scalar_prefetch = 0 : i64, scratch_operands = 1 : i64, tpu.core_type = #tpu.core_type<tc>, window_params = [{transform_indices = @transform_0, window_bounds = array<i64: 400, 128>}, {transform_indices = @transform_1, window_bounds = array<i64: 400, 128>}, {transform_indices = @transform_2, window_bounds = array<i64: 400, 128>}, {transform_indices = @transform_3, window_bounds = array<i64: 1, 1, 400>}, {pipeline_mode = #tpu.pipeline_mode<synchronous>, transform_indices = @transform_4, window_bounds = array<i64: 128, 64>}, {pipeline_mode = #tpu.pipeline_mode<synchronous>, transform_indices = @transform_5, window_bounds = array<i64: 1, 64>}, {pipeline_mode = #tpu.pipeline_mode<synchronous>, transform_indices = @transform_6, window_bounds = array<i64: 64, 64>}, {pipeline_mode = #tpu.pipeline_mode<synchronous>, transform_indices = @transform_7, window_bounds = array<i64: 1, 64>}, {pipeline_mode = #tpu.pipeline_mode<synchronous>, transform_indices = @transform_8, window_bounds = array<i64: 1, 64>}, {pipeline_mode = #tpu.pipeline_mode<synchronous>, transform_indices = @transform_9, window_bounds = array<i64: 1, 1>}, {pipeline_mode = #tpu.pipeline_mode<synchronous>, transform_indices = @transform_10, window_bounds = array<i64: 128, 1>}]} {
    %eq3A = arith.constant 0 : i32
    %eq3A_0 = arith.cmpi eq, %arg0, %eq3A : i32
    %convert_element_type3A = arith.extui %eq3A_0 : i1 to i32
    %cond3A = arith.constant 0 : i32
    %cond3A_1 = arith.cmpi ne, %convert_element_type3A, %cond3A : i32
    scf.if %cond3A_1 {
      %broadcast_in_dim3A_52 = arith.constant 0.000000e+00 : f32
      %broadcast_in_dim3A_53 = vector.broadcast %broadcast_in_dim3A_52 : f32 to vector<128x64xf32>
      %swap3A_54 = arith.constant 0 : index
      %swap3A_55 = arith.constant 0 : index
      %swap3A_56 = vector.load %arg12[%swap3A_54, %swap3A_55] : memref<128x64xf32, #tpu.memory_space<vmem>>, vector<128x64xf32>
      tpu.vector_store %arg12[%swap3A_54, %swap3A_55], %broadcast_in_dim3A_53 {strides = array<i32>} : memref<128x64xf32, #tpu.memory_space<vmem>>, vector<128x64xf32>,
    } else {
    }
    %get3A = arith.constant 0 : index
    %get3A_2 = arith.constant 0 : index
    %get3A_3 = vector.load %arg1[%get3A, %get3A_2] : memref<400x128xf32, #tpu.memory_space<vmem>>, vector<400x128xf32>
    %get3A_4 = arith.constant 0 : index
    %get3A_5 = arith.constant 0 : index
    %get3A_6 = vector.load %arg2[%get3A_4, %get3A_5] : memref<400x128xf32, #tpu.memory_space<vmem>>, vector<400x64xf32>
    %get3A_7 = arith.constant 0 : index
    %get3A_8 = arith.constant 0 : index
    %get3A_9 = vector.load %arg3[%get3A_7, %get3A_8] : memref<400x128xf32, #tpu.memory_space<vmem>>, vector<400x64xf32>
    %concatenate3A = tpu.concatenate %get3A_6, %get3A_9 in 1 : vector<400x64xf32>, vector<400x64xf32> -> vector<400x128xf32>
    %add3A = arith.addf %get3A_3, %concatenate3A : vector<400x128xf32>
    %ge3A = arith.constant 0.000000e+00 : f32
    %ge3A_10 = vector.broadcast %ge3A : f32 to vector<400x128xf32>
    %ge3A_11 = arith.cmpf oge, %add3A, %ge3A_10 : vector<400x128xf32>
    %mul3A = arith.constant 0.00999999977 : f32
    %mul3A_12 = vector.broadcast %mul3A : f32 to vector<400x128xf32>
    %mul3A_13 = arith.mulf %mul3A_12, %add3A : vector<400x128xf32>
    %select_n3A = arith.select %ge3A_11, %add3A, %mul3A_13 : vector<400x128xi1>, vector<400x128xf32>
    %get3A_14 = arith.constant 0 : index
    %get3A_15 = arith.constant 0 : index
    %get3A_16 = vector.load %arg5[%get3A_14, %get3A_15] : memref<128x64xf32, #tpu.memory_space<vmem>>, vector<128x64xf32>
    %dot_general3A = arith.constant dense<0.000000e+00> : vector<400x64xf32>
    %dot_general3A_17 = tpu.matmul %select_n3A, %get3A_16, %dot_general3A {dimension_numbers = #tpu.dot_dimension_numbers<[1], [0], [0], [1], [0, 0, 1, 1], [], []>, transpose_lhs_hint = false} : vector<400x128xf32>, vector<128x64xf32>, vector<400x64xf32> -> vector<400x64xf32>
    %get3A_18 = arith.constant 0 : index
    %get3A_19 = arith.constant 0 : index
    %get3A_20 = vector.load %arg6[%get3A_18, %get3A_19] : memref<1x64xf32, #tpu.memory_space<vmem>>, vector<1x64xf32>
    %add3A_21 = vector.broadcast %get3A_20 : vector<1x64xf32> to vector<400x64xf32>
    %add3A_22 = arith.addf %dot_general3A_17, %add3A_21 : vector<400x64xf32>
    %ge3A_23 = arith.constant 0.000000e+00 : f32
    %ge3A_24 = vector.broadcast %ge3A_23 : f32 to vector<400x64xf32>
    %ge3A_25 = arith.cmpf oge, %add3A_22, %ge3A_24 : vector<400x64xf32>
    %mul3A_26 = arith.constant 0.00999999977 : f32
    %mul3A_27 = vector.broadcast %mul3A_26 : f32 to vector<400x64xf32>
    %mul3A_28 = arith.mulf %mul3A_27, %add3A_22 : vector<400x64xf32>
    %select_n3A_29 = arith.select %ge3A_25, %add3A_22, %mul3A_28 : vector<400x64xi1>, vector<400x64xf32>
    %get3A_30 = arith.constant 0 : index
    %get3A_31 = arith.constant 0 : index
    %get3A_32 = arith.constant 0 : index
    %get3A_33 = vector.load %arg4[%get3A_30, %get3A_31, %get3A_32] : memref<1x1x400xi32, #tpu.memory_space<vmem>>, vector<1x1x400xi32>
    %get3A_34 = vector.shape_cast %get3A_33 : vector<1x1x400xi32> to vector<400xi32>
    %iota3A = tpu.iota {dimensions = array<i32: 1>} : vector<400x128xi32>
    %broadcast_in_dim3A = vector.shape_cast %get3A_34 : vector<400xi32> to vector<400x1xi32>
    %eq3A_35 = vector.broadcast %broadcast_in_dim3A : vector<400x1xi32> to vector<400x128xi32>
    %eq3A_36 = arith.cmpi eq, %eq3A_35, %iota3A : vector<400x128xi32>
    %convert_element_type3A_37 = arith.extui %eq3A_36 : vector<400x128xi1> to vector<400x128xi32>
    %convert_element_type3A_38 = arith.sitofp %convert_element_type3A_37 : vector<400x128xi32> to vector<400x128xf32>
    %get3A_39 = arith.constant 0 : index
    %get3A_40 = arith.constant 0 : index
    %get3A_41 = vector.load %arg12[%get3A_39, %get3A_40] : memref<128x64xf32, #tpu.memory_space<vmem>>, vector<128x64xf32>
    %dot_general3A_42 = arith.constant dense<0.000000e+00> : vector<128x64xf32>
    %dot_general3A_43 = tpu.matmul %convert_element_type3A_38, %select_n3A_29, %dot_general3A_42 {dimension_numbers = #tpu.dot_dimension_numbers<[0], [0], [1], [1], [0, 1, 1, 1], [], []>, transpose_lhs_hint = false} : vector<400x128xf32>, vector<400x64xf32>, vector<128x64xf32> -> vector<128x64xf32>
    %add3A_44 = arith.addf %get3A_41, %dot_general3A_43 : vector<128x64xf32>
    %swap3A = arith.constant 0 : index
    %swap3A_45 = arith.constant 0 : index
    %swap3A_46 = vector.load %arg12[%swap3A, %swap3A_45] : memref<128x64xf32, #tpu.memory_space<vmem>>, vector<128x64xf32>
    tpu.vector_store %arg12[%swap3A, %swap3A_45], %add3A_44 {strides = array<i32>} : memref<128x64xf32, #tpu.memory_space<vmem>>, vector<128x64xf32>,
    %eq3A_47 = arith.constant 24 : i32
    %eq3A_48 = arith.cmpi eq, %arg0, %eq3A_47 : i32
    %convert_element_type3A_49 = arith.extui %eq3A_48 : i1 to i32
    %cond3A_50 = arith.constant 0 : i32
    %cond3A_51 = arith.cmpi ne, %convert_element_type3A_49, %cond3A_50 : i32
    scf.if %cond3A_51 {
      %get3A_52 = arith.constant 0 : index
      %get3A_53 = arith.constant 0 : index
      %get3A_54 = vector.load %arg12[%get3A_52, %get3A_53] : memref<128x64xf32, #tpu.memory_space<vmem>>, vector<128x64xf32>
      %get3A_55 = arith.constant 0 : index
      %get3A_56 = arith.constant 0 : index
      %get3A_57 = vector.load %arg7[%get3A_55, %get3A_56] : memref<64x64xf32, #tpu.memory_space<vmem>>, vector<64x64xf32>
      %dot_general3A_58 = arith.constant dense<0.000000e+00> : vector<128x64xf32>
      %dot_general3A_59 = tpu.matmul %get3A_54, %get3A_57, %dot_general3A_58 {dimension_numbers = #tpu.dot_dimension_numbers<[1], [0], [0], [1], [0, 0, 1, 1], [], []>, transpose_lhs_hint = false} : vector<128x64xf32>, vector<64x64xf32>, vector<128x64xf32> -> vector<128x64xf32>
      %get3A_60 = arith.constant 0 : index
      %get3A_61 = arith.constant 0 : index
      %get3A_62 = vector.load %arg8[%get3A_60, %get3A_61] : memref<1x64xf32, #tpu.memory_space<vmem>>, vector<1x64xf32>
      %add3A_63 = vector.broadcast %get3A_62 : vector<1x64xf32> to vector<128x64xf32>
      %add3A_64 = arith.addf %dot_general3A_59, %add3A_63 : vector<128x64xf32>
      %ge3A_65 = arith.constant 0.000000e+00 : f32
      %ge3A_66 = vector.broadcast %ge3A_65 : f32 to vector<128x64xf32>
      %ge3A_67 = arith.cmpf oge, %add3A_64, %ge3A_66 : vector<128x64xf32>
      %mul3A_68 = arith.constant 0.00999999977 : f32
      %mul3A_69 = vector.broadcast %mul3A_68 : f32 to vector<128x64xf32>
      %mul3A_70 = arith.mulf %mul3A_69, %add3A_64 : vector<128x64xf32>
      %select_n3A_71 = arith.select %ge3A_67, %add3A_64, %mul3A_70 : vector<128x64xi1>, vector<128x64xf32>
      %get3A_72 = arith.constant 0 : index
      %get3A_73 = arith.constant 0 : index
      %get3A_74 = vector.load %arg9[%get3A_72, %get3A_73] : memref<1x64xf32, #tpu.memory_space<vmem>>, vector<1x64xf32>
      %mul3A_75 = vector.broadcast %get3A_74 : vector<1x64xf32> to vector<128x64xf32>
      %mul3A_76 = arith.mulf %select_n3A_71, %mul3A_75 : vector<128x64xf32>
      %reduce_sum3A = arith.constant dense<0.000000e+00> : vector<128xf32>
      %reduce_sum3A_77 = vector.multi_reduction <add>, %mul3A_76, %reduce_sum3A [1] : vector<128x64xf32> to vector<128xf32>
      %broadcast_in_dim3A_78 = vector.shape_cast %reduce_sum3A_77 : vector<128xf32> to vector<128x1xf32>
      %get3A_79 = arith.constant 0 : index
      %get3A_80 = arith.constant 0 : index
      %get3A_81 = vector.load %arg10[%get3A_79, %get3A_80] : memref<1x1xf32, #tpu.memory_space<vmem>>, vector<1x1xf32>
      %add3A_82 = vector.broadcast %get3A_81 : vector<1x1xf32> to vector<128x1xf32>
      %add3A_83 = arith.addf %broadcast_in_dim3A_78, %add3A_82 : vector<128x1xf32>
      %max3A = arith.constant 0.000000e+00 : f32
      %max3A_84 = vector.broadcast %max3A : f32 to vector<128x1xf32>
      %max3A_85 = arith.maximumf %add3A_83, %max3A_84 : vector<128x1xf32>
      %swap3A_86 = arith.constant 0 : index
      %swap3A_87 = arith.constant 0 : index
      %swap3A_88 = vector.load %arg11[%swap3A_86, %swap3A_87] : memref<128x1xf32, #tpu.memory_space<vmem>>, vector<128x1xf32>
      tpu.vector_store %arg11[%swap3A_86, %swap3A_87], %max3A_85 {strides = array<i32>} : memref<128x1xf32, #tpu.memory_space<vmem>>, vector<128x1xf32>,
    } else {
    }
    return
  }
  func.func @transform_0(%arg0: i32) -> (i32, i32) {
    %c0_i32 = arith.constant 0 : i32
    %c0_i32_0 = arith.constant 0 : i32
    return %arg0, %c0_i32 : i32, i32
  }
  func.func @transform_1(%arg0: i32) -> (i32, i32) {
    %c0_i32 = arith.constant 0 : i32
    %c0_i32_0 = arith.constant 0 : i32
    return %arg0, %c0_i32 : i32, i32
  }
  func.func @transform_2(%arg0: i32) -> (i32, i32) {
    %add3A = arith.constant 25 : i32
    %add3A_0 = arith.addi %arg0, %add3A : i32
    %c0_i32 = arith.constant 0 : i32
    %c0_i32_1 = arith.constant 0 : i32
    return %add3A_0, %c0_i32 : i32, i32
  }
  func.func @transform_3(%arg0: i32) -> (i32, i32, i32) {
    %c0_i32 = arith.constant 0 : i32
    %c0_i32_0 = arith.constant 0 : i32
    %c0_i32_1 = arith.constant 0 : i32
    return %arg0, %c0_i32, %c0_i32_0 : i32, i32, i32
  }
  func.func @transform_4(%arg0: i32) -> (i32, i32) {
    %c0_i32 = arith.constant 0 : i32
    %c0_i32_0 = arith.constant 0 : i32
    %c0_i32_1 = arith.constant 0 : i32
    return %c0_i32, %c0_i32_0 : i32, i32
  }
  func.func @transform_5(%arg0: i32) -> (i32, i32) {
    %c0_i32 = arith.constant 0 : i32
    %c0_i32_0 = arith.constant 0 : i32
    %c0_i32_1 = arith.constant 0 : i32
    return %c0_i32, %c0_i32_0 : i32, i32
  }
  func.func @transform_6(%arg0: i32) -> (i32, i32) {
    %c0_i32 = arith.constant 0 : i32
    %c0_i32_0 = arith.constant 0 : i32
    %c0_i32_1 = arith.constant 0 : i32
    return %c0_i32, %c0_i32_0 : i32, i32
  }
  func.func @transform_7(%arg0: i32) -> (i32, i32) {
    %c0_i32 = arith.constant 0 : i32
    %c0_i32_0 = arith.constant 0 : i32
    %c0_i32_1 = arith.constant 0 : i32
    return %c0_i32, %c0_i32_0 : i32, i32
  }
  func.func @transform_8(%arg0: i32) -> (i32, i32) {
    %c0_i32 = arith.constant 0 : i32
    %c0_i32_0 = arith.constant 0 : i32
    %c0_i32_1 = arith.constant 0 : i32
    return %c0_i32, %c0_i32_0 : i32, i32
  }
  func.func @transform_9(%arg0: i32) -> (i32, i32) {
    %c0_i32 = arith.constant 0 : i32
    %c0_i32_0 = arith.constant 0 : i32
    %c0_i32_1 = arith.constant 0 : i32
    return %c0_i32, %c0_i32_0 : i32, i32
  }
  func.func @transform_10(%arg0: i32) -> (i32, i32) {
    %c0_i32 = arith.constant 0 : i32
    %c0_i32_0 = arith.constant 0 : i32
    %c0_i32_1 = arith.constant 0 : i32
    return %c0_i32, %c0_i32_0 : i32, i32
  }
}

</mosaic_0001>

<sc_bundles>
// kernel: kernel.12.cloned.1.call-start
scs
__scs_entry_jumppad:
0x0: {  	(pc) =	sbr.rel $0x88, $3  }
0x1: {  	(tag) =	ssettag $0x0;
	lr =	simm.s32 $0x1  }
0x2: {  	[smem:$0x3F8F] =	sst lr;
	_ =	strace $0xD0000000  }
0x3: {  	_ = 	snop  }
0x4: {  	_ = 	snop  }
0x5: {  	_ = 	snop  }
0x6: {  	_ = 	snop  }
0x7: {  	_ = 	snop  }
__scs_overlays_trampoline_lowered:
0x8: {  	[smem:$0x3F9E] =	sst s0  }
0x9: {  	[smem:$0x3F9F] =	sst s1  }
0xa: {  	[smem:$0x3FA0] =	sst s2  }
0xb: {  	[smem:$0x3FA1] =	sst s3  }
0xc: {  	[smem:$0x3FA2] =	sst s4  }
0xd: {  	[smem:$0x3FA3] =	sst s5  }
0xe: {  	[smem:$0x3FA4] =	sst s6  }
0xf: {  	[smem:$0x3FA5] =	sst s7  }
0x10: {  	[smem:$0x3FA6] =	sst s8  }
0x11: {  	[smem:$0x3FA7] =	sst s9;
	s0 =	simm.s32 @!p0 $0x0  }
0x12: {  	s1 =	sld [smem:$0x3F8D];
	s0 =	simm.s32 @p0 $0x1  }
0x13: {  	[smem:$0x3FA8] =	sst s0;
	s0 =	simm.s32 @!p1 $0x0  }
0x14: {  	s2 =	sld [smem:$0x3F8C];
	s0 =	simm.s32 @p1 $0x1  }
0x15: {  	[smem:$0x3FA9] =	sst s0;
	s0 =	simm.s32 @!p2 $0x0  }
0x16: {  	s3 =	sld [smem:$0x3FDB];
	s0 =	simm.s32 @p2 $0x1  }
0x17: {  	s4 =	simm.s32 $0x1BF5;
	[smem:$0x3FAB] =	sst s0  }
0x18: {  	s0 =	sld [smem:$0x3F8E];
	_ =	swait.ge [sflag:s4], $0x0  }
0x19: {  	s7 =	sld [smem:$0x3F8F]  }
0x1a: {  	s8 =	sadd.s32 $0xFFFFE003, lr  }
0x1b: {  	s9 =	sadd.s32 $0xFFFFFEF7, lr;
	s5 =	simm.s32 $0xFFFFFFFF;
	p2 =	slt.u32 s8, $0xFFFFF086  }
0x1c: {  	p1 =	slt.u32 s9, $0xF7A;
	s5 =	simm.s32 @!p2 $0x0  }
0x1d: {  	s5 =	simm.s32 @p1 $0x1;
	p0 =	seq.s32 s7, s2  }
0x1e: {  	s7 =	smul.u32 @!p0 $0xF7A, s2;
	p2 =	seq.s32 @!p0 s5, $0x0  }
0x1f: {  	s9 =	smul.u32 $0xF7A, s1;
	s8 =	simm.s32 @!p0 $0x1BF5;
	p2 =	por !p2, p0  }
0x20: {  	[sflag:s8] =	ssyncset.s32 @!p0 $0xFFFFF086;
	s6 =	sadd.s32 @!p0 s3, s7;
	s7 =	simm.s32 @!p0 $0x108  }
0x21: {  	s3 =	sadd.s32 s3, s9;
	s6 =	sadd.s32 @!p0 $0x88, s6;
	s7 =	simm.s32 @p2 $0x1082  }
0x22: {  	[simem:s7], [sflag:s8] =	dma.local @!p0 [hbm:s6], $0xF7A  }
0x23: {  	s9 =	sor.u32 $0xD0000000, s2;
	s6 =	simm.s32 $0x108;
	_ =	swait.ge @!p0 [sflag:s8], $0x0  }
0x24: {  	s3 =	sadd.s32 $0x88, s3;
	s6 =	simm.s32 @!p1 $0x1082;
	[sflag:s4] =	ssyncset.s32 $0xFFFFF086  }
0x25: {  	[simem:s6], [sflag:s4] =	dma.local [hbm:s3], $0xF7A  }
0x26: {  	[smem:$0x3F8F] =	sst s1;
	(tag) =	ssettag s2;
	_ =	strace s9  }
0x27: {  	s1 =	sld [smem:$0x3F9F]  }
0x28: {  	s2 =	sld [smem:$0x3FA0]  }
0x29: {  	s4 =	sld [smem:$0x3FA2]  }
0x2a: {  	p0 =	seq.s32 s5, $0x0;
	s5 =	sld [smem:$0x3FA3]  }
0x2b: {  	s6 =	sld [smem:$0x3FA4]  }
0x2c: {  	s7 =	sld [smem:$0x3FA5]  }
0x2d: {  	s3 =	simm.s32 $0x108;
	s8 =	sld [smem:$0x3FA6]  }
0x2e: {  	s3 =	simm.s32 @!p0 $0x1082;
	s9 =	sld [smem:$0x3FA7]  }
0x2f: {  	lr =	sadd.s32 s0, s3;
	s0 =	sld [smem:$0x3F9E]  }
0x30: {  	s3 =	sld [smem:$0x3FA1]  }
0x31: {  	[smem:$0x3FAA] =	sst s10  }
0x32: {  	s10 =	sld [smem:$0x3FA8];
	_ =	sdelay $0x3  }
0x33: {  	p0 =	seq.s32 s10, $0x1;
	s10 =	sld [smem:$0x3FAA];
	_ =	sdelay $0x3  }
0x34: {  	[smem:$0x3FAA] =	sst s10  }
0x35: {  	s10 =	sld [smem:$0x3FA9];
	_ =	sdelay $0x3  }
0x36: {  	p1 =	seq.s32 s10, $0x1;
	s10 =	sld [smem:$0x3FAA];
	_ =	sdelay $0x3  }
0x37: {  	[smem:$0x3FAA] =	sst s10  }
0x38: {  	s10 =	sld [smem:$0x3FAB]  }
0x39: {  	_ = 	snop;
	(pc) =	sbr.ind lr, $3  }
0x3a: {  	_ = 	snop  }
0x3b: {  	_ = 	snop  }
0x3c: {  	p2 =	seq.s32 s10, $0x1;
	s10 =	sld [smem:$0x3FAA]  }
0x3d: {  	_ =	shalt  }
0x3e: {  	_ =	shalt  }
0x3f: {  	_ =	shalt  }
0x40: {  	_ =	shalt  }
0x41: {  	_ =	shalt  }
0x42: {  	_ =	shalt  }
0x43: {  	_ =	shalt  }
0x44: {  	_ =	shalt  }
0x45: {  	_ =	shalt  }
0x46: {  	_ =	shalt  }
0x47: {  	_ =	shalt  }
0x48: {  	_ =	shalt  }
0x49: {  	_ =	shalt  }
0x4a: {  	_ =	shalt  }
0x4b: {  	_ =	shalt  }
0x4c: {  	_ =	shalt  }
0x4d: {  	_ =	shalt  }
0x4e: {  	_ =	shalt  }
0x4f: {  	_ =	shalt  }
0x50: {  	_ =	shalt  }
0x51: {  	_ =	shalt  }
0x52: {  	_ =	shalt  }
0x53: {  	_ =	shalt  }
0x54: {  	_ =	shalt  }
0x55: {  	_ =	shalt  }
0x56: {  	_ =	shalt  }
0x57: {  	_ =	shalt  }
0x58: {  	_ =	shalt  }
0x59: {  	_ =	shalt  }
0x5a: {  	_ =	shalt  }
0x5b: {  	_ =	shalt  }
0x5c: {  	_ =	shalt  }
0x5d: {  	_ =	shalt  }
0x5e: {  	_ =	shalt  }
0x5f: {  	_ =	shalt  }
0x60: {  	_ =	shalt  }
0x61: {  	_ =	shalt  }
0x62: {  	_ =	shalt  }
0x63: {  	_ =	shalt  }
0x64: {  	_ =	shalt  }
0x65: {  	_ =	shalt  }
0x66: {  	_ =	shalt  }
0x67: {  	_ =	shalt  }
0x68: {  	_ =	shalt  }
0x69: {  	_ =	shalt  }
0x6a: {  	_ =	shalt  }
0x6b: {  	_ =	shalt  }
0x6c: {  	_ =	shalt  }
0x6d: {  	_ =	shalt  }
0x6e: {  	_ =	shalt  }
0x6f: {  	_ =	shalt  }
0x70: {  	_ =	shalt  }
0x71: {  	_ =	shalt  }
0x72: {  	_ =	shalt  }
0x73: {  	_ =	shalt  }
0x74: {  	_ =	shalt  }
0x75: {  	_ =	shalt  }
0x76: {  	_ =	shalt  }
0x77: {  	_ =	shalt  }
0x78: {  	_ =	shalt  }
0x79: {  	_ =	shalt  }
0x7a: {  	_ =	shalt  }
0x7b: {  	_ =	shalt  }
0x7c: {  	_ =	shalt  }
0x7d: {  	_ =	shalt  }
0x7e: {  	_ =	shalt  }
0x7f: {  	_ =	shalt  }
0x80: {  	_ =	shalt  }
0x81: {  	_ =	shalt  }
0x82: {  	_ =	shalt  }
0x83: {  	_ =	shalt  }
0x84: {  	_ =	shalt  }
0x85: {  	_ =	shalt  }
0x86: {  	_ =	shalt  }
0x87: {  	_ =	shalt  }
.Lfunc_end0:
.L_simem_size_0:
called_computation.1_lowered:
.L_overlay_start_0:
0x88: {  	s2 =	sld [smem:$0x3FD9]  }
0x89: {  	s3 =	sld [smem:$0x3FFE];
	_ =	sdelay $0x1  }
0x8a: {  	s1 =	srdreg.scid  }
0x8b: {  	s0 =	sand.u32 $0x1, s1  }
0x8c: {  	s16 =	sshll.u32 s0, $0xA;
	s2 =	sadd.s32 s3, s2  }
0x8d: {  	s2 =	sadd.s32 s2, s16  }
0x8e: {  	[smem:$0x3FB6] =	sst s2  }
0x8f: {  	_ = 	snop  }
0x90: {  	(tm) =	ssettm $0x1  }
0x91: {  	s17 =	sld [smem:$0x3FFB];
	_ =	sdelay $0x3  }
0x92: {  	_ =	strace s17  }
0x93: {  	s2 =	sld [smem:$0x3FFC];
	_ =	sdelay $0x3  }
0x94: {  	_ =	strace s2  }
0x95: {  	s2 =	sld [smem:$0x3FFD];
	_ =	sdelay $0x3  }
0x96: {  	_ =	strace s2  }
0x97: {  	_ =	strace $0x8FFFFFFF  }
0x98: {  	s18 =	sld [smem:$0x3FDB];
	_ =	sdelay $0x1  }
0x99: {  	s19 =	simm.s32 $_scs_section_size  }
0x9a: {  	s4 =	simm.s32 $_size__tile_overlayer_lowered;
	s5 =	simm.s32 $_tile_overlayer_lowered  }
0x9b: {  	s22 =	simm.s32 $0x1BFF;
	s21 =	sshll.u32 s5, $0x1;
	s2 =	sadd.s32 s19, s18  }
0x9c: {  	s6 =	simm.s32 $0x0;
	s20 =	sshll.u32 s4, $0x1;
	s4 =	sadd.s32 s21, s2  }
0x9d: {  	[timem:s6], [sflag:s22] =	dma.local [hbm:s4], s20  }
0x9e: {  	_ =	swait.ge [sflag:s22], s20  }
0x9f: {  	s3 =	ssub.s32 $0x0, s20;
	[sflag:s22] =	ssyncset.done $0x0  }
0xa0: {  	[sflag:s22] =	ssyncadd.s32 s3;
	_ =	sdelay $0x1  }
0xa1: {  	s23 =	simm.s32 $0x1B8B  }
0xa2: {  	_ =	swait.ge [sflag:s23], $0x1  }
0xa3: {  	[sflag:s23] =	ssyncset.done $0x0  }
0xa4: {  	s25 =	simm.s32 $0x1B8E;
	s24 =	sld [smem:$0x3FFE];
	[sflag:s23] =	ssyncadd.s32 $0xFFFFFFFF  }
0xa5: {  	s26 =	simm.s32 $execute0_lowered;
	[smem:$0x3FD2] =	sst s25  }
0xa6: {  	s4 =	sshll.u32 s26, $0x1;
	_ =	strace $0x80000049;
	[dreg:$0x1] =	wrdreg $0xFFFFFFFF  }
0xa7: {  	s28 =	simm.s32 $_size_execute0_lowered;
	s2 =	sadd.s32 s2, s4;
	[dreg:$0x0] =	wrdreg $0x0  }
0xa8: {  	s4 =	sshll.u32 s28, $0x1;
	[dreg:$0x2] =	wrdreg s2  }
0xa9: {  	[dreg:$0x3] =	wrdreg s4  }
0xaa: {  	[dreg:$0x4] =	wrdreg $0xC0  }
0xab: {  	_ =	task [dreg:s6], $0x5FFFF  }
0xac: {  	[dreg:$0x1] =	wrdreg $0xFFFFFFFF  }
0xad: {  	[dreg:$0x0] =	wrdreg $0x60  }
0xae: {  	[dreg:$0x2] =	wrdreg s24  }
0xaf: {  	[dreg:$0x3] =	wrdreg $0xB8800  }
0xb0: {  	[dreg:$0x4] =	wrdreg $0x9  }
0xb1: {  	_ =	task.clear_ibuf [dreg:s6], $0x5FFFF;
	_ =	strace $0x90000049  }
0xb2: {  	s29 =	simm.s32 $0x9;
	_ =	strace $0x8000004B  }
0xb3: {  	_ =	swait.ge [sflag:s29], $0x1  }
0xb4: {  	[sflag:s29] =	ssyncadd.s32 $0xFFFFFFFF  }
0xb5: {  	_ =	strace $0x9000004B  }
0xb6: {  	_ =	sfence  }
0xb7: {  	s30 =	sld [smem:$0x0];
	_ =	sdelay $0x2  }
0xb8: {  	s31 =	sshll.u32 s1, $0xD;
	s1 =	sshrl.u32 s1, $0x2  }
0xb9: {  	s3 =	sand.u32 $0x4000, s31;
	s1 =	sadd.s32 s1, s30  }
0xba: {  	s0 =	sor.u32 s3, s0;
	s1 =	sshll.u32 s1, $0x11  }
0xbb: {  	s0 =	sor.u32 s1, s0  }
0xbc: {  	s0 =	sadd.s32 $0x8F2B, s0  }
0xbd: {  	[sflag:s0] =	ssyncadd.remote.s32 $0x1  }
0xbe: {  	_ =	sfence.sel $0xFFFF  }
0xbf: {  	[dreg:$0x0] =	wrdreg $0xFFFFFFFF;
	(pc) =	sbr.abs _section_cstart, $3  }
0xc0: {  	[dreg:$0x1] =	wrdreg $0xFFFFFFFF  }
0xc1: {  	_ =	task.clear_ibuf [dreg:s6], $0x2FFFF;
	_ =	strace $0x9FFFFFFF  }
0xc2: {  	(tm) =	ssettm $0x7FFFFFFF  }
0xc3: {  	_ =	shalt  }
tec
execute0_lowered:
.L_overlay_start_1:
0x0: {  	(tag) =	ssettag $0x1  }
0x1: {  	s0 =	rddreg [dreg:$0x0]  }
0x2: {  	s1 =	rddreg [dreg:$0x1]  }
0x3: {  	s2 =	simm.s32 $0x0;
	s5 =	srdreg.scid;
	s19 =	stileid.u32  }
0x4: {  	s28 =	simm.s32 $0x1;
	s29 =	simm.s32 $0x1800;
	s30 =	simm.s32 $0x9080  }
0x5: {  	[smem:$0x7FF] =	sst s2;
	s3 =	sadd.s32 $0xF9F800, s0;
	s4 =	sadd.s32 $0x5000, s0  }
0x6: {  	s31 =	simm.s32 $0x0;
	s6 =	sadd.s32 $0xFEDA00, s0;
	s7 =	sadd.s32 $0x4F0E00, s0  }
0x7: {  	s8 =	sadd.s32 $0x504800, s0;
	s9 =	sadd.s32 $0x4E7000, s0;
	s10 =	smul.u32 $0x4E20, s19  }
0x8: {  	s5 =	sand.u32 $0x1, s5;
	s12 =	sadd.s32 $0xF78600, s0;
	s15 =	smul.u32 $0x4E000, s19  }
0x9: {  	s0 =	sadd.s32 $0x7A400, s0;
	s20 =	sshll.u32 s19, $0x3;
	s16 =	smul.u32 $0x2700, s19  }
0xa: {  	s17 =	smul.u32 $0x270, s19;
	s22 =	sshll.u32 s19, $0x6;
	p0 =	sgt.u32 s19, $0x1  }
0xb: {  	s19 =	simm.s32 $0x2;
	_ =	strace $0x8000004A;
	s13 =	smul.u32 $0x4E200, s5  }
0xc: {  	s11 =	ssub.s32 $0x2, s5;
	s5 =	smul.u32 $0x2710, s5;
	s18 =	sor.u32 $0x2700, s20  }
0xd: {  	s14 =	sshrl.u32 s11, $0x1;
	s15 =	sshrl.u32 s15, $0x2;
	s21 =	sadd.s32 s12, s16  }
0xe: {  	s23 =	sshll.u32 s18, $0x7;
	s25 =	sshll.u32 s18, $0x4;
	s14 =	ssub.s32 s11, s14  }
0xf: {  	s11 =	sadd.s32 s10, s13;
	s15 =	sadd.s32 s15, s1;
	[dreg:$0x3] =	wrdreg s21  }
0x10: {  	s13 =	sor.u32 $0x1C02, s22;
	s20 =	sadd.s32 s23, s1;
	s24 =	sadd.s32 s17, s5  }
0x11: {  	s5 =	sadd.s32 s5, s18;
	s12 =	sadd.s32 s12, s25;
	s21 =	simm.s32 $0x800  }
0x12: {  	s22 =	simm.s32 $0x1000;
	s23 =	simm.s32 $0x50;
	s25 =	simm.s32 $0x4080  }
0x13: {  	s16 =	sshll.u32 s24, $0x4;
	[dreg:$0x4] =	wrdreg s12;
	s5 =	sshll.u32 s5, $0x4  }
0x14: {  	s17 =	smax.u32 s14, $0x1;
	s18 =	sshrl.u32 s15, $0x3;
	s26 =	sadd.s32 s0, s16  }
0x15: {  	s20 =	sshrl.u32 @!p0 s20, $0x3;
	s0 =	sadd.s32 s0, s5;
	[dreg:$0x5] =	wrdreg s26  }
0x16: {  	v0 =	vimm.f32 $0.0e+00;
	s24 =	simm.s32 $0x1880;
	[dreg:$0x6] =	wrdreg s0;
	s26 =	simm.s32 $0x6880  }
.LBB2_1:
0x17: {  	s0 =	rddreg [dreg:$0x3]  }
0x18: {  	[spmem:s18], [sflag:s13] =	dma.local [hbm:s0], $0x2700  }
0x19: {  	_ =	swait.ge [sflag:s19], $0x2700  }
0x1a: {  	[sflag:s19] =	ssyncset.done $0x0  }
0x1b: {  	s0 =	rddreg [dreg:$0x4];
	[sflag:s19] =	ssyncadd.s32 $0xFFFFD900  }
0x1c: {  	[spmem:s20], [sflag:s13] =	dma.local @!p0 [hbm:s0], $0x80  }
0x1d: {  	s0 =	simm.s32 @!p0 $0x2  }
0x1e: {  	_ =	swait.ge @!p0 [sflag:s0], $0x80  }
0x1f: {  	[sflag:s0] =	ssyncset.done @!p0 $0x0  }
0x20: {  	s5 =	simm.s32 $0x200;
	[sflag:s0] =	ssyncadd.s32 @!p0 $0xFFFFFF80;
	s0 =	simm.s32 $0x0  }
.LBB2_2:
0x21: {  	p1 =	sne.s32 s5, $0x9E00;
	[tilespmem:s0+$0x90F0] =	vst v0;
	s12 =	smov.u32 s5;
	s5 =	sadd.s32 $0x200, s5  }
.Ltmp0:
0x22: {  	[tilespmem:s0+$0x90E0] =	vst v0;
	(pc) =	sbr.rel @p1 .LBB2_2-.Ltmp0, $3  }
0x23: {  	[tilespmem:s0+$0x90C0] =	vst v0  }
0x24: {  	[tilespmem:s0+$0x90D0] =	vst v0;
	_ =	sdelay $0x1  }
0x25: {  	s0 =	sshra.s32 s12, $0x2  }
0x26: {  	[tilespmem:s0+$0x90F0] =	vst v0  }
0x27: {  	[tilespmem:s0+$0x90E0] =	vst v0  }
0x28: {  	[tilespmem:s0+$0x90C0] =	vst v0  }
0x29: {  	[tilespmem:s0+$0x90D0] =	vst v0  }
0x2a: {  	s0 =	simm.s32 $0x0;
	[bflag:$0x0] =	sbarrier.arrive $0xFFFF  }
.LBB2_4:
0x2b: {  	s5 =	smul.u32 $0x7D0, s0;
	_ =	sdelay $0x1  }
0x2c: {  	s12 =	sadd.s32 s10, s5  }
0x2d: {  	s12 =	sshrl.u32 s12, $0x3  }
0x2e: {  	s12 =	sadd.s32 s9, s12  }
0x2f: {  	[tilespmem:s31], [sflag:$0x2] =	stream.linear.gather [hbm4b:s12+s31], $0x7D0, $0x38;
	[tilespmem:$0x1F100] =	vst v63  }
0x30: {  	s5 =	sadd.s32 s5, s11;
	_ =	swait.ge [sflag:s19], $0x7D0  }
0x31: {  	s16 =	sshrl.u32 s5, $0x3;
	[sflag:s19] =	ssyncset.done $0x0  }
0x32: {  	s14 =	sadd.s32 s7, s16;
	[sflag:s19] =	ssyncadd.s32 $0xFFFFF830  }
0x33: {  	[tilespmem:s21], [sflag:$0x2] =	stream.linear.gather [hbm4b:s14+s31], $0x7D0, $0x38;
	[tilespmem:$0x1F100] =	vst v63  }
0x34: {  	_ =	swait.ge [sflag:s19], $0x7D0  }
0x35: {  	[sflag:s19] =	ssyncset.done $0x0  }
0x36: {  	s12 =	sadd.s32 s8, s16;
	[sflag:s19] =	ssyncadd.s32 $0xFFFFF830  }
0x37: {  	[tilespmem:s22], [sflag:$0x2] =	stream.linear.gather [hbm4b:s12+s31], $0x7D0, $0x38;
	[tilespmem:$0x1F100] =	vst v63  }
0x38: {  	_ =	swait.ge [sflag:s19], $0x7D0  }
0x39: {  	[sflag:s19] =	ssyncset.done $0x0  }
0x3a: {  	s12 =	simm.s32 $0x0;
	[sflag:s19] =	ssyncadd.s32 $0xFFFFF830  }
.LBB2_5:
0x3b: {  	s15 =	smul.u32 $0x50, s12;
	_ =	sdelay $0x1  }
0x3c: {  	s14 =	sadd.s32 $0x800, s15  }
0x3d: {  	[tilespmem:s24], [sflag:$0x1] =	stream.indirect.gather [hbm4b:s3+s23], $0x80, s14, s23, $0xb8;
	[tilespmem:$0x1F100] =	vst v63  }
0x3e: {  	s16 =	sadd.s32 $0x1000, s15  }
0x3f: {  	[tilespmem:s25], [sflag:$0x1] =	stream.indirect.gather [hbm4b:s4+s23], $0x80, s16, s23, $0xb8;
	[tilespmem:$0x1F100] =	vst v63  }
0x40: {  	s16 =	sadd.s32 s5, s15  }
0x41: {  	s14 =	sshll.u32 s16, $0x4  }
0x42: {  	s16 =	sadd.s32 s6, s14;
	s14 =	simm.s32 $0x0  }
0x43: {  	[tilespmem:s26], [sflag:$0x1] =	stream.linear.gather [hbm4b:s16+s14], $0x2800, $0x38;
	[tilespmem:$0x1F100] =	vst v63  }
0x44: {  	v1 =	vld [tilespmem:s15+$0x0];
	_ =	sdelay $0x4  }
0x45: {  	[tilespmem:$0x1800] =	vst v1  }
0x46: {  	v1 =	vld [tilespmem:s15+$0x10];
	_ =	sdelay $0x4  }
0x47: {  	[tilespmem:$0x1810] =	vst v1  }
0x48: {  	v1 =	vld [tilespmem:s15+$0x20];
	_ =	sdelay $0x4  }
0x49: {  	[tilespmem:$0x1820] =	vst v1  }
0x4a: {  	v1 =	vld [tilespmem:s15+$0x30];
	_ =	sdelay $0x4  }
0x4b: {  	[tilespmem:$0x1830] =	vst v1  }
0x4c: {  	v1 =	vld [tilespmem:s15+$0x40];
	_ =	sdelay $0x4  }
0x4d: {  	[tilespmem:$0x1840] =	vst v1  }
0x4e: {  	_ =	swait.ge [sflag:s28], $0x2800  }
0x4f: {  	[sflag:s28] =	ssyncset.done $0x0  }
0x50: {  	[sflag:s28] =	ssyncadd.s32 $0xFFFFD800  }
0x51: {  	_ =	swait.ge [sflag:s28], $0x2800  }
0x52: {  	[sflag:s28] =	ssyncset.done $0x0  }
0x53: {  	[sflag:s28] =	ssyncadd.s32 $0xFFFFD800  }
0x54: {  	_ =	swait.ge [sflag:s28], $0x2800  }
0x55: {  	[sflag:s28] =	ssyncset.done $0x0  }
0x56: {  	[sflag:s28] =	ssyncadd.s32 $0xFFFFD800  }
.LBB2_6:
0x57: {  	s15 =	sshll.u32 s14, $0x7  }
0x58: {  	v1 =	vld [tilespmem:s15+$0x18C0]  }
0x59: {  	v2 =	vld [tilespmem:s15+$0x40C0];
	_ =	sdelay $0x1  }
0x5a: {  	v3 =	vld [tilespmem:s15+$0x68C0];
	_ =	sdelay $0x1  }
0x5b: {  	v4 =	vld [tilespmem:s15+$0x1880]  }
0x5c: {  	v1 =	vadd.f32 v2, v1;
	v2 =	vld [tilespmem:s15+$0x4080];
	_ =	sdelay $0x1  }
0x5d: {  	v3 =	vadd.f32 v3, v1;
	v1 =	vld [tilespmem:s15+$0x6880];
	_ =	sdelay $0x1  }
0x5e: {  	v5 =	vand.u32 $0x7FFFFFFF, v3  }
0x5f: {  	v5 =	vmul.f32 $-1.442695020e+00, v5;
	v2 =	vadd.f32 v2, v4  }
0x60: {  	v6 =	vld [tilespmem:s15+$0x1890]  }
0x61: {  	v18 =	vld [tilespmem:s15+$0x18D0];
	v16 =	vmax.f32 v5, $-1.260000000e+02;
	v1 =	vadd.f32 v1, v2  }
0x62: {  	v7 =	vld [tilespmem:s15+$0x40D0];
	v2 =	vadd.f32 $1.258291200e+07, v16  }
0x63: {  	v10 =	vld [tilespmem:s15+$0x4090];
	v1 =	vmul.f32 $-1.442695020e+00, v1  }
0x64: {  	v11 =	vld [tilespmem:s15+$0x68D0];
	v17 =	vadd.f32 $-1.258291200e+07, v2  }
0x65: {  	v33 =	vld [tilespmem:s15+$0x18A0];
	v1 =	vmin.f32 v1, $1.260000000e+02  }
0x66: {  	v34 =	vld [tilespmem:s15+$0x40A0];
	v4 =	vsub.f32 v16, v17;
	v1 =	vmax.f32 v1, $-1.260000000e+02  }
0x67: {  	v13 =	vld [tilespmem:s15+$0x6890];
	v8 =	vadd.f32 $1.258291200e+07, v1  }
0x68: {  	v15 =	vld [tilespmem:s15+$0x68A0];
	v9 =	vmul.f32 $5.592203510e-02, v4  }
0x69: {  	v50 =	vld [tilespmem:s15+$0x18F0];
	v12 =	vadd.f32 $-1.258291200e+07, v8  }
0x6a: {  	v52 =	vld [tilespmem:s15+$0x40F0];
	v6 =	vadd.f32 v10, v6;
	v9 =	vadd.f32 $2.426400780e-01, v9  }
0x6b: {  	v36 =	vadd.f32 v34, v33;
	v12 =	vsub.f32 v1, v12  }
0x6c: {  	v5 =	vadd.f32 v7, v18;
	v1 =	vmul.f32 v9, v4  }
0x6d: {  	v20 =	vadd.f32 v13, v6;
	v38 =	vadd.f32 v15, v36;
	v19 =	vmul.f32 $5.592203510e-02, v12  }
0x6e: {  	v35 =	vld [tilespmem:s15+$0x40E0];
	v9 =	vadd.f32 $6.931210160e-01, v1;
	v1 =	vadd.f32 v11, v5  }
0x6f: {  	v15 =	vadd.f32 v52, v50;
	v17 =	vld [tilespmem:s15+$0x18E0];
	v5 =	vmul.f32 $-1.442695020e+00, v20;
	v21 =	vadd.f32 $2.426400780e-01, v19  }
0x70: {  	v48 =	vld [tilespmem:s15+$0x18B0];
	v3 =	vmax.f32 v3, $0.0e+00;
	v4 =	vmul.f32 v9, v4;
	v22 =	vand.u32 $0x7FFFFFFF, v1  }
0x71: {  	v19 =	vld [tilespmem:s15+$0x40B0];
	v5 =	vmin.f32 v5, $1.260000000e+02;
	v7 =	vmul.f32 $-1.442695020e+00, v22;
	v6 =	vmul.f32 v21, v12  }
0x72: {  	v2 =	vshll.u32 v2, $0x17;
	v5 =	vmax.f32 v5, $-1.260000000e+02;
	v4 =	vadd.f32 $9.999244800e-01, v4  }
0x73: {  	v53 =	vld [tilespmem:s15+$0x68B0];
	v24 =	vadd.f32 $1.258291200e+07, v5;
	v7 =	vmax.f32 v7, $-1.260000000e+02;
	v6 =	vadd.f32 $6.931210160e-01, v6  }
0x74: {  	v2 =	vadd.s32 $0x3F800000, v2;
	v40 =	vadd.f32 v35, v17;
	v23 =	vadd.f32 $1.258291200e+07, v7  }
0x75: {  	v2 =	vmul.f32 v2, v4;
	v27 =	vadd.f32 $-1.258291200e+07, v24;
	v6 =	vmul.f32 v6, v12  }
0x76: {  	v8 =	vshll.u32 v8, $0x17;
	v12 =	vadd.f32 v19, v48;
	v25 =	vadd.f32 $-1.258291200e+07, v23  }
0x77: {  	v26 =	vmul.f32 $3.044900480e-02, v2;
	v5 =	vsub.f32 v5, v27;
	v6 =	vadd.f32 $9.999244800e-01, v6  }
0x78: {  	v8 =	vadd.s32 $0x3F800000, v8;
	v12 =	vadd.f32 v53, v12;
	v7 =	vsub.f32 v7, v25  }
0x79: {  	v28 =	vadd.f32 $-1.315818280e-01, v26;
	v30 =	vmul.f32 $5.592203510e-02, v5;
	v6 =	vmul.f32 v8, v6  }
0x7a: {  	v1 =	vmax.f32 v1, $0.0e+00;
	v12 =	vmul.f32 $-1.442695020e+00, v12;
	v29 =	vmul.f32 $5.592203510e-02, v7  }
0x7b: {  	v4 =	vshll.u32 v24, $0x17;
	v10 =	vmul.f32 v28, v2;
	v32 =	vadd.f32 $2.426400780e-01, v30  }
0x7c: {  	v6 =	vadd.f32 $1.000000000e+00, v6;
	v12 =	vmin.f32 v12, $1.260000000e+02;
	v31 =	vadd.f32 $2.426400780e-01, v29  }
0x7d: {  	v10 =	vadd.f32 $2.852726880e-01, v10;
	v11 =	vmul.f32 v32, v5;
	v12 =	vmax.f32 v12, $-1.260000000e+02  }
0x7e: {  	v14 =	vsub.s32 $0x7EF311C3, v6;
	v59 =	vadd.f32 $1.258291200e+07, v12;
	v8 =	vmul.f32 v31, v7  }
0x7f: {  	v10 =	vmul.f32 v10, v2;
	v16 =	vmul.f32 v14, v6;
	v11 =	vadd.f32 $6.931210160e-01, v11  }
0x80: {  	v4 =	vadd.s32 $0x3F800000, v4;
	v61 =	vadd.f32 $-1.258291200e+07, v59;
	v8 =	vadd.f32 $6.931210160e-01, v8  }
0x81: {  	v37 =	vld [tilespmem:s15+$0x68E0];
	v10 =	vadd.f32 $-4.902307090e-01, v10;
	v16 =	vsub.f32 $2.000000000e+00, v16;
	v5 =	vmul.f32 v11, v5  }
0x82: {  	v34 =	vld [tilespmem:s15+$0x4100];
	v9 =	vshll.u32 v23, $0x17;
	v11 =	vsub.f32 v12, v61;
	v7 =	vmul.f32 v8, v7  }
0x83: {  	v31 =	vld [tilespmem:s15+$0x1900];
	v10 =	vmul.f32 v10, v2;
	v5 =	vadd.f32 $9.999244800e-01, v5;
	v39 =	vmul.f32 v14, v16  }
0x84: {  	v9 =	vadd.s32 $0x3F800000, v9;
	v28 =	vmul.f32 $5.592203510e-02, v11;
	v7 =	vadd.f32 $9.999244800e-01, v7  }
0x85: {  	v4 =	vmul.f32 v4, v5;
	v41 =	vadd.f32 $9.992354510e-01, v10;
	v6 =	vmul.f32 v39, v6  }
0x86: {  	v12 =	vadd.f32 $2.426400780e-01, v28;
	v7 =	vmul.f32 v9, v7;
	v9 =	vmul.f32 $-1.442695020e+00, v38  }
0x87: {  	v43 =	vadd.f32 $1.000000000e+00, v4;
	v4 =	vadd.f32 v37, v40;
	v2 =	vmul.f32 v41, v2  }
0x88: {  	v6 =	vsub.f32 $2.000000000e+00, v6;
	v41 =	vadd.f32 v34, v31;
	v12 =	vmul.f32 v12, v11  }
0x89: {  	v42 =	vmul.f32 $3.044900480e-02, v7;
	v45 =	vmin.f32 v9, $1.260000000e+02;
	v46 =	vsub.s32 $0x7EF311C3, v43  }
0x8a: {  	v36 =	vld [tilespmem:s15+$0x6900];
	v47 =	vand.u32 $0x7FFFFFFF, v4;
	v2 =	vadd.f32 $9.975032300e-06, v2;
	v8 =	vmax.f32 v45, $-1.260000000e+02  }
0x8b: {  	v10 =	vmul.f32 $-1.442695020e+00, v47;
	v51 =	vmul.f32 v46, v43;
	v12 =	vadd.f32 $6.931210160e-01, v12  }
0x8c: {  	v6 =	vmul.f32 v6, v39;
	v44 =	vadd.f32 $-1.315818280e-01, v42;
	v49 =	vadd.f32 $1.258291200e+07, v8  }
0x8d: {  	v21 =	vld [tilespmem:s15+$0x68F0];
	v2 =	vadd.f32 v2, v3;
	v10 =	vmax.f32 v10, $-1.260000000e+02;
	v16 =	vsub.f32 $2.000000000e+00, v51  }
0x8e: {  	v4 =	vmax.f32 v4, $0.0e+00;
	v18 =	vadd.f32 $-1.258291200e+07, v49;
	v20 =	vadd.f32 $1.258291200e+07, v10  }
0x8f: {  	v40 =	vmul.f32 v12, v11;
	v11 =	vadd.f32 v36, v41;
	v5 =	vmul.f32 v44, v7  }
0x90: {  	v45 =	vshll.u32 v59, $0x17;
	v8 =	vsub.f32 v8, v18;
	v3 =	vadd.f32 $-1.258291200e+07, v20  }
0x91: {  	v14 =	vshll.u32 v49, $0x17;
	v49 =	vadd.s32 $0x3F800000, v45;
	v5 =	vadd.f32 $2.852726880e-01, v5  }
0x92: {  	v54 =	vmul.f32 $5.592203510e-02, v8;
	v10 =	vsub.f32 v10, v3;
	v3 =	vadd.f32 v21, v15  }
0x93: {  	v9 =	vmul.f32 v46, v16;
	v14 =	vadd.s32 $0x3F800000, v14;
	v5 =	vmul.f32 v5, v7  }
0x94: {  	v16 =	vadd.f32 $2.426400780e-01, v54;
	v55 =	vmul.f32 $5.592203510e-02, v10;
	v56 =	vand.u32 $0x7FFFFFFF, v3  }
0x95: {  	v46 =	vadd.f32 $9.999244800e-01, v40;
	v5 =	vadd.f32 $-4.902307090e-01, v5;
	v17 =	vmul.f32 $-1.442695020e+00, v56  }
0x96: {  	v47 =	vmul.f32 $-1.442695020e+00, v11;
	v16 =	vmul.f32 v16, v8;
	v15 =	vadd.f32 $2.426400780e-01, v55  }
0x97: {  	v24 =	vshll.u32 v20, $0x17;
	v5 =	vmul.f32 v5, v7;
	v17 =	vmax.f32 v17, $-1.260000000e+02  }
0x98: {  	v16 =	vadd.f32 $6.931210160e-01, v16;
	v15 =	vmul.f32 v15, v10;
	v57 =	vadd.f32 $1.258291200e+07, v17  }
0x99: {  	v27 =	vld [tilespmem:s15+$0x1940];
	v13 =	vmul.f32 v9, v43;
	v25 =	vadd.s32 $0x3F800000, v24;
	v5 =	vadd.f32 $9.992354510e-01, v5  }
0x9a: {  	v29 =	vld [tilespmem:s15+$0x4140];
	v8 =	vmul.f32 v16, v8;
	v58 =	vadd.f32 $6.931210160e-01, v15;
	v60 =	vadd.f32 $-1.258291200e+07, v57  }
0x9b: {  	v13 =	vsub.f32 $2.000000000e+00, v13;
	v3 =	vmax.f32 v3, $0.0e+00;
	v5 =	vmul.f32 v5, v7  }
0x9c: {  	v23 =	vld [tilespmem:s15+$0x6940];
	v8 =	vadd.f32 $9.999244800e-01, v8;
	v10 =	vmul.f32 v58, v10;
	v63 =	vsub.f32 v17, v60  }
0x9d: {  	v9 =	vmul.f32 v13, v9;
	v42 =	vshll.u32 v57, $0x17;
	v5 =	vadd.f32 $9.975032300e-06, v5  }
0x9e: {  	v62 =	vmul.f32 v14, v8;
	v10 =	vadd.f32 $9.999244800e-01, v10;
	v26 =	vmul.f32 $5.592203510e-02, v63  }
0x9f: {  	v57 =	vld [tilespmem:s15+$0x1950];
	v17 =	vadd.f32 v29, v27;
	v5 =	vadd.f32 v5, v1;
	v1 =	vmul.f32 v2, v6  }
0xa0: {  	v60 =	vld [tilespmem:s15+$0x4150];
	v7 =	vadd.f32 $1.000000000e+00, v62;
	v10 =	vmul.f32 v25, v10;
	v14 =	vadd.f32 $2.426400780e-01, v26  }
0xa1: {  	v2 =	vmul.f32 v5, v9;
	v5 =	vadd.f32 v23, v17;
	v9 =	vmin.f32 v47, $1.260000000e+02  }
0xa2: {  	v12 =	vadd.s32 $0x3F800000, v42;
	v9 =	vmax.f32 v9, $-1.260000000e+02;
	v33 =	vmul.f32 v14, v63  }
0xa3: {  	v30 =	vsub.s32 $0x7EF311C3, v7;
	v22 =	vmul.f32 $3.044900480e-02, v10;
	v43 =	vand.u32 $0x7FFFFFFF, v5  }
0xa4: {  	v27 =	vld [tilespmem:s15+$0x4110];
	v54 =	vadd.f32 $1.258291200e+07, v9;
	v44 =	vmul.f32 $-1.442695020e+00, v43;
	v35 =	vadd.f32 $6.931210160e-01, v33  }
0xa5: {  	v26 =	vld [tilespmem:s15+$0x1910];
	v19 =	vadd.f32 v60, v57;
	v32 =	vmul.f32 v30, v7;
	v22 =	vadd.f32 $-1.315818280e-01, v22  }
0xa6: {  	v56 =	vadd.f32 $-1.258291200e+07, v54;
	v48 =	vmax.f32 v44, $-1.260000000e+02;
	v6 =	vmul.f32 v35, v63  }
0xa7: {  	v21 =	vsub.f32 $2.000000000e+00, v32;
	v37 =	vmul.f32 v22, v10;
	v51 =	vadd.f32 $1.258291200e+07, v48  }
0xa8: {  	v5 =	vmax.f32 v5, $0.0e+00;
	v9 =	vsub.f32 v9, v56;
	v6 =	vadd.f32 $9.999244800e-01, v6  }
0xa9: {  	v38 =	vmul.f32 v30, v21;
	v39 =	vadd.f32 $2.852726880e-01, v37;
	v53 =	vadd.f32 $-1.258291200e+07, v51  }
0xaa: {  	v17 =	vadd.f32 v27, v26;
	v24 =	vmul.f32 $5.592203510e-02, v9;
	v12 =	vmul.f32 v12, v6  }
0xab: {  	v8 =	vmul.f32 v39, v10;
	v6 =	vmul.f32 v49, v46;
	v11 =	vsub.f32 v48, v53  }
0xac: {  	v32 =	vshll.u32 v51, $0x17;
	v37 =	vshll.u32 v54, $0x17;
	v50 =	vmul.f32 $3.044900480e-02, v12  }
0xad: {  	v41 =	vld [tilespmem:s15+$0x4160];
	v8 =	vadd.f32 $-4.902307090e-01, v8;
	v6 =	vadd.f32 $1.000000000e+00, v6;
	v59 =	vmul.f32 $5.592203510e-02, v11  }
0xae: {  	v30 =	vld [tilespmem:s15+$0x6910];
	v7 =	vmul.f32 v38, v7;
	v34 =	vadd.s32 $0x3F800000, v32;
	v52 =	vadd.f32 $-1.315818280e-01, v50  }
0xaf: {  	v40 =	vld [tilespmem:s15+$0x1960];
	v8 =	vmul.f32 v8, v10;
	v55 =	vsub.s32 $0x7EF311C3, v6;
	v62 =	vadd.f32 $2.426400780e-01, v59  }
0xb0: {  	v18 =	vadd.f32 $2.426400780e-01, v24;
	v58 =	vmul.f32 v55, v6;
	v13 =	vmul.f32 v52, v12  }
0xb1: {  	v63 =	vld [tilespmem:s15+$0x6950];
	v7 =	vsub.f32 $2.000000000e+00, v7;
	v8 =	vadd.f32 $9.992354510e-01, v8;
	v25 =	vmul.f32 v62, v11  }
0xb2: {  	v29 =	vmul.f32 v18, v9;
	v61 =	vsub.f32 $2.000000000e+00, v58;
	v13 =	vadd.f32 $2.852726880e-01, v13  }
0xb3: {  	v35 =	vadd.f32 v30, v17;
	v8 =	vmul.f32 v8, v10;
	v14 =	vadd.f32 $6.931210160e-01, v25  }
0xb4: {  	v17 =	vadd.f32 v41, v40;
	v10 =	vmul.f32 v55, v61;
	v13 =	vmul.f32 v13, v12  }
0xb5: {  	v7 =	vmul.f32 v7, v38;
	v8 =	vadd.f32 $9.975032300e-06, v8;
	v11 =	vmul.f32 v14, v11  }
0xb6: {  	v28 =	vmul.f32 v10, v6;
	v6 =	vadd.f32 v63, v19;
	v13 =	vadd.f32 $-4.902307090e-01, v13  }
0xb7: {  	v14 =	vadd.s32 $0x3F800000, v37;
	v4 =	vadd.f32 v8, v4;
	v8 =	vadd.f32 $6.931210160e-01, v29  }
0xb8: {  	v11 =	vadd.f32 $9.999244800e-01, v11;
	v33 =	vand.u32 $0x7FFFFFFF, v6;
	v13 =	vmul.f32 v13, v12  }
0xb9: {  	v42 =	vld [tilespmem:s15+$0x1920];
	v31 =	vsub.f32 $2.000000000e+00, v28;
	v15 =	vmul.f32 $-1.442695020e+00, v33;
	v8 =	vmul.f32 v8, v9  }
0xba: {  	v47 =	vld [tilespmem:s15+$0x4120];
	v6 =	vmax.f32 v6, $0.0e+00;
	v9 =	vmul.f32 v34, v11;
	v11 =	vmul.f32 $-1.442695020e+00, v35  }
0xbb: {  	v49 =	vld [tilespmem:s15+$0x6920];
	v10 =	vmul.f32 v31, v10;
	v13 =	vadd.f32 $9.992354510e-01, v13;
	v36 =	vmax.f32 v15, $-1.260000000e+02  }
0xbc: {  	v30 =	vld [tilespmem:s15+$0x4130];
	v8 =	vadd.f32 $9.999244800e-01, v8;
	v38 =	vmul.f32 $3.044900480e-02, v9;
	v11 =	vmin.f32 v11, $1.260000000e+02  }
0xbd: {  	v63 =	vld [tilespmem:s15+$0x1930];
	v15 =	vadd.f32 $1.258291200e+07, v36;
	v11 =	vmax.f32 v11, $-1.260000000e+02;
	v12 =	vmul.f32 v13, v12  }
0xbe: {  	v8 =	vmul.f32 v14, v8;
	v16 =	vadd.f32 $-1.315818280e-01, v38;
	v43 =	vadd.f32 $1.258291200e+07, v11  }
0xbf: {  	v14 =	vadd.f32 v47, v42;
	v39 =	vadd.f32 $-1.258291200e+07, v15;
	v15 =	vshll.u32 v15, $0x17  }
0xc0: {  	v44 =	vld [tilespmem:s15+$0x6960];
	v12 =	vadd.f32 $9.975032300e-06, v12;
	v8 =	vadd.f32 $1.000000000e+00, v8;
	v16 =	vmul.f32 v16, v9  }
0xc1: {  	v33 =	vld [tilespmem:s15+$0x6930];
	v25 =	vadd.f32 $-1.258291200e+07, v43;
	v14 =	vadd.f32 v49, v14;
	v15 =	vadd.s32 $0x3F800000, v15  }
0xc2: {  	v60 =	vshll.u32 v43, $0x17;
	v13 =	vsub.f32 v36, v39;
	v39 =	vadd.f32 v30, v63  }
0xc3: {  	v12 =	vadd.f32 v12, v3;
	v45 =	vsub.s32 $0x7EF311C3, v8;
	v16 =	vadd.f32 $2.852726880e-01, v16  }
0xc4: {  	v3 =	vmul.f32 v4, v7;
	v11 =	vsub.f32 v11, v25;
	v14 =	vmul.f32 $-1.442695020e+00, v14  }
0xc5: {  	v34 =	vld [tilespmem:s15+$0x1970];
	v7 =	vadd.f32 v44, v17;
	v46 =	vmul.f32 $5.592203510e-02, v13;
	v24 =	vmul.f32 v45, v8  }
0xc6: {  	v36 =	vld [tilespmem:s15+$0x4170];
	v43 =	vadd.f32 v33, v39;
	v4 =	vmul.f32 v12, v10;
	v51 =	vmul.f32 v16, v9  }
0xc7: {  	v53 =	vmul.f32 $5.592203510e-02, v11;
	v54 =	vand.u32 $0x7FFFFFFF, v7;
	v14 =	vmin.f32 v14, $1.260000000e+02  }
0xc8: {  	v7 =	vmax.f32 v7, $0.0e+00;
	v48 =	vadd.f32 $2.426400780e-01, v46;
	v50 =	vsub.f32 $2.000000000e+00, v24  }
0xc9: {  	v18 =	vmul.f32 $-1.442695020e+00, v54;
	v14 =	vmax.f32 v14, $-1.260000000e+02;
	v12 =	vadd.f32 $-4.902307090e-01, v51  }
0xca: {  	v17 =	vadd.f32 $2.426400780e-01, v53;
	v58 =	vadd.f32 $1.258291200e+07, v14;
	v52 =	vmul.f32 v48, v13  }
0xcb: {  	v10 =	vmul.f32 v45, v50;
	v56 =	vmax.f32 v18, $-1.260000000e+02;
	v45 =	vadd.f32 v36, v34  }
0xcc: {  	v12 =	vmul.f32 v12, v9;
	v55 =	vmul.f32 v17, v11;
	v16 =	vadd.f32 $6.931210160e-01, v52  }
0xcd: {  	v18 =	vadd.f32 $1.258291200e+07, v56;
	v61 =	vadd.f32 $-1.258291200e+07, v58;
	v17 =	vadd.s32 $0x3F800000, v60  }
0xce: {  	v47 =	vshll.u32 v58, $0x17;
	v12 =	vadd.f32 $9.992354510e-01, v12;
	v13 =	vmul.f32 v16, v13  }
0xcf: {  	v8 =	vmul.f32 v10, v8;
	v57 =	vadd.f32 $-1.258291200e+07, v18;
	v16 =	vadd.f32 $6.931210160e-01, v55  }
0xd0: {  	v14 =	vsub.f32 v14, v61;
	v9 =	vmul.f32 v12, v9;
	v13 =	vadd.f32 $9.999244800e-01, v13  }
0xd1: {  	v40 =	vld [tilespmem:s15+$0x6970];
	v44 =	vshll.u32 v18, $0x17;
	v8 =	vsub.f32 $2.000000000e+00, v8;
	v11 =	vmul.f32 v16, v11  }
0xd2: {  	v32 =	vmul.f32 $5.592203510e-02, v14;
	v9 =	vadd.f32 $9.975032300e-06, v9;
	v13 =	vmul.f32 v15, v13  }
0xd3: {  	v54 =	vld [tilespmem:s15+$0x1980];
	v8 =	vmul.f32 v8, v10;
	v15 =	vsub.f32 v56, v57;
	v11 =	vadd.f32 $9.999244800e-01, v11  }
0xd4: {  	v57 =	vld [tilespmem:s15+$0x4180];
	v5 =	vadd.f32 v9, v5;
	v9 =	vmul.f32 $-1.442695020e+00, v43;
	v59 =	vmul.f32 $3.044900480e-02, v13  }
0xd5: {  	v26 =	vld [tilespmem:s15+$0x41C0];
	v46 =	vadd.s32 $0x3F800000, v44;
	v62 =	vmul.f32 $5.592203510e-02, v15;
	v11 =	vmul.f32 v17, v11  }
0xd6: {  	v60 =	vld [tilespmem:s15+$0x19C0];
	v5 =	vmul.f32 v5, v8;
	v8 =	vadd.f32 v40, v45;
	v20 =	vadd.f32 $-1.315818280e-01, v59  }
0xd7: {  	v9 =	vmin.f32 v9, $1.260000000e+02;
	v29 =	vadd.f32 $2.426400780e-01, v62;
	v31 =	vadd.f32 $1.000000000e+00, v11  }
0xd8: {  	v11 =	vadd.f32 $2.426400780e-01, v32;
	v9 =	vmax.f32 v9, $-1.260000000e+02;
	v17 =	vand.u32 $0x7FFFFFFF, v8  }
0xd9: {  	v49 =	vadd.f32 $1.258291200e+07, v9;
	v63 =	vadd.f32 v57, v54;
	v19 =	vmul.f32 v29, v15  }
0xda: {  	v8 =	vmax.f32 v8, $0.0e+00;
	v38 =	vmul.f32 v11, v14;
	v17 =	vmul.f32 $-1.442695020e+00, v17  }
0xdb: {  	v28 =	vmul.f32 v20, v13;
	v35 =	vsub.s32 $0x7EF311C3, v31;
	v29 =	vadd.f32 v26, v60  }
0xdc: {  	v19 =	vadd.f32 $6.931210160e-01, v19;
	v42 =	vadd.f32 $6.931210160e-01, v38;
	v17 =	vmax.f32 v17, $-1.260000000e+02  }
0xdd: {  	v37 =	vmul.f32 v35, v31;
	v12 =	vadd.f32 $2.852726880e-01, v28;
	v52 =	vadd.f32 $1.258291200e+07, v17  }
0xde: {  	v51 =	vadd.f32 $-1.258291200e+07, v49;
	v15 =	vmul.f32 v19, v15;
	v14 =	vmul.f32 v42, v14  }
0xdf: {  	v41 =	vsub.f32 $2.000000000e+00, v37;
	v12 =	vmul.f32 v12, v13;
	v56 =	vadd.f32 $-1.258291200e+07, v52  }
0xe0: {  	v11 =	vadd.s32 $0x3F800000, v47;
	v15 =	vadd.f32 $9.999244800e-01, v15;
	v14 =	vadd.f32 $9.999244800e-01, v14  }
0xe1: {  	v9 =	vsub.f32 v9, v51;
	v50 =	vmul.f32 v35, v41;
	v12 =	vadd.f32 $-4.902307090e-01, v12  }
0xe2: {  	v17 =	vsub.f32 v17, v56;
	v15 =	vmul.f32 v46, v15;
	v11 =	vmul.f32 v11, v14  }
0xe3: {  	v58 =	vmul.f32 $5.592203510e-02, v9;
	v37 =	vshll.u32 v52, $0x17;
	v12 =	vmul.f32 v12, v13  }
0xe4: {  	v59 =	vld [tilespmem:s15+$0x6980];
	v61 =	vmul.f32 $5.592203510e-02, v17;
	v48 =	vmul.f32 $3.044900480e-02, v15;
	v11 =	vadd.f32 $1.000000000e+00, v11  }
0xe5: {  	v18 =	vadd.s32 $0x3F800000, v37;
	v10 =	vmul.f32 v50, v31;
	v12 =	vadd.f32 $9.992354510e-01, v12  }
0xe6: {  	v24 =	vadd.f32 $2.426400780e-01, v61;
	v16 =	vadd.f32 $-1.315818280e-01, v48;
	v53 =	vsub.s32 $0x7EF311C3, v11  }
0xe7: {  	v12 =	vmul.f32 v12, v13;
	v13 =	vadd.f32 $2.426400780e-01, v58;
	v55 =	vmul.f32 v53, v11  }
0xe8: {  	v10 =	vsub.f32 $2.000000000e+00, v10;
	v28 =	vmul.f32 v24, v17;
	v16 =	vmul.f32 v16, v15  }
0xe9: {  	v12 =	vadd.f32 $9.975032300e-06, v12;
	v62 =	vmul.f32 v13, v9;
	v13 =	vadd.f32 v59, v63  }
0xea: {  	v27 =	vld [tilespmem:s15+$0x69C0];
	v14 =	vshll.u32 v49, $0x17;
	v22 =	vsub.f32 $2.000000000e+00, v55;
	v30 =	vadd.f32 $6.931210160e-01, v28  }
0xeb: {  	v39 =	vld [tilespmem:s15+$0x1990];
	v10 =	vmul.f32 v10, v50;
	v16 =	vadd.f32 $2.852726880e-01, v16;
	v6 =	vadd.f32 v12, v6  }
0xec: {  	v51 =	vld [tilespmem:s15+$0x19D0];
	v12 =	vadd.f32 $6.931210160e-01, v62;
	v13 =	vmul.f32 $-1.442695020e+00, v13;
	v21 =	vmul.f32 v53, v22  }
0xed: {  	v42 =	vld [tilespmem:s15+$0x4190];
	v33 =	vadd.s32 $0x3F800000, v14;
	v34 =	vmul.f32 v30, v17;
	v16 =	vmul.f32 v16, v15  }
0xee: {  	v53 =	vld [tilespmem:s15+$0x41D0];
	v9 =	vmul.f32 v12, v9;
	v32 =	vmin.f32 v13, $1.260000000e+02;
	v6 =	vmul.f32 v6, v10  }
0xef: {  	v11 =	vmul.f32 v21, v11;
	v14 =	vadd.f32 $9.999244800e-01, v34;
	v16 =	vadd.f32 $-4.902307090e-01, v16  }
0xf0: {  	v47 =	vld [tilespmem:s15+$0x6990];
	v12 =	vmax.f32 v32, $-1.260000000e+02;
	v31 =	vadd.f32 $9.999244800e-01, v9;
	v9 =	vadd.f32 v27, v29  }
0xf1: {  	v35 =	vadd.f32 $1.258291200e+07, v12;
	v11 =	vsub.f32 $2.000000000e+00, v11;
	v14 =	vmul.f32 v18, v14  }
0xf2: {  	v18 =	vadd.f32 v42, v39;
	v16 =	vmul.f32 v16, v15;
	v13 =	vmul.f32 v33, v31  }
0xf3: {  	v36 =	vand.u32 $0x7FFFFFFF, v9;
	v38 =	vadd.f32 $-1.258291200e+07, v35;
	v58 =	vadd.f32 v53, v51  }
0xf4: {  	v9 =	vmax.f32 v9, $0.0e+00;
	v17 =	vmul.f32 $-1.442695020e+00, v36;
	v16 =	vadd.f32 $9.992354510e-01, v16  }
0xf5: {  	v44 =	vmul.f32 $3.044900480e-02, v14;
	v18 =	vadd.f32 v47, v18;
	v13 =	vadd.f32 $1.000000000e+00, v13  }
0xf6: {  	v12 =	vsub.f32 v12, v38;
	v17 =	vmax.f32 v17, $-1.260000000e+02;
	v15 =	vmul.f32 v16, v15  }
0xf7: {  	v11 =	vmul.f32 v11, v21;
	v49 =	vadd.f32 $-1.315818280e-01, v44;
	v41 =	vadd.f32 $1.258291200e+07, v17  }
0xf8: {  	v18 =	vmul.f32 $-1.442695020e+00, v18;
	v45 =	vmul.f32 $5.592203510e-02, v12;
	v15 =	vadd.f32 $9.975032300e-06, v15  }
0xf9: {  	v40 =	vsub.s32 $0x7EF311C3, v13;
	v16 =	vshll.u32 v35, $0x17;
	v46 =	vadd.f32 $-1.258291200e+07, v41  }
0xfa: {  	v50 =	vmul.f32 v49, v14;
	v7 =	vadd.f32 v15, v7;
	v15 =	vadd.f32 $2.426400780e-01, v45  }
0xfb: {  	v27 =	vld [tilespmem:s15+$0x19E0];
	v43 =	vmul.f32 v40, v13;
	v18 =	vmin.f32 v18, $1.260000000e+02;
	v17 =	vsub.f32 v17, v46  }
0xfc: {  	v38 =	vld [tilespmem:s15+$0x41E0];
	v16 =	vadd.s32 $0x3F800000, v16;
	v54 =	vadd.f32 $2.852726880e-01, v50;
	v15 =	vmul.f32 v15, v12  }
0xfd: {  	v18 =	vmax.f32 v18, $-1.260000000e+02;
	v48 =	vsub.f32 $2.000000000e+00, v43;
	v52 =	vmul.f32 $5.592203510e-02, v17  }
0xfe: {  	v56 =	vld [tilespmem:s15+$0x69D0];
	v7 =	vmul.f32 v7, v11;
	v11 =	vmul.f32 v54, v14;
	v15 =	vadd.f32 $6.931210160e-01, v15  }
0xff: {  	v19 =	vshll.u32 v41, $0x17;
	v60 =	vadd.f32 $1.258291200e+07, v18;
	v55 =	vadd.f32 $2.426400780e-01, v52  }
0x100: {  	v10 =	vmul.f32 v40, v48;
	v11 =	vadd.f32 $-4.902307090e-01, v11;
	v12 =	vmul.f32 v15, v12  }
0x101: {  	v46 =	vadd.f32 v38, v27;
	v61 =	vadd.f32 $-1.258291200e+07, v60;
	v57 =	vmul.f32 v55, v17  }
0x102: {  	v28 =	vld [tilespmem:s15+$0x41F0];
	v13 =	vmul.f32 v10, v13;
	v11 =	vmul.f32 v11, v14;
	v59 =	vadd.f32 $9.999244800e-01, v12  }
0x103: {  	v30 =	vld [tilespmem:s15+$0x19A0];
	v19 =	vadd.s32 $0x3F800000, v19;
	v15 =	vadd.f32 $6.931210160e-01, v57;
	v12 =	vadd.f32 v56, v58  }
0x104: {  	v32 =	vld [tilespmem:s15+$0x41A0];
	v20 =	vshll.u32 v60, $0x17;
	v13 =	vsub.f32 $2.000000000e+00, v13;
	v11 =	vadd.f32 $9.992354510e-01, v11  }
0x105: {  	v53 =	vld [tilespmem:s15+$0x19B0];
	v15 =	vmul.f32 v15, v17;
	v16 =	vmul.f32 v16, v59;
	v62 =	vand.u32 $0x7FFFFFFF, v12  }
0x106: {  	v55 =	vld [tilespmem:s15+$0x19F0];
	v17 =	vsub.f32 v18, v61;
	v11 =	vmul.f32 v11, v14;
	v21 =	vmul.f32 $-1.442695020e+00, v62  }
0x107: {  	v20 =	vadd.s32 $0x3F800000, v20;
	v59 =	vld [tilespmem:s15+$0x41B0];
	v15 =	vadd.f32 $9.999244800e-01, v15;
	v16 =	vadd.f32 $1.000000000e+00, v16  }
0x108: {  	v37 =	vld [tilespmem:s15+$0x69A0];
	v31 =	vmul.f32 $5.592203510e-02, v17;
	v11 =	vadd.f32 $9.975032300e-06, v11;
	v63 =	vmax.f32 v21, $-1.260000000e+02  }
0x109: {  	v41 =	vld [tilespmem:s15+$0x69E0];
	v10 =	vmul.f32 v13, v10;
	v15 =	vmul.f32 v19, v15;
	v21 =	vadd.f32 $1.258291200e+07, v63  }
0x10a: {  	v33 =	vsub.s32 $0x7EF311C3, v16;
	v13 =	vadd.f32 $2.426400780e-01, v31;
	v8 =	vadd.f32 v11, v8  }
0x10b: {  	v19 =	vadd.f32 v32, v30;
	v30 =	vadd.f32 v28, v55;
	v35 =	vmul.f32 v33, v16  }
0x10c: {  	v31 =	vadd.f32 v59, v53;
	v34 =	vmul.f32 $3.044900480e-02, v15;
	v36 =	vadd.f32 $-1.258291200e+07, v21  }
0x10d: {  	v13 =	vmul.f32 v13, v17;
	v8 =	vmul.f32 v8, v10;
	v43 =	vadd.f32 v37, v19  }
0x10e: {  	v10 =	vadd.f32 v41, v46;
	v21 =	vshll.u32 v21, $0x17;
	v18 =	vsub.f32 v63, v36  }
0x10f: {  	v24 =	vsub.f32 $2.000000000e+00, v35;
	v21 =	vadd.s32 $0x3F800000, v21;
	v23 =	vadd.f32 $-1.315818280e-01, v34  }
0x110: {  	v13 =	vadd.f32 $6.931210160e-01, v13;
	v11 =	vmul.f32 $-1.442695020e+00, v43;
	v40 =	vmul.f32 $5.592203510e-02, v18  }
0x111: {  	v48 =	vand.u32 $0x7FFFFFFF, v10;
	v14 =	vmul.f32 v33, v24;
	v39 =	vmul.f32 v23, v15  }
0x112: {  	v13 =	vmul.f32 v13, v17;
	v11 =	vmin.f32 v11, $1.260000000e+02;
	v44 =	vadd.f32 $2.426400780e-01, v40  }
0x113: {  	v16 =	vmul.f32 v14, v16;
	v11 =	vmax.f32 v11, $-1.260000000e+02;
	v42 =	vadd.f32 $2.852726880e-01, v39  }
0x114: {  	v13 =	vadd.f32 $9.999244800e-01, v13;
	v47 =	vadd.f32 $1.258291200e+07, v11;
	v17 =	vmul.f32 v44, v18  }
0x115: {  	v49 =	vmul.f32 $-1.442695020e+00, v48;
	v16 =	vsub.f32 $2.000000000e+00, v16;
	v45 =	vmul.f32 v42, v15  }
0x116: {  	v13 =	vmul.f32 v20, v13;
	v50 =	vadd.f32 $-1.258291200e+07, v47;
	v17 =	vadd.f32 $6.931210160e-01, v17  }
0x117: {  	v20 =	vshll.u32 v47, $0x17;
	v47 =	vmax.f32 v12, $0.0e+00;
	v19 =	vadd.f32 $-4.902307090e-01, v45  }
0x118: {  	v14 =	vmul.f32 v16, v14;
	v13 =	vadd.f32 $1.000000000e+00, v13;
	v17 =	vmul.f32 v17, v18  }
0x119: {  	v61 =	vld [tilespmem:s15+$0x69F0];
	v22 =	vsub.f32 v11, v50;
	v19 =	vmul.f32 v19, v15;
	v18 =	vmax.f32 v49, $-1.260000000e+02  }
0x11a: {  	v51 =	vsub.s32 $0x7EF311C3, v13;
	v52 =	vadd.f32 $1.258291200e+07, v18;
	v17 =	vadd.f32 $9.999244800e-01, v17  }
0x11b: {  	v56 =	vmul.f32 $5.592203510e-02, v22;
	v54 =	vmul.f32 v51, v13;
	v19 =	vadd.f32 $9.992354510e-01, v19  }
0x11c: {  	v20 =	vadd.s32 $0x3F800000, v20;
	v57 =	vadd.f32 $-1.258291200e+07, v52;
	v17 =	vmul.f32 v21, v17  }
0x11d: {  	v29 =	vld [tilespmem:s15+$0x69B0];
	v58 =	vsub.f32 $2.000000000e+00, v54;
	v15 =	vmul.f32 v19, v15;
	v21 =	vadd.f32 $2.426400780e-01, v56  }
0x11e: {  	v11 =	vadd.f32 v61, v30;
	v30 =	vld [tilespmem:s15+$0x1A00];
	v18 =	vsub.f32 v18, v57;
	v60 =	vmul.f32 $3.044900480e-02, v17  }
0x11f: {  	v16 =	vmul.f32 v51, v58;
	v51 =	vld [tilespmem:s15+$0x4200];
	v15 =	vadd.f32 $9.975032300e-06, v15;
	v21 =	vmul.f32 v21, v22  }
0x120: {  	v34 =	vand.u32 $0x7FFFFFFF, v11;
	v63 =	vmul.f32 $5.592203510e-02, v18;
	v62 =	vadd.f32 $-1.315818280e-01, v60  }
0x121: {  	v13 =	vmul.f32 v16, v13;
	v9 =	vadd.f32 v15, v9;
	v21 =	vadd.f32 $6.931210160e-01, v21  }
0x122: {  	v37 =	vshll.u32 v52, $0x17;
	v52 =	vld [tilespmem:s15+$0x6A00];
	v25 =	vadd.f32 $2.426400780e-01, v63;
	v23 =	vmul.f32 v62, v17  }
0x123: {  	v13 =	vsub.f32 $2.000000000e+00, v13;
	v9 =	vmul.f32 v9, v14;
	v21 =	vmul.f32 v21, v22  }
0x124: {  	v14 =	vadd.f32 v29, v31;
	v22 =	vmul.f32 $-1.442695020e+00, v34;
	v24 =	vadd.f32 v51, v30  }
0x125: {  	v33 =	vmul.f32 v25, v18;
	v13 =	vmul.f32 v13, v16;
	v32 =	vadd.f32 $2.852726880e-01, v23  }
0x126: {  	v21 =	vadd.f32 $9.999244800e-01, v21;
	v14 =	vmul.f32 $-1.442695020e+00, v14;
	v35 =	vmax.f32 v22, $-1.260000000e+02  }
0x127: {  	v22 =	vadd.s32 $0x3F800000, v37;
	v56 =	vadd.f32 v52, v24;
	v19 =	vadd.f32 $6.931210160e-01, v33  }
0x128: {  	v36 =	vadd.f32 $1.258291200e+07, v35;
	v15 =	vmul.f32 v32, v17;
	v14 =	vmin.f32 v14, $1.260000000e+02  }
0x129: {  	v40 =	vld [tilespmem:s15+$0x1A40];
	v20 =	vmul.f32 v20, v21;
	v58 =	vmul.f32 $-1.442695020e+00, v56;
	v14 =	vmax.f32 v14, $-1.260000000e+02  }
0x12a: {  	v42 =	vld [tilespmem:s15+$0x4240];
	v18 =	vmul.f32 v19, v18;
	v39 =	vadd.f32 $-1.258291200e+07, v36;
	v38 =	vadd.f32 $1.258291200e+07, v14  }
0x12b: {  	v32 =	vmax.f32 v10, $0.0e+00;
	v15 =	vadd.f32 $-4.902307090e-01, v15;
	v20 =	vadd.f32 $1.000000000e+00, v20  }
0x12c: {  	v55 =	vshll.u32 v36, $0x17;
	v18 =	vadd.f32 $9.999244800e-01, v18;
	v19 =	vsub.f32 v35, v39  }
0x12d: {  	v46 =	vld [tilespmem:s15+$0x6A40];
	v41 =	vadd.f32 $-1.258291200e+07, v38;
	v15 =	vmul.f32 v15, v17;
	v44 =	vsub.s32 $0x7EF311C3, v20  }
0x12e: {  	v31 =	vld [tilespmem:s15+$0x4250];
	v23 =	vshll.u32 v38, $0x17;
	v18 =	vmul.f32 v22, v18;
	v45 =	vmul.f32 $5.592203510e-02, v19  }
0x12f: {  	v48 =	vmul.f32 v44, v20;
	v22 =	vadd.f32 v42, v40;
	v40 =	vld [tilespmem:s15+$0x1A50];
	v14 =	vsub.f32 v14, v41  }
0x130: {  	v15 =	vadd.f32 $9.992354510e-01, v15;
	v43 =	vmul.f32 $3.044900480e-02, v18;
	v16 =	vadd.f32 $2.426400780e-01, v45  }
0x131: {  	v63 =	vld [tilespmem:s15+$0x1A10];
	v23 =	vadd.s32 $0x3F800000, v23;
	v12 =	vsub.f32 $2.000000000e+00, v48;
	v49 =	vmul.f32 $5.592203510e-02, v14  }
0x132: {  	v38 =	vld [tilespmem:s15+$0x4210];
	v15 =	vmul.f32 v15, v17;
	v25 =	vadd.f32 $-1.315818280e-01, v43;
	v16 =	vmul.f32 v16, v19  }
0x133: {  	v26 =	vmul.f32 v44, v12;
	v12 =	vadd.f32 v46, v22;
	v50 =	vadd.f32 $2.426400780e-01, v49  }
0x134: {  	v15 =	vadd.f32 $9.975032300e-06, v15;
	v48 =	vadd.f32 v31, v40;
	v25 =	vmul.f32 v25, v18  }
0x135: {  	v34 =	vld [tilespmem:s15+$0x6A10];
	v16 =	vadd.f32 $6.931210160e-01, v16;
	v20 =	vmul.f32 v26, v20;
	v27 =	vand.u32 $0x7FFFFFFF, v12  }
0x136: {  	v12 =	vmax.f32 v12, $0.0e+00;
	v17 =	vmul.f32 v50, v14;
	v53 =	vmul.f32 $-1.442695020e+00, v27  }
0x137: {  	v15 =	vadd.f32 v15, v47;
	v47 =	vadd.f32 v38, v63;
	v63 =	vmax.f32 v11, $0.0e+00  }
0x138: {  	v25 =	vadd.f32 $2.852726880e-01, v25;
	v16 =	vmul.f32 v16, v19;
	v19 =	vadd.s32 $0x3F800000, v55  }
0x139: {  	v20 =	vsub.f32 $2.000000000e+00, v20;
	v17 =	vadd.f32 $6.931210160e-01, v17;
	v54 =	vmax.f32 v53, $-1.260000000e+02  }
0x13a: {  	v10 =	vmul.f32 v15, v13;
	v21 =	vadd.f32 v34, v47;
	v25 =	vmul.f32 v25, v18  }
0x13b: {  	v16 =	vadd.f32 $9.999244800e-01, v16;
	v57 =	vadd.f32 $1.258291200e+07, v54;
	v20 =	vmul.f32 v20, v26  }
0x13c: {  	v14 =	vmul.f32 v17, v14;
	v21 =	vmul.f32 $-1.442695020e+00, v21;
	v25 =	vadd.f32 $-4.902307090e-01, v25  }
0x13d: {  	v16 =	vmul.f32 v19, v16;
	v59 =	vadd.f32 $-1.258291200e+07, v57;
	v19 =	vmin.f32 v58, $1.260000000e+02  }
0x13e: {  	v22 =	vshll.u32 v57, $0x17;
	v14 =	vadd.f32 $9.999244800e-01, v14;
	v19 =	vmax.f32 v19, $-1.260000000e+02  }
0x13f: {  	v22 =	vadd.s32 $0x3F800000, v22;
	v21 =	vmin.f32 v21, $1.260000000e+02;
	v60 =	vmul.f32 v25, v18  }
0x140: {  	v61 =	vmul.f32 $3.044900480e-02, v16;
	v17 =	vsub.f32 v54, v59;
	v21 =	vmax.f32 v21, $-1.260000000e+02  }
0x141: {  	v36 =	vadd.f32 $1.258291200e+07, v19;
	v14 =	vmul.f32 v23, v14;
	v52 =	vadd.f32 $1.258291200e+07, v21  }
0x142: {  	v62 =	vadd.f32 $9.992354510e-01, v60;
	v23 =	vadd.f32 $-1.315818280e-01, v61;
	v37 =	vmul.f32 $5.592203510e-02, v17  }
0x143: {  	v41 =	vadd.f32 $-1.258291200e+07, v36;
	v25 =	vshll.u32 v36, $0x17;
	v14 =	vadd.f32 $1.000000000e+00, v14  }
0x144: {  	v56 =	vadd.f32 $-1.258291200e+07, v52;
	v59 =	vadd.s32 $0x3F800000, v25;
	v26 =	vshll.u32 v52, $0x17  }
0x145: {  	v18 =	vmul.f32 v62, v18;
	v23 =	vmul.f32 v23, v16;
	v27 =	vadd.f32 $2.426400780e-01, v37  }
0x146: {  	v19 =	vsub.f32 v19, v41;
	v26 =	vadd.s32 $0x3F800000, v26;
	v39 =	vsub.s32 $0x7EF311C3, v14  }
0x147: {  	v33 =	vmul.f32 v39, v14;
	v23 =	vadd.f32 $2.852726880e-01, v23;
	v27 =	vmul.f32 v27, v17  }
0x148: {  	v42 =	vld [tilespmem:s15+$0x6A50];
	v21 =	vsub.f32 v21, v56;
	v18 =	vadd.f32 $9.975032300e-06, v18;
	v46 =	vmul.f32 $5.592203510e-02, v19  }
0x149: {  	v44 =	vsub.f32 $2.000000000e+00, v33;
	v45 =	vmul.f32 v23, v16;
	v27 =	vadd.f32 $6.931210160e-01, v27  }
0x14a: {  	v37 =	vmul.f32 $5.592203510e-02, v21;
	v43 =	vadd.f32 v18, v32;
	v23 =	vadd.f32 $2.426400780e-01, v46  }
0x14b: {  	v55 =	vld [tilespmem:s15+$0x1A20];
	v15 =	vmul.f32 v39, v44;
	v18 =	vadd.f32 $-4.902307090e-01, v45;
	v17 =	vmul.f32 v27, v17  }
0x14c: {  	v58 =	vld [tilespmem:s15+$0x4220];
	v23 =	vmul.f32 v23, v19;
	v11 =	vmul.f32 v43, v20;
	v43 =	vadd.f32 $2.426400780e-01, v37  }
0x14d: {  	v49 =	vmul.f32 v15, v14;
	v14 =	vadd.f32 v42, v48;
	v17 =	vadd.f32 $9.999244800e-01, v17  }
0x14e: {  	v18 =	vmul.f32 v18, v16;
	v23 =	vadd.f32 $6.931210160e-01, v23;
	v20 =	vmul.f32 v43, v21  }
0x14f: {  	v24 =	vand.u32 $0x7FFFFFFF, v14;
	v27 =	vsub.f32 $2.000000000e+00, v49;
	v22 =	vmul.f32 v22, v17  }
0x150: {  	v36 =	vld [tilespmem:s15+$0x6A20];
	v18 =	vadd.f32 $9.992354510e-01, v18;
	v19 =	vmul.f32 v23, v19;
	v50 =	vmul.f32 $-1.442695020e+00, v24  }
0x151: {  	v20 =	vadd.f32 $6.931210160e-01, v20;
	v14 =	vmax.f32 v14, $0.0e+00;
	v24 =	vadd.f32 v58, v55  }
0x152: {  	v51 =	vmul.f32 $3.044900480e-02, v22;
	v16 =	vmul.f32 v18, v16;
	v17 =	vmax.f32 v50, $-1.260000000e+02  }
0x153: {  	v60 =	vld [tilespmem:s15+$0x1A60];
	v19 =	vadd.f32 $9.999244800e-01, v19;
	v20 =	vmul.f32 v20, v21;
	v53 =	vadd.f32 $1.258291200e+07, v17  }
0x154: {  	v62 =	vld [tilespmem:s15+$0x4260];
	v15 =	vmul.f32 v27, v15;
	v54 =	vadd.f32 $-1.315818280e-01, v51;
	v16 =	vadd.f32 $9.975032300e-06, v16  }
0x155: {  	v18 =	vmul.f32 v59, v19;
	v19 =	vadd.f32 v36, v24;
	v20 =	vadd.f32 $9.999244800e-01, v20  }
0x156: {  	v39 =	vld [tilespmem:s15+$0x6A60];
	v57 =	vadd.f32 $-1.258291200e+07, v53;
	v23 =	vmul.f32 v54, v22;
	v40 =	vadd.f32 v16, v63  }
0x157: {  	v41 =	vadd.f32 $1.000000000e+00, v18;
	v19 =	vmul.f32 $-1.442695020e+00, v19;
	v50 =	vshll.u32 v53, $0x17  }
0x158: {  	v56 =	vld [tilespmem:s15+$0x1A30];
	v20 =	vmul.f32 v26, v20;
	v61 =	vsub.f32 v17, v57;
	v23 =	vadd.f32 $2.852726880e-01, v23  }
0x159: {  	v58 =	vld [tilespmem:s15+$0x4270];
	v17 =	vadd.f32 v62, v60;
	v45 =	vsub.s32 $0x7EF311C3, v41;
	v19 =	vmin.f32 v19, $1.260000000e+02  }
0x15a: {  	v20 =	vadd.f32 $1.000000000e+00, v20;
	v57 =	vld [tilespmem:s15+$0x1A70];
	v46 =	vmul.f32 v45, v41;
	v19 =	vmax.f32 v19, $-1.260000000e+02  }
0x15b: {  	v60 =	vld [tilespmem:s15+$0x4230];
	v38 =	vmul.f32 $5.592203510e-02, v61;
	v42 =	vmul.f32 v23, v22;
	v17 =	vadd.f32 v39, v17  }
0x15c: {  	v51 =	vadd.f32 $1.258291200e+07, v19;
	v59 =	vsub.s32 $0x7EF311C3, v20;
	v24 =	vsub.f32 $2.000000000e+00, v46  }
0x15d: {  	v35 =	vmul.f32 v59, v20;
	v44 =	vadd.f32 $2.426400780e-01, v38;
	v18 =	vadd.f32 $-4.902307090e-01, v42  }
0x15e: {  	v47 =	vand.u32 $0x7FFFFFFF, v17;
	v53 =	vadd.f32 $-1.258291200e+07, v51;
	v17 =	vmax.f32 v17, $0.0e+00  }
0x15f: {  	v27 =	vmul.f32 $-1.442695020e+00, v47;
	v62 =	vsub.f32 $2.000000000e+00, v35;
	v23 =	vmul.f32 v44, v61  }
0x160: {  	v36 =	vld [tilespmem:s15+$0x6A30];
	v24 =	vmul.f32 v45, v24;
	v63 =	vadd.f32 v58, v57;
	v38 =	vadd.f32 v60, v56  }
0x161: {  	v18 =	vmul.f32 v18, v22;
	v49 =	vmax.f32 v27, $-1.260000000e+02;
	v23 =	vadd.f32 $6.931210160e-01, v23  }
0x162: {  	v19 =	vsub.f32 v19, v53;
	v44 =	vshll.u32 v51, $0x17;
	v52 =	vadd.f32 $1.258291200e+07, v49  }
0x163: {  	v27 =	vadd.s32 $0x3F800000, v50;
	v18 =	vadd.f32 $9.992354510e-01, v18;
	v23 =	vmul.f32 v23, v61  }
0x164: {  	v16 =	vmul.f32 v24, v41;
	v26 =	vmul.f32 v59, v62;
	v54 =	vadd.f32 $-1.258291200e+07, v52;
	v61 =	vld [tilespmem:s15+$0x6A70]  }
0x165: {  	v41 =	vadd.f32 v36, v38;
	v18 =	vmul.f32 v18, v22;
	v48 =	vadd.f32 $9.999244800e-01, v23  }
0x166: {  	v45 =	vadd.s32 $0x3F800000, v44;
	v20 =	vmul.f32 v26, v20;
	v23 =	vsub.f32 v49, v54  }
0x167: {  	v16 =	vsub.f32 $2.000000000e+00, v16;
	v18 =	vadd.f32 $9.975032300e-06, v18;
	v21 =	vmul.f32 v27, v48  }
0x168: {  	v20 =	vsub.f32 $2.000000000e+00, v20;
	v27 =	vmul.f32 $5.592203510e-02, v19;
	v30 =	vmul.f32 $5.592203510e-02, v23  }
0x169: {  	v18 =	vadd.f32 v18, v12;
	v12 =	vmul.f32 v40, v15;
	v15 =	vadd.f32 v61, v63  }
0x16a: {  	v58 =	vld [tilespmem:s15+$0x1A80];
	v16 =	vmul.f32 v16, v24;
	v55 =	vmul.f32 $3.044900480e-02, v21;
	v27 =	vadd.f32 $2.426400780e-01, v27  }
0x16b: {  	v62 =	vld [tilespmem:s15+$0x4280];
	v20 =	vmul.f32 v20, v26;
	v30 =	vadd.f32 $2.426400780e-01, v30;
	v42 =	vand.u32 $0x7FFFFFFF, v15  }
0x16c: {  	v25 =	vadd.f32 $-1.315818280e-01, v55;
	v27 =	vmul.f32 v27, v19;
	v24 =	vmul.f32 $-1.442695020e+00, v42  }
0x16d: {  	v43 =	vshll.u32 v52, $0x17;
	v13 =	vmul.f32 v18, v16;
	v30 =	vmul.f32 v30, v23  }
0x16e: {  	v25 =	vmul.f32 v25, v21;
	v35 =	vadd.f32 $6.931210160e-01, v27;
	v24 =	vmax.f32 v24, $-1.260000000e+02  }
0x16f: {  	v15 =	vmax.f32 v15, $0.0e+00;
	v37 =	vadd.f32 $6.931210160e-01, v30;
	v46 =	vadd.f32 $1.258291200e+07, v24  }
0x170: {  	v42 =	vadd.f32 v62, v58;
	v25 =	vadd.f32 $2.852726880e-01, v25;
	v19 =	vmul.f32 v35, v19  }
0x171: {  	v53 =	vld [tilespmem:s15+$0x1AC0];
	v40 =	vmul.f32 v37, v23;
	v23 =	vmul.f32 $-1.442695020e+00, v41;
	v49 =	vadd.f32 $-1.258291200e+07, v46  }
0x172: {  	v55 =	vld [tilespmem:s15+$0x42C0];
	v27 =	vshll.u32 v46, $0x17;
	v31 =	vmul.f32 v25, v21;
	v19 =	vadd.f32 $9.999244800e-01, v19  }
0x173: {  	v22 =	vadd.f32 $9.999244800e-01, v40;
	v25 =	vadd.s32 $0x3F800000, v43;
	v23 =	vmin.f32 v23, $1.260000000e+02  }
0x174: {  	v27 =	vadd.s32 $0x3F800000, v27;
	v52 =	vsub.f32 v24, v49;
	v19 =	vmul.f32 v45, v19  }
0x175: {  	v23 =	vmax.f32 v23, $-1.260000000e+02;
	v39 =	vadd.f32 $-4.902307090e-01, v31;
	v22 =	vmul.f32 v25, v22  }
0x176: {  	v48 =	vadd.f32 $1.258291200e+07, v23;
	v57 =	vmul.f32 $5.592203510e-02, v52;
	v19 =	vadd.f32 $1.000000000e+00, v19  }
0x177: {  	v60 =	vld [tilespmem:s15+$0x6AC0];
	v24 =	vadd.f32 v55, v53;
	v47 =	vmul.f32 $3.044900480e-02, v22;
	v50 =	vmul.f32 v39, v21  }
0x178: {  	v51 =	vadd.f32 $-1.258291200e+07, v48;
	v16 =	vadd.f32 $2.426400780e-01, v57;
	v56 =	vsub.s32 $0x7EF311C3, v19  }
0x179: {  	v25 =	vadd.f32 $-1.315818280e-01, v47;
	v54 =	vadd.f32 $9.992354510e-01, v50;
	v59 =	vmul.f32 v56, v19  }
0x17a: {  	v28 =	vshll.u32 v48, $0x17;
	v23 =	vsub.f32 v23, v51;
	v16 =	vmul.f32 v16, v52  }
0x17b: {  	v25 =	vmul.f32 v25, v22;
	v21 =	vmul.f32 v54, v21;
	v29 =	vsub.f32 $2.000000000e+00, v59  }
0x17c: {  	v61 =	vmul.f32 $5.592203510e-02, v23;
	v40 =	vadd.f32 $6.931210160e-01, v16;
	v16 =	vadd.f32 v60, v24  }
0x17d: {  	v28 =	vadd.s32 $0x3F800000, v28;
	v25 =	vadd.f32 $2.852726880e-01, v25;
	v21 =	vadd.f32 $9.975032300e-06, v21  }
0x17e: {  	v63 =	vld [tilespmem:s15+$0x6A80];
	v34 =	vadd.f32 $2.426400780e-01, v61;
	v18 =	vmul.f32 v40, v52;
	v43 =	vand.u32 $0x7FFFFFFF, v16  }
0x17f: {  	v50 =	vld [tilespmem:s15+$0x1AD0];
	v25 =	vmul.f32 v25, v22;
	v14 =	vadd.f32 v21, v14;
	v21 =	vmul.f32 v56, v29  }
0x180: {  	v52 =	vld [tilespmem:s15+$0x42D0];
	v16 =	vmax.f32 v16, $0.0e+00;
	v39 =	vmul.f32 v34, v23;
	v30 =	vmul.f32 $-1.442695020e+00, v43  }
0x181: {  	v18 =	vadd.f32 $9.999244800e-01, v18;
	v25 =	vadd.f32 $-4.902307090e-01, v25;
	v19 =	vmul.f32 v21, v19  }
0x182: {  	v29 =	vadd.f32 $6.931210160e-01, v39;
	v44 =	vmax.f32 v30, $-1.260000000e+02;
	v14 =	vmul.f32 v14, v20  }
0x183: {  	v40 =	vld [tilespmem:s15+$0x4290];
	v18 =	vmul.f32 v27, v18;
	v45 =	vadd.f32 $1.258291200e+07, v44;
	v41 =	vmul.f32 v25, v22  }
0x184: {  	v25 =	vadd.f32 v63, v42;
	v23 =	vmul.f32 v29, v23;
	v63 =	vld [tilespmem:s15+$0x1A90];
	v34 =	vsub.f32 $2.000000000e+00, v19  }
0x185: {  	v32 =	vadd.f32 v52, v50;
	v38 =	vmul.f32 $3.044900480e-02, v18;
	v39 =	vadd.f32 $-1.258291200e+07, v45  }
0x186: {  	v24 =	vadd.f32 $9.992354510e-01, v41;
	v25 =	vmul.f32 $-1.442695020e+00, v25;
	v23 =	vadd.f32 $9.999244800e-01, v23  }
0x187: {  	v48 =	vld [tilespmem:s15+$0x6A90];
	v27 =	vshll.u32 v45, $0x17;
	v46 =	vadd.f32 $-1.315818280e-01, v38;
	v47 =	vsub.f32 v44, v39  }
0x188: {  	v25 =	vmin.f32 v25, $1.260000000e+02;
	v41 =	vmul.f32 v28, v23;
	v22 =	vmul.f32 v24, v22  }
0x189: {  	v25 =	vmax.f32 v25, $-1.260000000e+02;
	v51 =	vmul.f32 $5.592203510e-02, v47;
	v30 =	vadd.f32 v40, v63  }
0x18a: {  	v24 =	vmul.f32 v46, v18;
	v42 =	vadd.f32 $1.258291200e+07, v25;
	v19 =	vadd.f32 $1.000000000e+00, v41  }
0x18b: {  	v27 =	vadd.s32 $0x3F800000, v27;
	v22 =	vadd.f32 $9.975032300e-06, v22;
	v54 =	vadd.f32 $2.426400780e-01, v51  }
0x18c: {  	v24 =	vadd.f32 $2.852726880e-01, v24;
	v29 =	vadd.f32 v48, v30;
	v37 =	vsub.s32 $0x7EF311C3, v19  }
0x18d: {  	v49 =	vadd.f32 $-1.258291200e+07, v42;
	v53 =	vmul.f32 v37, v19;
	v58 =	vmul.f32 v54, v47  }
0x18e: {  	v22 =	vadd.f32 v22, v17;
	v24 =	vmul.f32 v24, v18;
	v29 =	vmul.f32 $-1.442695020e+00, v29  }
0x18f: {  	v21 =	vmul.f32 v34, v21;
	v25 =	vsub.f32 v25, v49;
	v59 =	vadd.f32 $6.931210160e-01, v58  }
0x190: {  	v55 =	vld [tilespmem:s15+$0x6AD0];
	v57 =	vsub.f32 $2.000000000e+00, v53;
	v24 =	vadd.f32 $-4.902307090e-01, v24;
	v29 =	vmin.f32 v29, $1.260000000e+02  }
0x191: {  	v56 =	vmul.f32 $5.592203510e-02, v25;
	v61 =	vmax.f32 v29, $-1.260000000e+02;
	v26 =	vmul.f32 v59, v47  }
0x192: {  	v23 =	vshll.u32 v42, $0x17;
	v24 =	vmul.f32 v24, v18;
	v63 =	vadd.f32 $1.258291200e+07, v61  }
0x193: {  	v30 =	vmul.f32 v37, v57;
	v17 =	vadd.f32 $2.426400780e-01, v56;
	v26 =	vadd.f32 $9.999244800e-01, v26  }
0x194: {  	v52 =	vld [tilespmem:s15+$0x1AA0];
	v23 =	vadd.s32 $0x3F800000, v23;
	v24 =	vadd.f32 $9.992354510e-01, v24;
	v43 =	vadd.f32 $-1.258291200e+07, v63  }
0x195: {  	v56 =	vld [tilespmem:s15+$0x42A0];
	v19 =	vmul.f32 v30, v19;
	v60 =	vmul.f32 v17, v25;
	v17 =	vadd.f32 v55, v32  }
0x196: {  	v54 =	vld [tilespmem:s15+$0x42E0];
	v31 =	vshll.u32 v63, $0x17;
	v26 =	vmul.f32 v27, v26;
	v45 =	vsub.f32 v61, v43  }
0x197: {  	v53 =	vld [tilespmem:s15+$0x1AE0];
	v18 =	vmul.f32 v24, v18;
	v62 =	vadd.f32 $6.931210160e-01, v60;
	v32 =	vand.u32 $0x7FFFFFFF, v17  }
0x198: {  	v40 =	vsub.f32 $2.000000000e+00, v19;
	v32 =	vmul.f32 $-1.442695020e+00, v32;
	v48 =	vmul.f32 $5.592203510e-02, v45  }
0x199: {  	v39 =	vld [tilespmem:s15+$0x6AE0];
	v47 =	vmul.f32 $3.044900480e-02, v26;
	v18 =	vadd.f32 $9.975032300e-06, v18;
	v25 =	vmul.f32 v62, v25  }
0x19a: {  	v29 =	vadd.f32 v56, v52;
	v44 =	vmax.f32 v32, $-1.260000000e+02;
	v51 =	vadd.f32 $2.426400780e-01, v48  }
0x19b: {  	v31 =	vadd.s32 $0x3F800000, v31;
	v46 =	vadd.f32 $1.258291200e+07, v44;
	v25 =	vadd.f32 $9.999244800e-01, v25  }
0x19c: {  	v50 =	vadd.f32 $-1.315818280e-01, v47;
	v32 =	vadd.f32 v54, v53;
	v24 =	vmul.f32 v51, v45  }
0x19d: {  	v60 =	vld [tilespmem:s15+$0x6AA0];
	v19 =	vadd.f32 v18, v15;
	v49 =	vadd.f32 $-1.258291200e+07, v46;
	v23 =	vmul.f32 v23, v25  }
0x19e: {  	v18 =	vadd.f32 v39, v32;
	v25 =	vmul.f32 v50, v26;
	v24 =	vadd.f32 $6.931210160e-01, v24  }
0x19f: {  	v17 =	vmax.f32 v17, $0.0e+00;
	v27 =	vsub.f32 v44, v49;
	v23 =	vadd.f32 $1.000000000e+00, v23  }
0x1a0: {  	v28 =	vshll.u32 v46, $0x17;
	v61 =	vand.u32 $0x7FFFFFFF, v18;
	v25 =	vadd.f32 $2.852726880e-01, v25  }
0x1a1: {  	v20 =	vmul.f32 v24, v45;
	v33 =	vmul.f32 $5.592203510e-02, v27;
	v55 =	vsub.s32 $0x7EF311C3, v23  }
0x1a2: {  	v57 =	vmul.f32 v25, v26;
	v25 =	vadd.f32 v60, v29;
	v38 =	vmul.f32 v55, v23  }
0x1a3: {  	v28 =	vadd.s32 $0x3F800000, v28;
	v20 =	vadd.f32 $9.999244800e-01, v20;
	v33 =	vadd.f32 $2.426400780e-01, v33  }
0x1a4: {  	v47 =	vld [tilespmem:s15+$0x1AF0];
	v15 =	vadd.f32 $-4.902307090e-01, v57;
	v25 =	vmul.f32 $-1.442695020e+00, v25;
	v58 =	vsub.f32 $2.000000000e+00, v38  }
0x1a5: {  	v50 =	vld [tilespmem:s15+$0x42F0];
	v18 =	vmax.f32 v18, $0.0e+00;
	v20 =	vmul.f32 v31, v20;
	v59 =	vmul.f32 v33, v27  }
0x1a6: {  	v15 =	vmul.f32 v15, v26;
	v25 =	vmin.f32 v25, $1.260000000e+02;
	v33 =	vmul.f32 v55, v58  }
0x1a7: {  	v20 =	vadd.f32 $1.000000000e+00, v20;
	v25 =	vmax.f32 v25, $-1.260000000e+02;
	v24 =	vadd.f32 $6.931210160e-01, v59  }
0x1a8: {  	v15 =	vadd.f32 $9.992354510e-01, v15;
	v48 =	vadd.f32 $1.258291200e+07, v25;
	v23 =	vmul.f32 v33, v23  }
0x1a9: {  	v62 =	vld [tilespmem:s15+$0x1AB0];
	v63 =	vsub.s32 $0x7EF311C3, v20;
	v24 =	vmul.f32 v24, v27;
	v27 =	vmul.f32 $-1.442695020e+00, v61  }
0x1aa: {  	v44 =	vld [tilespmem:s15+$0x42B0];
	v56 =	vadd.f32 v50, v47;
	v45 =	vmul.f32 v63, v20;
	v26 =	vmul.f32 v15, v26  }
0x1ab: {  	v41 =	vld [tilespmem:s15+$0x6AB0];
	v15 =	vmul.f32 v22, v21;
	v51 =	vadd.f32 $-1.258291200e+07, v48;
	v23 =	vsub.f32 $2.000000000e+00, v23  }
0x1ac: {  	v53 =	vld [tilespmem:s15+$0x6AF0];
	v24 =	vadd.f32 $9.999244800e-01, v24;
	v27 =	vmax.f32 v27, $-1.260000000e+02;
	v34 =	vsub.f32 $2.000000000e+00, v45  }
0x1ad: {  	v26 =	vadd.f32 $9.975032300e-06, v26;
	v21 =	vsub.f32 v25, v51;
	v23 =	vmul.f32 v23, v33  }
0x1ae: {  	v31 =	vadd.f32 $1.258291200e+07, v27;
	v24 =	vmul.f32 v28, v24;
	v29 =	vmul.f32 v63, v34  }
0x1af: {  	v28 =	vadd.f32 v44, v62;
	v58 =	vmul.f32 $5.592203510e-02, v21;
	v16 =	vadd.f32 v26, v16  }
0x1b0: {  	v49 =	vadd.f32 $-1.258291200e+07, v31;
	v31 =	vshll.u32 v31, $0x17;
	v46 =	vmul.f32 $3.044900480e-02, v24  }
0x1b1: {  	v57 =	vmul.f32 v29, v20;
	v28 =	vadd.f32 v41, v28;
	v20 =	vadd.f32 v53, v56  }
0x1b2: {  	v60 =	vadd.f32 $2.426400780e-01, v58;
	v31 =	vadd.s32 $0x3F800000, v31;
	v52 =	vsub.f32 v27, v49  }
0x1b3: {  	v47 =	vld [tilespmem:s15+$0x1B00];
	v16 =	vmul.f32 v16, v23;
	v35 =	vadd.f32 $-1.315818280e-01, v46;
	v28 =	vmul.f32 $-1.442695020e+00, v28  }
0x1b4: {  	v49 =	vld [tilespmem:s15+$0x4300];
	v32 =	vand.u32 $0x7FFFFFFF, v20;
	v27 =	vmul.f32 v60, v21;
	v55 =	vmul.f32 $5.592203510e-02, v52  }
0x1b5: {  	v46 =	vshll.u32 v48, $0x17;
	v32 =	vmul.f32 $-1.442695020e+00, v32;
	v54 =	vmul.f32 v35, v24  }
0x1b6: {  	v28 =	vmin.f32 v28, $1.260000000e+02;
	v27 =	vadd.f32 $6.931210160e-01, v27;
	v25 =	vadd.f32 $2.426400780e-01, v55  }
0x1b7: {  	v61 =	vmax.f32 v28, $-1.260000000e+02;
	v62 =	vmax.f32 v32, $-1.260000000e+02;
	v34 =	vadd.f32 $2.852726880e-01, v54  }
0x1b8: {  	v51 =	vld [tilespmem:s15+$0x1B40];
	v20 =	vmax.f32 v20, $0.0e+00;
	v63 =	vadd.f32 $1.258291200e+07, v61;
	v35 =	vadd.f32 $1.258291200e+07, v62  }
0x1b9: {  	v21 =	vmul.f32 v27, v21;
	v27 =	vmul.f32 v40, v30;
	v54 =	vld [tilespmem:s15+$0x4340];
	v36 =	vadd.f32 v49, v47  }
0x1ba: {  	v25 =	vmul.f32 v25, v52;
	v59 =	vmul.f32 v34, v24;
	v34 =	vsub.f32 $2.000000000e+00, v57  }
0x1bb: {  	v58 =	vld [tilespmem:s15+$0x6B40];
	v30 =	vadd.s32 $0x3F800000, v46;
	v45 =	vadd.f32 $-1.258291200e+07, v35;
	v21 =	vadd.f32 $9.999244800e-01, v21  }
0x1bc: {  	v44 =	vadd.f32 $-1.258291200e+07, v63;
	v63 =	vshll.u32 v63, $0x17;
	v25 =	vadd.f32 $6.931210160e-01, v25  }
0x1bd: {  	v26 =	vadd.f32 $-4.902307090e-01, v59;
	v28 =	vsub.f32 v62, v45;
	v21 =	vmul.f32 v30, v21  }
0x1be: {  	v22 =	vmul.f32 v25, v52;
	v25 =	vsub.f32 v61, v44;
	v30 =	vadd.f32 v54, v51  }
0x1bf: {  	v57 =	vld [tilespmem:s15+$0x6B00];
	v26 =	vmul.f32 v26, v24;
	v38 =	vmul.f32 $5.592203510e-02, v28;
	v55 =	vadd.f32 $1.000000000e+00, v21  }
0x1c0: {  	v22 =	vadd.f32 $9.999244800e-01, v22;
	v48 =	vmul.f32 $5.592203510e-02, v25;
	v21 =	vadd.f32 v58, v30  }
0x1c1: {  	v39 =	vshll.u32 v35, $0x17;
	v26 =	vadd.f32 $9.992354510e-01, v26;
	v53 =	vadd.f32 $2.426400780e-01, v38  }
0x1c2: {  	v59 =	vsub.s32 $0x7EF311C3, v55;
	v22 =	vmul.f32 v31, v22;
	v52 =	vadd.f32 $2.426400780e-01, v48  }
0x1c3: {  	v61 =	vmul.f32 v59, v55;
	v40 =	vand.u32 $0x7FFFFFFF, v21;
	v33 =	vmul.f32 v53, v28  }
0x1c4: {  	v24 =	vmul.f32 v26, v24;
	v26 =	vadd.f32 v57, v36;
	v31 =	vmul.f32 $3.044900480e-02, v22  }
0x1c5: {  	v42 =	vmul.f32 $-1.442695020e+00, v40;
	v62 =	vsub.f32 $2.000000000e+00, v61;
	v33 =	vadd.f32 $6.931210160e-01, v33  }
0x1c6: {  	v24 =	vadd.f32 $9.975032300e-06, v24;
	v26 =	vmul.f32 $-1.442695020e+00, v26;
	v50 =	vadd.f32 $-1.315818280e-01, v31  }
0x1c7: {  	v30 =	vadd.s32 $0x3F800000, v39;
	v31 =	vmul.f32 v52, v25;
	v28 =	vmul.f32 v33, v28  }
0x1c8: {  	v53 =	vld [tilespmem:s15+$0x1B10];
	v51 =	vmul.f32 v59, v62;
	v24 =	vadd.f32 v24, v17;
	v56 =	vmul.f32 v50, v22  }
0x1c9: {  	v21 =	vmax.f32 v21, $0.0e+00;
	v61 =	vld [tilespmem:s15+$0x4310];
	v31 =	vadd.f32 $6.931210160e-01, v31;
	v28 =	vadd.f32 $9.999244800e-01, v28  }
0x1ca: {  	v59 =	vld [tilespmem:s15+$0x4350];
	v44 =	vmin.f32 v26, $1.260000000e+02;
	v54 =	vmul.f32 v51, v55;
	v60 =	vadd.f32 $2.852726880e-01, v56  }
0x1cb: {  	v46 =	vmax.f32 v44, $-1.260000000e+02;
	v25 =	vmul.f32 v31, v25;
	v56 =	vld [tilespmem:s15+$0x1B50];
	v28 =	vmul.f32 v30, v28  }
0x1cc: {  	v31 =	vadd.s32 $0x3F800000, v63;
	v33 =	vsub.f32 $2.000000000e+00, v54;
	v17 =	vmul.f32 v60, v22  }
0x1cd: {  	v30 =	vmax.f32 v42, $-1.260000000e+02;
	v25 =	vadd.f32 $9.999244800e-01, v25;
	v45 =	vmul.f32 $3.044900480e-02, v28  }
0x1ce: {  	v43 =	vadd.f32 $-4.902307090e-01, v17;
	v17 =	vmul.f32 v19, v27;
	v19 =	vadd.f32 $1.258291200e+07, v46  }
0x1cf: {  	v25 =	vmul.f32 v31, v25;
	v27 =	vadd.f32 $1.258291200e+07, v30;
	v31 =	vadd.f32 v61, v53  }
0x1d0: {  	v26 =	vmul.f32 v34, v29;
	v48 =	vadd.f32 $-1.315818280e-01, v45;
	v44 =	vadd.f32 v59, v56  }
0x1d1: {  	v33 =	vmul.f32 v33, v51;
	v47 =	vadd.f32 $1.000000000e+00, v25;
	v49 =	vadd.f32 $-1.258291200e+07, v19  }
0x1d2: {  	v50 =	vadd.f32 $-1.258291200e+07, v27;
	v32 =	vmul.f32 v43, v22;
	v43 =	vld [tilespmem:s15+$0x6B10];
	v27 =	vshll.u32 v27, $0x17  }
0x1d3: {  	v19 =	vshll.u32 v19, $0x17;
	v25 =	vmul.f32 v48, v28;
	v27 =	vadd.s32 $0x3F800000, v27  }
0x1d4: {  	v52 =	vsub.s32 $0x7EF311C3, v47;
	v29 =	vsub.f32 v46, v49;
	v30 =	vsub.f32 v30, v50  }
0x1d5: {  	v19 =	vadd.s32 $0x3F800000, v19;
	v32 =	vadd.f32 $9.992354510e-01, v32;
	v55 =	vmul.f32 v52, v47  }
0x1d6: {  	v62 =	vld [tilespmem:s15+$0x6B50];
	v25 =	vadd.f32 $2.852726880e-01, v25;
	v57 =	vmul.f32 $5.592203510e-02, v29;
	v58 =	vmul.f32 $5.592203510e-02, v30  }
0x1d7: {  	v22 =	vmul.f32 v32, v22;
	v60 =	vsub.f32 $2.000000000e+00, v55;
	v31 =	vadd.f32 v43, v31  }
0x1d8: {  	v25 =	vmul.f32 v25, v28;
	v38 =	vadd.f32 $2.426400780e-01, v57;
	v39 =	vadd.f32 $2.426400780e-01, v58  }
0x1d9: {  	v51 =	vld [tilespmem:s15+$0x1B20];
	v22 =	vadd.f32 $9.975032300e-06, v22;
	v32 =	vmul.f32 v52, v60;
	v31 =	vmul.f32 $-1.442695020e+00, v31  }
0x1da: {  	v58 =	vld [tilespmem:s15+$0x4320];
	v25 =	vadd.f32 $-4.902307090e-01, v25;
	v63 =	vmul.f32 v38, v29;
	v42 =	vmul.f32 v39, v30  }
0x1db: {  	v18 =	vadd.f32 v22, v18;
	v22 =	vadd.f32 v62, v44;
	v23 =	vmul.f32 v32, v47  }
0x1dc: {  	v62 =	vld [tilespmem:s15+$0x6B20];
	v25 =	vmul.f32 v25, v28;
	v31 =	vmin.f32 v31, $1.260000000e+02;
	v45 =	vadd.f32 $6.931210160e-01, v42  }
0x1dd: {  	v35 =	vadd.f32 $6.931210160e-01, v63;
	v46 =	vand.u32 $0x7FFFFFFF, v22;
	v31 =	vmax.f32 v31, $-1.260000000e+02  }
0x1de: {  	v53 =	vld [tilespmem:s15+$0x1B60];
	v18 =	vmul.f32 v18, v33;
	v25 =	vadd.f32 $9.992354510e-01, v25;
	v30 =	vmul.f32 v45, v30  }
0x1df: {  	v55 =	vld [tilespmem:s15+$0x4360];
	v34 =	vmul.f32 $-1.442695020e+00, v46;
	v42 =	vadd.f32 v58, v51;
	v29 =	vmul.f32 v35, v29  }
0x1e0: {  	v23 =	vsub.f32 $2.000000000e+00, v23;
	v25 =	vmul.f32 v25, v28;
	v30 =	vadd.f32 $9.999244800e-01, v30  }
0x1e1: {  	v47 =	vmax.f32 v34, $-1.260000000e+02;
	v45 =	vadd.f32 v62, v42;
	v29 =	vadd.f32 $9.999244800e-01, v29  }
0x1e2: {  	v34 =	vadd.f32 $1.258291200e+07, v47;
	v25 =	vadd.f32 $9.975032300e-06, v25;
	v27 =	vmul.f32 v27, v30  }
0x1e3: {  	v29 =	vmul.f32 v19, v29;
	v19 =	vmul.f32 v24, v26;
	v24 =	vadd.f32 $1.258291200e+07, v31  }
0x1e4: {  	v22 =	vmax.f32 v22, $0.0e+00;
	v49 =	vadd.f32 $-1.258291200e+07, v34;
	v30 =	vadd.f32 v55, v53  }
0x1e5: {  	v48 =	vmul.f32 $3.044900480e-02, v27;
	v29 =	vadd.f32 $1.000000000e+00, v29;
	v52 =	vadd.f32 $-1.258291200e+07, v24  }
0x1e6: {  	v32 =	vmul.f32 v23, v32;
	v20 =	vadd.f32 v25, v20;
	v26 =	vsub.f32 v47, v49  }
0x1e7: {  	v53 =	vld [tilespmem:s15+$0x1B70];
	v50 =	vadd.f32 $-1.315818280e-01, v48;
	v56 =	vsub.s32 $0x7EF311C3, v29;
	v31 =	vsub.f32 v31, v52  }
0x1e8: {  	v55 =	vld [tilespmem:s15+$0x4370];
	v24 =	vshll.u32 v24, $0x17;
	v57 =	vmul.f32 $5.592203510e-02, v26;
	v59 =	vmul.f32 v56, v29  }
0x1e9: {  	v60 =	vld [tilespmem:s15+$0x6B60];
	v24 =	vadd.s32 $0x3F800000, v24;
	v54 =	vmul.f32 v50, v27;
	v61 =	vmul.f32 $5.592203510e-02, v31  }
0x1ea: {  	v20 =	vmul.f32 v20, v32;
	v23 =	vadd.f32 $2.426400780e-01, v57;
	v63 =	vsub.f32 $2.000000000e+00, v59  }
0x1eb: {  	v48 =	vshll.u32 v34, $0x17;
	v28 =	vadd.f32 $2.852726880e-01, v54;
	v40 =	vadd.f32 $2.426400780e-01, v61  }
0x1ec: {  	v33 =	vadd.s32 $0x3F800000, v48;
	v23 =	vmul.f32 v23, v26;
	v25 =	vmul.f32 v56, v63  }
0x1ed: {  	v36 =	vadd.f32 v55, v53;
	v56 =	vld [tilespmem:s15+$0x1B30];
	v28 =	vmul.f32 v28, v27;
	v43 =	vmul.f32 v40, v31  }
0x1ee: {  	v63 =	vld [tilespmem:s15+$0x4330];
	v44 =	vadd.f32 $6.931210160e-01, v23;
	v23 =	vadd.f32 v60, v30;
	v30 =	vmul.f32 $-1.442695020e+00, v45  }
0x1ef: {  	v29 =	vmul.f32 v25, v29;
	v28 =	vadd.f32 $-4.902307090e-01, v28;
	v46 =	vadd.f32 $6.931210160e-01, v43  }
0x1f0: {  	v26 =	vmul.f32 v44, v26;
	v47 =	vand.u32 $0x7FFFFFFF, v23;
	v30 =	vmin.f32 v30, $1.260000000e+02  }
0x1f1: {  	v35 =	vmul.f32 $-1.442695020e+00, v47;
	v30 =	vmax.f32 v30, $-1.260000000e+02;
	v29 =	vsub.f32 $2.000000000e+00, v29  }
0x1f2: {  	v28 =	vmul.f32 v28, v27;
	v31 =	vmul.f32 v46, v31;
	v26 =	vadd.f32 $9.999244800e-01, v26  }
0x1f3: {  	v48 =	vadd.f32 v63, v56;
	v49 =	vmax.f32 v35, $-1.260000000e+02;
	v35 =	vadd.f32 $1.258291200e+07, v30  }
0x1f4: {  	v28 =	vadd.f32 $9.992354510e-01, v28;
	v26 =	vmul.f32 v33, v26;
	v33 =	vadd.f32 $1.258291200e+07, v49  }
0x1f5: {  	v60 =	vld [tilespmem:s15+$0x6B70];
	v25 =	vmul.f32 v29, v25;
	v31 =	vadd.f32 $9.999244800e-01, v31;
	v52 =	vadd.f32 $-1.258291200e+07, v35  }
0x1f6: {  	v35 =	vshll.u32 v35, $0x17;
	v50 =	vmul.f32 $3.044900480e-02, v26;
	v51 =	vadd.f32 $-1.258291200e+07, v33  }
0x1f7: {  	v24 =	vmul.f32 v24, v31;
	v27 =	vmul.f32 v28, v27;
	v30 =	vsub.f32 v30, v52  }
0x1f8: {  	v35 =	vadd.s32 $0x3F800000, v35;
	v54 =	vadd.f32 $-1.315818280e-01, v50;
	v34 =	vsub.f32 v49, v51  }
0x1f9: {  	v32 =	vadd.f32 $1.000000000e+00, v24;
	v57 =	vadd.f32 $9.975032300e-06, v27;
	v62 =	vmul.f32 $5.592203510e-02, v30  }
0x1fa: {  	v24 =	vadd.f32 v60, v36;
	v51 =	vshll.u32 v33, $0x17;
	v59 =	vmul.f32 $5.592203510e-02, v34  }
0x1fb: {  	v58 =	vmul.f32 v54, v26;
	v61 =	vsub.s32 $0x7EF311C3, v32;
	v39 =	vadd.f32 $2.426400780e-01, v62  }
0x1fc: {  	v42 =	vld [tilespmem:s15+$0x6B30];
	v21 =	vadd.f32 v57, v21;
	v36 =	vand.u32 $0x7FFFFFFF, v24;
	v28 =	vadd.f32 $2.426400780e-01, v59  }
0x1fd: {  	v45 =	vmul.f32 v61, v32;
	v27 =	vadd.f32 $2.852726880e-01, v58;
	v39 =	vmul.f32 v39, v30  }
0x1fe: {  	v31 =	vadd.s32 $0x3F800000, v51;
	v50 =	vmul.f32 $-1.442695020e+00, v36;
	v28 =	vmul.f32 v28, v34  }
0x1ff: {  	v21 =	vmul.f32 v21, v25;
	v27 =	vmul.f32 v27, v26;
	v49 =	vadd.f32 $6.931210160e-01, v39  }
0x200: {  	v46 =	vsub.f32 $2.000000000e+00, v45;
	v52 =	vmax.f32 v50, $-1.260000000e+02;
	v47 =	vadd.f32 $6.931210160e-01, v28  }
0x201: {  	v27 =	vadd.f32 $-4.902307090e-01, v27;
	v28 =	vadd.f32 v42, v48;
	v30 =	vmul.f32 v49, v30  }
0x202: {  	v29 =	vmul.f32 v61, v46;
	v25 =	vmul.f32 v47, v34;
	v34 =	vadd.f32 $1.258291200e+07, v52  }
0x203: {  	v28 =	vmul.f32 $-1.442695020e+00, v28;
	v27 =	vmul.f32 v27, v26;
	v30 =	vadd.f32 $9.999244800e-01, v30  }
0x204: {  	v32 =	vmul.f32 v29, v32;
	v25 =	vadd.f32 $9.999244800e-01, v25;
	v55 =	vadd.f32 $-1.258291200e+07, v34  }
0x205: {  	v53 =	vmin.f32 v28, $1.260000000e+02;
	v27 =	vadd.f32 $9.992354510e-01, v27;
	v54 =	vmul.f32 v35, v30  }
0x206: {  	v31 =	vmul.f32 v31, v25;
	v25 =	vmax.f32 v53, $-1.260000000e+02;
	v30 =	vsub.f32 v52, v55  }
0x207: {  	v45 =	vld [tilespmem:s15+$0x1B80];
	v32 =	vsub.f32 $2.000000000e+00, v32;
	v26 =	vmul.f32 v27, v26;
	v36 =	vadd.f32 $1.258291200e+07, v25  }
0x208: {  	v46 =	vld [tilespmem:s15+$0x4380];
	v28 =	vadd.f32 $1.000000000e+00, v54;
	v56 =	vmul.f32 $3.044900480e-02, v31;
	v60 =	vmul.f32 $5.592203510e-02, v30  }
0x209: {  	v23 =	vmax.f32 v23, $0.0e+00;
	v26 =	vadd.f32 $9.975032300e-06, v26;
	v58 =	vadd.f32 $-1.258291200e+07, v36  }
0x20a: {  	v59 =	vsub.s32 $0x7EF311C3, v28;
	v57 =	vadd.f32 $-1.315818280e-01, v56;
	v62 =	vadd.f32 $2.426400780e-01, v60  }
0x20b: {  	v29 =	vmul.f32 v32, v29;
	v61 =	vmul.f32 v59, v28;
	v25 =	vsub.f32 v25, v58  }
0x20c: {  	v53 =	vld [tilespmem:s15+$0x6B80];
	v22 =	vadd.f32 v26, v22;
	v33 =	vmul.f32 v57, v31;
	v27 =	vmul.f32 v62, v30  }
0x20d: {  	v58 =	vadd.f32 v46, v45;
	v63 =	vsub.f32 $2.000000000e+00, v61;
	v44 =	vmul.f32 $5.592203510e-02, v25  }
0x20e: {  	v24 =	vmax.f32 v24, $0.0e+00;
	v33 =	vadd.f32 $2.852726880e-01, v33;
	v49 =	vadd.f32 $6.931210160e-01, v27  }
0x20f: {  	v50 =	vld [tilespmem:s15+$0x43C0];
	v22 =	vmul.f32 v22, v29;
	v35 =	vmul.f32 v59, v63;
	v47 =	vadd.f32 $2.426400780e-01, v44  }
0x210: {  	v48 =	vld [tilespmem:s15+$0x1BC0];
	v57 =	vshll.u32 v34, $0x17;
	v33 =	vmul.f32 v33, v31;
	v26 =	vmul.f32 v49, v30  }
0x211: {  	v43 =	vld [tilespmem:s15+$0x43D0];
	v61 =	vshll.u32 v36, $0x17;
	v60 =	vadd.f32 v53, v58;
	v52 =	vmul.f32 v47, v25  }
0x212: {  	v54 =	vld [tilespmem:s15+$0x6BC0];
	v28 =	vmul.f32 v35, v28;
	v51 =	vadd.f32 $-4.902307090e-01, v33;
	v26 =	vadd.f32 $9.999244800e-01, v26  }
0x213: {  	v41 =	vadd.s32 $0x3F800000, v61;
	v59 =	vadd.s32 $0x3F800000, v57;
	v63 =	vld [tilespmem:s15+$0x1BD0];
	v56 =	vadd.f32 $6.931210160e-01, v52  }
0x214: {  	v28 =	vsub.f32 $2.000000000e+00, v28;
	v55 =	vmul.f32 v51, v31;
	v32 =	vmul.f32 v59, v26  }
0x215: {  	v45 =	vld [tilespmem:s15+$0x6BD0];
	v27 =	vadd.f32 v50, v48;
	v26 =	vmul.f32 $-1.442695020e+00, v60;
	v25 =	vmul.f32 v56, v25  }
0x216: {  	v28 =	vmul.f32 v28, v35;
	v30 =	vadd.f32 $9.992354510e-01, v55;
	v42 =	vmul.f32 $3.044900480e-02, v32  }
0x217: {  	v26 =	vmin.f32 v26, $1.260000000e+02;
	v62 =	vadd.f32 $9.999244800e-01, v25;
	v25 =	vadd.f32 v54, v27  }
0x218: {  	v46 =	vmax.f32 v26, $-1.260000000e+02;
	v27 =	vadd.f32 v43, v63;
	v30 =	vmul.f32 v30, v31  }
0x219: {  	v33 =	vadd.f32 $-1.315818280e-01, v42;
	v48 =	vadd.f32 $1.258291200e+07, v46;
	v29 =	vmul.f32 v41, v62  }
0x21a: {  	v53 =	vld [tilespmem:s15+$0x1B90];
	v44 =	vand.u32 $0x7FFFFFFF, v25;
	v26 =	vadd.f32 v45, v27;
	v25 =	vmax.f32 v25, $0.0e+00  }
0x21b: {  	v43 =	vld [tilespmem:s15+$0x4390];
	v31 =	vmul.f32 $-1.442695020e+00, v44;
	v30 =	vadd.f32 $9.975032300e-06, v30;
	v47 =	vmul.f32 v33, v32  }
0x21c: {  	v52 =	vadd.f32 $-1.258291200e+07, v48;
	v33 =	vshll.u32 v48, $0x17;
	v29 =	vadd.f32 $1.000000000e+00, v29  }
0x21d: {  	v58 =	vld [tilespmem:s15+$0x6B90];
	v59 =	vand.u32 $0x7FFFFFFF, v26;
	v33 =	vadd.s32 $0x3F800000, v33;
	v31 =	vmax.f32 v31, $-1.260000000e+02  }
0x21e: {  	v51 =	vadd.f32 $2.852726880e-01, v47;
	v37 =	vmul.f32 $-1.442695020e+00, v59;
	v39 =	vadd.f32 $1.258291200e+07, v31  }
0x21f: {  	v26 =	vmax.f32 v26, $0.0e+00;
	v56 =	vsub.f32 v46, v52;
	v23 =	vadd.f32 v30, v23  }
0x220: {  	v62 =	vadd.f32 v43, v53;
	v37 =	vmax.f32 v37, $-1.260000000e+02;
	v54 =	vadd.f32 $-1.258291200e+07, v39  }
0x221: {  	v49 =	vsub.s32 $0x7EF311C3, v29;
	v60 =	vmul.f32 $5.592203510e-02, v56;
	v63 =	vadd.f32 $1.258291200e+07, v37  }
0x222: {  	v50 =	vmul.f32 v49, v29;
	v35 =	vadd.f32 v58, v62;
	v31 =	vsub.f32 v31, v54  }
0x223: {  	v57 =	vmul.f32 v51, v32;
	v30 =	vadd.f32 $2.426400780e-01, v60;
	v44 =	vadd.f32 $-1.258291200e+07, v63  }
0x224: {  	v23 =	vmul.f32 v23, v28;
	v55 =	vsub.f32 $2.000000000e+00, v50;
	v61 =	vmul.f32 $5.592203510e-02, v31  }
0x225: {  	v36 =	vadd.f32 $-4.902307090e-01, v57;
	v30 =	vmul.f32 v30, v56;
	v37 =	vsub.f32 v37, v44  }
0x226: {  	v35 =	vmul.f32 $-1.442695020e+00, v35;
	v50 =	vshll.u32 v39, $0x17;
	v38 =	vadd.f32 $2.426400780e-01, v61  }
0x227: {  	v51 =	vadd.s32 $0x3F800000, v50;
	v30 =	vadd.f32 $6.931210160e-01, v30;
	v48 =	vmul.f32 $5.592203510e-02, v37  }
0x228: {  	v41 =	vshll.u32 v63, $0x17;
	v46 =	vmin.f32 v35, $1.260000000e+02;
	v38 =	vmul.f32 v38, v31  }
0x229: {  	v47 =	vmax.f32 v46, $-1.260000000e+02;
	v30 =	vmul.f32 v30, v56;
	v34 =	vadd.f32 $2.426400780e-01, v48  }
0x22a: {  	v27 =	vmul.f32 v49, v55;
	v49 =	vadd.f32 $1.258291200e+07, v47;
	v45 =	vadd.f32 $6.931210160e-01, v38  }
0x22b: {  	v36 =	vmul.f32 v36, v32;
	v30 =	vadd.f32 $9.999244800e-01, v30;
	v53 =	vmul.f32 v34, v37  }
0x22c: {  	v29 =	vmul.f32 v27, v29;
	v52 =	vadd.f32 $-1.258291200e+07, v49;
	v28 =	vmul.f32 v45, v31  }
0x22d: {  	v58 =	vld [tilespmem:s15+$0x43A0];
	v36 =	vadd.f32 $9.992354510e-01, v36;
	v30 =	vmul.f32 v33, v30;
	v33 =	vadd.f32 $6.931210160e-01, v53  }
0x22e: {  	v41 =	vadd.s32 $0x3F800000, v41;
	v56 =	vld [tilespmem:s15+$0x1BA0];
	v31 =	vsub.f32 v47, v52;
	v28 =	vadd.f32 $9.999244800e-01, v28  }
0x22f: {  	v29 =	vsub.f32 $2.000000000e+00, v29;
	v54 =	vmul.f32 v36, v32;
	v33 =	vmul.f32 v33, v37  }
0x230: {  	v60 =	vld [tilespmem:s15+$0x6BA0];
	v30 =	vadd.f32 $1.000000000e+00, v30;
	v57 =	vmul.f32 $5.592203510e-02, v31;
	v28 =	vmul.f32 v51, v28  }
0x231: {  	v27 =	vmul.f32 v29, v27;
	v29 =	vadd.f32 $9.975032300e-06, v54;
	v33 =	vadd.f32 $9.999244800e-01, v33  }
0x232: {  	v59 =	vsub.s32 $0x7EF311C3, v30;
	v36 =	vadd.f32 $2.426400780e-01, v57;
	v55 =	vmul.f32 $3.044900480e-02, v28  }
0x233: {  	v62 =	vld [tilespmem:s15+$0x1BE0];
	v34 =	vadd.f32 v58, v56;
	v61 =	vmul.f32 v59, v30;
	v45 =	vmul.f32 v41, v33  }
0x234: {  	v63 =	vld [tilespmem:s15+$0x43E0];
	v24 =	vadd.f32 v29, v24;
	v36 =	vmul.f32 v36, v31;
	v32 =	vadd.f32 $-1.315818280e-01, v55  }
0x235: {  	v34 =	vadd.f32 v60, v34;
	v29 =	vsub.f32 $2.000000000e+00, v61;
	v56 =	vmul.f32 $3.044900480e-02, v45  }
0x236: {  	v50 =	vld [tilespmem:s15+$0x1BB0];
	v35 =	vshll.u32 v49, $0x17;
	v36 =	vadd.f32 $6.931210160e-01, v36;
	v32 =	vmul.f32 v32, v28  }
0x237: {  	v55 =	vld [tilespmem:s15+$0x6BE0];
	v29 =	vmul.f32 v59, v29;
	v59 =	vmul.f32 $-1.442695020e+00, v34;
	v38 =	vadd.f32 $-1.315818280e-01, v56  }
0x238: {  	v52 =	vld [tilespmem:s15+$0x43B0];
	v24 =	vmul.f32 v24, v27;
	v31 =	vmul.f32 v36, v31;
	v44 =	vadd.f32 $2.852726880e-01, v32  }
0x239: {  	v57 =	vadd.f32 v63, v62;
	v33 =	vmin.f32 v59, $1.260000000e+02;
	v61 =	vmul.f32 v38, v45  }
0x23a: {  	v33 =	vmax.f32 v33, $-1.260000000e+02;
	v31 =	vadd.f32 $9.999244800e-01, v31;
	v27 =	vmul.f32 v44, v28  }
0x23b: {  	v35 =	vadd.s32 $0x3F800000, v35;
	v63 =	vadd.f32 $1.258291200e+07, v33;
	v36 =	vadd.f32 $2.852726880e-01, v61  }
0x23c: {  	v31 =	vmul.f32 v35, v31;
	v58 =	vadd.f32 $-4.902307090e-01, v27;
	v27 =	vadd.f32 v55, v57  }
0x23d: {  	v41 =	vadd.f32 v52, v50;
	v30 =	vmul.f32 v29, v30;
	v47 =	vadd.f32 $-1.258291200e+07, v63  }
0x23e: {  	v31 =	vadd.f32 $1.000000000e+00, v31;
	v36 =	vmul.f32 v36, v45;
	v62 =	vand.u32 $0x7FFFFFFF, v27  }
0x23f: {  	v30 =	vsub.f32 $2.000000000e+00, v30;
	v60 =	vmul.f32 v58, v28;
	v35 =	vmul.f32 $-1.442695020e+00, v62  }
0x240: {  	v33 =	vsub.f32 v33, v47;
	v46 =	vsub.s32 $0x7EF311C3, v31;
	v36 =	vadd.f32 $-4.902307090e-01, v36  }
0x241: {  	v59 =	vld [tilespmem:s15+$0x1C40];
	v48 =	vmul.f32 v46, v31;
	v34 =	vadd.f32 $9.992354510e-01, v60;
	v35 =	vmax.f32 v35, $-1.260000000e+02  }
0x242: {  	v29 =	vmul.f32 v30, v29;
	v61 =	vld [tilespmem:s15+$0x4440];
	v36 =	vmul.f32 v36, v45;
	v40 =	vadd.f32 $1.258291200e+07, v35  }
0x243: {  	v54 =	vld [tilespmem:s15+$0x1BF0];
	v53 =	vmul.f32 $5.592203510e-02, v33;
	v51 =	vsub.f32 $2.000000000e+00, v48;
	v28 =	vmul.f32 v34, v28  }
0x244: {  	v63 =	vshll.u32 v63, $0x17;
	v55 =	vld [tilespmem:s15+$0x43F0];
	v36 =	vadd.f32 $9.992354510e-01, v36;
	v49 =	vadd.f32 $-1.258291200e+07, v40  }
0x245: {  	v44 =	vld [tilespmem:s15+$0x6BB0];
	v27 =	vmax.f32 v27, $0.0e+00;
	v56 =	vadd.f32 $2.426400780e-01, v53;
	v28 =	vadd.f32 $9.975032300e-06, v28  }
0x246: {  	v58 =	vld [tilespmem:s15+$0x6BF0];
	v30 =	vmul.f32 v46, v51;
	v32 =	vmul.f32 v36, v45;
	v34 =	vsub.f32 v35, v49  }
0x247: {  	v42 =	vadd.f32 v61, v59;
	v25 =	vadd.f32 v28, v25;
	v28 =	vmul.f32 v56, v33  }
0x248: {  	v47 =	vld [tilespmem:s15+$0x1C00];
	v31 =	vmul.f32 v30, v31;
	v32 =	vadd.f32 $9.975032300e-06, v32;
	v57 =	vmul.f32 $5.592203510e-02, v34  }
0x249: {  	v48 =	vld [tilespmem:s15+$0x4400];
	v46 =	vshll.u32 v40, $0x17;
	v35 =	vadd.f32 v55, v54;
	v28 =	vadd.f32 $6.931210160e-01, v28  }
0x24a: {  	v31 =	vsub.f32 $2.000000000e+00, v31;
	v25 =	vmul.f32 v25, v29;
	v60 =	vadd.f32 $2.426400780e-01, v57  }
0x24b: {  	v37 =	vmul.f32 v28, v33;
	v28 =	vadd.f32 v58, v35;
	v33 =	vadd.f32 v44, v41  }
0x24c: {  	v62 =	vld [tilespmem:s15+$0x6C40];
	v26 =	vadd.f32 v32, v26;
	v30 =	vmul.f32 v31, v30;
	v31 =	vadd.s32 $0x3F800000, v63  }
0x24d: {  	v29 =	vmul.f32 v60, v34;
	v43 =	vand.u32 $0x7FFFFFFF, v28;
	v33 =	vmul.f32 $-1.442695020e+00, v33  }
0x24e: {  	v35 =	vadd.f32 v48, v47;
	v32 =	vadd.f32 $9.999244800e-01, v37;
	v45 =	vmul.f32 $-1.442695020e+00, v43  }
0x24f: {  	v26 =	vmul.f32 v26, v30;
	v29 =	vadd.f32 $6.931210160e-01, v29;
	v33 =	vmin.f32 v33, $1.260000000e+02  }
0x250: {  	v31 =	vmul.f32 v31, v32;
	v36 =	vmax.f32 v45, $-1.260000000e+02;
	v33 =	vmax.f32 v33, $-1.260000000e+02  }
0x251: {  	v50 =	vld [tilespmem:s15+$0x6C00];
	v34 =	vmul.f32 v29, v34;
	v29 =	vadd.f32 v62, v42;
	v49 =	vadd.f32 $1.258291200e+07, v36  }
0x252: {  	v32 =	vadd.s32 $0x3F800000, v46;
	v31 =	vadd.f32 $1.000000000e+00, v31;
	v52 =	vadd.f32 $1.258291200e+07, v33  }
0x253: {  	v34 =	vadd.f32 $9.999244800e-01, v34;
	v38 =	vand.u32 $0x7FFFFFFF, v29;
	v51 =	vadd.f32 $-1.258291200e+07, v49  }
0x254: {  	v55 =	vsub.s32 $0x7EF311C3, v31;
	v56 =	vadd.f32 $-1.258291200e+07, v52;
	v38 =	vmul.f32 $-1.442695020e+00, v38  }
0x255: {  	v39 =	vshll.u32 v49, $0x17;
	v59 =	vmul.f32 v55, v31;
	v32 =	vmul.f32 v32, v34  }
0x256: {  	v36 =	vsub.f32 v36, v51;
	v34 =	vadd.f32 v50, v35;
	v38 =	vmax.f32 v38, $-1.260000000e+02  }
0x257: {  	v33 =	vsub.f32 v33, v56;
	v53 =	vadd.f32 $1.258291200e+07, v38;
	v54 =	vmul.f32 $3.044900480e-02, v32  }
0x258: {  	v30 =	vshll.u32 v52, $0x17;
	v58 =	vmul.f32 $5.592203510e-02, v36;
	v34 =	vmul.f32 $-1.442695020e+00, v34  }
0x259: {  	v49 =	vadd.s32 $0x3F800000, v39;
	v62 =	vmul.f32 $5.592203510e-02, v33;
	v57 =	vadd.f32 $-1.258291200e+07, v53  }
0x25a: {  	v42 =	vadd.f32 $-1.315818280e-01, v54;
	v61 =	vadd.f32 $2.426400780e-01, v58;
	v34 =	vmin.f32 v34, $1.260000000e+02  }
0x25b: {  	v30 =	vadd.s32 $0x3F800000, v30;
	v43 =	vadd.f32 $2.426400780e-01, v62;
	v34 =	vmax.f32 v34, $-1.260000000e+02  }
0x25c: {  	v38 =	vsub.f32 v38, v57;
	v60 =	vmul.f32 v42, v32;
	v42 =	vmul.f32 v61, v36  }
0x25d: {  	v35 =	vsub.f32 $2.000000000e+00, v59;
	v45 =	vadd.f32 $1.258291200e+07, v34;
	v43 =	vmul.f32 v43, v33  }
0x25e: {  	v63 =	vmul.f32 $5.592203510e-02, v38;
	v40 =	vadd.f32 $2.852726880e-01, v60;
	v42 =	vadd.f32 $6.931210160e-01, v42  }
0x25f: {  	v35 =	vmul.f32 v55, v35;
	v46 =	vadd.f32 $-1.258291200e+07, v45;
	v47 =	vadd.f32 $6.931210160e-01, v43  }
0x260: {  	v51 =	vshll.u32 v53, $0x17;
	v44 =	vadd.f32 $2.426400780e-01, v63;
	v36 =	vmul.f32 v42, v36  }
0x261: {  	v56 =	vld [tilespmem:s15+$0x1C10];
	v40 =	vmul.f32 v40, v32;
	v34 =	vsub.f32 v34, v46;
	v33 =	vmul.f32 v47, v33  }
0x262: {  	v58 =	vld [tilespmem:s15+$0x4410];
	v39 =	vadd.s32 $0x3F800000, v51;
	v44 =	vmul.f32 v44, v38;
	v36 =	vadd.f32 $9.999244800e-01, v36  }
0x263: {  	v40 =	vadd.f32 $-4.902307090e-01, v40;
	v50 =	vmul.f32 $5.592203510e-02, v34;
	v33 =	vadd.f32 $9.999244800e-01, v33  }
0x264: {  	v31 =	vmul.f32 v35, v31;
	v48 =	vadd.f32 $6.931210160e-01, v44;
	v36 =	vmul.f32 v49, v36  }
0x265: {  	v37 =	vadd.f32 $2.426400780e-01, v50;
	v40 =	vmul.f32 v40, v32;
	v30 =	vmul.f32 v30, v33  }
0x266: {  	v61 =	vld [tilespmem:s15+$0x6C10];
	v31 =	vsub.f32 $2.000000000e+00, v31;
	v38 =	vmul.f32 v48, v38;
	v52 =	vmul.f32 $3.044900480e-02, v36  }
0x267: {  	v63 =	vld [tilespmem:s15+$0x1C50];
	v37 =	vmul.f32 v37, v34;
	v54 =	vadd.f32 $9.992354510e-01, v40;
	v30 =	vadd.f32 $1.000000000e+00, v30  }
0x268: {  	v62 =	vshll.u32 v45, $0x17;
	v40 =	vadd.f32 v58, v56;
	v56 =	vld [tilespmem:s15+$0x1C20];
	v38 =	vadd.f32 $9.999244800e-01, v38  }
0x269: {  	v31 =	vmul.f32 v31, v35;
	v58 =	vld [tilespmem:s15+$0x4420];
	v53 =	vadd.f32 $-1.315818280e-01, v52;
	v37 =	vadd.f32 $6.931210160e-01, v37  }
0x26a: {  	v46 =	vld [tilespmem:s15+$0x4460];
	v44 =	vadd.s32 $0x3F800000, v62;
	v32 =	vmul.f32 v54, v32;
	v38 =	vmul.f32 v39, v38  }
0x26b: {  	v48 =	vld [tilespmem:s15+$0x4450];
	v59 =	vsub.s32 $0x7EF311C3, v30;
	v33 =	vmul.f32 v53, v36;
	v34 =	vmul.f32 v37, v34  }
0x26c: {  	v40 =	vadd.f32 v61, v40;
	v61 =	vld [tilespmem:s15+$0x1C60];
	v60 =	vmul.f32 v59, v30;
	v32 =	vadd.f32 $9.975032300e-06, v32  }
0x26d: {  	v55 =	vmul.f32 $3.044900480e-02, v38;
	v33 =	vadd.f32 $2.852726880e-01, v33;
	v34 =	vadd.f32 $9.999244800e-01, v34  }
0x26e: {  	v40 =	vmul.f32 $-1.442695020e+00, v40;
	v37 =	vsub.f32 $2.000000000e+00, v60;
	v41 =	vadd.f32 v58, v56  }
0x26f: {  	v51 =	vld [tilespmem:s15+$0x6C50];
	v57 =	vadd.f32 $-1.315818280e-01, v55;
	v33 =	vmul.f32 v33, v36;
	v34 =	vmul.f32 v44, v34  }
0x270: {  	v32 =	vadd.f32 v32, v27;
	v40 =	vmin.f32 v40, $1.260000000e+02;
	v37 =	vmul.f32 v59, v37  }
0x271: {  	v39 =	vmul.f32 v57, v38;
	v33 =	vadd.f32 $-4.902307090e-01, v33;
	v34 =	vadd.f32 $1.000000000e+00, v34  }
0x272: {  	v40 =	vmax.f32 v40, $-1.260000000e+02;
	v42 =	vadd.f32 v46, v61;
	v55 =	vadd.f32 v48, v63  }
0x273: {  	v39 =	vadd.f32 $2.852726880e-01, v39;
	v33 =	vmul.f32 v33, v36;
	v52 =	vsub.s32 $0x7EF311C3, v34  }
0x274: {  	v47 =	vld [tilespmem:s15+$0x6C60];
	v49 =	vmul.f32 v37, v30;
	v27 =	vadd.f32 v51, v55;
	v54 =	vmul.f32 v52, v34  }
0x275: {  	v59 =	vld [tilespmem:s15+$0x6C20];
	v35 =	vadd.f32 $1.258291200e+07, v40;
	v39 =	vmul.f32 v39, v38;
	v33 =	vadd.f32 $9.992354510e-01, v33  }
0x276: {  	v48 =	vld [tilespmem:s15+$0x1C70];
	v53 =	vsub.f32 $2.000000000e+00, v49;
	v63 =	vand.u32 $0x7FFFFFFF, v27;
	v57 =	vsub.f32 $2.000000000e+00, v54  }
0x277: {  	v51 =	vld [tilespmem:s15+$0x4470];
	v43 =	vmul.f32 $-1.442695020e+00, v63;
	v50 =	vadd.f32 $-4.902307090e-01, v39;
	v33 =	vmul.f32 v33, v36  }
0x278: {  	v62 =	vadd.f32 $-1.258291200e+07, v35;
	v37 =	vmul.f32 v53, v37;
	v60 =	vmul.f32 v52, v57  }
0x279: {  	v53 =	vld [tilespmem:s15+$0x6C70];
	v30 =	vmul.f32 v50, v38;
	v33 =	vadd.f32 $9.975032300e-06, v33;
	v50 =	vmax.f32 v43, $-1.260000000e+02  }
0x27a: {  	v28 =	vmax.f32 v28, $0.0e+00;
	v56 =	vadd.f32 v59, v41;
	v43 =	vadd.f32 $1.258291200e+07, v50  }
0x27b: {  	v34 =	vmul.f32 v60, v34;
	v30 =	vadd.f32 $9.992354510e-01, v30;
	v33 =	vadd.f32 v33, v28  }
0x27c: {  	v28 =	vmul.f32 v32, v31;
	v31 =	vadd.f32 v47, v42;
	v32 =	vadd.f32 v51, v48  }
0x27d: {  	v49 =	vsub.f32 $2.000000000e+00, v34;
	v55 =	vadd.f32 $-1.258291200e+07, v43;
	v30 =	vmul.f32 v30, v38  }
0x27e: {  	v29 =	vmax.f32 v29, $0.0e+00;
	v38 =	vsub.f32 v40, v62;
	v32 =	vadd.f32 v53, v32  }
0x27f: {  	v35 =	vshll.u32 v35, $0x17;
	v34 =	vsub.f32 v50, v55;
	v30 =	vadd.f32 $9.975032300e-06, v30  }
0x280: {  	v58 =	vld [tilespmem:s15+$0x1C30];
	v39 =	vmul.f32 v49, v60;
	v52 =	vmul.f32 $5.592203510e-02, v38;
	v44 =	vand.u32 $0x7FFFFFFF, v32  }
0x281: {  	v60 =	vld [tilespmem:s15+$0x4430];
	v61 =	vmul.f32 $5.592203510e-02, v34;
	v44 =	vmul.f32 $-1.442695020e+00, v44;
	v29 =	vadd.f32 v30, v29  }
0x282: {  	v59 =	vand.u32 $0x7FFFFFFF, v31;
	v30 =	vmul.f32 v33, v37;
	v33 =	vmul.f32 $-1.442695020e+00, v56  }
0x283: {  	v35 =	vadd.s32 $0x3F800000, v35;
	v62 =	vld [tilespmem:s15+$0x6C30];
	v29 =	vmul.f32 v29, v39;
	v39 =	vmul.f32 $-1.442695020e+00, v59  }
0x284: {  	v51 =	vshll.u32 v43, $0x17;
	v54 =	vadd.f32 $2.426400780e-01, v52;
	v63 =	vadd.f32 $2.426400780e-01, v61  }
0x285: {  	v44 =	vmax.f32 v44, $-1.260000000e+02;
	v33 =	vmin.f32 v33, $1.260000000e+02;
	v39 =	vmax.f32 v39, $-1.260000000e+02  }
0x286: {  	v37 =	vadd.f32 v60, v58;
	v33 =	vmax.f32 v33, $-1.260000000e+02;
	v46 =	vadd.f32 $1.258291200e+07, v39  }
0x287: {  	v57 =	vmul.f32 v54, v38;
	v42 =	vadd.f32 $1.258291200e+07, v44;
	v45 =	vadd.f32 $1.258291200e+07, v33  }
0x288: {  	v41 =	vadd.s32 $0x3F800000, v51;
	v37 =	vadd.f32 v62, v37;
	v49 =	vadd.f32 $-1.258291200e+07, v46  }
0x289: {  	v36 =	vadd.f32 $6.931210160e-01, v57;
	v50 =	vadd.f32 $-1.258291200e+07, v42;
	v42 =	vshll.u32 v42, $0x17  }
0x28a: {  	v48 =	vadd.f32 $-1.258291200e+07, v45;
	v37 =	vmul.f32 $-1.442695020e+00, v37;
	v39 =	vsub.f32 v39, v49  }
0x28b: {  	v36 =	vmul.f32 v36, v38;
	v38 =	vmul.f32 v63, v34;
	v40 =	vsub.f32 v44, v50  }
0x28c: {  	v33 =	vsub.f32 v33, v48;
	v37 =	vmin.f32 v37, $1.260000000e+02;
	v52 =	vmul.f32 $5.592203510e-02, v39  }
0x28d: {  	v38 =	vadd.f32 $6.931210160e-01, v38;
	v57 =	vmul.f32 $5.592203510e-02, v40;
	v37 =	vmax.f32 v37, $-1.260000000e+02  }
0x28e: {  	v63 =	vshll.u32 v46, $0x17;
	v56 =	vadd.f32 $1.258291200e+07, v37;
	v54 =	vadd.f32 $2.426400780e-01, v52  }
0x28f: {  	v53 =	vmul.f32 $5.592203510e-02, v33;
	v34 =	vmul.f32 v38, v34;
	v47 =	vadd.f32 $2.426400780e-01, v57  }
0x290: {  	v36 =	vadd.f32 $9.999244800e-01, v36;
	v48 =	vadd.f32 $-1.258291200e+07, v56;
	v38 =	vmul.f32 v54, v39  }
0x291: {  	v55 =	vadd.f32 $2.426400780e-01, v53;
	v34 =	vadd.f32 $9.999244800e-01, v34;
	v60 =	vmul.f32 v47, v40  }
0x292: {  	v35 =	vmul.f32 v35, v36;
	v37 =	vsub.f32 v37, v48;
	v58 =	vadd.f32 $6.931210160e-01, v38  }
0x293: {  	[tilespmem:s15+$0x9080] =	vst v1;
	v43 =	vmul.f32 v55, v33;
	v34 =	vmul.f32 v41, v34;
	v41 =	vadd.f32 $6.931210160e-01, v60  }
0x294: {  	[tilespmem:s15+$0x9090] =	vst v2;
	v49 =	vshll.u32 v56, $0x17;
	v62 =	vmul.f32 $5.592203510e-02, v37;
	v36 =	vmul.f32 v58, v39  }
0x295: {  	[tilespmem:s15+$0x90A0] =	vst v3;
	v50 =	vadd.f32 $1.000000000e+00, v35;
	v59 =	vadd.f32 $6.931210160e-01, v43;
	v2 =	vmul.f32 v41, v40  }
0x296: {  	[tilespmem:s15+$0x9130] =	vst v8;
	v8 =	vadd.s32 $0x3F800000, v49;
	v38 =	vadd.f32 $2.426400780e-01, v62;
	v36 =	vadd.f32 $9.999244800e-01, v36  }
0x297: {  	[tilespmem:s15+$0x90B0] =	vst v4;
	v61 =	vmul.f32 $3.044900480e-02, v34;
	v2 =	vadd.f32 $9.999244800e-01, v2;
	v39 =	vadd.s32 $0x3F800000, v63  }
0x298: {  	[tilespmem:s15+$0x9100] =	vst v5;
	v41 =	vmul.f32 v38, v37;
	v38 =	vadd.s32 $0x3F800000, v42;
	v3 =	vmul.f32 v39, v36  }
0x299: {  	[tilespmem:s15+$0x9110] =	vst v6;
	v33 =	vmul.f32 v59, v33;
	v1 =	vadd.f32 $-1.315818280e-01, v61;
	v2 =	vmul.f32 v38, v2  }
0x29a: {  	[tilespmem:s15+$0x9120] =	vst v7;
	v40 =	vshll.u32 v45, $0x17;
	v4 =	vadd.f32 $6.931210160e-01, v41;
	v45 =	vmul.f32 $3.044900480e-02, v3  }
0x29b: {  	[tilespmem:s15+$0x9180] =	vst v9;
	v1 =	vmul.f32 v1, v34;
	v43 =	vadd.f32 $9.999244800e-01, v33;
	v48 =	vmul.f32 $3.044900480e-02, v2  }
0x29c: {  	[tilespmem:s15+$0x9190] =	vst v10;
	v46 =	vadd.s32 $0x3F800000, v40;
	v4 =	vmul.f32 v4, v37;
	v47 =	vadd.f32 $-1.315818280e-01, v45  }
0x29d: {  	[tilespmem:s15+$0x91A0] =	vst v11;
	v5 =	vmul.f32 v46, v43;
	v1 =	vadd.f32 $2.852726880e-01, v1;
	v7 =	vadd.f32 $-1.315818280e-01, v48  }
0x29e: {  	[tilespmem:s15+$0x91B0] =	vst v12;
	v51 =	vsub.s32 $0x7EF311C3, v50;
	v4 =	vadd.f32 $9.999244800e-01, v4;
	v6 =	vmul.f32 v47, v3  }
0x29f: {  	[tilespmem:s15+$0x9200] =	vst v13;
	v1 =	vmul.f32 v1, v34;
	v5 =	vadd.f32 $1.000000000e+00, v5;
	v7 =	vmul.f32 v7, v2  }
0x2a0: {  	[tilespmem:s15+$0x9210] =	vst v14;
	v52 =	vmul.f32 v51, v50;
	v4 =	vmul.f32 v8, v4;
	v6 =	vadd.f32 $2.852726880e-01, v6  }
0x2a1: {  	v1 =	vadd.f32 $-4.902307090e-01, v1;
	v53 =	vsub.s32 $0x7EF311C3, v5;
	v7 =	vadd.f32 $2.852726880e-01, v7  }
0x2a2: {  	[tilespmem:s15+$0x9220] =	vst v15;
	v54 =	vmul.f32 v53, v5;
	v4 =	vadd.f32 $1.000000000e+00, v4;
	v6 =	vmul.f32 v6, v3  }
0x2a3: {  	[tilespmem:s15+$0x9280] =	vst v16;
	v10 =	vsub.f32 $2.000000000e+00, v52;
	v1 =	vmul.f32 v1, v34;
	v7 =	vmul.f32 v7, v2  }
0x2a4: {  	[tilespmem:s15+$0x9230] =	vst v17;
	v12 =	vsub.f32 $2.000000000e+00, v54;
	v55 =	vsub.s32 $0x7EF311C3, v4;
	v6 =	vadd.f32 $-4.902307090e-01, v6  }
0x2a5: {  	[tilespmem:s15+$0x92A0] =	vst v18;
	v61 =	vmax.f32 v27, $0.0e+00;
	v56 =	vmul.f32 v55, v4;
	v7 =	vadd.f32 $-4.902307090e-01, v7  }
0x2a6: {  	[tilespmem:s15+$0x9290] =	vst v19;
	v1 =	vadd.f32 $9.992354510e-01, v1;
	v57 =	vmul.f32 v53, v12;
	v6 =	vmul.f32 v6, v3  }
0x2a7: {  	[tilespmem:s15+$0x92B0] =	vst v20;
	v8 =	vmul.f32 v51, v10;
	v58 =	vsub.f32 $2.000000000e+00, v56;
	v7 =	vmul.f32 v7, v2  }
0x2a8: {  	[tilespmem:s15+$0x9300] =	vst v21;
	v1 =	vmul.f32 v1, v34;
	v5 =	vmul.f32 v57, v5;
	v6 =	vadd.f32 $9.992354510e-01, v6  }
0x2a9: {  	[tilespmem:s15+$0x9310] =	vst v22;
	v59 =	vmul.f32 v8, v50;
	v60 =	vmul.f32 v55, v58;
	v7 =	vadd.f32 $9.992354510e-01, v7  }
0x2aa: {  	[tilespmem:s15+$0x9320] =	vst v23;
	v1 =	vadd.f32 $9.975032300e-06, v1;
	v5 =	vsub.f32 $2.000000000e+00, v5;
	v3 =	vmul.f32 v6, v3  }
0x2ab: {  	[tilespmem:s15+$0x9330] =	vst v24;
	v2 =	vmul.f32 v7, v2;
	v4 =	vmul.f32 v60, v4;
	v6 =	vsub.f32 $2.000000000e+00, v59  }
0x2ac: {  	[tilespmem:s15+$0x9380] =	vst v25;
	v62 =	vmax.f32 v31, $0.0e+00;
	v1 =	vadd.f32 v1, v61;
	v3 =	vadd.f32 $9.975032300e-06, v3  }
0x2ad: {  	[tilespmem:s15+$0x9390] =	vst v26;
	v4 =	vsub.f32 $2.000000000e+00, v4;
	v2 =	vadd.f32 $9.975032300e-06, v2;
	v6 =	vmul.f32 v6, v8  }
0x2ae: {  	p1 =	slt.u32 s14, $0x48;
	[tilespmem:s15+$0x93A0] =	vst v28;
	v63 =	vmax.f32 v32, $0.0e+00;
	v5 =	vmul.f32 v5, v57;
	v3 =	vadd.f32 v3, v62  }
.Ltmp1:
0x2af: {  	[tilespmem:s15+$0x93B0] =	vst v30;
	v4 =	vmul.f32 v4, v60;
	v2 =	vadd.f32 v2, v63;
	v1 =	vmul.f32 v1, v6;
	(pc) =	sbr.rel @p1 .LBB2_6-.Ltmp1, $4  }
0x2b0: {  	[tilespmem:s15+$0x9400] =	vst v29;
	v3 =	vmul.f32 v3, v5  }
0x2b1: {  	[tilespmem:s15+$0x9410] =	vst v1;
	v1 =	vmul.f32 v2, v4  }
0x2b2: {  	[tilespmem:s15+$0x9420] =	vst v3  }
0x2b3: {  	s14 =	sadd.s32 $0x8, s14;
	[tilespmem:s15+$0x9430] =	vst v1  }
0x2b4: {  	s12 =	sadd.s32 $0x1, s12  }
0x2b5: {  	p1 =	sne.s32 s12, $0x19  }
.Ltmp2:
0x2b6: {  	_ = 	snop;
	(pc) =	sbr.rel @p1 .LBB2_5-.Ltmp2, $4  }
0x2b7: {  	[spmem:s1] =	stream.indirect.scatter.add.f32 [tilespmem:s30], [sflag:$0x2], $0x80, s29, s23, $0xb8;
	[tilespmem:$0x1F100] =	vst v63  }
0x2b8: {  	_ =	swait.ge [sflag:s19], $0x2800  }
0x2b9: {  	[sflag:s19] =	ssyncset.done $0x0  }
0x2ba: {  	[sflag:s19] =	ssyncadd.s32 $0xFFFFD800  }
0x2bb: {  	s0 =	sadd.s32 $0x1, s0  }
0x2bc: {  	p1 =	sne.s32 s0, $0xA  }
.Ltmp3:
0x2bd: {  	_ = 	snop;
	(pc) =	sbr.rel @p1 .LBB2_4-.Ltmp3, $1  }
0x2be: {  	_ =	sdelay $0x3  }
0x2bf: {  	[bflag:$0x0] =	sbarrier.arrive $0xFFFF  }
0x2c0: {  	s0 =	rddreg [dreg:$0x5]  }
0x2c1: {  	[hbm:s0], [sflag:s13] =	dma.local [spmem:s18], $0x2700  }
0x2c2: {  	_ =	swait.ge [sflag:s19], $0x2700  }
0x2c3: {  	s2 =	sadd.s32 $0x1, s2;
	[sflag:s19] =	ssyncset.done $0x0  }
0x2c4: {  	p1 =	sne.s32 s2, s17;
	s0 =	rddreg [dreg:$0x6];
	[sflag:s19] =	ssyncadd.s32 $0xFFFFD900  }
0x2c5: {  	[hbm:s0], [sflag:s13] =	dma.local @!p0 [spmem:s20], $0x80  }
.Ltmp4:
0x2c6: {  	_ = 	snop;
	(pc) =	sbr.rel @p1 .LBB2_1-.Ltmp4, $4  }
0x2c7: {  	s0 =	simm.s32 @!p0 $0x2  }
0x2c8: {  	_ =	swait.ge @!p0 [sflag:s0], $0x80  }
0x2c9: {  	[sflag:s0] =	ssyncset.done @!p0 $0x0  }
0x2ca: {  	[sflag:s0] =	ssyncadd.s32 @!p0 $0xFFFFFF80  }
0x2cb: {  	_ =	sfence.sel $0x180000  }
0x2cc: {  	[bflag:$0x0] =	sbarrier.arrive $0xFFFF  }
0x2cd: {  	_ =	strace $0x9000004A  }
0x2ce: {  	s0 =	stileid.u32;
	[bflag:$0x2] =	sbarrier.arrive $0xFFFF  }
0x2cf: {  	p0 =	sne.s32 s0, $0x0;
	s0 =	rddreg [dreg:$0x2]  }
0x2d0: {  	s0 =	sadd.s32 @!p0 $0x100000, s0  }
0x2d1: {  	[sflag:s0] =	ssyncadd.tile.s32 @!p0 $0x1;
	_ =	shalt  }
.Lfunc_end2:
_tile_overlayer_lowered:
.L_overlay_start_2:
0x2d2: {  	(tag) =	ssettag $0x2  }
0x2d3: {  	s0 =	rddreg [dreg:$0x0];
	s2 =	stileid.u32  }
0x2d4: {  	s1 =	rddreg [dreg:$0x1];
	p0 =	sne.s32 s2, $0x0  }
0x2d5: {  	s3 =	rddreg [dreg:$0x2];
	[bflag:$0x3] =	sbarrier.arrive $0xFFFF;
	s2 =	simm.s32 @!p0 $0x1C02  }
0x2d6: {  	[timem:s3], [sflag:s2] =	dma.local @!p0 [hbm:s0], s1  }
0x2d7: {  	s0 =	simm.s32 @!p0 $0x2  }
0x2d8: {  	_ =	swait.ge @!p0 [sflag:s0], s1  }
0x2d9: {  	s1 =	ssub.s32 @!p0 $0x0, s1;
	[sflag:s0] =	ssyncset.done @!p0 $0x0  }
0x2da: {  	[sflag:s0] =	ssyncadd.s32 @!p0 s1  }
0x2db: {  	[bflag:$0x3] =	sbarrier.arrive $0xFFFF  }
0x2dc: {  	_ =	shalt  }

// kernel: kernel.9.cloned.1.call-start
scs
__scs_entry_jumppad:
0x0: {  	(pc) =	sbr.rel $0x88, $3  }
0x1: {  	(tag) =	ssettag $0x0;
	lr =	simm.s32 $0x1  }
0x2: {  	[smem:$0x3F8F] =	sst lr;
	_ =	strace $0xD0000000  }
0x3: {  	_ = 	snop  }
0x4: {  	_ = 	snop  }
0x5: {  	_ = 	snop  }
0x6: {  	_ = 	snop  }
0x7: {  	_ = 	snop  }
__scs_overlays_trampoline_lowered:
0x8: {  	[smem:$0x3F9E] =	sst s0  }
0x9: {  	[smem:$0x3F9F] =	sst s1  }
0xa: {  	[smem:$0x3FA0] =	sst s2  }
0xb: {  	[smem:$0x3FA1] =	sst s3  }
0xc: {  	[smem:$0x3FA2] =	sst s4  }
0xd: {  	[smem:$0x3FA3] =	sst s5  }
0xe: {  	[smem:$0x3FA4] =	sst s6  }
0xf: {  	[smem:$0x3FA5] =	sst s7  }
0x10: {  	[smem:$0x3FA6] =	sst s8  }
0x11: {  	[smem:$0x3FA7] =	sst s9;
	s0 =	simm.s32 @!p0 $0x0  }
0x12: {  	s1 =	sld [smem:$0x3F8D];
	s0 =	simm.s32 @p0 $0x1  }
0x13: {  	[smem:$0x3FA8] =	sst s0;
	s0 =	simm.s32 @!p1 $0x0  }
0x14: {  	s2 =	sld [smem:$0x3F8C];
	s0 =	simm.s32 @p1 $0x1  }
0x15: {  	[smem:$0x3FA9] =	sst s0;
	s0 =	simm.s32 @!p2 $0x0  }
0x16: {  	s3 =	sld [smem:$0x3FDB];
	s0 =	simm.s32 @p2 $0x1  }
0x17: {  	s4 =	simm.s32 $0x1BF5;
	[smem:$0x3FAB] =	sst s0  }
0x18: {  	s0 =	sld [smem:$0x3F8E];
	_ =	swait.ge [sflag:s4], $0x0  }
0x19: {  	s7 =	sld [smem:$0x3F8F]  }
0x1a: {  	s8 =	sadd.s32 $0xFFFFE003, lr  }
0x1b: {  	s9 =	sadd.s32 $0xFFFFFEF7, lr;
	s5 =	simm.s32 $0xFFFFFFFF;
	p2 =	slt.u32 s8, $0xFFFFF086  }
0x1c: {  	p1 =	slt.u32 s9, $0xF7A;
	s5 =	simm.s32 @!p2 $0x0  }
0x1d: {  	s5 =	simm.s32 @p1 $0x1;
	p0 =	seq.s32 s7, s2  }
0x1e: {  	s7 =	smul.u32 @!p0 $0xF7A, s2;
	p2 =	seq.s32 @!p0 s5, $0x0  }
0x1f: {  	s9 =	smul.u32 $0xF7A, s1;
	s8 =	simm.s32 @!p0 $0x1BF5;
	p2 =	por !p2, p0  }
0x20: {  	[sflag:s8] =	ssyncset.s32 @!p0 $0xFFFFF086;
	s6 =	sadd.s32 @!p0 s3, s7;
	s7 =	simm.s32 @!p0 $0x108  }
0x21: {  	s3 =	sadd.s32 s3, s9;
	s6 =	sadd.s32 @!p0 $0x88, s6;
	s7 =	simm.s32 @p2 $0x1082  }
0x22: {  	[simem:s7], [sflag:s8] =	dma.local @!p0 [hbm:s6], $0xF7A  }
0x23: {  	s9 =	sor.u32 $0xD0000000, s2;
	s6 =	simm.s32 $0x108;
	_ =	swait.ge @!p0 [sflag:s8], $0x0  }
0x24: {  	s3 =	sadd.s32 $0x88, s3;
	s6 =	simm.s32 @!p1 $0x1082;
	[sflag:s4] =	ssyncset.s32 $0xFFFFF086  }
0x25: {  	[simem:s6], [sflag:s4] =	dma.local [hbm:s3], $0xF7A  }
0x26: {  	[smem:$0x3F8F] =	sst s1;
	(tag) =	ssettag s2;
	_ =	strace s9  }
0x27: {  	s1 =	sld [smem:$0x3F9F]  }
0x28: {  	s2 =	sld [smem:$0x3FA0]  }
0x29: {  	s4 =	sld [smem:$0x3FA2]  }
0x2a: {  	p0 =	seq.s32 s5, $0x0;
	s5 =	sld [smem:$0x3FA3]  }
0x2b: {  	s6 =	sld [smem:$0x3FA4]  }
0x2c: {  	s7 =	sld [smem:$0x3FA5]  }
0x2d: {  	s3 =	simm.s32 $0x108;
	s8 =	sld [smem:$0x3FA6]  }
0x2e: {  	s3 =	simm.s32 @!p0 $0x1082;
	s9 =	sld [smem:$0x3FA7]  }
0x2f: {  	lr =	sadd.s32 s0, s3;
	s0 =	sld [smem:$0x3F9E]  }
0x30: {  	s3 =	sld [smem:$0x3FA1]  }
0x31: {  	[smem:$0x3FAA] =	sst s10  }
0x32: {  	s10 =	sld [smem:$0x3FA8];
	_ =	sdelay $0x3  }
0x33: {  	p0 =	seq.s32 s10, $0x1;
	s10 =	sld [smem:$0x3FAA];
	_ =	sdelay $0x3  }
0x34: {  	[smem:$0x3FAA] =	sst s10  }
0x35: {  	s10 =	sld [smem:$0x3FA9];
	_ =	sdelay $0x3  }
0x36: {  	p1 =	seq.s32 s10, $0x1;
	s10 =	sld [smem:$0x3FAA];
	_ =	sdelay $0x3  }
0x37: {  	[smem:$0x3FAA] =	sst s10  }
0x38: {  	s10 =	sld [smem:$0x3FAB]  }
0x39: {  	_ = 	snop;
	(pc) =	sbr.ind lr, $3  }
0x3a: {  	_ = 	snop  }
0x3b: {  	_ = 	snop  }
0x3c: {  	p2 =	seq.s32 s10, $0x1;
	s10 =	sld [smem:$0x3FAA]  }
0x3d: {  	_ =	shalt  }
0x3e: {  	_ =	shalt  }
0x3f: {  	_ =	shalt  }
0x40: {  	_ =	shalt  }
0x41: {  	_ =	shalt  }
0x42: {  	_ =	shalt  }
0x43: {  	_ =	shalt  }
0x44: {  	_ =	shalt  }
0x45: {  	_ =	shalt  }
0x46: {  	_ =	shalt  }
0x47: {  	_ =	shalt  }
0x48: {  	_ =	shalt  }
0x49: {  	_ =	shalt  }
0x4a: {  	_ =	shalt  }
0x4b: {  	_ =	shalt  }
0x4c: {  	_ =	shalt  }
0x4d: {  	_ =	shalt  }
0x4e: {  	_ =	shalt  }
0x4f: {  	_ =	shalt  }
0x50: {  	_ =	shalt  }
0x51: {  	_ =	shalt  }
0x52: {  	_ =	shalt  }
0x53: {  	_ =	shalt  }
0x54: {  	_ =	shalt  }
0x55: {  	_ =	shalt  }
0x56: {  	_ =	shalt  }
0x57: {  	_ =	shalt  }
0x58: {  	_ =	shalt  }
0x59: {  	_ =	shalt  }
0x5a: {  	_ =	shalt  }
0x5b: {  	_ =	shalt  }
0x5c: {  	_ =	shalt  }
0x5d: {  	_ =	shalt  }
0x5e: {  	_ =	shalt  }
0x5f: {  	_ =	shalt  }
0x60: {  	_ =	shalt  }
0x61: {  	_ =	shalt  }
0x62: {  	_ =	shalt  }
0x63: {  	_ =	shalt  }
0x64: {  	_ =	shalt  }
0x65: {  	_ =	shalt  }
0x66: {  	_ =	shalt  }
0x67: {  	_ =	shalt  }
0x68: {  	_ =	shalt  }
0x69: {  	_ =	shalt  }
0x6a: {  	_ =	shalt  }
0x6b: {  	_ =	shalt  }
0x6c: {  	_ =	shalt  }
0x6d: {  	_ =	shalt  }
0x6e: {  	_ =	shalt  }
0x6f: {  	_ =	shalt  }
0x70: {  	_ =	shalt  }
0x71: {  	_ =	shalt  }
0x72: {  	_ =	shalt  }
0x73: {  	_ =	shalt  }
0x74: {  	_ =	shalt  }
0x75: {  	_ =	shalt  }
0x76: {  	_ =	shalt  }
0x77: {  	_ =	shalt  }
0x78: {  	_ =	shalt  }
0x79: {  	_ =	shalt  }
0x7a: {  	_ =	shalt  }
0x7b: {  	_ =	shalt  }
0x7c: {  	_ =	shalt  }
0x7d: {  	_ =	shalt  }
0x7e: {  	_ =	shalt  }
0x7f: {  	_ =	shalt  }
0x80: {  	_ =	shalt  }
0x81: {  	_ =	shalt  }
0x82: {  	_ =	shalt  }
0x83: {  	_ =	shalt  }
0x84: {  	_ =	shalt  }
0x85: {  	_ =	shalt  }
0x86: {  	_ =	shalt  }
0x87: {  	_ =	shalt  }
.Lfunc_end0:
.L_simem_size_0:
called_computation_lowered:
.L_overlay_start_0:
0x88: {  	s2 =	sld [smem:$0x3FD9]  }
0x89: {  	s3 =	sld [smem:$0x3FFE];
	_ =	sdelay $0x1  }
0x8a: {  	s1 =	srdreg.scid  }
0x8b: {  	s0 =	sand.u32 $0x1, s1  }
0x8c: {  	s16 =	sshll.u32 s0, $0xA;
	s2 =	sadd.s32 s3, s2  }
0x8d: {  	s2 =	sadd.s32 s2, s16  }
0x8e: {  	[smem:$0x3FB6] =	sst s2  }
0x8f: {  	_ = 	snop  }
0x90: {  	(tm) =	ssettm $0x1  }
0x91: {  	s17 =	sld [smem:$0x3FFB];
	_ =	sdelay $0x3  }
0x92: {  	_ =	strace s17  }
0x93: {  	s2 =	sld [smem:$0x3FFC];
	_ =	sdelay $0x3  }
0x94: {  	_ =	strace s2  }
0x95: {  	s2 =	sld [smem:$0x3FFD];
	_ =	sdelay $0x3  }
0x96: {  	_ =	strace s2  }
0x97: {  	_ =	strace $0x8FFFFFFF  }
0x98: {  	s18 =	sld [smem:$0x3FDB];
	_ =	sdelay $0x1  }
0x99: {  	s19 =	simm.s32 $_scs_section_size  }
0x9a: {  	s4 =	simm.s32 $_size__tile_overlayer_lowered;
	s5 =	simm.s32 $_tile_overlayer_lowered  }
0x9b: {  	s22 =	simm.s32 $0x1BFF;
	s21 =	sshll.u32 s5, $0x1;
	s2 =	sadd.s32 s19, s18  }
0x9c: {  	s6 =	simm.s32 $0x0;
	s20 =	sshll.u32 s4, $0x1;
	s4 =	sadd.s32 s21, s2  }
0x9d: {  	[timem:s6], [sflag:s22] =	dma.local [hbm:s4], s20  }
0x9e: {  	_ =	swait.ge [sflag:s22], s20  }
0x9f: {  	s3 =	ssub.s32 $0x0, s20;
	[sflag:s22] =	ssyncset.done $0x0  }
0xa0: {  	[sflag:s22] =	ssyncadd.s32 s3;
	_ =	sdelay $0x1  }
0xa1: {  	s23 =	simm.s32 $0x1B8B  }
0xa2: {  	_ =	swait.ge [sflag:s23], $0x1  }
0xa3: {  	[sflag:s23] =	ssyncset.done $0x0  }
0xa4: {  	s25 =	simm.s32 $0x1B8E;
	s24 =	sld [smem:$0x3FFE];
	[sflag:s23] =	ssyncadd.s32 $0xFFFFFFFF  }
0xa5: {  	s26 =	simm.s32 $execute0_lowered;
	[smem:$0x3FD2] =	sst s25  }
0xa6: {  	s4 =	sshll.u32 s26, $0x1;
	_ =	strace $0x80000046;
	[dreg:$0x1] =	wrdreg $0xFFFFFFFF  }
0xa7: {  	s28 =	simm.s32 $_size_execute0_lowered;
	s2 =	sadd.s32 s2, s4;
	[dreg:$0x0] =	wrdreg $0x0  }
0xa8: {  	s4 =	sshll.u32 s28, $0x1;
	[dreg:$0x2] =	wrdreg s2  }
0xa9: {  	[dreg:$0x3] =	wrdreg s4  }
0xaa: {  	[dreg:$0x4] =	wrdreg $0xC0  }
0xab: {  	_ =	task [dreg:s6], $0x5FFFF  }
0xac: {  	[dreg:$0x1] =	wrdreg $0xFFFFFFFF  }
0xad: {  	[dreg:$0x0] =	wrdreg $0x60  }
0xae: {  	[dreg:$0x2] =	wrdreg s24  }
0xaf: {  	[dreg:$0x3] =	wrdreg $0xB8800  }
0xb0: {  	[dreg:$0x4] =	wrdreg $0x9  }
0xb1: {  	_ =	task.clear_ibuf [dreg:s6], $0x5FFFF;
	_ =	strace $0x90000046  }
0xb2: {  	s29 =	simm.s32 $0x9;
	_ =	strace $0x80000048  }
0xb3: {  	_ =	swait.ge [sflag:s29], $0x1  }
0xb4: {  	[sflag:s29] =	ssyncadd.s32 $0xFFFFFFFF  }
0xb5: {  	_ =	strace $0x90000048  }
0xb6: {  	_ =	sfence  }
0xb7: {  	s30 =	sld [smem:$0x0];
	_ =	sdelay $0x2  }
0xb8: {  	s31 =	sshll.u32 s1, $0xD;
	s1 =	sshrl.u32 s1, $0x2  }
0xb9: {  	s3 =	sand.u32 $0x4000, s31;
	s1 =	sadd.s32 s1, s30  }
0xba: {  	s0 =	sor.u32 s3, s0;
	s1 =	sshll.u32 s1, $0x11  }
0xbb: {  	s0 =	sor.u32 s1, s0  }
0xbc: {  	s0 =	sadd.s32 $0x8F2B, s0  }
0xbd: {  	[sflag:s0] =	ssyncadd.remote.s32 $0x1  }
0xbe: {  	_ =	sfence.sel $0xFFFF  }
0xbf: {  	[dreg:$0x0] =	wrdreg $0xFFFFFFFF;
	(pc) =	sbr.abs _section_cstart, $3  }
0xc0: {  	[dreg:$0x1] =	wrdreg $0xFFFFFFFF  }
0xc1: {  	_ =	task.clear_ibuf [dreg:s6], $0x2FFFF;
	_ =	strace $0x9FFFFFFF  }
0xc2: {  	(tm) =	ssettm $0x7FFFFFFF  }
0xc3: {  	_ =	shalt  }
tec
execute0_lowered:
.L_overlay_start_1:
0x0: {  	(tag) =	ssettag $0x1  }
0x1: {  	s0 =	rddreg [dreg:$0x0]  }
0x2: {  	s1 =	rddreg [dreg:$0x1]  }
0x3: {  	s2 =	simm.s32 $0x0;
	s5 =	srdreg.scid;
	s19 =	stileid.u32  }
0x4: {  	s29 =	simm.s32 $0x1800;
	s30 =	simm.s32 $0x9080;
	[smem:$0x7FF] =	sst s2  }
0x5: {  	s28 =	simm.s32 $0x1;
	s3 =	sadd.s32 $0x566400, s0;
	s4 =	sadd.s32 $0x518200, s0  }
0x6: {  	s31 =	simm.s32 $0x0;
	s6 =	sadd.s32 $0x5B4600, s0;
	s7 =	sadd.s32 $0x4F0E00, s0  }
0x7: {  	s8 =	sadd.s32 $0x504800, s0;
	s9 =	sadd.s32 $0x4E7000, s0;
	s10 =	smul.u32 $0x4E20, s19  }
0x8: {  	s5 =	sand.u32 $0x1, s5;
	s12 =	sadd.s32 $0xF78600, s0;
	s15 =	smul.u32 $0x4E000, s19  }
0x9: {  	s0 =	sadd.s32 $0xF9F800, s0;
	s20 =	sshll.u32 s19, $0x3;
	s16 =	smul.u32 $0x2700, s19  }
0xa: {  	s17 =	smul.u32 $0x270, s19;
	s22 =	sshll.u32 s19, $0x6;
	p0 =	sgt.u32 s19, $0x1  }
0xb: {  	s19 =	simm.s32 $0x2;
	_ =	strace $0x80000047;
	s13 =	smul.u32 $0x4E200, s5  }
0xc: {  	s11 =	ssub.s32 $0x2, s5;
	s5 =	smul.u32 $0x2710, s5;
	s18 =	sor.u32 $0x2700, s20  }
0xd: {  	s14 =	sshrl.u32 s11, $0x1;
	s15 =	sshrl.u32 s15, $0x2;
	s21 =	sadd.s32 s12, s16  }
0xe: {  	s23 =	sshll.u32 s18, $0x7;
	s25 =	sshll.u32 s18, $0x4;
	s14 =	ssub.s32 s11, s14  }
0xf: {  	s11 =	sadd.s32 s10, s13;
	s15 =	sadd.s32 s15, s1;
	[dreg:$0x3] =	wrdreg s21  }
0x10: {  	s13 =	sor.u32 $0x1C02, s22;
	s20 =	sadd.s32 s23, s1;
	s24 =	sadd.s32 s17, s5  }
0x11: {  	s5 =	sadd.s32 s5, s18;
	s12 =	sadd.s32 s12, s25;
	s21 =	simm.s32 $0x800  }
0x12: {  	s22 =	simm.s32 $0x1000;
	s23 =	simm.s32 $0x50;
	s25 =	simm.s32 $0x4080  }
0x13: {  	s16 =	sshll.u32 s24, $0x4;
	[dreg:$0x4] =	wrdreg s12;
	s5 =	sshll.u32 s5, $0x4  }
0x14: {  	s17 =	smax.u32 s14, $0x1;
	s18 =	sshrl.u32 s15, $0x3;
	s26 =	sadd.s32 s0, s16  }
0x15: {  	s20 =	sshrl.u32 @!p0 s20, $0x3;
	s0 =	sadd.s32 s0, s5;
	[dreg:$0x5] =	wrdreg s26  }
0x16: {  	v0 =	vimm.f32 $0.0e+00;
	s24 =	simm.s32 $0x1880;
	[dreg:$0x6] =	wrdreg s0;
	s26 =	simm.s32 $0x6880  }
.LBB2_1:
0x17: {  	s0 =	rddreg [dreg:$0x3]  }
0x18: {  	[spmem:s18], [sflag:s13] =	dma.local [hbm:s0], $0x2700  }
0x19: {  	_ =	swait.ge [sflag:s19], $0x2700  }
0x1a: {  	[sflag:s19] =	ssyncset.done $0x0  }
0x1b: {  	s0 =	rddreg [dreg:$0x4];
	[sflag:s19] =	ssyncadd.s32 $0xFFFFD900  }
0x1c: {  	[spmem:s20], [sflag:s13] =	dma.local @!p0 [hbm:s0], $0x80  }
0x1d: {  	s0 =	simm.s32 @!p0 $0x2  }
0x1e: {  	_ =	swait.ge @!p0 [sflag:s0], $0x80  }
0x1f: {  	[sflag:s0] =	ssyncset.done @!p0 $0x0  }
0x20: {  	s5 =	simm.s32 $0x200;
	[sflag:s0] =	ssyncadd.s32 @!p0 $0xFFFFFF80;
	s0 =	simm.s32 $0x0  }
.LBB2_2:
0x21: {  	p1 =	sne.s32 s5, $0x9E00;
	[tilespmem:s0+$0x90F0] =	vst v0;
	s12 =	smov.u32 s5;
	s5 =	sadd.s32 $0x200, s5  }
.Ltmp0:
0x22: {  	[tilespmem:s0+$0x90E0] =	vst v0;
	(pc) =	sbr.rel @p1 .LBB2_2-.Ltmp0, $3  }
0x23: {  	[tilespmem:s0+$0x90C0] =	vst v0  }
0x24: {  	[tilespmem:s0+$0x90D0] =	vst v0;
	_ =	sdelay $0x1  }
0x25: {  	s0 =	sshra.s32 s12, $0x2  }
0x26: {  	[tilespmem:s0+$0x90F0] =	vst v0  }
0x27: {  	[tilespmem:s0+$0x90E0] =	vst v0  }
0x28: {  	[tilespmem:s0+$0x90C0] =	vst v0  }
0x29: {  	[tilespmem:s0+$0x90D0] =	vst v0  }
0x2a: {  	s0 =	simm.s32 $0x0;
	[bflag:$0x0] =	sbarrier.arrive $0xFFFF  }
.LBB2_4:
0x2b: {  	s5 =	smul.u32 $0x7D0, s0;
	_ =	sdelay $0x1  }
0x2c: {  	s12 =	sadd.s32 s10, s5  }
0x2d: {  	s12 =	sshrl.u32 s12, $0x3  }
0x2e: {  	s12 =	sadd.s32 s9, s12  }
0x2f: {  	[tilespmem:s31], [sflag:$0x2] =	stream.linear.gather [hbm4b:s12+s31], $0x7D0, $0x38;
	[tilespmem:$0x1F100] =	vst v63  }
0x30: {  	s5 =	sadd.s32 s5, s11;
	_ =	swait.ge [sflag:s19], $0x7D0  }
0x31: {  	s16 =	sshrl.u32 s5, $0x3;
	[sflag:s19] =	ssyncset.done $0x0  }
0x32: {  	s14 =	sadd.s32 s7, s16;
	[sflag:s19] =	ssyncadd.s32 $0xFFFFF830  }
0x33: {  	[tilespmem:s21], [sflag:$0x2] =	stream.linear.gather [hbm4b:s14+s31], $0x7D0, $0x38;
	[tilespmem:$0x1F100] =	vst v63  }
0x34: {  	_ =	swait.ge [sflag:s19], $0x7D0  }
0x35: {  	[sflag:s19] =	ssyncset.done $0x0  }
0x36: {  	s12 =	sadd.s32 s8, s16;
	[sflag:s19] =	ssyncadd.s32 $0xFFFFF830  }
0x37: {  	[tilespmem:s22], [sflag:$0x2] =	stream.linear.gather [hbm4b:s12+s31], $0x7D0, $0x38;
	[tilespmem:$0x1F100] =	vst v63  }
0x38: {  	_ =	swait.ge [sflag:s19], $0x7D0  }
0x39: {  	[sflag:s19] =	ssyncset.done $0x0  }
0x3a: {  	s12 =	simm.s32 $0x0;
	[sflag:s19] =	ssyncadd.s32 $0xFFFFF830  }
.LBB2_5:
0x3b: {  	s15 =	smul.u32 $0x50, s12;
	_ =	sdelay $0x1  }
0x3c: {  	s14 =	sadd.s32 $0x800, s15  }
0x3d: {  	[tilespmem:s24], [sflag:$0x1] =	stream.indirect.gather [hbm4b:s3+s23], $0x80, s14, s23, $0xb8;
	[tilespmem:$0x1F100] =	vst v63  }
0x3e: {  	s16 =	sadd.s32 $0x1000, s15  }
0x3f: {  	[tilespmem:s25], [sflag:$0x1] =	stream.indirect.gather [hbm4b:s4+s23], $0x80, s16, s23, $0xb8;
	[tilespmem:$0x1F100] =	vst v63  }
0x40: {  	s16 =	sadd.s32 s5, s15  }
0x41: {  	s14 =	sshll.u32 s16, $0x4  }
0x42: {  	s16 =	sadd.s32 s6, s14;
	s14 =	simm.s32 $0x0  }
0x43: {  	[tilespmem:s26], [sflag:$0x1] =	stream.linear.gather [hbm4b:s16+s14], $0x2800, $0x38;
	[tilespmem:$0x1F100] =	vst v63  }
0x44: {  	v1 =	vld [tilespmem:s15+$0x0];
	_ =	sdelay $0x4  }
0x45: {  	[tilespmem:$0x1800] =	vst v1  }
0x46: {  	v1 =	vld [tilespmem:s15+$0x10];
	_ =	sdelay $0x4  }
0x47: {  	[tilespmem:$0x1810] =	vst v1  }
0x48: {  	v1 =	vld [tilespmem:s15+$0x20];
	_ =	sdelay $0x4  }
0x49: {  	[tilespmem:$0x1820] =	vst v1  }
0x4a: {  	v1 =	vld [tilespmem:s15+$0x30];
	_ =	sdelay $0x4  }
0x4b: {  	[tilespmem:$0x1830] =	vst v1  }
0x4c: {  	v1 =	vld [tilespmem:s15+$0x40];
	_ =	sdelay $0x4  }
0x4d: {  	[tilespmem:$0x1840] =	vst v1  }
0x4e: {  	_ =	swait.ge [sflag:s28], $0x2800  }
0x4f: {  	[sflag:s28] =	ssyncset.done $0x0  }
0x50: {  	[sflag:s28] =	ssyncadd.s32 $0xFFFFD800  }
0x51: {  	_ =	swait.ge [sflag:s28], $0x2800  }
0x52: {  	[sflag:s28] =	ssyncset.done $0x0  }
0x53: {  	[sflag:s28] =	ssyncadd.s32 $0xFFFFD800  }
0x54: {  	_ =	swait.ge [sflag:s28], $0x2800  }
0x55: {  	[sflag:s28] =	ssyncset.done $0x0  }
0x56: {  	[sflag:s28] =	ssyncadd.s32 $0xFFFFD800  }
.LBB2_6:
0x57: {  	s15 =	sshll.u32 s14, $0x7  }
0x58: {  	v1 =	vld [tilespmem:s15+$0x18C0]  }
0x59: {  	v2 =	vld [tilespmem:s15+$0x40C0];
	_ =	sdelay $0x1  }
0x5a: {  	v3 =	vld [tilespmem:s15+$0x68C0];
	_ =	sdelay $0x1  }
0x5b: {  	v4 =	vld [tilespmem:s15+$0x1880]  }
0x5c: {  	v1 =	vadd.f32 v2, v1;
	v2 =	vld [tilespmem:s15+$0x4080];
	_ =	sdelay $0x1  }
0x5d: {  	v3 =	vadd.f32 v3, v1;
	v1 =	vld [tilespmem:s15+$0x6880];
	_ =	sdelay $0x1  }
0x5e: {  	v5 =	vand.u32 $0x7FFFFFFF, v3  }
0x5f: {  	v5 =	vmul.f32 $-1.442695020e+00, v5;
	v2 =	vadd.f32 v2, v4  }
0x60: {  	v6 =	vld [tilespmem:s15+$0x1890]  }
0x61: {  	v18 =	vld [tilespmem:s15+$0x18D0];
	v16 =	vmax.f32 v5, $-1.260000000e+02;
	v1 =	vadd.f32 v1, v2  }
0x62: {  	v7 =	vld [tilespmem:s15+$0x40D0];
	v2 =	vadd.f32 $1.258291200e+07, v16  }
0x63: {  	v10 =	vld [tilespmem:s15+$0x4090];
	v1 =	vmul.f32 $-1.442695020e+00, v1  }
0x64: {  	v11 =	vld [tilespmem:s15+$0x68D0];
	v17 =	vadd.f32 $-1.258291200e+07, v2  }
0x65: {  	v33 =	vld [tilespmem:s15+$0x18A0];
	v1 =	vmin.f32 v1, $1.260000000e+02  }
0x66: {  	v34 =	vld [tilespmem:s15+$0x40A0];
	v4 =	vsub.f32 v16, v17;
	v1 =	vmax.f32 v1, $-1.260000000e+02  }
0x67: {  	v13 =	vld [tilespmem:s15+$0x6890];
	v8 =	vadd.f32 $1.258291200e+07, v1  }
0x68: {  	v15 =	vld [tilespmem:s15+$0x68A0];
	v9 =	vmul.f32 $5.592203510e-02, v4  }
0x69: {  	v50 =	vld [tilespmem:s15+$0x18F0];
	v12 =	vadd.f32 $-1.258291200e+07, v8  }
0x6a: {  	v52 =	vld [tilespmem:s15+$0x40F0];
	v6 =	vadd.f32 v10, v6;
	v9 =	vadd.f32 $2.426400780e-01, v9  }
0x6b: {  	v36 =	vadd.f32 v34, v33;
	v12 =	vsub.f32 v1, v12  }
0x6c: {  	v5 =	vadd.f32 v7, v18;
	v1 =	vmul.f32 v9, v4  }
0x6d: {  	v20 =	vadd.f32 v13, v6;
	v38 =	vadd.f32 v15, v36;
	v19 =	vmul.f32 $5.592203510e-02, v12  }
0x6e: {  	v35 =	vld [tilespmem:s15+$0x40E0];
	v9 =	vadd.f32 $6.931210160e-01, v1;
	v1 =	vadd.f32 v11, v5  }
0x6f: {  	v15 =	vadd.f32 v52, v50;
	v17 =	vld [tilespmem:s15+$0x18E0];
	v5 =	vmul.f32 $-1.442695020e+00, v20;
	v21 =	vadd.f32 $2.426400780e-01, v19  }
0x70: {  	v48 =	vld [tilespmem:s15+$0x18B0];
	v3 =	vmax.f32 v3, $0.0e+00;
	v4 =	vmul.f32 v9, v4;
	v22 =	vand.u32 $0x7FFFFFFF, v1  }
0x71: {  	v19 =	vld [tilespmem:s15+$0x40B0];
	v5 =	vmin.f32 v5, $1.260000000e+02;
	v7 =	vmul.f32 $-1.442695020e+00, v22;
	v6 =	vmul.f32 v21, v12  }
0x72: {  	v2 =	vshll.u32 v2, $0x17;
	v5 =	vmax.f32 v5, $-1.260000000e+02;
	v4 =	vadd.f32 $9.999244800e-01, v4  }
0x73: {  	v53 =	vld [tilespmem:s15+$0x68B0];
	v24 =	vadd.f32 $1.258291200e+07, v5;
	v7 =	vmax.f32 v7, $-1.260000000e+02;
	v6 =	vadd.f32 $6.931210160e-01, v6  }
0x74: {  	v2 =	vadd.s32 $0x3F800000, v2;
	v40 =	vadd.f32 v35, v17;
	v23 =	vadd.f32 $1.258291200e+07, v7  }
0x75: {  	v2 =	vmul.f32 v2, v4;
	v27 =	vadd.f32 $-1.258291200e+07, v24;
	v6 =	vmul.f32 v6, v12  }
0x76: {  	v8 =	vshll.u32 v8, $0x17;
	v12 =	vadd.f32 v19, v48;
	v25 =	vadd.f32 $-1.258291200e+07, v23  }
0x77: {  	v26 =	vmul.f32 $3.044900480e-02, v2;
	v5 =	vsub.f32 v5, v27;
	v6 =	vadd.f32 $9.999244800e-01, v6  }
0x78: {  	v8 =	vadd.s32 $0x3F800000, v8;
	v12 =	vadd.f32 v53, v12;
	v7 =	vsub.f32 v7, v25  }
0x79: {  	v28 =	vadd.f32 $-1.315818280e-01, v26;
	v30 =	vmul.f32 $5.592203510e-02, v5;
	v6 =	vmul.f32 v8, v6  }
0x7a: {  	v1 =	vmax.f32 v1, $0.0e+00;
	v12 =	vmul.f32 $-1.442695020e+00, v12;
	v29 =	vmul.f32 $5.592203510e-02, v7  }
0x7b: {  	v4 =	vshll.u32 v24, $0x17;
	v10 =	vmul.f32 v28, v2;
	v32 =	vadd.f32 $2.426400780e-01, v30  }
0x7c: {  	v6 =	vadd.f32 $1.000000000e+00, v6;
	v12 =	vmin.f32 v12, $1.260000000e+02;
	v31 =	vadd.f32 $2.426400780e-01, v29  }
0x7d: {  	v10 =	vadd.f32 $2.852726880e-01, v10;
	v11 =	vmul.f32 v32, v5;
	v12 =	vmax.f32 v12, $-1.260000000e+02  }
0x7e: {  	v14 =	vsub.s32 $0x7EF311C3, v6;
	v59 =	vadd.f32 $1.258291200e+07, v12;
	v8 =	vmul.f32 v31, v7  }
0x7f: {  	v10 =	vmul.f32 v10, v2;
	v16 =	vmul.f32 v14, v6;
	v11 =	vadd.f32 $6.931210160e-01, v11  }
0x80: {  	v4 =	vadd.s32 $0x3F800000, v4;
	v61 =	vadd.f32 $-1.258291200e+07, v59;
	v8 =	vadd.f32 $6.931210160e-01, v8  }
0x81: {  	v37 =	vld [tilespmem:s15+$0x68E0];
	v10 =	vadd.f32 $-4.902307090e-01, v10;
	v16 =	vsub.f32 $2.000000000e+00, v16;
	v5 =	vmul.f32 v11, v5  }
0x82: {  	v34 =	vld [tilespmem:s15+$0x4100];
	v9 =	vshll.u32 v23, $0x17;
	v11 =	vsub.f32 v12, v61;
	v7 =	vmul.f32 v8, v7  }
0x83: {  	v31 =	vld [tilespmem:s15+$0x1900];
	v10 =	vmul.f32 v10, v2;
	v5 =	vadd.f32 $9.999244800e-01, v5;
	v39 =	vmul.f32 v14, v16  }
0x84: {  	v9 =	vadd.s32 $0x3F800000, v9;
	v28 =	vmul.f32 $5.592203510e-02, v11;
	v7 =	vadd.f32 $9.999244800e-01, v7  }
0x85: {  	v4 =	vmul.f32 v4, v5;
	v41 =	vadd.f32 $9.992354510e-01, v10;
	v6 =	vmul.f32 v39, v6  }
0x86: {  	v12 =	vadd.f32 $2.426400780e-01, v28;
	v7 =	vmul.f32 v9, v7;
	v9 =	vmul.f32 $-1.442695020e+00, v38  }
0x87: {  	v43 =	vadd.f32 $1.000000000e+00, v4;
	v4 =	vadd.f32 v37, v40;
	v2 =	vmul.f32 v41, v2  }
0x88: {  	v6 =	vsub.f32 $2.000000000e+00, v6;
	v41 =	vadd.f32 v34, v31;
	v12 =	vmul.f32 v12, v11  }
0x89: {  	v42 =	vmul.f32 $3.044900480e-02, v7;
	v45 =	vmin.f32 v9, $1.260000000e+02;
	v46 =	vsub.s32 $0x7EF311C3, v43  }
0x8a: {  	v36 =	vld [tilespmem:s15+$0x6900];
	v47 =	vand.u32 $0x7FFFFFFF, v4;
	v2 =	vadd.f32 $9.975032300e-06, v2;
	v8 =	vmax.f32 v45, $-1.260000000e+02  }
0x8b: {  	v10 =	vmul.f32 $-1.442695020e+00, v47;
	v51 =	vmul.f32 v46, v43;
	v12 =	vadd.f32 $6.931210160e-01, v12  }
0x8c: {  	v6 =	vmul.f32 v6, v39;
	v44 =	vadd.f32 $-1.315818280e-01, v42;
	v49 =	vadd.f32 $1.258291200e+07, v8  }
0x8d: {  	v21 =	vld [tilespmem:s15+$0x68F0];
	v2 =	vadd.f32 v2, v3;
	v10 =	vmax.f32 v10, $-1.260000000e+02;
	v16 =	vsub.f32 $2.000000000e+00, v51  }
0x8e: {  	v4 =	vmax.f32 v4, $0.0e+00;
	v18 =	vadd.f32 $-1.258291200e+07, v49;
	v20 =	vadd.f32 $1.258291200e+07, v10  }
0x8f: {  	v40 =	vmul.f32 v12, v11;
	v11 =	vadd.f32 v36, v41;
	v5 =	vmul.f32 v44, v7  }
0x90: {  	v45 =	vshll.u32 v59, $0x17;
	v8 =	vsub.f32 v8, v18;
	v3 =	vadd.f32 $-1.258291200e+07, v20  }
0x91: {  	v14 =	vshll.u32 v49, $0x17;
	v49 =	vadd.s32 $0x3F800000, v45;
	v5 =	vadd.f32 $2.852726880e-01, v5  }
0x92: {  	v54 =	vmul.f32 $5.592203510e-02, v8;
	v10 =	vsub.f32 v10, v3;
	v3 =	vadd.f32 v21, v15  }
0x93: {  	v9 =	vmul.f32 v46, v16;
	v14 =	vadd.s32 $0x3F800000, v14;
	v5 =	vmul.f32 v5, v7  }
0x94: {  	v16 =	vadd.f32 $2.426400780e-01, v54;
	v55 =	vmul.f32 $5.592203510e-02, v10;
	v56 =	vand.u32 $0x7FFFFFFF, v3  }
0x95: {  	v46 =	vadd.f32 $9.999244800e-01, v40;
	v5 =	vadd.f32 $-4.902307090e-01, v5;
	v17 =	vmul.f32 $-1.442695020e+00, v56  }
0x96: {  	v47 =	vmul.f32 $-1.442695020e+00, v11;
	v16 =	vmul.f32 v16, v8;
	v15 =	vadd.f32 $2.426400780e-01, v55  }
0x97: {  	v24 =	vshll.u32 v20, $0x17;
	v5 =	vmul.f32 v5, v7;
	v17 =	vmax.f32 v17, $-1.260000000e+02  }
0x98: {  	v16 =	vadd.f32 $6.931210160e-01, v16;
	v15 =	vmul.f32 v15, v10;
	v57 =	vadd.f32 $1.258291200e+07, v17  }
0x99: {  	v27 =	vld [tilespmem:s15+$0x1940];
	v13 =	vmul.f32 v9, v43;
	v25 =	vadd.s32 $0x3F800000, v24;
	v5 =	vadd.f32 $9.992354510e-01, v5  }
0x9a: {  	v29 =	vld [tilespmem:s15+$0x4140];
	v8 =	vmul.f32 v16, v8;
	v58 =	vadd.f32 $6.931210160e-01, v15;
	v60 =	vadd.f32 $-1.258291200e+07, v57  }
0x9b: {  	v13 =	vsub.f32 $2.000000000e+00, v13;
	v3 =	vmax.f32 v3, $0.0e+00;
	v5 =	vmul.f32 v5, v7  }
0x9c: {  	v23 =	vld [tilespmem:s15+$0x6940];
	v8 =	vadd.f32 $9.999244800e-01, v8;
	v10 =	vmul.f32 v58, v10;
	v63 =	vsub.f32 v17, v60  }
0x9d: {  	v9 =	vmul.f32 v13, v9;
	v42 =	vshll.u32 v57, $0x17;
	v5 =	vadd.f32 $9.975032300e-06, v5  }
0x9e: {  	v62 =	vmul.f32 v14, v8;
	v10 =	vadd.f32 $9.999244800e-01, v10;
	v26 =	vmul.f32 $5.592203510e-02, v63  }
0x9f: {  	v57 =	vld [tilespmem:s15+$0x1950];
	v17 =	vadd.f32 v29, v27;
	v5 =	vadd.f32 v5, v1;
	v1 =	vmul.f32 v2, v6  }
0xa0: {  	v60 =	vld [tilespmem:s15+$0x4150];
	v7 =	vadd.f32 $1.000000000e+00, v62;
	v10 =	vmul.f32 v25, v10;
	v14 =	vadd.f32 $2.426400780e-01, v26  }
0xa1: {  	v2 =	vmul.f32 v5, v9;
	v5 =	vadd.f32 v23, v17;
	v9 =	vmin.f32 v47, $1.260000000e+02  }
0xa2: {  	v12 =	vadd.s32 $0x3F800000, v42;
	v9 =	vmax.f32 v9, $-1.260000000e+02;
	v33 =	vmul.f32 v14, v63  }
0xa3: {  	v30 =	vsub.s32 $0x7EF311C3, v7;
	v22 =	vmul.f32 $3.044900480e-02, v10;
	v43 =	vand.u32 $0x7FFFFFFF, v5  }
0xa4: {  	v27 =	vld [tilespmem:s15+$0x4110];
	v54 =	vadd.f32 $1.258291200e+07, v9;
	v44 =	vmul.f32 $-1.442695020e+00, v43;
	v35 =	vadd.f32 $6.931210160e-01, v33  }
0xa5: {  	v26 =	vld [tilespmem:s15+$0x1910];
	v19 =	vadd.f32 v60, v57;
	v32 =	vmul.f32 v30, v7;
	v22 =	vadd.f32 $-1.315818280e-01, v22  }
0xa6: {  	v56 =	vadd.f32 $-1.258291200e+07, v54;
	v48 =	vmax.f32 v44, $-1.260000000e+02;
	v6 =	vmul.f32 v35, v63  }
0xa7: {  	v21 =	vsub.f32 $2.000000000e+00, v32;
	v37 =	vmul.f32 v22, v10;
	v51 =	vadd.f32 $1.258291200e+07, v48  }
0xa8: {  	v5 =	vmax.f32 v5, $0.0e+00;
	v9 =	vsub.f32 v9, v56;
	v6 =	vadd.f32 $9.999244800e-01, v6  }
0xa9: {  	v38 =	vmul.f32 v30, v21;
	v39 =	vadd.f32 $2.852726880e-01, v37;
	v53 =	vadd.f32 $-1.258291200e+07, v51  }
0xaa: {  	v17 =	vadd.f32 v27, v26;
	v24 =	vmul.f32 $5.592203510e-02, v9;
	v12 =	vmul.f32 v12, v6  }
0xab: {  	v8 =	vmul.f32 v39, v10;
	v6 =	vmul.f32 v49, v46;
	v11 =	vsub.f32 v48, v53  }
0xac: {  	v32 =	vshll.u32 v51, $0x17;
	v37 =	vshll.u32 v54, $0x17;
	v50 =	vmul.f32 $3.044900480e-02, v12  }
0xad: {  	v41 =	vld [tilespmem:s15+$0x4160];
	v8 =	vadd.f32 $-4.902307090e-01, v8;
	v6 =	vadd.f32 $1.000000000e+00, v6;
	v59 =	vmul.f32 $5.592203510e-02, v11  }
0xae: {  	v30 =	vld [tilespmem:s15+$0x6910];
	v7 =	vmul.f32 v38, v7;
	v34 =	vadd.s32 $0x3F800000, v32;
	v52 =	vadd.f32 $-1.315818280e-01, v50  }
0xaf: {  	v40 =	vld [tilespmem:s15+$0x1960];
	v8 =	vmul.f32 v8, v10;
	v55 =	vsub.s32 $0x7EF311C3, v6;
	v62 =	vadd.f32 $2.426400780e-01, v59  }
0xb0: {  	v18 =	vadd.f32 $2.426400780e-01, v24;
	v58 =	vmul.f32 v55, v6;
	v13 =	vmul.f32 v52, v12  }
0xb1: {  	v63 =	vld [tilespmem:s15+$0x6950];
	v7 =	vsub.f32 $2.000000000e+00, v7;
	v8 =	vadd.f32 $9.992354510e-01, v8;
	v25 =	vmul.f32 v62, v11  }
0xb2: {  	v29 =	vmul.f32 v18, v9;
	v61 =	vsub.f32 $2.000000000e+00, v58;
	v13 =	vadd.f32 $2.852726880e-01, v13  }
0xb3: {  	v35 =	vadd.f32 v30, v17;
	v8 =	vmul.f32 v8, v10;
	v14 =	vadd.f32 $6.931210160e-01, v25  }
0xb4: {  	v17 =	vadd.f32 v41, v40;
	v10 =	vmul.f32 v55, v61;
	v13 =	vmul.f32 v13, v12  }
0xb5: {  	v7 =	vmul.f32 v7, v38;
	v8 =	vadd.f32 $9.975032300e-06, v8;
	v11 =	vmul.f32 v14, v11  }
0xb6: {  	v28 =	vmul.f32 v10, v6;
	v6 =	vadd.f32 v63, v19;
	v13 =	vadd.f32 $-4.902307090e-01, v13  }
0xb7: {  	v14 =	vadd.s32 $0x3F800000, v37;
	v4 =	vadd.f32 v8, v4;
	v8 =	vadd.f32 $6.931210160e-01, v29  }
0xb8: {  	v11 =	vadd.f32 $9.999244800e-01, v11;
	v33 =	vand.u32 $0x7FFFFFFF, v6;
	v13 =	vmul.f32 v13, v12  }
0xb9: {  	v42 =	vld [tilespmem:s15+$0x1920];
	v31 =	vsub.f32 $2.000000000e+00, v28;
	v15 =	vmul.f32 $-1.442695020e+00, v33;
	v8 =	vmul.f32 v8, v9  }
0xba: {  	v47 =	vld [tilespmem:s15+$0x4120];
	v6 =	vmax.f32 v6, $0.0e+00;
	v9 =	vmul.f32 v34, v11;
	v11 =	vmul.f32 $-1.442695020e+00, v35  }
0xbb: {  	v49 =	vld [tilespmem:s15+$0x6920];
	v10 =	vmul.f32 v31, v10;
	v13 =	vadd.f32 $9.992354510e-01, v13;
	v36 =	vmax.f32 v15, $-1.260000000e+02  }
0xbc: {  	v30 =	vld [tilespmem:s15+$0x4130];
	v8 =	vadd.f32 $9.999244800e-01, v8;
	v38 =	vmul.f32 $3.044900480e-02, v9;
	v11 =	vmin.f32 v11, $1.260000000e+02  }
0xbd: {  	v63 =	vld [tilespmem:s15+$0x1930];
	v15 =	vadd.f32 $1.258291200e+07, v36;
	v11 =	vmax.f32 v11, $-1.260000000e+02;
	v12 =	vmul.f32 v13, v12  }
0xbe: {  	v8 =	vmul.f32 v14, v8;
	v16 =	vadd.f32 $-1.315818280e-01, v38;
	v43 =	vadd.f32 $1.258291200e+07, v11  }
0xbf: {  	v14 =	vadd.f32 v47, v42;
	v39 =	vadd.f32 $-1.258291200e+07, v15;
	v15 =	vshll.u32 v15, $0x17  }
0xc0: {  	v44 =	vld [tilespmem:s15+$0x6960];
	v12 =	vadd.f32 $9.975032300e-06, v12;
	v8 =	vadd.f32 $1.000000000e+00, v8;
	v16 =	vmul.f32 v16, v9  }
0xc1: {  	v33 =	vld [tilespmem:s15+$0x6930];
	v25 =	vadd.f32 $-1.258291200e+07, v43;
	v14 =	vadd.f32 v49, v14;
	v15 =	vadd.s32 $0x3F800000, v15  }
0xc2: {  	v60 =	vshll.u32 v43, $0x17;
	v13 =	vsub.f32 v36, v39;
	v39 =	vadd.f32 v30, v63  }
0xc3: {  	v12 =	vadd.f32 v12, v3;
	v45 =	vsub.s32 $0x7EF311C3, v8;
	v16 =	vadd.f32 $2.852726880e-01, v16  }
0xc4: {  	v3 =	vmul.f32 v4, v7;
	v11 =	vsub.f32 v11, v25;
	v14 =	vmul.f32 $-1.442695020e+00, v14  }
0xc5: {  	v34 =	vld [tilespmem:s15+$0x1970];
	v7 =	vadd.f32 v44, v17;
	v46 =	vmul.f32 $5.592203510e-02, v13;
	v24 =	vmul.f32 v45, v8  }
0xc6: {  	v36 =	vld [tilespmem:s15+$0x4170];
	v43 =	vadd.f32 v33, v39;
	v4 =	vmul.f32 v12, v10;
	v51 =	vmul.f32 v16, v9  }
0xc7: {  	v53 =	vmul.f32 $5.592203510e-02, v11;
	v54 =	vand.u32 $0x7FFFFFFF, v7;
	v14 =	vmin.f32 v14, $1.260000000e+02  }
0xc8: {  	v7 =	vmax.f32 v7, $0.0e+00;
	v48 =	vadd.f32 $2.426400780e-01, v46;
	v50 =	vsub.f32 $2.000000000e+00, v24  }
0xc9: {  	v18 =	vmul.f32 $-1.442695020e+00, v54;
	v14 =	vmax.f32 v14, $-1.260000000e+02;
	v12 =	vadd.f32 $-4.902307090e-01, v51  }
0xca: {  	v17 =	vadd.f32 $2.426400780e-01, v53;
	v58 =	vadd.f32 $1.258291200e+07, v14;
	v52 =	vmul.f32 v48, v13  }
0xcb: {  	v10 =	vmul.f32 v45, v50;
	v56 =	vmax.f32 v18, $-1.260000000e+02;
	v45 =	vadd.f32 v36, v34  }
0xcc: {  	v12 =	vmul.f32 v12, v9;
	v55 =	vmul.f32 v17, v11;
	v16 =	vadd.f32 $6.931210160e-01, v52  }
0xcd: {  	v18 =	vadd.f32 $1.258291200e+07, v56;
	v61 =	vadd.f32 $-1.258291200e+07, v58;
	v17 =	vadd.s32 $0x3F800000, v60  }
0xce: {  	v47 =	vshll.u32 v58, $0x17;
	v12 =	vadd.f32 $9.992354510e-01, v12;
	v13 =	vmul.f32 v16, v13  }
0xcf: {  	v8 =	vmul.f32 v10, v8;
	v57 =	vadd.f32 $-1.258291200e+07, v18;
	v16 =	vadd.f32 $6.931210160e-01, v55  }
0xd0: {  	v14 =	vsub.f32 v14, v61;
	v9 =	vmul.f32 v12, v9;
	v13 =	vadd.f32 $9.999244800e-01, v13  }
0xd1: {  	v40 =	vld [tilespmem:s15+$0x6970];
	v44 =	vshll.u32 v18, $0x17;
	v8 =	vsub.f32 $2.000000000e+00, v8;
	v11 =	vmul.f32 v16, v11  }
0xd2: {  	v32 =	vmul.f32 $5.592203510e-02, v14;
	v9 =	vadd.f32 $9.975032300e-06, v9;
	v13 =	vmul.f32 v15, v13  }
0xd3: {  	v54 =	vld [tilespmem:s15+$0x1980];
	v8 =	vmul.f32 v8, v10;
	v15 =	vsub.f32 v56, v57;
	v11 =	vadd.f32 $9.999244800e-01, v11  }
0xd4: {  	v57 =	vld [tilespmem:s15+$0x4180];
	v5 =	vadd.f32 v9, v5;
	v9 =	vmul.f32 $-1.442695020e+00, v43;
	v59 =	vmul.f32 $3.044900480e-02, v13  }
0xd5: {  	v26 =	vld [tilespmem:s15+$0x41C0];
	v46 =	vadd.s32 $0x3F800000, v44;
	v62 =	vmul.f32 $5.592203510e-02, v15;
	v11 =	vmul.f32 v17, v11  }
0xd6: {  	v60 =	vld [tilespmem:s15+$0x19C0];
	v5 =	vmul.f32 v5, v8;
	v8 =	vadd.f32 v40, v45;
	v20 =	vadd.f32 $-1.315818280e-01, v59  }
0xd7: {  	v9 =	vmin.f32 v9, $1.260000000e+02;
	v29 =	vadd.f32 $2.426400780e-01, v62;
	v31 =	vadd.f32 $1.000000000e+00, v11  }
0xd8: {  	v11 =	vadd.f32 $2.426400780e-01, v32;
	v9 =	vmax.f32 v9, $-1.260000000e+02;
	v17 =	vand.u32 $0x7FFFFFFF, v8  }
0xd9: {  	v49 =	vadd.f32 $1.258291200e+07, v9;
	v63 =	vadd.f32 v57, v54;
	v19 =	vmul.f32 v29, v15  }
0xda: {  	v8 =	vmax.f32 v8, $0.0e+00;
	v38 =	vmul.f32 v11, v14;
	v17 =	vmul.f32 $-1.442695020e+00, v17  }
0xdb: {  	v28 =	vmul.f32 v20, v13;
	v35 =	vsub.s32 $0x7EF311C3, v31;
	v29 =	vadd.f32 v26, v60  }
0xdc: {  	v19 =	vadd.f32 $6.931210160e-01, v19;
	v42 =	vadd.f32 $6.931210160e-01, v38;
	v17 =	vmax.f32 v17, $-1.260000000e+02  }
0xdd: {  	v37 =	vmul.f32 v35, v31;
	v12 =	vadd.f32 $2.852726880e-01, v28;
	v52 =	vadd.f32 $1.258291200e+07, v17  }
0xde: {  	v51 =	vadd.f32 $-1.258291200e+07, v49;
	v15 =	vmul.f32 v19, v15;
	v14 =	vmul.f32 v42, v14  }
0xdf: {  	v41 =	vsub.f32 $2.000000000e+00, v37;
	v12 =	vmul.f32 v12, v13;
	v56 =	vadd.f32 $-1.258291200e+07, v52  }
0xe0: {  	v11 =	vadd.s32 $0x3F800000, v47;
	v15 =	vadd.f32 $9.999244800e-01, v15;
	v14 =	vadd.f32 $9.999244800e-01, v14  }
0xe1: {  	v9 =	vsub.f32 v9, v51;
	v50 =	vmul.f32 v35, v41;
	v12 =	vadd.f32 $-4.902307090e-01, v12  }
0xe2: {  	v17 =	vsub.f32 v17, v56;
	v15 =	vmul.f32 v46, v15;
	v11 =	vmul.f32 v11, v14  }
0xe3: {  	v58 =	vmul.f32 $5.592203510e-02, v9;
	v37 =	vshll.u32 v52, $0x17;
	v12 =	vmul.f32 v12, v13  }
0xe4: {  	v59 =	vld [tilespmem:s15+$0x6980];
	v61 =	vmul.f32 $5.592203510e-02, v17;
	v48 =	vmul.f32 $3.044900480e-02, v15;
	v11 =	vadd.f32 $1.000000000e+00, v11  }
0xe5: {  	v18 =	vadd.s32 $0x3F800000, v37;
	v10 =	vmul.f32 v50, v31;
	v12 =	vadd.f32 $9.992354510e-01, v12  }
0xe6: {  	v24 =	vadd.f32 $2.426400780e-01, v61;
	v16 =	vadd.f32 $-1.315818280e-01, v48;
	v53 =	vsub.s32 $0x7EF311C3, v11  }
0xe7: {  	v12 =	vmul.f32 v12, v13;
	v13 =	vadd.f32 $2.426400780e-01, v58;
	v55 =	vmul.f32 v53, v11  }
0xe8: {  	v10 =	vsub.f32 $2.000000000e+00, v10;
	v28 =	vmul.f32 v24, v17;
	v16 =	vmul.f32 v16, v15  }
0xe9: {  	v12 =	vadd.f32 $9.975032300e-06, v12;
	v62 =	vmul.f32 v13, v9;
	v13 =	vadd.f32 v59, v63  }
0xea: {  	v27 =	vld [tilespmem:s15+$0x69C0];
	v14 =	vshll.u32 v49, $0x17;
	v22 =	vsub.f32 $2.000000000e+00, v55;
	v30 =	vadd.f32 $6.931210160e-01, v28  }
0xeb: {  	v39 =	vld [tilespmem:s15+$0x1990];
	v10 =	vmul.f32 v10, v50;
	v16 =	vadd.f32 $2.852726880e-01, v16;
	v6 =	vadd.f32 v12, v6  }
0xec: {  	v51 =	vld [tilespmem:s15+$0x19D0];
	v12 =	vadd.f32 $6.931210160e-01, v62;
	v13 =	vmul.f32 $-1.442695020e+00, v13;
	v21 =	vmul.f32 v53, v22  }
0xed: {  	v42 =	vld [tilespmem:s15+$0x4190];
	v33 =	vadd.s32 $0x3F800000, v14;
	v34 =	vmul.f32 v30, v17;
	v16 =	vmul.f32 v16, v15  }
0xee: {  	v53 =	vld [tilespmem:s15+$0x41D0];
	v9 =	vmul.f32 v12, v9;
	v32 =	vmin.f32 v13, $1.260000000e+02;
	v6 =	vmul.f32 v6, v10  }
0xef: {  	v11 =	vmul.f32 v21, v11;
	v14 =	vadd.f32 $9.999244800e-01, v34;
	v16 =	vadd.f32 $-4.902307090e-01, v16  }
0xf0: {  	v47 =	vld [tilespmem:s15+$0x6990];
	v12 =	vmax.f32 v32, $-1.260000000e+02;
	v31 =	vadd.f32 $9.999244800e-01, v9;
	v9 =	vadd.f32 v27, v29  }
0xf1: {  	v35 =	vadd.f32 $1.258291200e+07, v12;
	v11 =	vsub.f32 $2.000000000e+00, v11;
	v14 =	vmul.f32 v18, v14  }
0xf2: {  	v18 =	vadd.f32 v42, v39;
	v16 =	vmul.f32 v16, v15;
	v13 =	vmul.f32 v33, v31  }
0xf3: {  	v36 =	vand.u32 $0x7FFFFFFF, v9;
	v38 =	vadd.f32 $-1.258291200e+07, v35;
	v58 =	vadd.f32 v53, v51  }
0xf4: {  	v9 =	vmax.f32 v9, $0.0e+00;
	v17 =	vmul.f32 $-1.442695020e+00, v36;
	v16 =	vadd.f32 $9.992354510e-01, v16  }
0xf5: {  	v44 =	vmul.f32 $3.044900480e-02, v14;
	v18 =	vadd.f32 v47, v18;
	v13 =	vadd.f32 $1.000000000e+00, v13  }
0xf6: {  	v12 =	vsub.f32 v12, v38;
	v17 =	vmax.f32 v17, $-1.260000000e+02;
	v15 =	vmul.f32 v16, v15  }
0xf7: {  	v11 =	vmul.f32 v11, v21;
	v49 =	vadd.f32 $-1.315818280e-01, v44;
	v41 =	vadd.f32 $1.258291200e+07, v17  }
0xf8: {  	v18 =	vmul.f32 $-1.442695020e+00, v18;
	v45 =	vmul.f32 $5.592203510e-02, v12;
	v15 =	vadd.f32 $9.975032300e-06, v15  }
0xf9: {  	v40 =	vsub.s32 $0x7EF311C3, v13;
	v16 =	vshll.u32 v35, $0x17;
	v46 =	vadd.f32 $-1.258291200e+07, v41  }
0xfa: {  	v50 =	vmul.f32 v49, v14;
	v7 =	vadd.f32 v15, v7;
	v15 =	vadd.f32 $2.426400780e-01, v45  }
0xfb: {  	v27 =	vld [tilespmem:s15+$0x19E0];
	v43 =	vmul.f32 v40, v13;
	v18 =	vmin.f32 v18, $1.260000000e+02;
	v17 =	vsub.f32 v17, v46  }
0xfc: {  	v38 =	vld [tilespmem:s15+$0x41E0];
	v16 =	vadd.s32 $0x3F800000, v16;
	v54 =	vadd.f32 $2.852726880e-01, v50;
	v15 =	vmul.f32 v15, v12  }
0xfd: {  	v18 =	vmax.f32 v18, $-1.260000000e+02;
	v48 =	vsub.f32 $2.000000000e+00, v43;
	v52 =	vmul.f32 $5.592203510e-02, v17  }
0xfe: {  	v56 =	vld [tilespmem:s15+$0x69D0];
	v7 =	vmul.f32 v7, v11;
	v11 =	vmul.f32 v54, v14;
	v15 =	vadd.f32 $6.931210160e-01, v15  }
0xff: {  	v19 =	vshll.u32 v41, $0x17;
	v60 =	vadd.f32 $1.258291200e+07, v18;
	v55 =	vadd.f32 $2.426400780e-01, v52  }
0x100: {  	v10 =	vmul.f32 v40, v48;
	v11 =	vadd.f32 $-4.902307090e-01, v11;
	v12 =	vmul.f32 v15, v12  }
0x101: {  	v46 =	vadd.f32 v38, v27;
	v61 =	vadd.f32 $-1.258291200e+07, v60;
	v57 =	vmul.f32 v55, v17  }
0x102: {  	v28 =	vld [tilespmem:s15+$0x41F0];
	v13 =	vmul.f32 v10, v13;
	v11 =	vmul.f32 v11, v14;
	v59 =	vadd.f32 $9.999244800e-01, v12  }
0x103: {  	v30 =	vld [tilespmem:s15+$0x19A0];
	v19 =	vadd.s32 $0x3F800000, v19;
	v15 =	vadd.f32 $6.931210160e-01, v57;
	v12 =	vadd.f32 v56, v58  }
0x104: {  	v32 =	vld [tilespmem:s15+$0x41A0];
	v20 =	vshll.u32 v60, $0x17;
	v13 =	vsub.f32 $2.000000000e+00, v13;
	v11 =	vadd.f32 $9.992354510e-01, v11  }
0x105: {  	v53 =	vld [tilespmem:s15+$0x19B0];
	v15 =	vmul.f32 v15, v17;
	v16 =	vmul.f32 v16, v59;
	v62 =	vand.u32 $0x7FFFFFFF, v12  }
0x106: {  	v55 =	vld [tilespmem:s15+$0x19F0];
	v17 =	vsub.f32 v18, v61;
	v11 =	vmul.f32 v11, v14;
	v21 =	vmul.f32 $-1.442695020e+00, v62  }
0x107: {  	v20 =	vadd.s32 $0x3F800000, v20;
	v59 =	vld [tilespmem:s15+$0x41B0];
	v15 =	vadd.f32 $9.999244800e-01, v15;
	v16 =	vadd.f32 $1.000000000e+00, v16  }
0x108: {  	v37 =	vld [tilespmem:s15+$0x69A0];
	v31 =	vmul.f32 $5.592203510e-02, v17;
	v11 =	vadd.f32 $9.975032300e-06, v11;
	v63 =	vmax.f32 v21, $-1.260000000e+02  }
0x109: {  	v41 =	vld [tilespmem:s15+$0x69E0];
	v10 =	vmul.f32 v13, v10;
	v15 =	vmul.f32 v19, v15;
	v21 =	vadd.f32 $1.258291200e+07, v63  }
0x10a: {  	v33 =	vsub.s32 $0x7EF311C3, v16;
	v13 =	vadd.f32 $2.426400780e-01, v31;
	v8 =	vadd.f32 v11, v8  }
0x10b: {  	v19 =	vadd.f32 v32, v30;
	v30 =	vadd.f32 v28, v55;
	v35 =	vmul.f32 v33, v16  }
0x10c: {  	v31 =	vadd.f32 v59, v53;
	v34 =	vmul.f32 $3.044900480e-02, v15;
	v36 =	vadd.f32 $-1.258291200e+07, v21  }
0x10d: {  	v13 =	vmul.f32 v13, v17;
	v8 =	vmul.f32 v8, v10;
	v43 =	vadd.f32 v37, v19  }
0x10e: {  	v10 =	vadd.f32 v41, v46;
	v21 =	vshll.u32 v21, $0x17;
	v18 =	vsub.f32 v63, v36  }
0x10f: {  	v24 =	vsub.f32 $2.000000000e+00, v35;
	v21 =	vadd.s32 $0x3F800000, v21;
	v23 =	vadd.f32 $-1.315818280e-01, v34  }
0x110: {  	v13 =	vadd.f32 $6.931210160e-01, v13;
	v11 =	vmul.f32 $-1.442695020e+00, v43;
	v40 =	vmul.f32 $5.592203510e-02, v18  }
0x111: {  	v48 =	vand.u32 $0x7FFFFFFF, v10;
	v14 =	vmul.f32 v33, v24;
	v39 =	vmul.f32 v23, v15  }
0x112: {  	v13 =	vmul.f32 v13, v17;
	v11 =	vmin.f32 v11, $1.260000000e+02;
	v44 =	vadd.f32 $2.426400780e-01, v40  }
0x113: {  	v16 =	vmul.f32 v14, v16;
	v11 =	vmax.f32 v11, $-1.260000000e+02;
	v42 =	vadd.f32 $2.852726880e-01, v39  }
0x114: {  	v13 =	vadd.f32 $9.999244800e-01, v13;
	v47 =	vadd.f32 $1.258291200e+07, v11;
	v17 =	vmul.f32 v44, v18  }
0x115: {  	v49 =	vmul.f32 $-1.442695020e+00, v48;
	v16 =	vsub.f32 $2.000000000e+00, v16;
	v45 =	vmul.f32 v42, v15  }
0x116: {  	v13 =	vmul.f32 v20, v13;
	v50 =	vadd.f32 $-1.258291200e+07, v47;
	v17 =	vadd.f32 $6.931210160e-01, v17  }
0x117: {  	v20 =	vshll.u32 v47, $0x17;
	v47 =	vmax.f32 v12, $0.0e+00;
	v19 =	vadd.f32 $-4.902307090e-01, v45  }
0x118: {  	v14 =	vmul.f32 v16, v14;
	v13 =	vadd.f32 $1.000000000e+00, v13;
	v17 =	vmul.f32 v17, v18  }
0x119: {  	v61 =	vld [tilespmem:s15+$0x69F0];
	v22 =	vsub.f32 v11, v50;
	v19 =	vmul.f32 v19, v15;
	v18 =	vmax.f32 v49, $-1.260000000e+02  }
0x11a: {  	v51 =	vsub.s32 $0x7EF311C3, v13;
	v52 =	vadd.f32 $1.258291200e+07, v18;
	v17 =	vadd.f32 $9.999244800e-01, v17  }
0x11b: {  	v56 =	vmul.f32 $5.592203510e-02, v22;
	v54 =	vmul.f32 v51, v13;
	v19 =	vadd.f32 $9.992354510e-01, v19  }
0x11c: {  	v20 =	vadd.s32 $0x3F800000, v20;
	v57 =	vadd.f32 $-1.258291200e+07, v52;
	v17 =	vmul.f32 v21, v17  }
0x11d: {  	v29 =	vld [tilespmem:s15+$0x69B0];
	v58 =	vsub.f32 $2.000000000e+00, v54;
	v15 =	vmul.f32 v19, v15;
	v21 =	vadd.f32 $2.426400780e-01, v56  }
0x11e: {  	v11 =	vadd.f32 v61, v30;
	v30 =	vld [tilespmem:s15+$0x1A00];
	v18 =	vsub.f32 v18, v57;
	v60 =	vmul.f32 $3.044900480e-02, v17  }
0x11f: {  	v16 =	vmul.f32 v51, v58;
	v51 =	vld [tilespmem:s15+$0x4200];
	v15 =	vadd.f32 $9.975032300e-06, v15;
	v21 =	vmul.f32 v21, v22  }
0x120: {  	v34 =	vand.u32 $0x7FFFFFFF, v11;
	v63 =	vmul.f32 $5.592203510e-02, v18;
	v62 =	vadd.f32 $-1.315818280e-01, v60  }
0x121: {  	v13 =	vmul.f32 v16, v13;
	v9 =	vadd.f32 v15, v9;
	v21 =	vadd.f32 $6.931210160e-01, v21  }
0x122: {  	v37 =	vshll.u32 v52, $0x17;
	v52 =	vld [tilespmem:s15+$0x6A00];
	v25 =	vadd.f32 $2.426400780e-01, v63;
	v23 =	vmul.f32 v62, v17  }
0x123: {  	v13 =	vsub.f32 $2.000000000e+00, v13;
	v9 =	vmul.f32 v9, v14;
	v21 =	vmul.f32 v21, v22  }
0x124: {  	v14 =	vadd.f32 v29, v31;
	v22 =	vmul.f32 $-1.442695020e+00, v34;
	v24 =	vadd.f32 v51, v30  }
0x125: {  	v33 =	vmul.f32 v25, v18;
	v13 =	vmul.f32 v13, v16;
	v32 =	vadd.f32 $2.852726880e-01, v23  }
0x126: {  	v21 =	vadd.f32 $9.999244800e-01, v21;
	v14 =	vmul.f32 $-1.442695020e+00, v14;
	v35 =	vmax.f32 v22, $-1.260000000e+02  }
0x127: {  	v22 =	vadd.s32 $0x3F800000, v37;
	v56 =	vadd.f32 v52, v24;
	v19 =	vadd.f32 $6.931210160e-01, v33  }
0x128: {  	v36 =	vadd.f32 $1.258291200e+07, v35;
	v15 =	vmul.f32 v32, v17;
	v14 =	vmin.f32 v14, $1.260000000e+02  }
0x129: {  	v40 =	vld [tilespmem:s15+$0x1A40];
	v20 =	vmul.f32 v20, v21;
	v58 =	vmul.f32 $-1.442695020e+00, v56;
	v14 =	vmax.f32 v14, $-1.260000000e+02  }
0x12a: {  	v42 =	vld [tilespmem:s15+$0x4240];
	v18 =	vmul.f32 v19, v18;
	v39 =	vadd.f32 $-1.258291200e+07, v36;
	v38 =	vadd.f32 $1.258291200e+07, v14  }
0x12b: {  	v32 =	vmax.f32 v10, $0.0e+00;
	v15 =	vadd.f32 $-4.902307090e-01, v15;
	v20 =	vadd.f32 $1.000000000e+00, v20  }
0x12c: {  	v55 =	vshll.u32 v36, $0x17;
	v18 =	vadd.f32 $9.999244800e-01, v18;
	v19 =	vsub.f32 v35, v39  }
0x12d: {  	v46 =	vld [tilespmem:s15+$0x6A40];
	v41 =	vadd.f32 $-1.258291200e+07, v38;
	v15 =	vmul.f32 v15, v17;
	v44 =	vsub.s32 $0x7EF311C3, v20  }
0x12e: {  	v31 =	vld [tilespmem:s15+$0x4250];
	v23 =	vshll.u32 v38, $0x17;
	v18 =	vmul.f32 v22, v18;
	v45 =	vmul.f32 $5.592203510e-02, v19  }
0x12f: {  	v48 =	vmul.f32 v44, v20;
	v22 =	vadd.f32 v42, v40;
	v40 =	vld [tilespmem:s15+$0x1A50];
	v14 =	vsub.f32 v14, v41  }
0x130: {  	v15 =	vadd.f32 $9.992354510e-01, v15;
	v43 =	vmul.f32 $3.044900480e-02, v18;
	v16 =	vadd.f32 $2.426400780e-01, v45  }
0x131: {  	v63 =	vld [tilespmem:s15+$0x1A10];
	v23 =	vadd.s32 $0x3F800000, v23;
	v12 =	vsub.f32 $2.000000000e+00, v48;
	v49 =	vmul.f32 $5.592203510e-02, v14  }
0x132: {  	v38 =	vld [tilespmem:s15+$0x4210];
	v15 =	vmul.f32 v15, v17;
	v25 =	vadd.f32 $-1.315818280e-01, v43;
	v16 =	vmul.f32 v16, v19  }
0x133: {  	v26 =	vmul.f32 v44, v12;
	v12 =	vadd.f32 v46, v22;
	v50 =	vadd.f32 $2.426400780e-01, v49  }
0x134: {  	v15 =	vadd.f32 $9.975032300e-06, v15;
	v48 =	vadd.f32 v31, v40;
	v25 =	vmul.f32 v25, v18  }
0x135: {  	v34 =	vld [tilespmem:s15+$0x6A10];
	v16 =	vadd.f32 $6.931210160e-01, v16;
	v20 =	vmul.f32 v26, v20;
	v27 =	vand.u32 $0x7FFFFFFF, v12  }
0x136: {  	v12 =	vmax.f32 v12, $0.0e+00;
	v17 =	vmul.f32 v50, v14;
	v53 =	vmul.f32 $-1.442695020e+00, v27  }
0x137: {  	v15 =	vadd.f32 v15, v47;
	v47 =	vadd.f32 v38, v63;
	v63 =	vmax.f32 v11, $0.0e+00  }
0x138: {  	v25 =	vadd.f32 $2.852726880e-01, v25;
	v16 =	vmul.f32 v16, v19;
	v19 =	vadd.s32 $0x3F800000, v55  }
0x139: {  	v20 =	vsub.f32 $2.000000000e+00, v20;
	v17 =	vadd.f32 $6.931210160e-01, v17;
	v54 =	vmax.f32 v53, $-1.260000000e+02  }
0x13a: {  	v10 =	vmul.f32 v15, v13;
	v21 =	vadd.f32 v34, v47;
	v25 =	vmul.f32 v25, v18  }
0x13b: {  	v16 =	vadd.f32 $9.999244800e-01, v16;
	v57 =	vadd.f32 $1.258291200e+07, v54;
	v20 =	vmul.f32 v20, v26  }
0x13c: {  	v14 =	vmul.f32 v17, v14;
	v21 =	vmul.f32 $-1.442695020e+00, v21;
	v25 =	vadd.f32 $-4.902307090e-01, v25  }
0x13d: {  	v16 =	vmul.f32 v19, v16;
	v59 =	vadd.f32 $-1.258291200e+07, v57;
	v19 =	vmin.f32 v58, $1.260000000e+02  }
0x13e: {  	v22 =	vshll.u32 v57, $0x17;
	v14 =	vadd.f32 $9.999244800e-01, v14;
	v19 =	vmax.f32 v19, $-1.260000000e+02  }
0x13f: {  	v22 =	vadd.s32 $0x3F800000, v22;
	v21 =	vmin.f32 v21, $1.260000000e+02;
	v60 =	vmul.f32 v25, v18  }
0x140: {  	v61 =	vmul.f32 $3.044900480e-02, v16;
	v17 =	vsub.f32 v54, v59;
	v21 =	vmax.f32 v21, $-1.260000000e+02  }
0x141: {  	v36 =	vadd.f32 $1.258291200e+07, v19;
	v14 =	vmul.f32 v23, v14;
	v52 =	vadd.f32 $1.258291200e+07, v21  }
0x142: {  	v62 =	vadd.f32 $9.992354510e-01, v60;
	v23 =	vadd.f32 $-1.315818280e-01, v61;
	v37 =	vmul.f32 $5.592203510e-02, v17  }
0x143: {  	v41 =	vadd.f32 $-1.258291200e+07, v36;
	v25 =	vshll.u32 v36, $0x17;
	v14 =	vadd.f32 $1.000000000e+00, v14  }
0x144: {  	v56 =	vadd.f32 $-1.258291200e+07, v52;
	v59 =	vadd.s32 $0x3F800000, v25;
	v26 =	vshll.u32 v52, $0x17  }
0x145: {  	v18 =	vmul.f32 v62, v18;
	v23 =	vmul.f32 v23, v16;
	v27 =	vadd.f32 $2.426400780e-01, v37  }
0x146: {  	v19 =	vsub.f32 v19, v41;
	v26 =	vadd.s32 $0x3F800000, v26;
	v39 =	vsub.s32 $0x7EF311C3, v14  }
0x147: {  	v33 =	vmul.f32 v39, v14;
	v23 =	vadd.f32 $2.852726880e-01, v23;
	v27 =	vmul.f32 v27, v17  }
0x148: {  	v42 =	vld [tilespmem:s15+$0x6A50];
	v21 =	vsub.f32 v21, v56;
	v18 =	vadd.f32 $9.975032300e-06, v18;
	v46 =	vmul.f32 $5.592203510e-02, v19  }
0x149: {  	v44 =	vsub.f32 $2.000000000e+00, v33;
	v45 =	vmul.f32 v23, v16;
	v27 =	vadd.f32 $6.931210160e-01, v27  }
0x14a: {  	v37 =	vmul.f32 $5.592203510e-02, v21;
	v43 =	vadd.f32 v18, v32;
	v23 =	vadd.f32 $2.426400780e-01, v46  }
0x14b: {  	v55 =	vld [tilespmem:s15+$0x1A20];
	v15 =	vmul.f32 v39, v44;
	v18 =	vadd.f32 $-4.902307090e-01, v45;
	v17 =	vmul.f32 v27, v17  }
0x14c: {  	v58 =	vld [tilespmem:s15+$0x4220];
	v23 =	vmul.f32 v23, v19;
	v11 =	vmul.f32 v43, v20;
	v43 =	vadd.f32 $2.426400780e-01, v37  }
0x14d: {  	v49 =	vmul.f32 v15, v14;
	v14 =	vadd.f32 v42, v48;
	v17 =	vadd.f32 $9.999244800e-01, v17  }
0x14e: {  	v18 =	vmul.f32 v18, v16;
	v23 =	vadd.f32 $6.931210160e-01, v23;
	v20 =	vmul.f32 v43, v21  }
0x14f: {  	v24 =	vand.u32 $0x7FFFFFFF, v14;
	v27 =	vsub.f32 $2.000000000e+00, v49;
	v22 =	vmul.f32 v22, v17  }
0x150: {  	v36 =	vld [tilespmem:s15+$0x6A20];
	v18 =	vadd.f32 $9.992354510e-01, v18;
	v19 =	vmul.f32 v23, v19;
	v50 =	vmul.f32 $-1.442695020e+00, v24  }
0x151: {  	v20 =	vadd.f32 $6.931210160e-01, v20;
	v14 =	vmax.f32 v14, $0.0e+00;
	v24 =	vadd.f32 v58, v55  }
0x152: {  	v51 =	vmul.f32 $3.044900480e-02, v22;
	v16 =	vmul.f32 v18, v16;
	v17 =	vmax.f32 v50, $-1.260000000e+02  }
0x153: {  	v60 =	vld [tilespmem:s15+$0x1A60];
	v19 =	vadd.f32 $9.999244800e-01, v19;
	v20 =	vmul.f32 v20, v21;
	v53 =	vadd.f32 $1.258291200e+07, v17  }
0x154: {  	v62 =	vld [tilespmem:s15+$0x4260];
	v15 =	vmul.f32 v27, v15;
	v54 =	vadd.f32 $-1.315818280e-01, v51;
	v16 =	vadd.f32 $9.975032300e-06, v16  }
0x155: {  	v18 =	vmul.f32 v59, v19;
	v19 =	vadd.f32 v36, v24;
	v20 =	vadd.f32 $9.999244800e-01, v20  }
0x156: {  	v39 =	vld [tilespmem:s15+$0x6A60];
	v57 =	vadd.f32 $-1.258291200e+07, v53;
	v23 =	vmul.f32 v54, v22;
	v40 =	vadd.f32 v16, v63  }
0x157: {  	v41 =	vadd.f32 $1.000000000e+00, v18;
	v19 =	vmul.f32 $-1.442695020e+00, v19;
	v50 =	vshll.u32 v53, $0x17  }
0x158: {  	v56 =	vld [tilespmem:s15+$0x1A30];
	v20 =	vmul.f32 v26, v20;
	v61 =	vsub.f32 v17, v57;
	v23 =	vadd.f32 $2.852726880e-01, v23  }
0x159: {  	v58 =	vld [tilespmem:s15+$0x4270];
	v17 =	vadd.f32 v62, v60;
	v45 =	vsub.s32 $0x7EF311C3, v41;
	v19 =	vmin.f32 v19, $1.260000000e+02  }
0x15a: {  	v20 =	vadd.f32 $1.000000000e+00, v20;
	v57 =	vld [tilespmem:s15+$0x1A70];
	v46 =	vmul.f32 v45, v41;
	v19 =	vmax.f32 v19, $-1.260000000e+02  }
0x15b: {  	v60 =	vld [tilespmem:s15+$0x4230];
	v38 =	vmul.f32 $5.592203510e-02, v61;
	v42 =	vmul.f32 v23, v22;
	v17 =	vadd.f32 v39, v17  }
0x15c: {  	v51 =	vadd.f32 $1.258291200e+07, v19;
	v59 =	vsub.s32 $0x7EF311C3, v20;
	v24 =	vsub.f32 $2.000000000e+00, v46  }
0x15d: {  	v35 =	vmul.f32 v59, v20;
	v44 =	vadd.f32 $2.426400780e-01, v38;
	v18 =	vadd.f32 $-4.902307090e-01, v42  }
0x15e: {  	v47 =	vand.u32 $0x7FFFFFFF, v17;
	v53 =	vadd.f32 $-1.258291200e+07, v51;
	v17 =	vmax.f32 v17, $0.0e+00  }
0x15f: {  	v27 =	vmul.f32 $-1.442695020e+00, v47;
	v62 =	vsub.f32 $2.000000000e+00, v35;
	v23 =	vmul.f32 v44, v61  }
0x160: {  	v36 =	vld [tilespmem:s15+$0x6A30];
	v24 =	vmul.f32 v45, v24;
	v63 =	vadd.f32 v58, v57;
	v38 =	vadd.f32 v60, v56  }
0x161: {  	v18 =	vmul.f32 v18, v22;
	v49 =	vmax.f32 v27, $-1.260000000e+02;
	v23 =	vadd.f32 $6.931210160e-01, v23  }
0x162: {  	v19 =	vsub.f32 v19, v53;
	v44 =	vshll.u32 v51, $0x17;
	v52 =	vadd.f32 $1.258291200e+07, v49  }
0x163: {  	v27 =	vadd.s32 $0x3F800000, v50;
	v18 =	vadd.f32 $9.992354510e-01, v18;
	v23 =	vmul.f32 v23, v61  }
0x164: {  	v16 =	vmul.f32 v24, v41;
	v26 =	vmul.f32 v59, v62;
	v54 =	vadd.f32 $-1.258291200e+07, v52;
	v61 =	vld [tilespmem:s15+$0x6A70]  }
0x165: {  	v41 =	vadd.f32 v36, v38;
	v18 =	vmul.f32 v18, v22;
	v48 =	vadd.f32 $9.999244800e-01, v23  }
0x166: {  	v45 =	vadd.s32 $0x3F800000, v44;
	v20 =	vmul.f32 v26, v20;
	v23 =	vsub.f32 v49, v54  }
0x167: {  	v16 =	vsub.f32 $2.000000000e+00, v16;
	v18 =	vadd.f32 $9.975032300e-06, v18;
	v21 =	vmul.f32 v27, v48  }
0x168: {  	v20 =	vsub.f32 $2.000000000e+00, v20;
	v27 =	vmul.f32 $5.592203510e-02, v19;
	v30 =	vmul.f32 $5.592203510e-02, v23  }
0x169: {  	v18 =	vadd.f32 v18, v12;
	v12 =	vmul.f32 v40, v15;
	v15 =	vadd.f32 v61, v63  }
0x16a: {  	v58 =	vld [tilespmem:s15+$0x1A80];
	v16 =	vmul.f32 v16, v24;
	v55 =	vmul.f32 $3.044900480e-02, v21;
	v27 =	vadd.f32 $2.426400780e-01, v27  }
0x16b: {  	v62 =	vld [tilespmem:s15+$0x4280];
	v20 =	vmul.f32 v20, v26;
	v30 =	vadd.f32 $2.426400780e-01, v30;
	v42 =	vand.u32 $0x7FFFFFFF, v15  }
0x16c: {  	v25 =	vadd.f32 $-1.315818280e-01, v55;
	v27 =	vmul.f32 v27, v19;
	v24 =	vmul.f32 $-1.442695020e+00, v42  }
0x16d: {  	v43 =	vshll.u32 v52, $0x17;
	v13 =	vmul.f32 v18, v16;
	v30 =	vmul.f32 v30, v23  }
0x16e: {  	v25 =	vmul.f32 v25, v21;
	v35 =	vadd.f32 $6.931210160e-01, v27;
	v24 =	vmax.f32 v24, $-1.260000000e+02  }
0x16f: {  	v15 =	vmax.f32 v15, $0.0e+00;
	v37 =	vadd.f32 $6.931210160e-01, v30;
	v46 =	vadd.f32 $1.258291200e+07, v24  }
0x170: {  	v42 =	vadd.f32 v62, v58;
	v25 =	vadd.f32 $2.852726880e-01, v25;
	v19 =	vmul.f32 v35, v19  }
0x171: {  	v53 =	vld [tilespmem:s15+$0x1AC0];
	v40 =	vmul.f32 v37, v23;
	v23 =	vmul.f32 $-1.442695020e+00, v41;
	v49 =	vadd.f32 $-1.258291200e+07, v46  }
0x172: {  	v55 =	vld [tilespmem:s15+$0x42C0];
	v27 =	vshll.u32 v46, $0x17;
	v31 =	vmul.f32 v25, v21;
	v19 =	vadd.f32 $9.999244800e-01, v19  }
0x173: {  	v22 =	vadd.f32 $9.999244800e-01, v40;
	v25 =	vadd.s32 $0x3F800000, v43;
	v23 =	vmin.f32 v23, $1.260000000e+02  }
0x174: {  	v27 =	vadd.s32 $0x3F800000, v27;
	v52 =	vsub.f32 v24, v49;
	v19 =	vmul.f32 v45, v19  }
0x175: {  	v23 =	vmax.f32 v23, $-1.260000000e+02;
	v39 =	vadd.f32 $-4.902307090e-01, v31;
	v22 =	vmul.f32 v25, v22  }
0x176: {  	v48 =	vadd.f32 $1.258291200e+07, v23;
	v57 =	vmul.f32 $5.592203510e-02, v52;
	v19 =	vadd.f32 $1.000000000e+00, v19  }
0x177: {  	v60 =	vld [tilespmem:s15+$0x6AC0];
	v24 =	vadd.f32 v55, v53;
	v47 =	vmul.f32 $3.044900480e-02, v22;
	v50 =	vmul.f32 v39, v21  }
0x178: {  	v51 =	vadd.f32 $-1.258291200e+07, v48;
	v16 =	vadd.f32 $2.426400780e-01, v57;
	v56 =	vsub.s32 $0x7EF311C3, v19  }
0x179: {  	v25 =	vadd.f32 $-1.315818280e-01, v47;
	v54 =	vadd.f32 $9.992354510e-01, v50;
	v59 =	vmul.f32 v56, v19  }
0x17a: {  	v28 =	vshll.u32 v48, $0x17;
	v23 =	vsub.f32 v23, v51;
	v16 =	vmul.f32 v16, v52  }
0x17b: {  	v25 =	vmul.f32 v25, v22;
	v21 =	vmul.f32 v54, v21;
	v29 =	vsub.f32 $2.000000000e+00, v59  }
0x17c: {  	v61 =	vmul.f32 $5.592203510e-02, v23;
	v40 =	vadd.f32 $6.931210160e-01, v16;
	v16 =	vadd.f32 v60, v24  }
0x17d: {  	v28 =	vadd.s32 $0x3F800000, v28;
	v25 =	vadd.f32 $2.852726880e-01, v25;
	v21 =	vadd.f32 $9.975032300e-06, v21  }
0x17e: {  	v63 =	vld [tilespmem:s15+$0x6A80];
	v34 =	vadd.f32 $2.426400780e-01, v61;
	v18 =	vmul.f32 v40, v52;
	v43 =	vand.u32 $0x7FFFFFFF, v16  }
0x17f: {  	v50 =	vld [tilespmem:s15+$0x1AD0];
	v25 =	vmul.f32 v25, v22;
	v14 =	vadd.f32 v21, v14;
	v21 =	vmul.f32 v56, v29  }
0x180: {  	v52 =	vld [tilespmem:s15+$0x42D0];
	v16 =	vmax.f32 v16, $0.0e+00;
	v39 =	vmul.f32 v34, v23;
	v30 =	vmul.f32 $-1.442695020e+00, v43  }
0x181: {  	v18 =	vadd.f32 $9.999244800e-01, v18;
	v25 =	vadd.f32 $-4.902307090e-01, v25;
	v19 =	vmul.f32 v21, v19  }
0x182: {  	v29 =	vadd.f32 $6.931210160e-01, v39;
	v44 =	vmax.f32 v30, $-1.260000000e+02;
	v14 =	vmul.f32 v14, v20  }
0x183: {  	v40 =	vld [tilespmem:s15+$0x4290];
	v18 =	vmul.f32 v27, v18;
	v45 =	vadd.f32 $1.258291200e+07, v44;
	v41 =	vmul.f32 v25, v22  }
0x184: {  	v25 =	vadd.f32 v63, v42;
	v23 =	vmul.f32 v29, v23;
	v63 =	vld [tilespmem:s15+$0x1A90];
	v34 =	vsub.f32 $2.000000000e+00, v19  }
0x185: {  	v32 =	vadd.f32 v52, v50;
	v38 =	vmul.f32 $3.044900480e-02, v18;
	v39 =	vadd.f32 $-1.258291200e+07, v45  }
0x186: {  	v24 =	vadd.f32 $9.992354510e-01, v41;
	v25 =	vmul.f32 $-1.442695020e+00, v25;
	v23 =	vadd.f32 $9.999244800e-01, v23  }
0x187: {  	v48 =	vld [tilespmem:s15+$0x6A90];
	v27 =	vshll.u32 v45, $0x17;
	v46 =	vadd.f32 $-1.315818280e-01, v38;
	v47 =	vsub.f32 v44, v39  }
0x188: {  	v25 =	vmin.f32 v25, $1.260000000e+02;
	v41 =	vmul.f32 v28, v23;
	v22 =	vmul.f32 v24, v22  }
0x189: {  	v25 =	vmax.f32 v25, $-1.260000000e+02;
	v51 =	vmul.f32 $5.592203510e-02, v47;
	v30 =	vadd.f32 v40, v63  }
0x18a: {  	v24 =	vmul.f32 v46, v18;
	v42 =	vadd.f32 $1.258291200e+07, v25;
	v19 =	vadd.f32 $1.000000000e+00, v41  }
0x18b: {  	v27 =	vadd.s32 $0x3F800000, v27;
	v22 =	vadd.f32 $9.975032300e-06, v22;
	v54 =	vadd.f32 $2.426400780e-01, v51  }
0x18c: {  	v24 =	vadd.f32 $2.852726880e-01, v24;
	v29 =	vadd.f32 v48, v30;
	v37 =	vsub.s32 $0x7EF311C3, v19  }
0x18d: {  	v49 =	vadd.f32 $-1.258291200e+07, v42;
	v53 =	vmul.f32 v37, v19;
	v58 =	vmul.f32 v54, v47  }
0x18e: {  	v22 =	vadd.f32 v22, v17;
	v24 =	vmul.f32 v24, v18;
	v29 =	vmul.f32 $-1.442695020e+00, v29  }
0x18f: {  	v21 =	vmul.f32 v34, v21;
	v25 =	vsub.f32 v25, v49;
	v59 =	vadd.f32 $6.931210160e-01, v58  }
0x190: {  	v55 =	vld [tilespmem:s15+$0x6AD0];
	v57 =	vsub.f32 $2.000000000e+00, v53;
	v24 =	vadd.f32 $-4.902307090e-01, v24;
	v29 =	vmin.f32 v29, $1.260000000e+02  }
0x191: {  	v56 =	vmul.f32 $5.592203510e-02, v25;
	v61 =	vmax.f32 v29, $-1.260000000e+02;
	v26 =	vmul.f32 v59, v47  }
0x192: {  	v23 =	vshll.u32 v42, $0x17;
	v24 =	vmul.f32 v24, v18;
	v63 =	vadd.f32 $1.258291200e+07, v61  }
0x193: {  	v30 =	vmul.f32 v37, v57;
	v17 =	vadd.f32 $2.426400780e-01, v56;
	v26 =	vadd.f32 $9.999244800e-01, v26  }
0x194: {  	v52 =	vld [tilespmem:s15+$0x1AA0];
	v23 =	vadd.s32 $0x3F800000, v23;
	v24 =	vadd.f32 $9.992354510e-01, v24;
	v43 =	vadd.f32 $-1.258291200e+07, v63  }
0x195: {  	v56 =	vld [tilespmem:s15+$0x42A0];
	v19 =	vmul.f32 v30, v19;
	v60 =	vmul.f32 v17, v25;
	v17 =	vadd.f32 v55, v32  }
0x196: {  	v54 =	vld [tilespmem:s15+$0x42E0];
	v31 =	vshll.u32 v63, $0x17;
	v26 =	vmul.f32 v27, v26;
	v45 =	vsub.f32 v61, v43  }
0x197: {  	v53 =	vld [tilespmem:s15+$0x1AE0];
	v18 =	vmul.f32 v24, v18;
	v62 =	vadd.f32 $6.931210160e-01, v60;
	v32 =	vand.u32 $0x7FFFFFFF, v17  }
0x198: {  	v40 =	vsub.f32 $2.000000000e+00, v19;
	v32 =	vmul.f32 $-1.442695020e+00, v32;
	v48 =	vmul.f32 $5.592203510e-02, v45  }
0x199: {  	v39 =	vld [tilespmem:s15+$0x6AE0];
	v47 =	vmul.f32 $3.044900480e-02, v26;
	v18 =	vadd.f32 $9.975032300e-06, v18;
	v25 =	vmul.f32 v62, v25  }
0x19a: {  	v29 =	vadd.f32 v56, v52;
	v44 =	vmax.f32 v32, $-1.260000000e+02;
	v51 =	vadd.f32 $2.426400780e-01, v48  }
0x19b: {  	v31 =	vadd.s32 $0x3F800000, v31;
	v46 =	vadd.f32 $1.258291200e+07, v44;
	v25 =	vadd.f32 $9.999244800e-01, v25  }
0x19c: {  	v50 =	vadd.f32 $-1.315818280e-01, v47;
	v32 =	vadd.f32 v54, v53;
	v24 =	vmul.f32 v51, v45  }
0x19d: {  	v60 =	vld [tilespmem:s15+$0x6AA0];
	v19 =	vadd.f32 v18, v15;
	v49 =	vadd.f32 $-1.258291200e+07, v46;
	v23 =	vmul.f32 v23, v25  }
0x19e: {  	v18 =	vadd.f32 v39, v32;
	v25 =	vmul.f32 v50, v26;
	v24 =	vadd.f32 $6.931210160e-01, v24  }
0x19f: {  	v17 =	vmax.f32 v17, $0.0e+00;
	v27 =	vsub.f32 v44, v49;
	v23 =	vadd.f32 $1.000000000e+00, v23  }
0x1a0: {  	v28 =	vshll.u32 v46, $0x17;
	v61 =	vand.u32 $0x7FFFFFFF, v18;
	v25 =	vadd.f32 $2.852726880e-01, v25  }
0x1a1: {  	v20 =	vmul.f32 v24, v45;
	v33 =	vmul.f32 $5.592203510e-02, v27;
	v55 =	vsub.s32 $0x7EF311C3, v23  }
0x1a2: {  	v57 =	vmul.f32 v25, v26;
	v25 =	vadd.f32 v60, v29;
	v38 =	vmul.f32 v55, v23  }
0x1a3: {  	v28 =	vadd.s32 $0x3F800000, v28;
	v20 =	vadd.f32 $9.999244800e-01, v20;
	v33 =	vadd.f32 $2.426400780e-01, v33  }
0x1a4: {  	v47 =	vld [tilespmem:s15+$0x1AF0];
	v15 =	vadd.f32 $-4.902307090e-01, v57;
	v25 =	vmul.f32 $-1.442695020e+00, v25;
	v58 =	vsub.f32 $2.000000000e+00, v38  }
0x1a5: {  	v50 =	vld [tilespmem:s15+$0x42F0];
	v18 =	vmax.f32 v18, $0.0e+00;
	v20 =	vmul.f32 v31, v20;
	v59 =	vmul.f32 v33, v27  }
0x1a6: {  	v15 =	vmul.f32 v15, v26;
	v25 =	vmin.f32 v25, $1.260000000e+02;
	v33 =	vmul.f32 v55, v58  }
0x1a7: {  	v20 =	vadd.f32 $1.000000000e+00, v20;
	v25 =	vmax.f32 v25, $-1.260000000e+02;
	v24 =	vadd.f32 $6.931210160e-01, v59  }
0x1a8: {  	v15 =	vadd.f32 $9.992354510e-01, v15;
	v48 =	vadd.f32 $1.258291200e+07, v25;
	v23 =	vmul.f32 v33, v23  }
0x1a9: {  	v62 =	vld [tilespmem:s15+$0x1AB0];
	v63 =	vsub.s32 $0x7EF311C3, v20;
	v24 =	vmul.f32 v24, v27;
	v27 =	vmul.f32 $-1.442695020e+00, v61  }
0x1aa: {  	v44 =	vld [tilespmem:s15+$0x42B0];
	v56 =	vadd.f32 v50, v47;
	v45 =	vmul.f32 v63, v20;
	v26 =	vmul.f32 v15, v26  }
0x1ab: {  	v41 =	vld [tilespmem:s15+$0x6AB0];
	v15 =	vmul.f32 v22, v21;
	v51 =	vadd.f32 $-1.258291200e+07, v48;
	v23 =	vsub.f32 $2.000000000e+00, v23  }
0x1ac: {  	v53 =	vld [tilespmem:s15+$0x6AF0];
	v24 =	vadd.f32 $9.999244800e-01, v24;
	v27 =	vmax.f32 v27, $-1.260000000e+02;
	v34 =	vsub.f32 $2.000000000e+00, v45  }
0x1ad: {  	v26 =	vadd.f32 $9.975032300e-06, v26;
	v21 =	vsub.f32 v25, v51;
	v23 =	vmul.f32 v23, v33  }
0x1ae: {  	v31 =	vadd.f32 $1.258291200e+07, v27;
	v24 =	vmul.f32 v28, v24;
	v29 =	vmul.f32 v63, v34  }
0x1af: {  	v28 =	vadd.f32 v44, v62;
	v58 =	vmul.f32 $5.592203510e-02, v21;
	v16 =	vadd.f32 v26, v16  }
0x1b0: {  	v49 =	vadd.f32 $-1.258291200e+07, v31;
	v31 =	vshll.u32 v31, $0x17;
	v46 =	vmul.f32 $3.044900480e-02, v24  }
0x1b1: {  	v57 =	vmul.f32 v29, v20;
	v28 =	vadd.f32 v41, v28;
	v20 =	vadd.f32 v53, v56  }
0x1b2: {  	v60 =	vadd.f32 $2.426400780e-01, v58;
	v31 =	vadd.s32 $0x3F800000, v31;
	v52 =	vsub.f32 v27, v49  }
0x1b3: {  	v47 =	vld [tilespmem:s15+$0x1B00];
	v16 =	vmul.f32 v16, v23;
	v35 =	vadd.f32 $-1.315818280e-01, v46;
	v28 =	vmul.f32 $-1.442695020e+00, v28  }
0x1b4: {  	v49 =	vld [tilespmem:s15+$0x4300];
	v32 =	vand.u32 $0x7FFFFFFF, v20;
	v27 =	vmul.f32 v60, v21;
	v55 =	vmul.f32 $5.592203510e-02, v52  }
0x1b5: {  	v46 =	vshll.u32 v48, $0x17;
	v32 =	vmul.f32 $-1.442695020e+00, v32;
	v54 =	vmul.f32 v35, v24  }
0x1b6: {  	v28 =	vmin.f32 v28, $1.260000000e+02;
	v27 =	vadd.f32 $6.931210160e-01, v27;
	v25 =	vadd.f32 $2.426400780e-01, v55  }
0x1b7: {  	v61 =	vmax.f32 v28, $-1.260000000e+02;
	v62 =	vmax.f32 v32, $-1.260000000e+02;
	v34 =	vadd.f32 $2.852726880e-01, v54  }
0x1b8: {  	v51 =	vld [tilespmem:s15+$0x1B40];
	v20 =	vmax.f32 v20, $0.0e+00;
	v63 =	vadd.f32 $1.258291200e+07, v61;
	v35 =	vadd.f32 $1.258291200e+07, v62  }
0x1b9: {  	v21 =	vmul.f32 v27, v21;
	v27 =	vmul.f32 v40, v30;
	v54 =	vld [tilespmem:s15+$0x4340];
	v36 =	vadd.f32 v49, v47  }
0x1ba: {  	v25 =	vmul.f32 v25, v52;
	v59 =	vmul.f32 v34, v24;
	v34 =	vsub.f32 $2.000000000e+00, v57  }
0x1bb: {  	v58 =	vld [tilespmem:s15+$0x6B40];
	v30 =	vadd.s32 $0x3F800000, v46;
	v45 =	vadd.f32 $-1.258291200e+07, v35;
	v21 =	vadd.f32 $9.999244800e-01, v21  }
0x1bc: {  	v44 =	vadd.f32 $-1.258291200e+07, v63;
	v63 =	vshll.u32 v63, $0x17;
	v25 =	vadd.f32 $6.931210160e-01, v25  }
0x1bd: {  	v26 =	vadd.f32 $-4.902307090e-01, v59;
	v28 =	vsub.f32 v62, v45;
	v21 =	vmul.f32 v30, v21  }
0x1be: {  	v22 =	vmul.f32 v25, v52;
	v25 =	vsub.f32 v61, v44;
	v30 =	vadd.f32 v54, v51  }
0x1bf: {  	v57 =	vld [tilespmem:s15+$0x6B00];
	v26 =	vmul.f32 v26, v24;
	v38 =	vmul.f32 $5.592203510e-02, v28;
	v55 =	vadd.f32 $1.000000000e+00, v21  }
0x1c0: {  	v22 =	vadd.f32 $9.999244800e-01, v22;
	v48 =	vmul.f32 $5.592203510e-02, v25;
	v21 =	vadd.f32 v58, v30  }
0x1c1: {  	v39 =	vshll.u32 v35, $0x17;
	v26 =	vadd.f32 $9.992354510e-01, v26;
	v53 =	vadd.f32 $2.426400780e-01, v38  }
0x1c2: {  	v59 =	vsub.s32 $0x7EF311C3, v55;
	v22 =	vmul.f32 v31, v22;
	v52 =	vadd.f32 $2.426400780e-01, v48  }
0x1c3: {  	v61 =	vmul.f32 v59, v55;
	v40 =	vand.u32 $0x7FFFFFFF, v21;
	v33 =	vmul.f32 v53, v28  }
0x1c4: {  	v24 =	vmul.f32 v26, v24;
	v26 =	vadd.f32 v57, v36;
	v31 =	vmul.f32 $3.044900480e-02, v22  }
0x1c5: {  	v42 =	vmul.f32 $-1.442695020e+00, v40;
	v62 =	vsub.f32 $2.000000000e+00, v61;
	v33 =	vadd.f32 $6.931210160e-01, v33  }
0x1c6: {  	v24 =	vadd.f32 $9.975032300e-06, v24;
	v26 =	vmul.f32 $-1.442695020e+00, v26;
	v50 =	vadd.f32 $-1.315818280e-01, v31  }
0x1c7: {  	v30 =	vadd.s32 $0x3F800000, v39;
	v31 =	vmul.f32 v52, v25;
	v28 =	vmul.f32 v33, v28  }
0x1c8: {  	v53 =	vld [tilespmem:s15+$0x1B10];
	v51 =	vmul.f32 v59, v62;
	v24 =	vadd.f32 v24, v17;
	v56 =	vmul.f32 v50, v22  }
0x1c9: {  	v21 =	vmax.f32 v21, $0.0e+00;
	v61 =	vld [tilespmem:s15+$0x4310];
	v31 =	vadd.f32 $6.931210160e-01, v31;
	v28 =	vadd.f32 $9.999244800e-01, v28  }
0x1ca: {  	v59 =	vld [tilespmem:s15+$0x4350];
	v44 =	vmin.f32 v26, $1.260000000e+02;
	v54 =	vmul.f32 v51, v55;
	v60 =	vadd.f32 $2.852726880e-01, v56  }
0x1cb: {  	v46 =	vmax.f32 v44, $-1.260000000e+02;
	v25 =	vmul.f32 v31, v25;
	v56 =	vld [tilespmem:s15+$0x1B50];
	v28 =	vmul.f32 v30, v28  }
0x1cc: {  	v31 =	vadd.s32 $0x3F800000, v63;
	v33 =	vsub.f32 $2.000000000e+00, v54;
	v17 =	vmul.f32 v60, v22  }
0x1cd: {  	v30 =	vmax.f32 v42, $-1.260000000e+02;
	v25 =	vadd.f32 $9.999244800e-01, v25;
	v45 =	vmul.f32 $3.044900480e-02, v28  }
0x1ce: {  	v43 =	vadd.f32 $-4.902307090e-01, v17;
	v17 =	vmul.f32 v19, v27;
	v19 =	vadd.f32 $1.258291200e+07, v46  }
0x1cf: {  	v25 =	vmul.f32 v31, v25;
	v27 =	vadd.f32 $1.258291200e+07, v30;
	v31 =	vadd.f32 v61, v53  }
0x1d0: {  	v26 =	vmul.f32 v34, v29;
	v48 =	vadd.f32 $-1.315818280e-01, v45;
	v44 =	vadd.f32 v59, v56  }
0x1d1: {  	v33 =	vmul.f32 v33, v51;
	v47 =	vadd.f32 $1.000000000e+00, v25;
	v49 =	vadd.f32 $-1.258291200e+07, v19  }
0x1d2: {  	v50 =	vadd.f32 $-1.258291200e+07, v27;
	v32 =	vmul.f32 v43, v22;
	v43 =	vld [tilespmem:s15+$0x6B10];
	v27 =	vshll.u32 v27, $0x17  }
0x1d3: {  	v19 =	vshll.u32 v19, $0x17;
	v25 =	vmul.f32 v48, v28;
	v27 =	vadd.s32 $0x3F800000, v27  }
0x1d4: {  	v52 =	vsub.s32 $0x7EF311C3, v47;
	v29 =	vsub.f32 v46, v49;
	v30 =	vsub.f32 v30, v50  }
0x1d5: {  	v19 =	vadd.s32 $0x3F800000, v19;
	v32 =	vadd.f32 $9.992354510e-01, v32;
	v55 =	vmul.f32 v52, v47  }
0x1d6: {  	v62 =	vld [tilespmem:s15+$0x6B50];
	v25 =	vadd.f32 $2.852726880e-01, v25;
	v57 =	vmul.f32 $5.592203510e-02, v29;
	v58 =	vmul.f32 $5.592203510e-02, v30  }
0x1d7: {  	v22 =	vmul.f32 v32, v22;
	v60 =	vsub.f32 $2.000000000e+00, v55;
	v31 =	vadd.f32 v43, v31  }
0x1d8: {  	v25 =	vmul.f32 v25, v28;
	v38 =	vadd.f32 $2.426400780e-01, v57;
	v39 =	vadd.f32 $2.426400780e-01, v58  }
0x1d9: {  	v51 =	vld [tilespmem:s15+$0x1B20];
	v22 =	vadd.f32 $9.975032300e-06, v22;
	v32 =	vmul.f32 v52, v60;
	v31 =	vmul.f32 $-1.442695020e+00, v31  }
0x1da: {  	v58 =	vld [tilespmem:s15+$0x4320];
	v25 =	vadd.f32 $-4.902307090e-01, v25;
	v63 =	vmul.f32 v38, v29;
	v42 =	vmul.f32 v39, v30  }
0x1db: {  	v18 =	vadd.f32 v22, v18;
	v22 =	vadd.f32 v62, v44;
	v23 =	vmul.f32 v32, v47  }
0x1dc: {  	v62 =	vld [tilespmem:s15+$0x6B20];
	v25 =	vmul.f32 v25, v28;
	v31 =	vmin.f32 v31, $1.260000000e+02;
	v45 =	vadd.f32 $6.931210160e-01, v42  }
0x1dd: {  	v35 =	vadd.f32 $6.931210160e-01, v63;
	v46 =	vand.u32 $0x7FFFFFFF, v22;
	v31 =	vmax.f32 v31, $-1.260000000e+02  }
0x1de: {  	v53 =	vld [tilespmem:s15+$0x1B60];
	v18 =	vmul.f32 v18, v33;
	v25 =	vadd.f32 $9.992354510e-01, v25;
	v30 =	vmul.f32 v45, v30  }
0x1df: {  	v55 =	vld [tilespmem:s15+$0x4360];
	v34 =	vmul.f32 $-1.442695020e+00, v46;
	v42 =	vadd.f32 v58, v51;
	v29 =	vmul.f32 v35, v29  }
0x1e0: {  	v23 =	vsub.f32 $2.000000000e+00, v23;
	v25 =	vmul.f32 v25, v28;
	v30 =	vadd.f32 $9.999244800e-01, v30  }
0x1e1: {  	v47 =	vmax.f32 v34, $-1.260000000e+02;
	v45 =	vadd.f32 v62, v42;
	v29 =	vadd.f32 $9.999244800e-01, v29  }
0x1e2: {  	v34 =	vadd.f32 $1.258291200e+07, v47;
	v25 =	vadd.f32 $9.975032300e-06, v25;
	v27 =	vmul.f32 v27, v30  }
0x1e3: {  	v29 =	vmul.f32 v19, v29;
	v19 =	vmul.f32 v24, v26;
	v24 =	vadd.f32 $1.258291200e+07, v31  }
0x1e4: {  	v22 =	vmax.f32 v22, $0.0e+00;
	v49 =	vadd.f32 $-1.258291200e+07, v34;
	v30 =	vadd.f32 v55, v53  }
0x1e5: {  	v48 =	vmul.f32 $3.044900480e-02, v27;
	v29 =	vadd.f32 $1.000000000e+00, v29;
	v52 =	vadd.f32 $-1.258291200e+07, v24  }
0x1e6: {  	v32 =	vmul.f32 v23, v32;
	v20 =	vadd.f32 v25, v20;
	v26 =	vsub.f32 v47, v49  }
0x1e7: {  	v53 =	vld [tilespmem:s15+$0x1B70];
	v50 =	vadd.f32 $-1.315818280e-01, v48;
	v56 =	vsub.s32 $0x7EF311C3, v29;
	v31 =	vsub.f32 v31, v52  }
0x1e8: {  	v55 =	vld [tilespmem:s15+$0x4370];
	v24 =	vshll.u32 v24, $0x17;
	v57 =	vmul.f32 $5.592203510e-02, v26;
	v59 =	vmul.f32 v56, v29  }
0x1e9: {  	v60 =	vld [tilespmem:s15+$0x6B60];
	v24 =	vadd.s32 $0x3F800000, v24;
	v54 =	vmul.f32 v50, v27;
	v61 =	vmul.f32 $5.592203510e-02, v31  }
0x1ea: {  	v20 =	vmul.f32 v20, v32;
	v23 =	vadd.f32 $2.426400780e-01, v57;
	v63 =	vsub.f32 $2.000000000e+00, v59  }
0x1eb: {  	v48 =	vshll.u32 v34, $0x17;
	v28 =	vadd.f32 $2.852726880e-01, v54;
	v40 =	vadd.f32 $2.426400780e-01, v61  }
0x1ec: {  	v33 =	vadd.s32 $0x3F800000, v48;
	v23 =	vmul.f32 v23, v26;
	v25 =	vmul.f32 v56, v63  }
0x1ed: {  	v36 =	vadd.f32 v55, v53;
	v56 =	vld [tilespmem:s15+$0x1B30];
	v28 =	vmul.f32 v28, v27;
	v43 =	vmul.f32 v40, v31  }
0x1ee: {  	v63 =	vld [tilespmem:s15+$0x4330];
	v44 =	vadd.f32 $6.931210160e-01, v23;
	v23 =	vadd.f32 v60, v30;
	v30 =	vmul.f32 $-1.442695020e+00, v45  }
0x1ef: {  	v29 =	vmul.f32 v25, v29;
	v28 =	vadd.f32 $-4.902307090e-01, v28;
	v46 =	vadd.f32 $6.931210160e-01, v43  }
0x1f0: {  	v26 =	vmul.f32 v44, v26;
	v47 =	vand.u32 $0x7FFFFFFF, v23;
	v30 =	vmin.f32 v30, $1.260000000e+02  }
0x1f1: {  	v35 =	vmul.f32 $-1.442695020e+00, v47;
	v30 =	vmax.f32 v30, $-1.260000000e+02;
	v29 =	vsub.f32 $2.000000000e+00, v29  }
0x1f2: {  	v28 =	vmul.f32 v28, v27;
	v31 =	vmul.f32 v46, v31;
	v26 =	vadd.f32 $9.999244800e-01, v26  }
0x1f3: {  	v48 =	vadd.f32 v63, v56;
	v49 =	vmax.f32 v35, $-1.260000000e+02;
	v35 =	vadd.f32 $1.258291200e+07, v30  }
0x1f4: {  	v28 =	vadd.f32 $9.992354510e-01, v28;
	v26 =	vmul.f32 v33, v26;
	v33 =	vadd.f32 $1.258291200e+07, v49  }
0x1f5: {  	v60 =	vld [tilespmem:s15+$0x6B70];
	v25 =	vmul.f32 v29, v25;
	v31 =	vadd.f32 $9.999244800e-01, v31;
	v52 =	vadd.f32 $-1.258291200e+07, v35  }
0x1f6: {  	v35 =	vshll.u32 v35, $0x17;
	v50 =	vmul.f32 $3.044900480e-02, v26;
	v51 =	vadd.f32 $-1.258291200e+07, v33  }
0x1f7: {  	v24 =	vmul.f32 v24, v31;
	v27 =	vmul.f32 v28, v27;
	v30 =	vsub.f32 v30, v52  }
0x1f8: {  	v35 =	vadd.s32 $0x3F800000, v35;
	v54 =	vadd.f32 $-1.315818280e-01, v50;
	v34 =	vsub.f32 v49, v51  }
0x1f9: {  	v32 =	vadd.f32 $1.000000000e+00, v24;
	v57 =	vadd.f32 $9.975032300e-06, v27;
	v62 =	vmul.f32 $5.592203510e-02, v30  }
0x1fa: {  	v24 =	vadd.f32 v60, v36;
	v51 =	vshll.u32 v33, $0x17;
	v59 =	vmul.f32 $5.592203510e-02, v34  }
0x1fb: {  	v58 =	vmul.f32 v54, v26;
	v61 =	vsub.s32 $0x7EF311C3, v32;
	v39 =	vadd.f32 $2.426400780e-01, v62  }
0x1fc: {  	v42 =	vld [tilespmem:s15+$0x6B30];
	v21 =	vadd.f32 v57, v21;
	v36 =	vand.u32 $0x7FFFFFFF, v24;
	v28 =	vadd.f32 $2.426400780e-01, v59  }
0x1fd: {  	v45 =	vmul.f32 v61, v32;
	v27 =	vadd.f32 $2.852726880e-01, v58;
	v39 =	vmul.f32 v39, v30  }
0x1fe: {  	v31 =	vadd.s32 $0x3F800000, v51;
	v50 =	vmul.f32 $-1.442695020e+00, v36;
	v28 =	vmul.f32 v28, v34  }
0x1ff: {  	v21 =	vmul.f32 v21, v25;
	v27 =	vmul.f32 v27, v26;
	v49 =	vadd.f32 $6.931210160e-01, v39  }
0x200: {  	v46 =	vsub.f32 $2.000000000e+00, v45;
	v52 =	vmax.f32 v50, $-1.260000000e+02;
	v47 =	vadd.f32 $6.931210160e-01, v28  }
0x201: {  	v27 =	vadd.f32 $-4.902307090e-01, v27;
	v28 =	vadd.f32 v42, v48;
	v30 =	vmul.f32 v49, v30  }
0x202: {  	v29 =	vmul.f32 v61, v46;
	v25 =	vmul.f32 v47, v34;
	v34 =	vadd.f32 $1.258291200e+07, v52  }
0x203: {  	v28 =	vmul.f32 $-1.442695020e+00, v28;
	v27 =	vmul.f32 v27, v26;
	v30 =	vadd.f32 $9.999244800e-01, v30  }
0x204: {  	v32 =	vmul.f32 v29, v32;
	v25 =	vadd.f32 $9.999244800e-01, v25;
	v55 =	vadd.f32 $-1.258291200e+07, v34  }
0x205: {  	v53 =	vmin.f32 v28, $1.260000000e+02;
	v27 =	vadd.f32 $9.992354510e-01, v27;
	v54 =	vmul.f32 v35, v30  }
0x206: {  	v31 =	vmul.f32 v31, v25;
	v25 =	vmax.f32 v53, $-1.260000000e+02;
	v30 =	vsub.f32 v52, v55  }
0x207: {  	v45 =	vld [tilespmem:s15+$0x1B80];
	v32 =	vsub.f32 $2.000000000e+00, v32;
	v26 =	vmul.f32 v27, v26;
	v36 =	vadd.f32 $1.258291200e+07, v25  }
0x208: {  	v46 =	vld [tilespmem:s15+$0x4380];
	v28 =	vadd.f32 $1.000000000e+00, v54;
	v56 =	vmul.f32 $3.044900480e-02, v31;
	v60 =	vmul.f32 $5.592203510e-02, v30  }
0x209: {  	v23 =	vmax.f32 v23, $0.0e+00;
	v26 =	vadd.f32 $9.975032300e-06, v26;
	v58 =	vadd.f32 $-1.258291200e+07, v36  }
0x20a: {  	v59 =	vsub.s32 $0x7EF311C3, v28;
	v57 =	vadd.f32 $-1.315818280e-01, v56;
	v62 =	vadd.f32 $2.426400780e-01, v60  }
0x20b: {  	v29 =	vmul.f32 v32, v29;
	v61 =	vmul.f32 v59, v28;
	v25 =	vsub.f32 v25, v58  }
0x20c: {  	v53 =	vld [tilespmem:s15+$0x6B80];
	v22 =	vadd.f32 v26, v22;
	v33 =	vmul.f32 v57, v31;
	v27 =	vmul.f32 v62, v30  }
0x20d: {  	v58 =	vadd.f32 v46, v45;
	v63 =	vsub.f32 $2.000000000e+00, v61;
	v44 =	vmul.f32 $5.592203510e-02, v25  }
0x20e: {  	v24 =	vmax.f32 v24, $0.0e+00;
	v33 =	vadd.f32 $2.852726880e-01, v33;
	v49 =	vadd.f32 $6.931210160e-01, v27  }
0x20f: {  	v50 =	vld [tilespmem:s15+$0x43C0];
	v22 =	vmul.f32 v22, v29;
	v35 =	vmul.f32 v59, v63;
	v47 =	vadd.f32 $2.426400780e-01, v44  }
0x210: {  	v48 =	vld [tilespmem:s15+$0x1BC0];
	v57 =	vshll.u32 v34, $0x17;
	v33 =	vmul.f32 v33, v31;
	v26 =	vmul.f32 v49, v30  }
0x211: {  	v43 =	vld [tilespmem:s15+$0x43D0];
	v61 =	vshll.u32 v36, $0x17;
	v60 =	vadd.f32 v53, v58;
	v52 =	vmul.f32 v47, v25  }
0x212: {  	v54 =	vld [tilespmem:s15+$0x6BC0];
	v28 =	vmul.f32 v35, v28;
	v51 =	vadd.f32 $-4.902307090e-01, v33;
	v26 =	vadd.f32 $9.999244800e-01, v26  }
0x213: {  	v41 =	vadd.s32 $0x3F800000, v61;
	v59 =	vadd.s32 $0x3F800000, v57;
	v63 =	vld [tilespmem:s15+$0x1BD0];
	v56 =	vadd.f32 $6.931210160e-01, v52  }
0x214: {  	v28 =	vsub.f32 $2.000000000e+00, v28;
	v55 =	vmul.f32 v51, v31;
	v32 =	vmul.f32 v59, v26  }
0x215: {  	v45 =	vld [tilespmem:s15+$0x6BD0];
	v27 =	vadd.f32 v50, v48;
	v26 =	vmul.f32 $-1.442695020e+00, v60;
	v25 =	vmul.f32 v56, v25  }
0x216: {  	v28 =	vmul.f32 v28, v35;
	v30 =	vadd.f32 $9.992354510e-01, v55;
	v42 =	vmul.f32 $3.044900480e-02, v32  }
0x217: {  	v26 =	vmin.f32 v26, $1.260000000e+02;
	v62 =	vadd.f32 $9.999244800e-01, v25;
	v25 =	vadd.f32 v54, v27  }
0x218: {  	v46 =	vmax.f32 v26, $-1.260000000e+02;
	v27 =	vadd.f32 v43, v63;
	v30 =	vmul.f32 v30, v31  }
0x219: {  	v33 =	vadd.f32 $-1.315818280e-01, v42;
	v48 =	vadd.f32 $1.258291200e+07, v46;
	v29 =	vmul.f32 v41, v62  }
0x21a: {  	v53 =	vld [tilespmem:s15+$0x1B90];
	v44 =	vand.u32 $0x7FFFFFFF, v25;
	v26 =	vadd.f32 v45, v27;
	v25 =	vmax.f32 v25, $0.0e+00  }
0x21b: {  	v43 =	vld [tilespmem:s15+$0x4390];
	v31 =	vmul.f32 $-1.442695020e+00, v44;
	v30 =	vadd.f32 $9.975032300e-06, v30;
	v47 =	vmul.f32 v33, v32  }
0x21c: {  	v52 =	vadd.f32 $-1.258291200e+07, v48;
	v33 =	vshll.u32 v48, $0x17;
	v29 =	vadd.f32 $1.000000000e+00, v29  }
0x21d: {  	v58 =	vld [tilespmem:s15+$0x6B90];
	v59 =	vand.u32 $0x7FFFFFFF, v26;
	v33 =	vadd.s32 $0x3F800000, v33;
	v31 =	vmax.f32 v31, $-1.260000000e+02  }
0x21e: {  	v51 =	vadd.f32 $2.852726880e-01, v47;
	v37 =	vmul.f32 $-1.442695020e+00, v59;
	v39 =	vadd.f32 $1.258291200e+07, v31  }
0x21f: {  	v26 =	vmax.f32 v26, $0.0e+00;
	v56 =	vsub.f32 v46, v52;
	v23 =	vadd.f32 v30, v23  }
0x220: {  	v62 =	vadd.f32 v43, v53;
	v37 =	vmax.f32 v37, $-1.260000000e+02;
	v54 =	vadd.f32 $-1.258291200e+07, v39  }
0x221: {  	v49 =	vsub.s32 $0x7EF311C3, v29;
	v60 =	vmul.f32 $5.592203510e-02, v56;
	v63 =	vadd.f32 $1.258291200e+07, v37  }
0x222: {  	v50 =	vmul.f32 v49, v29;
	v35 =	vadd.f32 v58, v62;
	v31 =	vsub.f32 v31, v54  }
0x223: {  	v57 =	vmul.f32 v51, v32;
	v30 =	vadd.f32 $2.426400780e-01, v60;
	v44 =	vadd.f32 $-1.258291200e+07, v63  }
0x224: {  	v23 =	vmul.f32 v23, v28;
	v55 =	vsub.f32 $2.000000000e+00, v50;
	v61 =	vmul.f32 $5.592203510e-02, v31  }
0x225: {  	v36 =	vadd.f32 $-4.902307090e-01, v57;
	v30 =	vmul.f32 v30, v56;
	v37 =	vsub.f32 v37, v44  }
0x226: {  	v35 =	vmul.f32 $-1.442695020e+00, v35;
	v50 =	vshll.u32 v39, $0x17;
	v38 =	vadd.f32 $2.426400780e-01, v61  }
0x227: {  	v51 =	vadd.s32 $0x3F800000, v50;
	v30 =	vadd.f32 $6.931210160e-01, v30;
	v48 =	vmul.f32 $5.592203510e-02, v37  }
0x228: {  	v41 =	vshll.u32 v63, $0x17;
	v46 =	vmin.f32 v35, $1.260000000e+02;
	v38 =	vmul.f32 v38, v31  }
0x229: {  	v47 =	vmax.f32 v46, $-1.260000000e+02;
	v30 =	vmul.f32 v30, v56;
	v34 =	vadd.f32 $2.426400780e-01, v48  }
0x22a: {  	v27 =	vmul.f32 v49, v55;
	v49 =	vadd.f32 $1.258291200e+07, v47;
	v45 =	vadd.f32 $6.931210160e-01, v38  }
0x22b: {  	v36 =	vmul.f32 v36, v32;
	v30 =	vadd.f32 $9.999244800e-01, v30;
	v53 =	vmul.f32 v34, v37  }
0x22c: {  	v29 =	vmul.f32 v27, v29;
	v52 =	vadd.f32 $-1.258291200e+07, v49;
	v28 =	vmul.f32 v45, v31  }
0x22d: {  	v58 =	vld [tilespmem:s15+$0x43A0];
	v36 =	vadd.f32 $9.992354510e-01, v36;
	v30 =	vmul.f32 v33, v30;
	v33 =	vadd.f32 $6.931210160e-01, v53  }
0x22e: {  	v41 =	vadd.s32 $0x3F800000, v41;
	v56 =	vld [tilespmem:s15+$0x1BA0];
	v31 =	vsub.f32 v47, v52;
	v28 =	vadd.f32 $9.999244800e-01, v28  }
0x22f: {  	v29 =	vsub.f32 $2.000000000e+00, v29;
	v54 =	vmul.f32 v36, v32;
	v33 =	vmul.f32 v33, v37  }
0x230: {  	v60 =	vld [tilespmem:s15+$0x6BA0];
	v30 =	vadd.f32 $1.000000000e+00, v30;
	v57 =	vmul.f32 $5.592203510e-02, v31;
	v28 =	vmul.f32 v51, v28  }
0x231: {  	v27 =	vmul.f32 v29, v27;
	v29 =	vadd.f32 $9.975032300e-06, v54;
	v33 =	vadd.f32 $9.999244800e-01, v33  }
0x232: {  	v59 =	vsub.s32 $0x7EF311C3, v30;
	v36 =	vadd.f32 $2.426400780e-01, v57;
	v55 =	vmul.f32 $3.044900480e-02, v28  }
0x233: {  	v62 =	vld [tilespmem:s15+$0x1BE0];
	v34 =	vadd.f32 v58, v56;
	v61 =	vmul.f32 v59, v30;
	v45 =	vmul.f32 v41, v33  }
0x234: {  	v63 =	vld [tilespmem:s15+$0x43E0];
	v24 =	vadd.f32 v29, v24;
	v36 =	vmul.f32 v36, v31;
	v32 =	vadd.f32 $-1.315818280e-01, v55  }
0x235: {  	v34 =	vadd.f32 v60, v34;
	v29 =	vsub.f32 $2.000000000e+00, v61;
	v56 =	vmul.f32 $3.044900480e-02, v45  }
0x236: {  	v50 =	vld [tilespmem:s15+$0x1BB0];
	v35 =	vshll.u32 v49, $0x17;
	v36 =	vadd.f32 $6.931210160e-01, v36;
	v32 =	vmul.f32 v32, v28  }
0x237: {  	v55 =	vld [tilespmem:s15+$0x6BE0];
	v29 =	vmul.f32 v59, v29;
	v59 =	vmul.f32 $-1.442695020e+00, v34;
	v38 =	vadd.f32 $-1.315818280e-01, v56  }
0x238: {  	v52 =	vld [tilespmem:s15+$0x43B0];
	v24 =	vmul.f32 v24, v27;
	v31 =	vmul.f32 v36, v31;
	v44 =	vadd.f32 $2.852726880e-01, v32  }
0x239: {  	v57 =	vadd.f32 v63, v62;
	v33 =	vmin.f32 v59, $1.260000000e+02;
	v61 =	vmul.f32 v38, v45  }
0x23a: {  	v33 =	vmax.f32 v33, $-1.260000000e+02;
	v31 =	vadd.f32 $9.999244800e-01, v31;
	v27 =	vmul.f32 v44, v28  }
0x23b: {  	v35 =	vadd.s32 $0x3F800000, v35;
	v63 =	vadd.f32 $1.258291200e+07, v33;
	v36 =	vadd.f32 $2.852726880e-01, v61  }
0x23c: {  	v31 =	vmul.f32 v35, v31;
	v58 =	vadd.f32 $-4.902307090e-01, v27;
	v27 =	vadd.f32 v55, v57  }
0x23d: {  	v41 =	vadd.f32 v52, v50;
	v30 =	vmul.f32 v29, v30;
	v47 =	vadd.f32 $-1.258291200e+07, v63  }
0x23e: {  	v31 =	vadd.f32 $1.000000000e+00, v31;
	v36 =	vmul.f32 v36, v45;
	v62 =	vand.u32 $0x7FFFFFFF, v27  }
0x23f: {  	v30 =	vsub.f32 $2.000000000e+00, v30;
	v60 =	vmul.f32 v58, v28;
	v35 =	vmul.f32 $-1.442695020e+00, v62  }
0x240: {  	v33 =	vsub.f32 v33, v47;
	v46 =	vsub.s32 $0x7EF311C3, v31;
	v36 =	vadd.f32 $-4.902307090e-01, v36  }
0x241: {  	v59 =	vld [tilespmem:s15+$0x1C40];
	v48 =	vmul.f32 v46, v31;
	v34 =	vadd.f32 $9.992354510e-01, v60;
	v35 =	vmax.f32 v35, $-1.260000000e+02  }
0x242: {  	v29 =	vmul.f32 v30, v29;
	v61 =	vld [tilespmem:s15+$0x4440];
	v36 =	vmul.f32 v36, v45;
	v40 =	vadd.f32 $1.258291200e+07, v35  }
0x243: {  	v54 =	vld [tilespmem:s15+$0x1BF0];
	v53 =	vmul.f32 $5.592203510e-02, v33;
	v51 =	vsub.f32 $2.000000000e+00, v48;
	v28 =	vmul.f32 v34, v28  }
0x244: {  	v63 =	vshll.u32 v63, $0x17;
	v55 =	vld [tilespmem:s15+$0x43F0];
	v36 =	vadd.f32 $9.992354510e-01, v36;
	v49 =	vadd.f32 $-1.258291200e+07, v40  }
0x245: {  	v44 =	vld [tilespmem:s15+$0x6BB0];
	v27 =	vmax.f32 v27, $0.0e+00;
	v56 =	vadd.f32 $2.426400780e-01, v53;
	v28 =	vadd.f32 $9.975032300e-06, v28  }
0x246: {  	v58 =	vld [tilespmem:s15+$0x6BF0];
	v30 =	vmul.f32 v46, v51;
	v32 =	vmul.f32 v36, v45;
	v34 =	vsub.f32 v35, v49  }
0x247: {  	v42 =	vadd.f32 v61, v59;
	v25 =	vadd.f32 v28, v25;
	v28 =	vmul.f32 v56, v33  }
0x248: {  	v47 =	vld [tilespmem:s15+$0x1C00];
	v31 =	vmul.f32 v30, v31;
	v32 =	vadd.f32 $9.975032300e-06, v32;
	v57 =	vmul.f32 $5.592203510e-02, v34  }
0x249: {  	v48 =	vld [tilespmem:s15+$0x4400];
	v46 =	vshll.u32 v40, $0x17;
	v35 =	vadd.f32 v55, v54;
	v28 =	vadd.f32 $6.931210160e-01, v28  }
0x24a: {  	v31 =	vsub.f32 $2.000000000e+00, v31;
	v25 =	vmul.f32 v25, v29;
	v60 =	vadd.f32 $2.426400780e-01, v57  }
0x24b: {  	v37 =	vmul.f32 v28, v33;
	v28 =	vadd.f32 v58, v35;
	v33 =	vadd.f32 v44, v41  }
0x24c: {  	v62 =	vld [tilespmem:s15+$0x6C40];
	v26 =	vadd.f32 v32, v26;
	v30 =	vmul.f32 v31, v30;
	v31 =	vadd.s32 $0x3F800000, v63  }
0x24d: {  	v29 =	vmul.f32 v60, v34;
	v43 =	vand.u32 $0x7FFFFFFF, v28;
	v33 =	vmul.f32 $-1.442695020e+00, v33  }
0x24e: {  	v35 =	vadd.f32 v48, v47;
	v32 =	vadd.f32 $9.999244800e-01, v37;
	v45 =	vmul.f32 $-1.442695020e+00, v43  }
0x24f: {  	v26 =	vmul.f32 v26, v30;
	v29 =	vadd.f32 $6.931210160e-01, v29;
	v33 =	vmin.f32 v33, $1.260000000e+02  }
0x250: {  	v31 =	vmul.f32 v31, v32;
	v36 =	vmax.f32 v45, $-1.260000000e+02;
	v33 =	vmax.f32 v33, $-1.260000000e+02  }
0x251: {  	v50 =	vld [tilespmem:s15+$0x6C00];
	v34 =	vmul.f32 v29, v34;
	v29 =	vadd.f32 v62, v42;
	v49 =	vadd.f32 $1.258291200e+07, v36  }
0x252: {  	v32 =	vadd.s32 $0x3F800000, v46;
	v31 =	vadd.f32 $1.000000000e+00, v31;
	v52 =	vadd.f32 $1.258291200e+07, v33  }
0x253: {  	v34 =	vadd.f32 $9.999244800e-01, v34;
	v38 =	vand.u32 $0x7FFFFFFF, v29;
	v51 =	vadd.f32 $-1.258291200e+07, v49  }
0x254: {  	v55 =	vsub.s32 $0x7EF311C3, v31;
	v56 =	vadd.f32 $-1.258291200e+07, v52;
	v38 =	vmul.f32 $-1.442695020e+00, v38  }
0x255: {  	v39 =	vshll.u32 v49, $0x17;
	v59 =	vmul.f32 v55, v31;
	v32 =	vmul.f32 v32, v34  }
0x256: {  	v36 =	vsub.f32 v36, v51;
	v34 =	vadd.f32 v50, v35;
	v38 =	vmax.f32 v38, $-1.260000000e+02  }
0x257: {  	v33 =	vsub.f32 v33, v56;
	v53 =	vadd.f32 $1.258291200e+07, v38;
	v54 =	vmul.f32 $3.044900480e-02, v32  }
0x258: {  	v30 =	vshll.u32 v52, $0x17;
	v58 =	vmul.f32 $5.592203510e-02, v36;
	v34 =	vmul.f32 $-1.442695020e+00, v34  }
0x259: {  	v49 =	vadd.s32 $0x3F800000, v39;
	v62 =	vmul.f32 $5.592203510e-02, v33;
	v57 =	vadd.f32 $-1.258291200e+07, v53  }
0x25a: {  	v42 =	vadd.f32 $-1.315818280e-01, v54;
	v61 =	vadd.f32 $2.426400780e-01, v58;
	v34 =	vmin.f32 v34, $1.260000000e+02  }
0x25b: {  	v30 =	vadd.s32 $0x3F800000, v30;
	v43 =	vadd.f32 $2.426400780e-01, v62;
	v34 =	vmax.f32 v34, $-1.260000000e+02  }
0x25c: {  	v38 =	vsub.f32 v38, v57;
	v60 =	vmul.f32 v42, v32;
	v42 =	vmul.f32 v61, v36  }
0x25d: {  	v35 =	vsub.f32 $2.000000000e+00, v59;
	v45 =	vadd.f32 $1.258291200e+07, v34;
	v43 =	vmul.f32 v43, v33  }
0x25e: {  	v63 =	vmul.f32 $5.592203510e-02, v38;
	v40 =	vadd.f32 $2.852726880e-01, v60;
	v42 =	vadd.f32 $6.931210160e-01, v42  }
0x25f: {  	v35 =	vmul.f32 v55, v35;
	v46 =	vadd.f32 $-1.258291200e+07, v45;
	v47 =	vadd.f32 $6.931210160e-01, v43  }
0x260: {  	v51 =	vshll.u32 v53, $0x17;
	v44 =	vadd.f32 $2.426400780e-01, v63;
	v36 =	vmul.f32 v42, v36  }
0x261: {  	v56 =	vld [tilespmem:s15+$0x1C10];
	v40 =	vmul.f32 v40, v32;
	v34 =	vsub.f32 v34, v46;
	v33 =	vmul.f32 v47, v33  }
0x262: {  	v58 =	vld [tilespmem:s15+$0x4410];
	v39 =	vadd.s32 $0x3F800000, v51;
	v44 =	vmul.f32 v44, v38;
	v36 =	vadd.f32 $9.999244800e-01, v36  }
0x263: {  	v40 =	vadd.f32 $-4.902307090e-01, v40;
	v50 =	vmul.f32 $5.592203510e-02, v34;
	v33 =	vadd.f32 $9.999244800e-01, v33  }
0x264: {  	v31 =	vmul.f32 v35, v31;
	v48 =	vadd.f32 $6.931210160e-01, v44;
	v36 =	vmul.f32 v49, v36  }
0x265: {  	v37 =	vadd.f32 $2.426400780e-01, v50;
	v40 =	vmul.f32 v40, v32;
	v30 =	vmul.f32 v30, v33  }
0x266: {  	v61 =	vld [tilespmem:s15+$0x6C10];
	v31 =	vsub.f32 $2.000000000e+00, v31;
	v38 =	vmul.f32 v48, v38;
	v52 =	vmul.f32 $3.044900480e-02, v36  }
0x267: {  	v63 =	vld [tilespmem:s15+$0x1C50];
	v37 =	vmul.f32 v37, v34;
	v54 =	vadd.f32 $9.992354510e-01, v40;
	v30 =	vadd.f32 $1.000000000e+00, v30  }
0x268: {  	v62 =	vshll.u32 v45, $0x17;
	v40 =	vadd.f32 v58, v56;
	v56 =	vld [tilespmem:s15+$0x1C20];
	v38 =	vadd.f32 $9.999244800e-01, v38  }
0x269: {  	v31 =	vmul.f32 v31, v35;
	v58 =	vld [tilespmem:s15+$0x4420];
	v53 =	vadd.f32 $-1.315818280e-01, v52;
	v37 =	vadd.f32 $6.931210160e-01, v37  }
0x26a: {  	v46 =	vld [tilespmem:s15+$0x4460];
	v44 =	vadd.s32 $0x3F800000, v62;
	v32 =	vmul.f32 v54, v32;
	v38 =	vmul.f32 v39, v38  }
0x26b: {  	v48 =	vld [tilespmem:s15+$0x4450];
	v59 =	vsub.s32 $0x7EF311C3, v30;
	v33 =	vmul.f32 v53, v36;
	v34 =	vmul.f32 v37, v34  }
0x26c: {  	v40 =	vadd.f32 v61, v40;
	v61 =	vld [tilespmem:s15+$0x1C60];
	v60 =	vmul.f32 v59, v30;
	v32 =	vadd.f32 $9.975032300e-06, v32  }
0x26d: {  	v55 =	vmul.f32 $3.044900480e-02, v38;
	v33 =	vadd.f32 $2.852726880e-01, v33;
	v34 =	vadd.f32 $9.999244800e-01, v34  }
0x26e: {  	v40 =	vmul.f32 $-1.442695020e+00, v40;
	v37 =	vsub.f32 $2.000000000e+00, v60;
	v41 =	vadd.f32 v58, v56  }
0x26f: {  	v51 =	vld [tilespmem:s15+$0x6C50];
	v57 =	vadd.f32 $-1.315818280e-01, v55;
	v33 =	vmul.f32 v33, v36;
	v34 =	vmul.f32 v44, v34  }
0x270: {  	v32 =	vadd.f32 v32, v27;
	v40 =	vmin.f32 v40, $1.260000000e+02;
	v37 =	vmul.f32 v59, v37  }
0x271: {  	v39 =	vmul.f32 v57, v38;
	v33 =	vadd.f32 $-4.902307090e-01, v33;
	v34 =	vadd.f32 $1.000000000e+00, v34  }
0x272: {  	v40 =	vmax.f32 v40, $-1.260000000e+02;
	v42 =	vadd.f32 v46, v61;
	v55 =	vadd.f32 v48, v63  }
0x273: {  	v39 =	vadd.f32 $2.852726880e-01, v39;
	v33 =	vmul.f32 v33, v36;
	v52 =	vsub.s32 $0x7EF311C3, v34  }
0x274: {  	v47 =	vld [tilespmem:s15+$0x6C60];
	v49 =	vmul.f32 v37, v30;
	v27 =	vadd.f32 v51, v55;
	v54 =	vmul.f32 v52, v34  }
0x275: {  	v59 =	vld [tilespmem:s15+$0x6C20];
	v35 =	vadd.f32 $1.258291200e+07, v40;
	v39 =	vmul.f32 v39, v38;
	v33 =	vadd.f32 $9.992354510e-01, v33  }
0x276: {  	v48 =	vld [tilespmem:s15+$0x1C70];
	v53 =	vsub.f32 $2.000000000e+00, v49;
	v63 =	vand.u32 $0x7FFFFFFF, v27;
	v57 =	vsub.f32 $2.000000000e+00, v54  }
0x277: {  	v51 =	vld [tilespmem:s15+$0x4470];
	v43 =	vmul.f32 $-1.442695020e+00, v63;
	v50 =	vadd.f32 $-4.902307090e-01, v39;
	v33 =	vmul.f32 v33, v36  }
0x278: {  	v62 =	vadd.f32 $-1.258291200e+07, v35;
	v37 =	vmul.f32 v53, v37;
	v60 =	vmul.f32 v52, v57  }
0x279: {  	v53 =	vld [tilespmem:s15+$0x6C70];
	v30 =	vmul.f32 v50, v38;
	v33 =	vadd.f32 $9.975032300e-06, v33;
	v50 =	vmax.f32 v43, $-1.260000000e+02  }
0x27a: {  	v28 =	vmax.f32 v28, $0.0e+00;
	v56 =	vadd.f32 v59, v41;
	v43 =	vadd.f32 $1.258291200e+07, v50  }
0x27b: {  	v34 =	vmul.f32 v60, v34;
	v30 =	vadd.f32 $9.992354510e-01, v30;
	v33 =	vadd.f32 v33, v28  }
0x27c: {  	v28 =	vmul.f32 v32, v31;
	v31 =	vadd.f32 v47, v42;
	v32 =	vadd.f32 v51, v48  }
0x27d: {  	v49 =	vsub.f32 $2.000000000e+00, v34;
	v55 =	vadd.f32 $-1.258291200e+07, v43;
	v30 =	vmul.f32 v30, v38  }
0x27e: {  	v29 =	vmax.f32 v29, $0.0e+00;
	v38 =	vsub.f32 v40, v62;
	v32 =	vadd.f32 v53, v32  }
0x27f: {  	v35 =	vshll.u32 v35, $0x17;
	v34 =	vsub.f32 v50, v55;
	v30 =	vadd.f32 $9.975032300e-06, v30  }
0x280: {  	v58 =	vld [tilespmem:s15+$0x1C30];
	v39 =	vmul.f32 v49, v60;
	v52 =	vmul.f32 $5.592203510e-02, v38;
	v44 =	vand.u32 $0x7FFFFFFF, v32  }
0x281: {  	v60 =	vld [tilespmem:s15+$0x4430];
	v61 =	vmul.f32 $5.592203510e-02, v34;
	v44 =	vmul.f32 $-1.442695020e+00, v44;
	v29 =	vadd.f32 v30, v29  }
0x282: {  	v59 =	vand.u32 $0x7FFFFFFF, v31;
	v30 =	vmul.f32 v33, v37;
	v33 =	vmul.f32 $-1.442695020e+00, v56  }
0x283: {  	v35 =	vadd.s32 $0x3F800000, v35;
	v62 =	vld [tilespmem:s15+$0x6C30];
	v29 =	vmul.f32 v29, v39;
	v39 =	vmul.f32 $-1.442695020e+00, v59  }
0x284: {  	v51 =	vshll.u32 v43, $0x17;
	v54 =	vadd.f32 $2.426400780e-01, v52;
	v63 =	vadd.f32 $2.426400780e-01, v61  }
0x285: {  	v44 =	vmax.f32 v44, $-1.260000000e+02;
	v33 =	vmin.f32 v33, $1.260000000e+02;
	v39 =	vmax.f32 v39, $-1.260000000e+02  }
0x286: {  	v37 =	vadd.f32 v60, v58;
	v33 =	vmax.f32 v33, $-1.260000000e+02;
	v46 =	vadd.f32 $1.258291200e+07, v39  }
0x287: {  	v57 =	vmul.f32 v54, v38;
	v42 =	vadd.f32 $1.258291200e+07, v44;
	v45 =	vadd.f32 $1.258291200e+07, v33  }
0x288: {  	v41 =	vadd.s32 $0x3F800000, v51;
	v37 =	vadd.f32 v62, v37;
	v49 =	vadd.f32 $-1.258291200e+07, v46  }
0x289: {  	v36 =	vadd.f32 $6.931210160e-01, v57;
	v50 =	vadd.f32 $-1.258291200e+07, v42;
	v42 =	vshll.u32 v42, $0x17  }
0x28a: {  	v48 =	vadd.f32 $-1.258291200e+07, v45;
	v37 =	vmul.f32 $-1.442695020e+00, v37;
	v39 =	vsub.f32 v39, v49  }
0x28b: {  	v36 =	vmul.f32 v36, v38;
	v38 =	vmul.f32 v63, v34;
	v40 =	vsub.f32 v44, v50  }
0x28c: {  	v33 =	vsub.f32 v33, v48;
	v37 =	vmin.f32 v37, $1.260000000e+02;
	v52 =	vmul.f32 $5.592203510e-02, v39  }
0x28d: {  	v38 =	vadd.f32 $6.931210160e-01, v38;
	v57 =	vmul.f32 $5.592203510e-02, v40;
	v37 =	vmax.f32 v37, $-1.260000000e+02  }
0x28e: {  	v63 =	vshll.u32 v46, $0x17;
	v56 =	vadd.f32 $1.258291200e+07, v37;
	v54 =	vadd.f32 $2.426400780e-01, v52  }
0x28f: {  	v53 =	vmul.f32 $5.592203510e-02, v33;
	v34 =	vmul.f32 v38, v34;
	v47 =	vadd.f32 $2.426400780e-01, v57  }
0x290: {  	v36 =	vadd.f32 $9.999244800e-01, v36;
	v48 =	vadd.f32 $-1.258291200e+07, v56;
	v38 =	vmul.f32 v54, v39  }
0x291: {  	v55 =	vadd.f32 $2.426400780e-01, v53;
	v34 =	vadd.f32 $9.999244800e-01, v34;
	v60 =	vmul.f32 v47, v40  }
0x292: {  	v35 =	vmul.f32 v35, v36;
	v37 =	vsub.f32 v37, v48;
	v58 =	vadd.f32 $6.931210160e-01, v38  }
0x293: {  	[tilespmem:s15+$0x9080] =	vst v1;
	v43 =	vmul.f32 v55, v33;
	v34 =	vmul.f32 v41, v34;
	v41 =	vadd.f32 $6.931210160e-01, v60  }
0x294: {  	[tilespmem:s15+$0x9090] =	vst v2;
	v49 =	vshll.u32 v56, $0x17;
	v62 =	vmul.f32 $5.592203510e-02, v37;
	v36 =	vmul.f32 v58, v39  }
0x295: {  	[tilespmem:s15+$0x90A0] =	vst v3;
	v50 =	vadd.f32 $1.000000000e+00, v35;
	v59 =	vadd.f32 $6.931210160e-01, v43;
	v2 =	vmul.f32 v41, v40  }
0x296: {  	[tilespmem:s15+$0x9130] =	vst v8;
	v8 =	vadd.s32 $0x3F800000, v49;
	v38 =	vadd.f32 $2.426400780e-01, v62;
	v36 =	vadd.f32 $9.999244800e-01, v36  }
0x297: {  	[tilespmem:s15+$0x90B0] =	vst v4;
	v61 =	vmul.f32 $3.044900480e-02, v34;
	v2 =	vadd.f32 $9.999244800e-01, v2;
	v39 =	vadd.s32 $0x3F800000, v63  }
0x298: {  	[tilespmem:s15+$0x9100] =	vst v5;
	v41 =	vmul.f32 v38, v37;
	v38 =	vadd.s32 $0x3F800000, v42;
	v3 =	vmul.f32 v39, v36  }
0x299: {  	[tilespmem:s15+$0x9110] =	vst v6;
	v33 =	vmul.f32 v59, v33;
	v1 =	vadd.f32 $-1.315818280e-01, v61;
	v2 =	vmul.f32 v38, v2  }
0x29a: {  	[tilespmem:s15+$0x9120] =	vst v7;
	v40 =	vshll.u32 v45, $0x17;
	v4 =	vadd.f32 $6.931210160e-01, v41;
	v45 =	vmul.f32 $3.044900480e-02, v3  }
0x29b: {  	[tilespmem:s15+$0x9180] =	vst v9;
	v1 =	vmul.f32 v1, v34;
	v43 =	vadd.f32 $9.999244800e-01, v33;
	v48 =	vmul.f32 $3.044900480e-02, v2  }
0x29c: {  	[tilespmem:s15+$0x9190] =	vst v10;
	v46 =	vadd.s32 $0x3F800000, v40;
	v4 =	vmul.f32 v4, v37;
	v47 =	vadd.f32 $-1.315818280e-01, v45  }
0x29d: {  	[tilespmem:s15+$0x91A0] =	vst v11;
	v5 =	vmul.f32 v46, v43;
	v1 =	vadd.f32 $2.852726880e-01, v1;
	v7 =	vadd.f32 $-1.315818280e-01, v48  }
0x29e: {  	[tilespmem:s15+$0x91B0] =	vst v12;
	v51 =	vsub.s32 $0x7EF311C3, v50;
	v4 =	vadd.f32 $9.999244800e-01, v4;
	v6 =	vmul.f32 v47, v3  }
0x29f: {  	[tilespmem:s15+$0x9200] =	vst v13;
	v1 =	vmul.f32 v1, v34;
	v5 =	vadd.f32 $1.000000000e+00, v5;
	v7 =	vmul.f32 v7, v2  }
0x2a0: {  	[tilespmem:s15+$0x9210] =	vst v14;
	v52 =	vmul.f32 v51, v50;
	v4 =	vmul.f32 v8, v4;
	v6 =	vadd.f32 $2.852726880e-01, v6  }
0x2a1: {  	v1 =	vadd.f32 $-4.902307090e-01, v1;
	v53 =	vsub.s32 $0x7EF311C3, v5;
	v7 =	vadd.f32 $2.852726880e-01, v7  }
0x2a2: {  	[tilespmem:s15+$0x9220] =	vst v15;
	v54 =	vmul.f32 v53, v5;
	v4 =	vadd.f32 $1.000000000e+00, v4;
	v6 =	vmul.f32 v6, v3  }
0x2a3: {  	[tilespmem:s15+$0x9280] =	vst v16;
	v10 =	vsub.f32 $2.000000000e+00, v52;
	v1 =	vmul.f32 v1, v34;
	v7 =	vmul.f32 v7, v2  }
0x2a4: {  	[tilespmem:s15+$0x9230] =	vst v17;
	v12 =	vsub.f32 $2.000000000e+00, v54;
	v55 =	vsub.s32 $0x7EF311C3, v4;
	v6 =	vadd.f32 $-4.902307090e-01, v6  }
0x2a5: {  	[tilespmem:s15+$0x92A0] =	vst v18;
	v61 =	vmax.f32 v27, $0.0e+00;
	v56 =	vmul.f32 v55, v4;
	v7 =	vadd.f32 $-4.902307090e-01, v7  }
0x2a6: {  	[tilespmem:s15+$0x9290] =	vst v19;
	v1 =	vadd.f32 $9.992354510e-01, v1;
	v57 =	vmul.f32 v53, v12;
	v6 =	vmul.f32 v6, v3  }
0x2a7: {  	[tilespmem:s15+$0x92B0] =	vst v20;
	v8 =	vmul.f32 v51, v10;
	v58 =	vsub.f32 $2.000000000e+00, v56;
	v7 =	vmul.f32 v7, v2  }
0x2a8: {  	[tilespmem:s15+$0x9300] =	vst v21;
	v1 =	vmul.f32 v1, v34;
	v5 =	vmul.f32 v57, v5;
	v6 =	vadd.f32 $9.992354510e-01, v6  }
0x2a9: {  	[tilespmem:s15+$0x9310] =	vst v22;
	v59 =	vmul.f32 v8, v50;
	v60 =	vmul.f32 v55, v58;
	v7 =	vadd.f32 $9.992354510e-01, v7  }
0x2aa: {  	[tilespmem:s15+$0x9320] =	vst v23;
	v1 =	vadd.f32 $9.975032300e-06, v1;
	v5 =	vsub.f32 $2.000000000e+00, v5;
	v3 =	vmul.f32 v6, v3  }
0x2ab: {  	[tilespmem:s15+$0x9330] =	vst v24;
	v2 =	vmul.f32 v7, v2;
	v4 =	vmul.f32 v60, v4;
	v6 =	vsub.f32 $2.000000000e+00, v59  }
0x2ac: {  	[tilespmem:s15+$0x9380] =	vst v25;
	v62 =	vmax.f32 v31, $0.0e+00;
	v1 =	vadd.f32 v1, v61;
	v3 =	vadd.f32 $9.975032300e-06, v3  }
0x2ad: {  	[tilespmem:s15+$0x9390] =	vst v26;
	v4 =	vsub.f32 $2.000000000e+00, v4;
	v2 =	vadd.f32 $9.975032300e-06, v2;
	v6 =	vmul.f32 v6, v8  }
0x2ae: {  	p1 =	slt.u32 s14, $0x48;
	[tilespmem:s15+$0x93A0] =	vst v28;
	v63 =	vmax.f32 v32, $0.0e+00;
	v5 =	vmul.f32 v5, v57;
	v3 =	vadd.f32 v3, v62  }
.Ltmp1:
0x2af: {  	[tilespmem:s15+$0x93B0] =	vst v30;
	v4 =	vmul.f32 v4, v60;
	v2 =	vadd.f32 v2, v63;
	v1 =	vmul.f32 v1, v6;
	(pc) =	sbr.rel @p1 .LBB2_6-.Ltmp1, $4  }
0x2b0: {  	[tilespmem:s15+$0x9400] =	vst v29;
	v3 =	vmul.f32 v3, v5  }
0x2b1: {  	[tilespmem:s15+$0x9410] =	vst v1;
	v1 =	vmul.f32 v2, v4  }
0x2b2: {  	[tilespmem:s15+$0x9420] =	vst v3  }
0x2b3: {  	s14 =	sadd.s32 $0x8, s14;
	[tilespmem:s15+$0x9430] =	vst v1  }
0x2b4: {  	s12 =	sadd.s32 $0x1, s12  }
0x2b5: {  	p1 =	sne.s32 s12, $0x19  }
.Ltmp2:
0x2b6: {  	_ = 	snop;
	(pc) =	sbr.rel @p1 .LBB2_5-.Ltmp2, $4  }
0x2b7: {  	[spmem:s1] =	stream.indirect.scatter.add.f32 [tilespmem:s30], [sflag:$0x2], $0x80, s29, s23, $0xb8;
	[tilespmem:$0x1F100] =	vst v63  }
0x2b8: {  	_ =	swait.ge [sflag:s19], $0x2800  }
0x2b9: {  	[sflag:s19] =	ssyncset.done $0x0  }
0x2ba: {  	[sflag:s19] =	ssyncadd.s32 $0xFFFFD800  }
0x2bb: {  	s0 =	sadd.s32 $0x1, s0  }
0x2bc: {  	p1 =	sne.s32 s0, $0xA  }
.Ltmp3:
0x2bd: {  	_ = 	snop;
	(pc) =	sbr.rel @p1 .LBB2_4-.Ltmp3, $1  }
0x2be: {  	_ =	sdelay $0x3  }
0x2bf: {  	[bflag:$0x0] =	sbarrier.arrive $0xFFFF  }
0x2c0: {  	s0 =	rddreg [dreg:$0x5]  }
0x2c1: {  	[hbm:s0], [sflag:s13] =	dma.local [spmem:s18], $0x2700  }
0x2c2: {  	_ =	swait.ge [sflag:s19], $0x2700  }
0x2c3: {  	s2 =	sadd.s32 $0x1, s2;
	[sflag:s19] =	ssyncset.done $0x0  }
0x2c4: {  	p1 =	sne.s32 s2, s17;
	s0 =	rddreg [dreg:$0x6];
	[sflag:s19] =	ssyncadd.s32 $0xFFFFD900  }
0x2c5: {  	[hbm:s0], [sflag:s13] =	dma.local @!p0 [spmem:s20], $0x80  }
.Ltmp4:
0x2c6: {  	_ = 	snop;
	(pc) =	sbr.rel @p1 .LBB2_1-.Ltmp4, $4  }
0x2c7: {  	s0 =	simm.s32 @!p0 $0x2  }
0x2c8: {  	_ =	swait.ge @!p0 [sflag:s0], $0x80  }
0x2c9: {  	[sflag:s0] =	ssyncset.done @!p0 $0x0  }
0x2ca: {  	[sflag:s0] =	ssyncadd.s32 @!p0 $0xFFFFFF80  }
0x2cb: {  	_ =	sfence.sel $0x180000  }
0x2cc: {  	[bflag:$0x0] =	sbarrier.arrive $0xFFFF  }
0x2cd: {  	_ =	strace $0x90000047  }
0x2ce: {  	s0 =	stileid.u32;
	[bflag:$0x2] =	sbarrier.arrive $0xFFFF  }
0x2cf: {  	p0 =	sne.s32 s0, $0x0;
	s0 =	rddreg [dreg:$0x2]  }
0x2d0: {  	s0 =	sadd.s32 @!p0 $0x100000, s0  }
0x2d1: {  	[sflag:s0] =	ssyncadd.tile.s32 @!p0 $0x1;
	_ =	shalt  }
.Lfunc_end2:
_tile_overlayer_lowered:
.L_overlay_start_2:
0x2d2: {  	(tag) =	ssettag $0x2  }
0x2d3: {  	s0 =	rddreg [dreg:$0x0];
	s2 =	stileid.u32  }
0x2d4: {  	s1 =	rddreg [dreg:$0x1];
	p0 =	sne.s32 s2, $0x0  }
0x2d5: {  	s3 =	rddreg [dreg:$0x2];
	[bflag:$0x3] =	sbarrier.arrive $0xFFFF;
	s2 =	simm.s32 @!p0 $0x1C02  }
0x2d6: {  	[timem:s3], [sflag:s2] =	dma.local @!p0 [hbm:s0], s1  }
0x2d7: {  	s0 =	simm.s32 @!p0 $0x2  }
0x2d8: {  	_ =	swait.ge @!p0 [sflag:s0], s1  }
0x2d9: {  	s1 =	ssub.s32 @!p0 $0x0, s1;
	[sflag:s0] =	ssyncset.done @!p0 $0x0  }
0x2da: {  	[sflag:s0] =	ssyncadd.s32 @!p0 s1  }
0x2db: {  	[bflag:$0x3] =	sbarrier.arrive $0xFFFF  }
0x2dc: {  	_ =	shalt  }

</sc_bundles>
